<compile_context>
chip_gen: v7x
topology: tpu7x:2x2x1
jax: 0.10.2.dev20260603
libtpu: 0.0.44.dev20260713+nightly
codegen_flags: <defaults>
</compile_context>

<pallas_src>
import functools

import jax
import jax.numpy as jnp
from jax import lax
from jax.experimental import pallas as pl
from jax.experimental.pallas import tpu as pltpu
from jax.experimental.pallas import tpu_sc as plsc

NN = 10000
NPAD = 10240
TT = 12
HH = 128
EE = 320000
NHEADS = 4
DH = HH // NHEADS

NSUB = 16
NCORE = 2
SLAB = NPAD // NSUB
CH = 128
EPAD = NCORE * NSUB * 79 * CH
NCG = 4
NEQ = 4
EPQ = EPAD // NCORE // NEQ
QCH = EPQ // NEQ
QSLAB = NPAD // NEQ


def _sc_all_body(src_hbm, dst_hbm, s16_hbm, ztt_hbm, qt_hbm, srcbuf, dstbuf,
                 tb0, tb1, tb2, tb3, ac0, ac1, ac2, ac3,
                 redg, redd, s16buf, shared):
    c = lax.axis_index("c")
    s = lax.axis_index("s")
    cg = s // NEQ
    eq = s % NEQ
    zero16 = jnp.zeros((16,), jnp.float32)
    ones16 = jnp.ones((16,), jnp.float32)
    tables = (tb0, tb1, tb2, tb3)
    accs = (ac0, ac1, ac2, ac3)
    base = s * SLAB

    def zb0(i, cr):
        ac0[pl.ds(i * 16, 16)] = zero16
        return cr

    lax.fori_loop(0, NPAD // 16, zb0, 0)
    for q in range(2):
        pltpu.sync_copy(
            dst_hbm.at[pl.ds((s * 2 + q) * QCH, QCH)], dstbuf)

        def db(o, cr):
            for u2 in range(CH // 16):
                di = dstbuf[pl.ds(o * CH + u2 * 16, 16)]
                plsc.addupdate_scatter(ac0, [di], ones16)
            return cr

        lax.fori_loop(0, QCH // CH, db, 0)

    pltpu.sync_copy(ac0, shared.at[s])
    plsc.subcore_barrier()
    for half in range(2):
        pltpu.sync_copy(shared.at[pl.ds(half * 8, 8), pl.ds(base, SLAB)],
                        redd)

        def rb0(g, cr, _half=half):
            v = redd[0, pl.ds(g * 16, 16)]
            for rr in range(1, 8):
                v = v + redd[rr, pl.ds(g * 16, 16)]
            o = base + g * 16
            if _half:
                ac0[pl.ds(o, 16)] = ac0[pl.ds(o, 16)] + v + 1.0
            else:
                ac0[pl.ds(o, 16)] = v
            return cr

        lax.fori_loop(0, SLAB // 16, rb0, 0)

    pltpu.sync_copy(s16_hbm.at[:, pl.ds(base, SLAB)], s16buf)

    def pr(g, cr):
        x = ac0[pl.ds(base + g * 16, 16)]
        i32 = plsc.bitcast(x, jnp.int32)
        y = plsc.bitcast(jnp.int32(0x5F3759DF) - (i32 >> 1), jnp.float32)
        for _ in range(3):
            y = y * (1.5 - 0.5 * x * y * y)
        lo = g * 16
        for t in range(16):
            if t == TT:
                s16buf[t, pl.ds(lo, 16)] = y
            else:
                s16buf[t, pl.ds(lo, 16)] = s16buf[t, pl.ds(lo, 16)] * y
        return cr

    lax.fori_loop(0, SLAB // 16, pr, 0)
    pltpu.sync_copy(s16buf, shared.at[:, pl.ds(base, SLAB)])

    @pl.when(c == 0)
    def _():
        pltpu.sync_copy(s16buf, ztt_hbm.at[:, pl.ds(base, SLAB)])

    plsc.subcore_barrier()
    for ci in range(NCG):
        pltpu.sync_copy(shared.at[cg * NCG + ci], tables[ci])
    plsc.subcore_barrier()

    def zb(i, cr):
        for ci in range(NCG):
            accs[ci][pl.ds(i * 16, 16)] = zero16
        return cr

    lax.fori_loop(0, NPAD // 16, zb, 0)

    ebase = c * (EPAD // NCORE) + eq * EPQ
    for q in range(NEQ):
        pltpu.sync_copy(src_hbm.at[pl.ds(ebase + q * QCH, QCH)], srcbuf)
        pltpu.sync_copy(dst_hbm.at[pl.ds(ebase + q * QCH, QCH)], dstbuf)

        def eb(o, cr):
            for u2 in range(CH // 16):
                off = o * CH + u2 * 16
                si = srcbuf[pl.ds(off, 16)]
                di = dstbuf[pl.ds(off, 16)]
                for ci in range(NCG):
                    vals = plsc.load_gather(tables[ci], [si])
                    plsc.addupdate_scatter(accs[ci], [di], vals)
            return cr

        lax.fori_loop(0, QCH // CH, eb, 0)

    rbase = eq * QSLAB
    for ci in range(NCG):
        pltpu.sync_copy(accs[ci], shared.at[s])
        plsc.subcore_barrier()
        for sub in range(NEQ):
            sb = rbase + sub * SLAB
            pltpu.sync_copy(
                shared.at[pl.ds(cg * NEQ, NEQ), pl.ds(sb, SLAB)], redg)

            def rb(g, cr, _ci=ci, _sb=sb):
                v = redg[0, pl.ds(g * 16, 16)]
                for rr in range(1, NEQ):
                    v = v + redg[rr, pl.ds(g * 16, 16)]
                accs[_ci][pl.ds(_sb + g * 16, 16)] = v
                return cr

            lax.fori_loop(0, SLAB // 16, rb, 0)
        pltpu.sync_copy(accs[ci].at[pl.ds(rbase, QSLAB)],
                        qt_hbm.at[c, cg * NCG + ci, pl.ds(rbase, QSLAB)])
        plsc.subcore_barrier()


@functools.cache
def _sc_kernels():
    mesh = plsc.VectorSubcoreMesh(core_axis_name="c", subcore_axis_name="s",
                                  num_cores=NCORE, num_subcores=NSUB)
    params = pltpu.CompilerParams(needs_layout_passes=False,
                                  use_tc_tiling_on_sc=False)
    sc_all = pl.kernel(
        _sc_all_body,
        out_type=(jax.ShapeDtypeStruct((16, NPAD), jnp.float32),
                  jax.ShapeDtypeStruct((NCORE, 16, NPAD), jnp.float32)),
        mesh=mesh,
        compiler_params=params,
        scratch_types=(
            [pltpu.VMEM((QCH,), jnp.int32)] * 2
            + [pltpu.VMEM((NPAD,), jnp.float32)] * (2 * NCG)
            + [pltpu.VMEM((NEQ, SLAB), jnp.float32),
               pltpu.VMEM((8, SLAB), jnp.float32),
               pltpu.VMEM((16, SLAB), jnp.float32),
               pltpu.VMEM_SHARED((NSUB, NPAD), jnp.float32)]
        ),
    )
    return sc_all


def _main_body(qt_ref, ztt_ref, Wgcn, Wih, Whh, Wip, Wop, Wp1, Wp2,
               we, be, bg, bih, bhh, bip, bop, lng, lnb, bp1, bp2, out_ref):
    f32 = jnp.float32
    dot = lambda x, w_: lax.dot_general(
        x, w_, (((1,), (1,)), ((), ())), preferred_element_type=f32)
    mm = lambda x, w_: lax.dot_general(
        x, w_, (((1,), (0,)), ((), ())), preferred_element_type=f32)
    ones16 = jnp.ones((1, 16), f32)
    bc16 = lambda col: mm(col, ones16)

    zttb = ztt_ref[...]
    bn = zttb.shape[1]
    dinv_row = zttb[12:13, :]
    qpad = qt_ref[0] + qt_ref[1]
    acols = jnp.transpose(dinv_row * (qpad + zttb), (1, 0))
    dd = acols[:, 12:13]
    a_last = acols[:, 11:12]
    lane16 = lax.broadcasted_iota(jnp.int32, (1, 16), 1)
    tmask = (lane16 < TT).astype(f32)
    a16 = acols * tmask

    we_, be_, bg_ = we[...], be[...], bg[...]
    u = dot(we_, Wgcn[...])
    cvec = dot(be_, Wgcn[...])
    ui = dot(u, Wih[...])
    ci = dot(cvec, Wih[...])
    bi0 = dot(bg_, Wih[...]) + bih[...]

    h = jnp.zeros((bn, HH), f32)
    gi_base = mm(dd, ci) + bi0
    bhh_r = bhh[...]
    for t in range(TT):
        gi = mm(acols[:, t:t + 1], ui) + gi_base
        gh = dot(h, Whh[...]) + bhh_r
        r = jax.nn.sigmoid(gi[:, 0:HH] + gh[:, 0:HH])
        z = jax.nn.sigmoid(gi[:, HH:2 * HH] + gh[:, HH:2 * HH])
        ng = jnp.tanh(gi[:, 2 * HH:] + r * gh[:, 2 * HH:])
        h = (1.0 - z) * ng + z * h

    pu = dot(u, Wip[...])
    pc = dot(cvec, Wip[...])
    pb = dot(bg_, Wip[...]) + bip[...]
    scl = 1.0 / (DH ** 0.5)

    puv = pu[:, 2 * HH:]
    pcv = pc[:, 2 * HH:]
    pbv = pb[:, 2 * HH:]
    cv = dot(pcv, Wop[...])
    bv = dot(pbv, Wop[...]) + bop[...]

    y = mm(a_last, u) + mm(dd, cvec + cv) + (bg_ + bv)
    negbig = (lane16 >= TT).astype(f32) * (-1e30)
    for hd in range(NHEADS):
        o = hd * DH
        puq = pu[:, o:o + DH]; puk = pu[:, HH + o:HH + o + DH]
        pcq = pc[:, o:o + DH]; pck = pc[:, HH + o:HH + o + DH]
        pbq = pb[:, o:o + DH]; pbk = pb[:, HH + o:HH + o + DH]
        d11 = lambda x, yv: jnp.sum(x * yv)
        c_qk = d11(puq, puk)
        c_qB = d11(puq, pck); c_qb = d11(puq, pbk)
        c_Ak = d11(pcq, puk); c_ak = d11(pbq, puk)
        c_AA = d11(pcq, pck)
        c_Ab = d11(pcq, pbk) + d11(pbq, pck)
        c_bb = d11(pbq, pbk)
        f1 = (a_last * c_qk + dd * c_Ak + c_ak) * scl
        f0 = (a_last * (dd * c_qB + c_qb)
              + dd * dd * c_AA + dd * c_Ab + c_bb) * scl
        scores = a16 * bc16(f1) + bc16(f0) + negbig
        m = jnp.max(scores, axis=1, keepdims=True)
        e = jnp.exp(scores - bc16(m))
        recip = 1.0 / jnp.sum(e, axis=1, keepdims=True)
        att = e * bc16(recip)
        wh = jnp.sum(att * a16, axis=1, keepdims=True)
        eh = dot(puv[:, o:o + DH], Wop[:, o:o + DH])
        y = y + mm(wh, eh)

    ones128 = jnp.ones((1, HH), f32)
    mu = jnp.mean(y, axis=1, keepdims=True)
    yc = y - mm(mu, ones128)
    var = jnp.mean(yc * yc, axis=1, keepdims=True)
    irs = mm(lax.rsqrt(var + 1e-5), ones128)
    gt = yc * irs * lng[...] + lnb[...]

    comb = jnp.concatenate([h, gt], axis=1)
    hm = jax.nn.relu(dot(comb, Wp1[...]) + bp1[...])
    o8 = dot(hm, Wp2[...])
    out_ref[...] = jax.nn.sigmoid(o8[:, 0:1] + bp2[0, 0])


def _tc_main(qt, ztt, weights, bn=1024):
    nb = NPAD // bn
    full = lambda shape: pl.BlockSpec(shape, lambda i: tuple(0 for _ in shape))
    in_specs = [
        pl.BlockSpec((NCORE, 16, bn), lambda i: (0, 0, i)),
        pl.BlockSpec((16, bn), lambda i: (0, i)),
    ] + [full(w.shape) for w in weights]
    return pl.pallas_call(
        _main_body,
        grid=(nb,),
        in_specs=in_specs,
        out_specs=pl.BlockSpec((bn, 1), lambda i: (i, 0)),
        out_shape=jax.ShapeDtypeStruct((NPAD, 1), jnp.float32),
    )(qt, ztt, *weights)


def kernel(snapshots, edge_index, W_embed, b_embed, W_gcn, b_gcn, W_ih, W_hh,
           b_ih, b_hh, W_in_proj, b_in_proj, W_out_proj, b_out_proj, ln_g,
           ln_b, W_p1, b_p1, W_p2, b_p2):
    f32 = jnp.float32
    src = edge_index[0]
    dst = edge_index[1]
    sink = NN + (jnp.arange(EPAD - EE, dtype=jnp.int32) % (NPAD - NN))
    src_p = jnp.concatenate([src, sink])
    dst_p = jnp.concatenate([dst, sink])

    sc_all = _sc_kernels()
    s16 = jnp.zeros((16, NPAD), f32).at[0:TT, :NN].set(snapshots)
    ztt, qt = sc_all(src_p, dst_p, s16)

    r1 = lambda v: v.reshape(1, -1)
    W_p2_pad = jnp.zeros((8, HH), f32).at[0:1, :].set(W_p2)
    weights = (W_gcn, W_ih, W_hh, W_in_proj, W_out_proj, W_p1, W_p2_pad,
               r1(W_embed), r1(b_embed), r1(b_gcn), r1(b_ih), r1(b_hh),
               r1(b_in_proj), r1(b_out_proj), r1(ln_g), r1(ln_b), r1(b_p1),
               r1(b_p2))
    out = _tc_main(qt, ztt, weights)
    return out[:NN, 0]

# --- scband reference (transcript-rebuilt; emitter-appended) ---
"""Pipeline reference for scband-temporal-fashion-gnn-154618823208 (READ-ONLY COPY).

The authoritative reference and input builder live on the scoring server;
editing this copy changes nothing except your own understanding.
"""

import jax, jax.numpy as jnp
import numpy as np

N = 10000
H = 128
T = 12
E = 320000
NHEADS = 4


def setup_inputs(seed=0):
    key = jax.random.key(seed)
    ks = jax.random.split(key, 24)
    def nrm(i, shape, s=0.05):
        return jax.random.normal(ks[i], shape, dtype=jnp.float32) * s
    inp = {
        "snapshots": jax.random.uniform(ks[0], (T, N), dtype=jnp.float32),
        "edge_index": jax.random.randint(ks[1], (2, E), 0, N, dtype=jnp.int32),
        "W_embed": nrm(2, (H,), 0.1),
        "b_embed": nrm(3, (H,), 0.1),
        "W_gcn": nrm(4, (H, H)),
        "b_gcn": nrm(5, (H,)),
        "W_ih": nrm(6, (3 * H, H)),
        "W_hh": nrm(7, (3 * H, H)),
        "b_ih": nrm(8, (3 * H,)),
        "b_hh": nrm(9, (3 * H,)),
        "W_in_proj": nrm(10, (3 * H, H)),
        "b_in_proj": nrm(11, (3 * H,)),
        "W_out_proj": nrm(12, (H, H)),
        "b_out_proj": nrm(13, (H,)),
        "ln_g": jnp.ones((H,), dtype=jnp.float32),
        "ln_b": jnp.zeros((H,), dtype=jnp.float32),
        "W_p1": nrm(14, (H, 2 * H)),
        "b_p1": nrm(15, (H,)),
        "W_p2": nrm(16, (1, H)),
        "b_p2": nrm(17, (1,)),
    }
    return inp


def _forward(snapshots, edge_index, W_embed, b_embed, W_gcn, b_gcn, W_ih, W_hh, b_ih, b_hh, W_in_proj, b_in_proj, W_out_proj, b_out_proj, ln_g, ln_b, W_p1, b_p1, W_p2, b_p2):
    T_, N_ = snapshots.shape
    H_ = W_gcn.shape[0]
    src = edge_index[0]
    dst = edge_index[1]
    loop = jnp.arange(N_, dtype=src.dtype)
    src2 = jnp.concatenate([src, loop])
    dst2 = jnp.concatenate([dst, loop])
    # GCNConv (PyG default): add self-loops + symmetric normalization
    deg = jax.ops.segment_sum(jnp.ones_like(src2, dtype=jnp.float32), dst2, num_segments=N_)
    dinv = jnp.where(deg > 0, 1.0 / jnp.sqrt(deg), 0.0)
    enorm = dinv[src2] * dinv[dst2]
    # node_embed: Linear(1, H) applied per season
    X = snapshots[..., None] * W_embed[None, None, :] + b_embed  # [T, N, H]
    XW = jnp.einsum('tnh,oh->tno', X, W_gcn)
    def gcn_agg(xw):
        msgs = enorm[:, None] * xw[src2]
        return jax.ops.segment_sum(msgs, dst2, num_segments=N_) + b_gcn
    G = jax.vmap(gcn_agg)(XW)  # [T, N, H]
    seq = jnp.transpose(G, (1, 0, 2))  # [N, T, H]
    # InteractionLearning: single-layer GRU over time (batch = nodes)
    def gru_step(h, x_t):
        gi = x_t @ W_ih.T + b_ih
        gh = h @ W_hh.T + b_hh
        i_r, i_z, i_n = jnp.split(gi, 3, axis=-1)
        h_r, h_z, h_n = jnp.split(gh, 3, axis=-1)
        r = jax.nn.sigmoid(i_r + h_r)
        z = jax.nn.sigmoid(i_z + h_z)
        n = jnp.tanh(i_n + r * h_n)
        h_new = (1.0 - z) * n + z * h
        return h_new, h_new
    h0 = jnp.zeros((N_, H_), dtype=seq.dtype)
    il_last, _ = jax.lax.scan(gru_step, h0, G)  # final hidden == il_out[:, -1]
    # GlobalTimeAttention: MultiheadAttention + residual + LayerNorm
    qkv = seq @ W_in_proj.T + b_in_proj
    q, k, v = jnp.split(qkv, 3, axis=-1)
    dh = H_ // NHEADS
    def to_heads(a):
        return a.reshape(N_, T_, NHEADS, dh).transpose(0, 2, 1, 3)
    qh = to_heads(q)
    kh = to_heads(k)
    vh = to_heads(v)
    scores = jnp.einsum('nhtd,nhsd->nhts', qh, kh) / jnp.sqrt(jnp.float32(dh))
    attn = jax.nn.softmax(scores, axis=-1)
    ctx = jnp.einsum('nhts,nhsd->nhtd', attn, vh).transpose(0, 2, 1, 3).reshape(N_, T_, H_)
    attn_out = ctx @ W_out_proj.T + b_out_proj
    y = seq + attn_out
    mu = jnp.mean(y, axis=-1, keepdims=True)
    var = jnp.var(y, axis=-1, keepdims=True)
    gtam = (y - mu) / jnp.sqrt(var + 1e-5) * ln_g + ln_b
    combined = jnp.concatenate([il_last, gtam[:, -1]], axis=-1)  # [N, 2H]
    hmid = jax.nn.relu(combined @ W_p1.T + b_p1)
    out = jax.nn.sigmoid(hmid @ W_p2.T + b_p2)
    return out.squeeze(-1)


def reference(snapshots, edge_index, W_embed, b_embed, W_gcn, b_gcn, W_ih, W_hh, b_ih, b_hh, W_in_proj, b_in_proj, W_out_proj, b_out_proj, ln_g, ln_b, W_p1, b_p1, W_p2, b_p2):
    return _forward(snapshots, edge_index, W_embed, b_embed, W_gcn, b_gcn, W_ih, W_hh, b_ih, b_hh, W_in_proj, b_in_proj, W_out_proj, b_out_proj, ln_g, ln_b, W_p1, b_p1, W_p2, b_p2)

if __name__ == "__main__":
    import jax
    _d = setup_inputs()
    print(jax.jit(kernel)(*tuple(_d.values())))

</pallas_src>

<mosaic_0001>
#map = affine_map<(d0, d1) -> (0)>
#map1 = affine_map<(d0, d1) -> (0, 0)>
#map2 = affine_map<(d0, d1) -> (0, 0, 0)>
module attributes {stable_mosaic.version = 14 : i64} {
  func.func @_sc_all_body(%arg0: i32, %arg1: i32, %arg2: memref<323584xi32, #tpu.memory_space<hbm>>, %arg3: memref<323584xi32, #tpu.memory_space<hbm>>, %arg4: memref<16x10240xf32, #tpu.memory_space<hbm>>, %arg5: memref<16x10240xf32, #tpu.memory_space<hbm>>, %arg6: memref<2x16x10240xf32, #tpu.memory_space<hbm>>, %arg7: memref<10112xi32, #tpu.memory_space<vmem>>, %arg8: memref<10112xi32, #tpu.memory_space<vmem>>, %arg9: memref<10240xf32, #tpu.memory_space<vmem>>, %arg10: memref<10240xf32, #tpu.memory_space<vmem>>, %arg11: memref<10240xf32, #tpu.memory_space<vmem>>, %arg12: memref<10240xf32, #tpu.memory_space<vmem>>, %arg13: memref<10240xf32, #tpu.memory_space<vmem>>, %arg14: memref<10240xf32, #tpu.memory_space<vmem>>, %arg15: memref<10240xf32, #tpu.memory_space<vmem>>, %arg16: memref<10240xf32, #tpu.memory_space<vmem>>, %arg17: memref<4x640xf32, #tpu.memory_space<vmem>>, %arg18: memref<8x640xf32, #tpu.memory_space<vmem>>, %arg19: memref<16x640xf32, #tpu.memory_space<vmem>>, %arg20: memref<16x10240xf32, #tpu.memory_space<vmem_shared>>) attributes {dimension_semantics = [#tpu.dimension_semantics<core_parallel>, #tpu.dimension_semantics<subcore_parallel>], iteration_bounds = array<i64: 2, 16>, scalar_prefetch = 0 : i64, scratch_operands = 14 : i64, tpu.core_type = #tpu.core_type<sc_vector_subcore>, window_params = [{transform_indices = #map}, {transform_indices = #map}, {transform_indices = #map1}, {transform_indices = #map1}, {transform_indices = #map2}]} {
    %jit3A = arith.constant 4 : i32
    %div3A = arith.divsi %arg1, %jit3A : i32
    %sign3A = arith.constant 0 : i32
    %sign3A_0 = arith.cmpi sgt, %arg1, %sign3A : i32
    %sign3A_1 = arith.extui %sign3A_0 : i1 to i32
    %sign3A_2 = arith.constant 0 : i32
    %sign3A_3 = arith.cmpi slt, %arg1, %sign3A_2 : i32
    %sign3A_4 = arith.extui %sign3A_3 : i1 to i32
    %sign3A_5 = arith.subi %sign3A_1, %sign3A_4 : i32
    %sign3A_6 = arith.constant 0 : i32
    %sign3A_7 = arith.cmpi sgt, %jit3A, %sign3A_6 : i32
    %sign3A_8 = arith.extui %sign3A_7 : i1 to i32
    %sign3A_9 = arith.constant 0 : i32
    %sign3A_10 = arith.cmpi slt, %jit3A, %sign3A_9 : i32
    %sign3A_11 = arith.extui %sign3A_10 : i1 to i32
    %sign3A_12 = arith.subi %sign3A_8, %sign3A_11 : i32
    %ne3A = arith.cmpi ne, %sign3A_5, %sign3A_12 : i32
    %rem3A = arith.remsi %arg1, %jit3A : i32
    %ne3A_13 = arith.constant 0 : i32
    %ne3A_14 = arith.cmpi ne, %rem3A, %ne3A_13 : i32
    %and3A = arith.andi %ne3A, %ne3A_14 : i1
    %sub3A = arith.constant 1 : i32
    %sub3A_15 = arith.subi %div3A, %sub3A : i32
    %select_n3A = arith.select %and3A, %sub3A_15, %div3A : i32
    %jit3A_16 = arith.constant 4 : i32
    %eq3A = arith.constant 0 : i32
    %eq3A_17 = arith.cmpi eq, %jit3A_16, %eq3A : i32
    %jit3A_18 = arith.constant 1 : i32
    %select_n3A_19 = arith.select %eq3A_17, %jit3A_18, %jit3A_16 : i32
    %rem3A_20 = arith.remsi %arg1, %select_n3A_19 : i32
    %ne3A_21 = arith.constant 0 : i32
    %ne3A_22 = arith.cmpi ne, %rem3A_20, %ne3A_21 : i32
    %lt3A = arith.constant 0 : i32
    %lt3A_23 = arith.cmpi slt, %rem3A_20, %lt3A : i32
    %lt3A_24 = arith.constant 0 : i32
    %lt3A_25 = arith.cmpi slt, %select_n3A_19, %lt3A_24 : i32
    %ne3A_26 = arith.xori %lt3A_23, %lt3A_25 : i1
    %and3A_27 = arith.andi %ne3A_26, %ne3A_22 : i1
    %add3A = arith.addi %rem3A_20, %select_n3A_19 : i32
    %select_n3A_28 = arith.select %and3A_27, %add3A, %rem3A_20 : i32
    %broadcast_in_dim3A = arith.constant 0.000000e+00 : f32
    %broadcast_in_dim3A_29 = vector.broadcast %broadcast_in_dim3A : f32 to vector<16xf32>
    %broadcast_in_dim3A_30 = arith.constant 1.000000e+00 : f32
    %broadcast_in_dim3A_31 = vector.broadcast %broadcast_in_dim3A_30 : f32 to vector<16xf32>
    %mul3A = arith.constant 640 : i32
    %mul3A_32 = arith.muli %arg1, %mul3A : i32
    %scan3A = arith.constant 0 : i32
    %scan3A_33 = arith.constant 0 : i32
    %scan3A_34 = arith.constant 640 : i32
    %scan3A_35 = arith.addi %scan3A_33, %scan3A_34 : i32
    %scan3A_36 = arith.constant 1 : i32
    scf.for %scan3A_338 = %scan3A_33 to %scan3A_35 step %scan3A_36  : i32 {
      %mul3A_339 = arith.constant 16 : i32
      %mul3A_340 = arith.muli %scan3A_338, %mul3A_339 : i32
      %swap3A = arith.index_cast %mul3A_340 : i32 to index
      %swap3A_341 = tpu.vector_load %arg13[%swap3A] {strides = array<i32>} : memref<10240xf32, #tpu.memory_space<vmem>>, vector<16xf32>,
      tpu.vector_store %arg13[%swap3A], %broadcast_in_dim3A_29 {strides = array<i32>} : memref<10240xf32, #tpu.memory_space<vmem>>, vector<16xf32>,
    }
    %scan3A_37 = arith.constant 640 : i32
    %mul3A_38 = arith.constant 2 : i32
    %mul3A_39 = arith.muli %arg1, %mul3A_38 : i32
    %add3A_40 = arith.constant 0 : i32
    %add3A_41 = arith.addi %mul3A_39, %add3A_40 : i32
    %mul3A_42 = arith.constant 10112 : i32
    %mul3A_43 = arith.muli %add3A_41, %mul3A_42 : i32
    "tpu.region"() ({
      %run_scoped3A = tpu.sem_alloc : memref<!tpu.dma_semaphore, #tpu.memory_space<semaphore_mem>>
      %dma_start3A = tpu.memref_slice %arg3[%mul3A_43] : memref<323584xi32, #tpu.memory_space<hbm>> -> memref<10112xi32, #tpu.memory_space<hbm>>
      %dma_start3A_338 = tpu.memref_slice %arg3[%mul3A_43] : memref<323584xi32, #tpu.memory_space<hbm>> -> memref<10112xi32, #tpu.memory_space<hbm>>
      tpu.enqueue_dma source(%dma_start3A_338 : memref<10112xi32, #tpu.memory_space<hbm>>) target(%arg8 : memref<10112xi32, #tpu.memory_space<vmem>>) target_semaphore(%run_scoped3A : memref<!tpu.dma_semaphore, #tpu.memory_space<semaphore_mem>>)
      %dma_wait3A = tpu.memref_slice %arg3[%mul3A_43] : memref<323584xi32, #tpu.memory_space<hbm>> -> memref<10112xi32, #tpu.memory_space<hbm>>
      %dma_wait3A_339 = tpu.memref_slice %arg3[%mul3A_43] : memref<323584xi32, #tpu.memory_space<hbm>> -> memref<10112xi32, #tpu.memory_space<hbm>>
      tpu.wait_dma2 semaphore(%run_scoped3A : memref<!tpu.dma_semaphore, #tpu.memory_space<semaphore_mem>>) src(%dma_wait3A_339 : memref<10112xi32, #tpu.memory_space<hbm>>) dst(%arg8 : memref<10112xi32, #tpu.memory_space<vmem>>)
      tpu.yield
    }) : () -> ()
    %scan3A_44 = arith.constant 0 : i32
    %scan3A_45 = arith.constant 0 : i32
    %scan3A_46 = arith.constant 79 : i32
    %scan3A_47 = arith.addi %scan3A_45, %scan3A_46 : i32
    %scan3A_48 = arith.constant 1 : i32
    scf.for %scan3A_338 = %scan3A_45 to %scan3A_47 step %scan3A_48  : i32 {
      %mul3A_339 = arith.constant 128 : i32
      %mul3A_340 = arith.muli %scan3A_338, %mul3A_339 : i32
      %add3A_341 = arith.constant 0 : i32
      %add3A_342 = arith.addi %mul3A_340, %add3A_341 : i32
      %get3A = arith.index_cast %add3A_342 : i32 to index
      %get3A_343 = tpu.vector_load %arg8[%get3A] {strides = array<i32>} : memref<10112xi32, #tpu.memory_space<vmem>>, vector<16xi32>,
      tpu.vector_store_idx %arg13[%get3A_343], %broadcast_in_dim3A_31 {add = true} : memref<10240xf32, #tpu.memory_space<vmem>>[vector<16xi32>], vector<16xf32>,
      %mul3A_344 = arith.constant 128 : i32
      %mul3A_345 = arith.muli %scan3A_338, %mul3A_344 : i32
      %add3A_346 = arith.constant 16 : i32
      %add3A_347 = arith.addi %mul3A_345, %add3A_346 : i32
      %get3A_348 = arith.index_cast %add3A_347 : i32 to index
      %get3A_349 = tpu.vector_load %arg8[%get3A_348] {strides = array<i32>} : memref<10112xi32, #tpu.memory_space<vmem>>, vector<16xi32>,
      tpu.vector_store_idx %arg13[%get3A_349], %broadcast_in_dim3A_31 {add = true} : memref<10240xf32, #tpu.memory_space<vmem>>[vector<16xi32>], vector<16xf32>,
      %mul3A_350 = arith.constant 128 : i32
      %mul3A_351 = arith.muli %scan3A_338, %mul3A_350 : i32
      %add3A_352 = arith.constant 32 : i32
      %add3A_353 = arith.addi %mul3A_351, %add3A_352 : i32
      %get3A_354 = arith.index_cast %add3A_353 : i32 to index
      %get3A_355 = tpu.vector_load %arg8[%get3A_354] {strides = array<i32>} : memref<10112xi32, #tpu.memory_space<vmem>>, vector<16xi32>,
      tpu.vector_store_idx %arg13[%get3A_355], %broadcast_in_dim3A_31 {add = true} : memref<10240xf32, #tpu.memory_space<vmem>>[vector<16xi32>], vector<16xf32>,
      %mul3A_356 = arith.constant 128 : i32
      %mul3A_357 = arith.muli %scan3A_338, %mul3A_356 : i32
      %add3A_358 = arith.constant 48 : i32
      %add3A_359 = arith.addi %mul3A_357, %add3A_358 : i32
      %get3A_360 = arith.index_cast %add3A_359 : i32 to index
      %get3A_361 = tpu.vector_load %arg8[%get3A_360] {strides = array<i32>} : memref<10112xi32, #tpu.memory_space<vmem>>, vector<16xi32>,
      tpu.vector_store_idx %arg13[%get3A_361], %broadcast_in_dim3A_31 {add = true} : memref<10240xf32, #tpu.memory_space<vmem>>[vector<16xi32>], vector<16xf32>,
      %mul3A_362 = arith.constant 128 : i32
      %mul3A_363 = arith.muli %scan3A_338, %mul3A_362 : i32
      %add3A_364 = arith.constant 64 : i32
      %add3A_365 = arith.addi %mul3A_363, %add3A_364 : i32
      %get3A_366 = arith.index_cast %add3A_365 : i32 to index
      %get3A_367 = tpu.vector_load %arg8[%get3A_366] {strides = array<i32>} : memref<10112xi32, #tpu.memory_space<vmem>>, vector<16xi32>,
      tpu.vector_store_idx %arg13[%get3A_367], %broadcast_in_dim3A_31 {add = true} : memref<10240xf32, #tpu.memory_space<vmem>>[vector<16xi32>], vector<16xf32>,
      %mul3A_368 = arith.constant 128 : i32
      %mul3A_369 = arith.muli %scan3A_338, %mul3A_368 : i32
      %add3A_370 = arith.constant 80 : i32
      %add3A_371 = arith.addi %mul3A_369, %add3A_370 : i32
      %get3A_372 = arith.index_cast %add3A_371 : i32 to index
      %get3A_373 = tpu.vector_load %arg8[%get3A_372] {strides = array<i32>} : memref<10112xi32, #tpu.memory_space<vmem>>, vector<16xi32>,
      tpu.vector_store_idx %arg13[%get3A_373], %broadcast_in_dim3A_31 {add = true} : memref<10240xf32, #tpu.memory_space<vmem>>[vector<16xi32>], vector<16xf32>,
      %mul3A_374 = arith.constant 128 : i32
      %mul3A_375 = arith.muli %scan3A_338, %mul3A_374 : i32
      %add3A_376 = arith.constant 96 : i32
      %add3A_377 = arith.addi %mul3A_375, %add3A_376 : i32
      %get3A_378 = arith.index_cast %add3A_377 : i32 to index
      %get3A_379 = tpu.vector_load %arg8[%get3A_378] {strides = array<i32>} : memref<10112xi32, #tpu.memory_space<vmem>>, vector<16xi32>,
      tpu.vector_store_idx %arg13[%get3A_379], %broadcast_in_dim3A_31 {add = true} : memref<10240xf32, #tpu.memory_space<vmem>>[vector<16xi32>], vector<16xf32>,
      %mul3A_380 = arith.constant 128 : i32
      %mul3A_381 = arith.muli %scan3A_338, %mul3A_380 : i32
      %add3A_382 = arith.constant 112 : i32
      %add3A_383 = arith.addi %mul3A_381, %add3A_382 : i32
      %get3A_384 = arith.index_cast %add3A_383 : i32 to index
      %get3A_385 = tpu.vector_load %arg8[%get3A_384] {strides = array<i32>} : memref<10112xi32, #tpu.memory_space<vmem>>, vector<16xi32>,
      tpu.vector_store_idx %arg13[%get3A_385], %broadcast_in_dim3A_31 {add = true} : memref<10240xf32, #tpu.memory_space<vmem>>[vector<16xi32>], vector<16xf32>,
    }
    %scan3A_49 = arith.constant 79 : i32
    %mul3A_50 = arith.constant 2 : i32
    %mul3A_51 = arith.muli %arg1, %mul3A_50 : i32
    %add3A_52 = arith.constant 1 : i32
    %add3A_53 = arith.addi %mul3A_51, %add3A_52 : i32
    %mul3A_54 = arith.constant 10112 : i32
    %mul3A_55 = arith.muli %add3A_53, %mul3A_54 : i32
    "tpu.region"() ({
      %run_scoped3A = tpu.sem_alloc : memref<!tpu.dma_semaphore, #tpu.memory_space<semaphore_mem>>
      %dma_start3A = tpu.memref_slice %arg3[%mul3A_55] : memref<323584xi32, #tpu.memory_space<hbm>> -> memref<10112xi32, #tpu.memory_space<hbm>>
      %dma_start3A_338 = tpu.memref_slice %arg3[%mul3A_55] : memref<323584xi32, #tpu.memory_space<hbm>> -> memref<10112xi32, #tpu.memory_space<hbm>>
      tpu.enqueue_dma source(%dma_start3A_338 : memref<10112xi32, #tpu.memory_space<hbm>>) target(%arg8 : memref<10112xi32, #tpu.memory_space<vmem>>) target_semaphore(%run_scoped3A : memref<!tpu.dma_semaphore, #tpu.memory_space<semaphore_mem>>)
      %dma_wait3A = tpu.memref_slice %arg3[%mul3A_55] : memref<323584xi32, #tpu.memory_space<hbm>> -> memref<10112xi32, #tpu.memory_space<hbm>>
      %dma_wait3A_339 = tpu.memref_slice %arg3[%mul3A_55] : memref<323584xi32, #tpu.memory_space<hbm>> -> memref<10112xi32, #tpu.memory_space<hbm>>
      tpu.wait_dma2 semaphore(%run_scoped3A : memref<!tpu.dma_semaphore, #tpu.memory_space<semaphore_mem>>) src(%dma_wait3A_339 : memref<10112xi32, #tpu.memory_space<hbm>>) dst(%arg8 : memref<10112xi32, #tpu.memory_space<vmem>>)
      tpu.yield
    }) : () -> ()
    %scan3A_56 = arith.constant 0 : i32
    %scan3A_57 = arith.constant 0 : i32
    %scan3A_58 = arith.constant 79 : i32
    %scan3A_59 = arith.addi %scan3A_57, %scan3A_58 : i32
    %scan3A_60 = arith.constant 1 : i32
    scf.for %scan3A_338 = %scan3A_57 to %scan3A_59 step %scan3A_60  : i32 {
      %mul3A_339 = arith.constant 128 : i32
      %mul3A_340 = arith.muli %scan3A_338, %mul3A_339 : i32
      %add3A_341 = arith.constant 0 : i32
      %add3A_342 = arith.addi %mul3A_340, %add3A_341 : i32
      %get3A = arith.index_cast %add3A_342 : i32 to index
      %get3A_343 = tpu.vector_load %arg8[%get3A] {strides = array<i32>} : memref<10112xi32, #tpu.memory_space<vmem>>, vector<16xi32>,
      tpu.vector_store_idx %arg13[%get3A_343], %broadcast_in_dim3A_31 {add = true} : memref<10240xf32, #tpu.memory_space<vmem>>[vector<16xi32>], vector<16xf32>,
      %mul3A_344 = arith.constant 128 : i32
      %mul3A_345 = arith.muli %scan3A_338, %mul3A_344 : i32
      %add3A_346 = arith.constant 16 : i32
      %add3A_347 = arith.addi %mul3A_345, %add3A_346 : i32
      %get3A_348 = arith.index_cast %add3A_347 : i32 to index
      %get3A_349 = tpu.vector_load %arg8[%get3A_348] {strides = array<i32>} : memref<10112xi32, #tpu.memory_space<vmem>>, vector<16xi32>,
      tpu.vector_store_idx %arg13[%get3A_349], %broadcast_in_dim3A_31 {add = true} : memref<10240xf32, #tpu.memory_space<vmem>>[vector<16xi32>], vector<16xf32>,
      %mul3A_350 = arith.constant 128 : i32
      %mul3A_351 = arith.muli %scan3A_338, %mul3A_350 : i32
      %add3A_352 = arith.constant 32 : i32
      %add3A_353 = arith.addi %mul3A_351, %add3A_352 : i32
      %get3A_354 = arith.index_cast %add3A_353 : i32 to index
      %get3A_355 = tpu.vector_load %arg8[%get3A_354] {strides = array<i32>} : memref<10112xi32, #tpu.memory_space<vmem>>, vector<16xi32>,
      tpu.vector_store_idx %arg13[%get3A_355], %broadcast_in_dim3A_31 {add = true} : memref<10240xf32, #tpu.memory_space<vmem>>[vector<16xi32>], vector<16xf32>,
      %mul3A_356 = arith.constant 128 : i32
      %mul3A_357 = arith.muli %scan3A_338, %mul3A_356 : i32
      %add3A_358 = arith.constant 48 : i32
      %add3A_359 = arith.addi %mul3A_357, %add3A_358 : i32
      %get3A_360 = arith.index_cast %add3A_359 : i32 to index
      %get3A_361 = tpu.vector_load %arg8[%get3A_360] {strides = array<i32>} : memref<10112xi32, #tpu.memory_space<vmem>>, vector<16xi32>,
      tpu.vector_store_idx %arg13[%get3A_361], %broadcast_in_dim3A_31 {add = true} : memref<10240xf32, #tpu.memory_space<vmem>>[vector<16xi32>], vector<16xf32>,
      %mul3A_362 = arith.constant 128 : i32
      %mul3A_363 = arith.muli %scan3A_338, %mul3A_362 : i32
      %add3A_364 = arith.constant 64 : i32
      %add3A_365 = arith.addi %mul3A_363, %add3A_364 : i32
      %get3A_366 = arith.index_cast %add3A_365 : i32 to index
      %get3A_367 = tpu.vector_load %arg8[%get3A_366] {strides = array<i32>} : memref<10112xi32, #tpu.memory_space<vmem>>, vector<16xi32>,
      tpu.vector_store_idx %arg13[%get3A_367], %broadcast_in_dim3A_31 {add = true} : memref<10240xf32, #tpu.memory_space<vmem>>[vector<16xi32>], vector<16xf32>,
      %mul3A_368 = arith.constant 128 : i32
      %mul3A_369 = arith.muli %scan3A_338, %mul3A_368 : i32
      %add3A_370 = arith.constant 80 : i32
      %add3A_371 = arith.addi %mul3A_369, %add3A_370 : i32
      %get3A_372 = arith.index_cast %add3A_371 : i32 to index
      %get3A_373 = tpu.vector_load %arg8[%get3A_372] {strides = array<i32>} : memref<10112xi32, #tpu.memory_space<vmem>>, vector<16xi32>,
      tpu.vector_store_idx %arg13[%get3A_373], %broadcast_in_dim3A_31 {add = true} : memref<10240xf32, #tpu.memory_space<vmem>>[vector<16xi32>], vector<16xf32>,
      %mul3A_374 = arith.constant 128 : i32
      %mul3A_375 = arith.muli %scan3A_338, %mul3A_374 : i32
      %add3A_376 = arith.constant 96 : i32
      %add3A_377 = arith.addi %mul3A_375, %add3A_376 : i32
      %get3A_378 = arith.index_cast %add3A_377 : i32 to index
      %get3A_379 = tpu.vector_load %arg8[%get3A_378] {strides = array<i32>} : memref<10112xi32, #tpu.memory_space<vmem>>, vector<16xi32>,
      tpu.vector_store_idx %arg13[%get3A_379], %broadcast_in_dim3A_31 {add = true} : memref<10240xf32, #tpu.memory_space<vmem>>[vector<16xi32>], vector<16xf32>,
      %mul3A_380 = arith.constant 128 : i32
      %mul3A_381 = arith.muli %scan3A_338, %mul3A_380 : i32
      %add3A_382 = arith.constant 112 : i32
      %add3A_383 = arith.addi %mul3A_381, %add3A_382 : i32
      %get3A_384 = arith.index_cast %add3A_383 : i32 to index
      %get3A_385 = tpu.vector_load %arg8[%get3A_384] {strides = array<i32>} : memref<10112xi32, #tpu.memory_space<vmem>>, vector<16xi32>,
      tpu.vector_store_idx %arg13[%get3A_385], %broadcast_in_dim3A_31 {add = true} : memref<10240xf32, #tpu.memory_space<vmem>>[vector<16xi32>], vector<16xf32>,
    }
    %scan3A_61 = arith.constant 79 : i32
    "tpu.region"() ({
      %run_scoped3A = tpu.sem_alloc : memref<!tpu.dma_semaphore, #tpu.memory_space<semaphore_mem>>
      %dma_start3A = arith.constant 0 : i32
      %dma_start3A_338 = tpu.memref_slice %arg20[%arg1, %dma_start3A] : memref<16x10240xf32, #tpu.memory_space<vmem_shared>> -> memref<1x10240xf32, #tpu.memory_space<vmem_shared>>
      %dma_start3A_339 = tpu.memref_squeeze %dma_start3A_338 : memref<1x10240xf32, #tpu.memory_space<vmem_shared>> -> memref<10240xf32, #tpu.memory_space<vmem_shared>>
      %dma_start3A_340 = arith.constant 0 : i32
      %dma_start3A_341 = tpu.memref_slice %arg20[%arg1, %dma_start3A_340] : memref<16x10240xf32, #tpu.memory_space<vmem_shared>> -> memref<1x10240xf32, #tpu.memory_space<vmem_shared>>
      %dma_start3A_342 = tpu.memref_squeeze %dma_start3A_341 : memref<1x10240xf32, #tpu.memory_space<vmem_shared>> -> memref<10240xf32, #tpu.memory_space<vmem_shared>>
      tpu.enqueue_dma source(%arg13 : memref<10240xf32, #tpu.memory_space<vmem>>) target(%dma_start3A_342 : memref<10240xf32, #tpu.memory_space<vmem_shared>>) target_semaphore(%run_scoped3A : memref<!tpu.dma_semaphore, #tpu.memory_space<semaphore_mem>>)
      %dma_wait3A = arith.constant 0 : i32
      %dma_wait3A_343 = tpu.memref_slice %arg20[%arg1, %dma_wait3A] : memref<16x10240xf32, #tpu.memory_space<vmem_shared>> -> memref<1x10240xf32, #tpu.memory_space<vmem_shared>>
      %dma_wait3A_344 = tpu.memref_squeeze %dma_wait3A_343 : memref<1x10240xf32, #tpu.memory_space<vmem_shared>> -> memref<10240xf32, #tpu.memory_space<vmem_shared>>
      %dma_wait3A_345 = arith.constant 0 : i32
      %dma_wait3A_346 = tpu.memref_slice %arg20[%arg1, %dma_wait3A_345] : memref<16x10240xf32, #tpu.memory_space<vmem_shared>> -> memref<1x10240xf32, #tpu.memory_space<vmem_shared>>
      %dma_wait3A_347 = tpu.memref_squeeze %dma_wait3A_346 : memref<1x10240xf32, #tpu.memory_space<vmem_shared>> -> memref<10240xf32, #tpu.memory_space<vmem_shared>>
      tpu.wait_dma2 semaphore(%run_scoped3A : memref<!tpu.dma_semaphore, #tpu.memory_space<semaphore_mem>>) src(%arg13 : memref<10240xf32, #tpu.memory_space<vmem>>) dst(%dma_wait3A_347 : memref<10240xf32, #tpu.memory_space<vmem_shared>>)
      tpu.yield
    }) : () -> ()
    %barrier3A = arith.constant 0 : index
    tpu.barrier barrier_id(%barrier3A)
    "tpu.region"() ({
      %run_scoped3A = tpu.sem_alloc : memref<!tpu.dma_semaphore, #tpu.memory_space<semaphore_mem>>
      %dma_start3A = arith.constant 0 : i32
      %dma_start3A_338 = tpu.memref_slice %arg20[%dma_start3A, %mul3A_32] : memref<16x10240xf32, #tpu.memory_space<vmem_shared>> -> memref<8x640xf32, #tpu.memory_space<vmem_shared>>
      %dma_start3A_339 = arith.constant 0 : i32
      %dma_start3A_340 = tpu.memref_slice %arg20[%dma_start3A_339, %mul3A_32] : memref<16x10240xf32, #tpu.memory_space<vmem_shared>> -> memref<8x640xf32, #tpu.memory_space<vmem_shared>>
      tpu.enqueue_dma source(%dma_start3A_340 : memref<8x640xf32, #tpu.memory_space<vmem_shared>>) target(%arg18 : memref<8x640xf32, #tpu.memory_space<vmem>>) target_semaphore(%run_scoped3A : memref<!tpu.dma_semaphore, #tpu.memory_space<semaphore_mem>>)
      %dma_wait3A = arith.constant 0 : i32
      %dma_wait3A_341 = tpu.memref_slice %arg20[%dma_wait3A, %mul3A_32] : memref<16x10240xf32, #tpu.memory_space<vmem_shared>> -> memref<8x640xf32, #tpu.memory_space<vmem_shared>>
      %dma_wait3A_342 = arith.constant 0 : i32
      %dma_wait3A_343 = tpu.memref_slice %arg20[%dma_wait3A_342, %mul3A_32] : memref<16x10240xf32, #tpu.memory_space<vmem_shared>> -> memref<8x640xf32, #tpu.memory_space<vmem_shared>>
      tpu.wait_dma2 semaphore(%run_scoped3A : memref<!tpu.dma_semaphore, #tpu.memory_space<semaphore_mem>>) src(%dma_wait3A_343 : memref<8x640xf32, #tpu.memory_space<vmem_shared>>) dst(%arg18 : memref<8x640xf32, #tpu.memory_space<vmem>>)
      tpu.yield
    }) : () -> ()
    %scan3A_62 = arith.constant 0 : i32
    %scan3A_63 = arith.constant 0 : i32
    %scan3A_64 = arith.constant 40 : i32
    %scan3A_65 = arith.addi %scan3A_63, %scan3A_64 : i32
    %scan3A_66 = arith.constant 1 : i32
    scf.for %scan3A_338 = %scan3A_63 to %scan3A_65 step %scan3A_66  : i32 {
      %mul3A_339 = arith.constant 16 : i32
      %mul3A_340 = arith.muli %scan3A_338, %mul3A_339 : i32
      %get3A = arith.constant 0 : i32
      %get3A_341 = arith.index_cast %get3A : i32 to index
      %get3A_342 = arith.index_cast %mul3A_340 : i32 to index
      %get3A_343 = tpu.vector_load %arg18[%get3A_341, %get3A_342] {strides = array<i32>} : memref<8x640xf32, #tpu.memory_space<vmem>>, vector<16xf32>,
      %mul3A_344 = arith.constant 16 : i32
      %mul3A_345 = arith.muli %scan3A_338, %mul3A_344 : i32
      %get3A_346 = arith.constant 1 : i32
      %get3A_347 = arith.index_cast %get3A_346 : i32 to index
      %get3A_348 = arith.index_cast %mul3A_345 : i32 to index
      %get3A_349 = tpu.vector_load %arg18[%get3A_347, %get3A_348] {strides = array<i32>} : memref<8x640xf32, #tpu.memory_space<vmem>>, vector<16xf32>,
      %add3A_350 = arith.addf %get3A_343, %get3A_349 : vector<16xf32>
      %mul3A_351 = arith.constant 16 : i32
      %mul3A_352 = arith.muli %scan3A_338, %mul3A_351 : i32
      %get3A_353 = arith.constant 2 : i32
      %get3A_354 = arith.index_cast %get3A_353 : i32 to index
      %get3A_355 = arith.index_cast %mul3A_352 : i32 to index
      %get3A_356 = tpu.vector_load %arg18[%get3A_354, %get3A_355] {strides = array<i32>} : memref<8x640xf32, #tpu.memory_space<vmem>>, vector<16xf32>,
      %add3A_357 = arith.addf %add3A_350, %get3A_356 : vector<16xf32>
      %mul3A_358 = arith.constant 16 : i32
      %mul3A_359 = arith.muli %scan3A_338, %mul3A_358 : i32
      %get3A_360 = arith.constant 3 : i32
      %get3A_361 = arith.index_cast %get3A_360 : i32 to index
      %get3A_362 = arith.index_cast %mul3A_359 : i32 to index
      %get3A_363 = tpu.vector_load %arg18[%get3A_361, %get3A_362] {strides = array<i32>} : memref<8x640xf32, #tpu.memory_space<vmem>>, vector<16xf32>,
      %add3A_364 = arith.addf %add3A_357, %get3A_363 : vector<16xf32>
      %mul3A_365 = arith.constant 16 : i32
      %mul3A_366 = arith.muli %scan3A_338, %mul3A_365 : i32
      %get3A_367 = arith.constant 4 : i32
      %get3A_368 = arith.index_cast %get3A_367 : i32 to index
      %get3A_369 = arith.index_cast %mul3A_366 : i32 to index
      %get3A_370 = tpu.vector_load %arg18[%get3A_368, %get3A_369] {strides = array<i32>} : memref<8x640xf32, #tpu.memory_space<vmem>>, vector<16xf32>,
      %add3A_371 = arith.addf %add3A_364, %get3A_370 : vector<16xf32>
      %mul3A_372 = arith.constant 16 : i32
      %mul3A_373 = arith.muli %scan3A_338, %mul3A_372 : i32
      %get3A_374 = arith.constant 5 : i32
      %get3A_375 = arith.index_cast %get3A_374 : i32 to index
      %get3A_376 = arith.index_cast %mul3A_373 : i32 to index
      %get3A_377 = tpu.vector_load %arg18[%get3A_375, %get3A_376] {strides = array<i32>} : memref<8x640xf32, #tpu.memory_space<vmem>>, vector<16xf32>,
      %add3A_378 = arith.addf %add3A_371, %get3A_377 : vector<16xf32>
      %mul3A_379 = arith.constant 16 : i32
      %mul3A_380 = arith.muli %scan3A_338, %mul3A_379 : i32
      %get3A_381 = arith.constant 6 : i32
      %get3A_382 = arith.index_cast %get3A_381 : i32 to index
      %get3A_383 = arith.index_cast %mul3A_380 : i32 to index
      %get3A_384 = tpu.vector_load %arg18[%get3A_382, %get3A_383] {strides = array<i32>} : memref<8x640xf32, #tpu.memory_space<vmem>>, vector<16xf32>,
      %add3A_385 = arith.addf %add3A_378, %get3A_384 : vector<16xf32>
      %mul3A_386 = arith.constant 16 : i32
      %mul3A_387 = arith.muli %scan3A_338, %mul3A_386 : i32
      %get3A_388 = arith.constant 7 : i32
      %get3A_389 = arith.index_cast %get3A_388 : i32 to index
      %get3A_390 = arith.index_cast %mul3A_387 : i32 to index
      %get3A_391 = tpu.vector_load %arg18[%get3A_389, %get3A_390] {strides = array<i32>} : memref<8x640xf32, #tpu.memory_space<vmem>>, vector<16xf32>,
      %add3A_392 = arith.addf %add3A_385, %get3A_391 : vector<16xf32>
      %mul3A_393 = arith.constant 16 : i32
      %mul3A_394 = arith.muli %scan3A_338, %mul3A_393 : i32
      %add3A_395 = arith.addi %mul3A_32, %mul3A_394 : i32
      %swap3A = arith.index_cast %add3A_395 : i32 to index
      %swap3A_396 = tpu.vector_load %arg13[%swap3A] {strides = array<i32>} : memref<10240xf32, #tpu.memory_space<vmem>>, vector<16xf32>,
      tpu.vector_store %arg13[%swap3A], %add3A_392 {strides = array<i32>} : memref<10240xf32, #tpu.memory_space<vmem>>, vector<16xf32>,
    }
    %scan3A_67 = arith.constant 40 : i32
    "tpu.region"() ({
      %run_scoped3A = tpu.sem_alloc : memref<!tpu.dma_semaphore, #tpu.memory_space<semaphore_mem>>
      %dma_start3A = arith.constant 8 : i32
      %dma_start3A_338 = tpu.memref_slice %arg20[%dma_start3A, %mul3A_32] : memref<16x10240xf32, #tpu.memory_space<vmem_shared>> -> memref<8x640xf32, #tpu.memory_space<vmem_shared>>
      %dma_start3A_339 = arith.constant 8 : i32
      %dma_start3A_340 = tpu.memref_slice %arg20[%dma_start3A_339, %mul3A_32] : memref<16x10240xf32, #tpu.memory_space<vmem_shared>> -> memref<8x640xf32, #tpu.memory_space<vmem_shared>>
      tpu.enqueue_dma source(%dma_start3A_340 : memref<8x640xf32, #tpu.memory_space<vmem_shared>>) target(%arg18 : memref<8x640xf32, #tpu.memory_space<vmem>>) target_semaphore(%run_scoped3A : memref<!tpu.dma_semaphore, #tpu.memory_space<semaphore_mem>>)
      %dma_wait3A = arith.constant 8 : i32
      %dma_wait3A_341 = tpu.memref_slice %arg20[%dma_wait3A, %mul3A_32] : memref<16x10240xf32, #tpu.memory_space<vmem_shared>> -> memref<8x640xf32, #tpu.memory_space<vmem_shared>>
      %dma_wait3A_342 = arith.constant 8 : i32
      %dma_wait3A_343 = tpu.memref_slice %arg20[%dma_wait3A_342, %mul3A_32] : memref<16x10240xf32, #tpu.memory_space<vmem_shared>> -> memref<8x640xf32, #tpu.memory_space<vmem_shared>>
      tpu.wait_dma2 semaphore(%run_scoped3A : memref<!tpu.dma_semaphore, #tpu.memory_space<semaphore_mem>>) src(%dma_wait3A_343 : memref<8x640xf32, #tpu.memory_space<vmem_shared>>) dst(%arg18 : memref<8x640xf32, #tpu.memory_space<vmem>>)
      tpu.yield
    }) : () -> ()
    %scan3A_68 = arith.constant 0 : i32
    %scan3A_69 = arith.constant 0 : i32
    %scan3A_70 = arith.constant 40 : i32
    %scan3A_71 = arith.addi %scan3A_69, %scan3A_70 : i32
    %scan3A_72 = arith.constant 1 : i32
    scf.for %scan3A_338 = %scan3A_69 to %scan3A_71 step %scan3A_72  : i32 {
      %mul3A_339 = arith.constant 16 : i32
      %mul3A_340 = arith.muli %scan3A_338, %mul3A_339 : i32
      %get3A = arith.constant 0 : i32
      %get3A_341 = arith.index_cast %get3A : i32 to index
      %get3A_342 = arith.index_cast %mul3A_340 : i32 to index
      %get3A_343 = tpu.vector_load %arg18[%get3A_341, %get3A_342] {strides = array<i32>} : memref<8x640xf32, #tpu.memory_space<vmem>>, vector<16xf32>,
      %mul3A_344 = arith.constant 16 : i32
      %mul3A_345 = arith.muli %scan3A_338, %mul3A_344 : i32
      %get3A_346 = arith.constant 1 : i32
      %get3A_347 = arith.index_cast %get3A_346 : i32 to index
      %get3A_348 = arith.index_cast %mul3A_345 : i32 to index
      %get3A_349 = tpu.vector_load %arg18[%get3A_347, %get3A_348] {strides = array<i32>} : memref<8x640xf32, #tpu.memory_space<vmem>>, vector<16xf32>,
      %add3A_350 = arith.addf %get3A_343, %get3A_349 : vector<16xf32>
      %mul3A_351 = arith.constant 16 : i32
      %mul3A_352 = arith.muli %scan3A_338, %mul3A_351 : i32
      %get3A_353 = arith.constant 2 : i32
      %get3A_354 = arith.index_cast %get3A_353 : i32 to index
      %get3A_355 = arith.index_cast %mul3A_352 : i32 to index
      %get3A_356 = tpu.vector_load %arg18[%get3A_354, %get3A_355] {strides = array<i32>} : memref<8x640xf32, #tpu.memory_space<vmem>>, vector<16xf32>,
      %add3A_357 = arith.addf %add3A_350, %get3A_356 : vector<16xf32>
      %mul3A_358 = arith.constant 16 : i32
      %mul3A_359 = arith.muli %scan3A_338, %mul3A_358 : i32
      %get3A_360 = arith.constant 3 : i32
      %get3A_361 = arith.index_cast %get3A_360 : i32 to index
      %get3A_362 = arith.index_cast %mul3A_359 : i32 to index
      %get3A_363 = tpu.vector_load %arg18[%get3A_361, %get3A_362] {strides = array<i32>} : memref<8x640xf32, #tpu.memory_space<vmem>>, vector<16xf32>,
      %add3A_364 = arith.addf %add3A_357, %get3A_363 : vector<16xf32>
      %mul3A_365 = arith.constant 16 : i32
      %mul3A_366 = arith.muli %scan3A_338, %mul3A_365 : i32
      %get3A_367 = arith.constant 4 : i32
      %get3A_368 = arith.index_cast %get3A_367 : i32 to index
      %get3A_369 = arith.index_cast %mul3A_366 : i32 to index
      %get3A_370 = tpu.vector_load %arg18[%get3A_368, %get3A_369] {strides = array<i32>} : memref<8x640xf32, #tpu.memory_space<vmem>>, vector<16xf32>,
      %add3A_371 = arith.addf %add3A_364, %get3A_370 : vector<16xf32>
      %mul3A_372 = arith.constant 16 : i32
      %mul3A_373 = arith.muli %scan3A_338, %mul3A_372 : i32
      %get3A_374 = arith.constant 5 : i32
      %get3A_375 = arith.index_cast %get3A_374 : i32 to index
      %get3A_376 = arith.index_cast %mul3A_373 : i32 to index
      %get3A_377 = tpu.vector_load %arg18[%get3A_375, %get3A_376] {strides = array<i32>} : memref<8x640xf32, #tpu.memory_space<vmem>>, vector<16xf32>,
      %add3A_378 = arith.addf %add3A_371, %get3A_377 : vector<16xf32>
      %mul3A_379 = arith.constant 16 : i32
      %mul3A_380 = arith.muli %scan3A_338, %mul3A_379 : i32
      %get3A_381 = arith.constant 6 : i32
      %get3A_382 = arith.index_cast %get3A_381 : i32 to index
      %get3A_383 = arith.index_cast %mul3A_380 : i32 to index
      %get3A_384 = tpu.vector_load %arg18[%get3A_382, %get3A_383] {strides = array<i32>} : memref<8x640xf32, #tpu.memory_space<vmem>>, vector<16xf32>,
      %add3A_385 = arith.addf %add3A_378, %get3A_384 : vector<16xf32>
      %mul3A_386 = arith.constant 16 : i32
      %mul3A_387 = arith.muli %scan3A_338, %mul3A_386 : i32
      %get3A_388 = arith.constant 7 : i32
      %get3A_389 = arith.index_cast %get3A_388 : i32 to index
      %get3A_390 = arith.index_cast %mul3A_387 : i32 to index
      %get3A_391 = tpu.vector_load %arg18[%get3A_389, %get3A_390] {strides = array<i32>} : memref<8x640xf32, #tpu.memory_space<vmem>>, vector<16xf32>,
      %add3A_392 = arith.addf %add3A_385, %get3A_391 : vector<16xf32>
      %mul3A_393 = arith.constant 16 : i32
      %mul3A_394 = arith.muli %scan3A_338, %mul3A_393 : i32
      %add3A_395 = arith.addi %mul3A_32, %mul3A_394 : i32
      %get3A_396 = arith.index_cast %add3A_395 : i32 to index
      %get3A_397 = tpu.vector_load %arg13[%get3A_396] {strides = array<i32>} : memref<10240xf32, #tpu.memory_space<vmem>>, vector<16xf32>,
      %add3A_398 = arith.addf %get3A_397, %add3A_392 : vector<16xf32>
      %add3A_399 = arith.constant 1.000000e+00 : f32
      %add3A_400 = vector.broadcast %add3A_399 : f32 to vector<16xf32>
      %add3A_401 = arith.addf %add3A_398, %add3A_400 : vector<16xf32>
      %swap3A = arith.index_cast %add3A_395 : i32 to index
      %swap3A_402 = tpu.vector_load %arg13[%swap3A] {strides = array<i32>} : memref<10240xf32, #tpu.memory_space<vmem>>, vector<16xf32>,
      tpu.vector_store %arg13[%swap3A], %add3A_401 {strides = array<i32>} : memref<10240xf32, #tpu.memory_space<vmem>>, vector<16xf32>,
    }
    %scan3A_73 = arith.constant 40 : i32
    "tpu.region"() ({
      %run_scoped3A = tpu.sem_alloc : memref<!tpu.dma_semaphore, #tpu.memory_space<semaphore_mem>>
      %dma_start3A = arith.constant 0 : i32
      %dma_start3A_338 = tpu.memref_slice %arg4[%dma_start3A, %mul3A_32] : memref<16x10240xf32, #tpu.memory_space<hbm>> -> memref<16x640xf32, #tpu.memory_space<hbm>>
      %dma_start3A_339 = arith.constant 0 : i32
      %dma_start3A_340 = tpu.memref_slice %arg4[%dma_start3A_339, %mul3A_32] : memref<16x10240xf32, #tpu.memory_space<hbm>> -> memref<16x640xf32, #tpu.memory_space<hbm>>
      tpu.enqueue_dma source(%dma_start3A_340 : memref<16x640xf32, #tpu.memory_space<hbm>>) target(%arg19 : memref<16x640xf32, #tpu.memory_space<vmem>>) target_semaphore(%run_scoped3A : memref<!tpu.dma_semaphore, #tpu.memory_space<semaphore_mem>>)
      %dma_wait3A = arith.constant 0 : i32
      %dma_wait3A_341 = tpu.memref_slice %arg4[%dma_wait3A, %mul3A_32] : memref<16x10240xf32, #tpu.memory_space<hbm>> -> memref<16x640xf32, #tpu.memory_space<hbm>>
      %dma_wait3A_342 = arith.constant 0 : i32
      %dma_wait3A_343 = tpu.memref_slice %arg4[%dma_wait3A_342, %mul3A_32] : memref<16x10240xf32, #tpu.memory_space<hbm>> -> memref<16x640xf32, #tpu.memory_space<hbm>>
      tpu.wait_dma2 semaphore(%run_scoped3A : memref<!tpu.dma_semaphore, #tpu.memory_space<semaphore_mem>>) src(%dma_wait3A_343 : memref<16x640xf32, #tpu.memory_space<hbm>>) dst(%arg19 : memref<16x640xf32, #tpu.memory_space<vmem>>)
      tpu.yield
    }) : () -> ()
    %scan3A_74 = arith.constant 0 : i32
    %scan3A_75 = arith.constant 0 : i32
    %scan3A_76 = arith.constant 40 : i32
    %scan3A_77 = arith.addi %scan3A_75, %scan3A_76 : i32
    %scan3A_78 = arith.constant 1 : i32
    scf.for %scan3A_338 = %scan3A_75 to %scan3A_77 step %scan3A_78  : i32 {
      %mul3A_339 = arith.constant 16 : i32
      %mul3A_340 = arith.muli %scan3A_338, %mul3A_339 : i32
      %add3A_341 = arith.addi %mul3A_32, %mul3A_340 : i32
      %get3A = arith.index_cast %add3A_341 : i32 to index
      %get3A_342 = tpu.vector_load %arg13[%get3A] {strides = array<i32>} : memref<10240xf32, #tpu.memory_space<vmem>>, vector<16xf32>,
      %bitcast3A = vector.bitcast %get3A_342 : vector<16xf32> to vector<16xi32>
      %shift_right_arithmetic3A = arith.constant 1 : i32
      %shift_right_arithmetic3A_343 = vector.broadcast %shift_right_arithmetic3A : i32 to vector<16xi32>
      %shift_right_arithmetic3A_344 = arith.shrsi %bitcast3A, %shift_right_arithmetic3A_343 : vector<16xi32>
      %sub3A_345 = arith.constant 1597463007 : i32
      %sub3A_346 = vector.broadcast %sub3A_345 : i32 to vector<16xi32>
      %sub3A_347 = arith.subi %sub3A_346, %shift_right_arithmetic3A_344 : vector<16xi32>
      %bitcast3A_348 = vector.bitcast %sub3A_347 : vector<16xi32> to vector<16xf32>
      %mul3A_349 = arith.constant 5.000000e-01 : f32
      %mul3A_350 = vector.broadcast %mul3A_349 : f32 to vector<16xf32>
      %mul3A_351 = arith.mulf %mul3A_350, %get3A_342 : vector<16xf32>
      %mul3A_352 = arith.mulf %mul3A_351, %bitcast3A_348 : vector<16xf32>
      %mul3A_353 = arith.mulf %mul3A_352, %bitcast3A_348 : vector<16xf32>
      %sub3A_354 = arith.constant 1.500000e+00 : f32
      %sub3A_355 = vector.broadcast %sub3A_354 : f32 to vector<16xf32>
      %sub3A_356 = arith.subf %sub3A_355, %mul3A_353 : vector<16xf32>
      %mul3A_357 = arith.mulf %bitcast3A_348, %sub3A_356 : vector<16xf32>
      %mul3A_358 = arith.constant 5.000000e-01 : f32
      %mul3A_359 = vector.broadcast %mul3A_358 : f32 to vector<16xf32>
      %mul3A_360 = arith.mulf %mul3A_359, %get3A_342 : vector<16xf32>
      %mul3A_361 = arith.mulf %mul3A_360, %mul3A_357 : vector<16xf32>
      %mul3A_362 = arith.mulf %mul3A_361, %mul3A_357 : vector<16xf32>
      %sub3A_363 = arith.constant 1.500000e+00 : f32
      %sub3A_364 = vector.broadcast %sub3A_363 : f32 to vector<16xf32>
      %sub3A_365 = arith.subf %sub3A_364, %mul3A_362 : vector<16xf32>
      %mul3A_366 = arith.mulf %mul3A_357, %sub3A_365 : vector<16xf32>
      %mul3A_367 = arith.constant 5.000000e-01 : f32
      %mul3A_368 = vector.broadcast %mul3A_367 : f32 to vector<16xf32>
      %mul3A_369 = arith.mulf %mul3A_368, %get3A_342 : vector<16xf32>
      %mul3A_370 = arith.mulf %mul3A_369, %mul3A_366 : vector<16xf32>
      %mul3A_371 = arith.mulf %mul3A_370, %mul3A_366 : vector<16xf32>
      %sub3A_372 = arith.constant 1.500000e+00 : f32
      %sub3A_373 = vector.broadcast %sub3A_372 : f32 to vector<16xf32>
      %sub3A_374 = arith.subf %sub3A_373, %mul3A_371 : vector<16xf32>
      %mul3A_375 = arith.mulf %mul3A_366, %sub3A_374 : vector<16xf32>
      %mul3A_376 = arith.constant 16 : i32
      %mul3A_377 = arith.muli %scan3A_338, %mul3A_376 : i32
      %get3A_378 = arith.constant 0 : i32
      %get3A_379 = arith.index_cast %get3A_378 : i32 to index
      %get3A_380 = arith.index_cast %mul3A_377 : i32 to index
      %get3A_381 = tpu.vector_load %arg19[%get3A_379, %get3A_380] {strides = array<i32>} : memref<16x640xf32, #tpu.memory_space<vmem>>, vector<16xf32>,
      %mul3A_382 = arith.mulf %get3A_381, %mul3A_375 : vector<16xf32>
      %swap3A = arith.constant 0 : i32
      %swap3A_383 = arith.index_cast %swap3A : i32 to index
      %swap3A_384 = arith.index_cast %mul3A_377 : i32 to index
      %swap3A_385 = tpu.vector_load %arg19[%swap3A_383, %swap3A_384] {strides = array<i32>} : memref<16x640xf32, #tpu.memory_space<vmem>>, vector<16xf32>,
      tpu.vector_store %arg19[%swap3A_383, %swap3A_384], %mul3A_382 {strides = array<i32>} : memref<16x640xf32, #tpu.memory_space<vmem>>, vector<16xf32>,
      %get3A_386 = arith.constant 1 : i32
      %get3A_387 = arith.index_cast %get3A_386 : i32 to index
      %get3A_388 = arith.index_cast %mul3A_377 : i32 to index
      %get3A_389 = tpu.vector_load %arg19[%get3A_387, %get3A_388] {strides = array<i32>} : memref<16x640xf32, #tpu.memory_space<vmem>>, vector<16xf32>,
      %mul3A_390 = arith.mulf %get3A_389, %mul3A_375 : vector<16xf32>
      %swap3A_391 = arith.constant 1 : i32
      %swap3A_392 = arith.index_cast %swap3A_391 : i32 to index
      %swap3A_393 = arith.index_cast %mul3A_377 : i32 to index
      %swap3A_394 = tpu.vector_load %arg19[%swap3A_392, %swap3A_393] {strides = array<i32>} : memref<16x640xf32, #tpu.memory_space<vmem>>, vector<16xf32>,
      tpu.vector_store %arg19[%swap3A_392, %swap3A_393], %mul3A_390 {strides = array<i32>} : memref<16x640xf32, #tpu.memory_space<vmem>>, vector<16xf32>,
      %get3A_395 = arith.constant 2 : i32
      %get3A_396 = arith.index_cast %get3A_395 : i32 to index
      %get3A_397 = arith.index_cast %mul3A_377 : i32 to index
      %get3A_398 = tpu.vector_load %arg19[%get3A_396, %get3A_397] {strides = array<i32>} : memref<16x640xf32, #tpu.memory_space<vmem>>, vector<16xf32>,
      %mul3A_399 = arith.mulf %get3A_398, %mul3A_375 : vector<16xf32>
      %swap3A_400 = arith.constant 2 : i32
      %swap3A_401 = arith.index_cast %swap3A_400 : i32 to index
      %swap3A_402 = arith.index_cast %mul3A_377 : i32 to index
      %swap3A_403 = tpu.vector_load %arg19[%swap3A_401, %swap3A_402] {strides = array<i32>} : memref<16x640xf32, #tpu.memory_space<vmem>>, vector<16xf32>,
      tpu.vector_store %arg19[%swap3A_401, %swap3A_402], %mul3A_399 {strides = array<i32>} : memref<16x640xf32, #tpu.memory_space<vmem>>, vector<16xf32>,
      %get3A_404 = arith.constant 3 : i32
      %get3A_405 = arith.index_cast %get3A_404 : i32 to index
      %get3A_406 = arith.index_cast %mul3A_377 : i32 to index
      %get3A_407 = tpu.vector_load %arg19[%get3A_405, %get3A_406] {strides = array<i32>} : memref<16x640xf32, #tpu.memory_space<vmem>>, vector<16xf32>,
      %mul3A_408 = arith.mulf %get3A_407, %mul3A_375 : vector<16xf32>
      %swap3A_409 = arith.constant 3 : i32
      %swap3A_410 = arith.index_cast %swap3A_409 : i32 to index
      %swap3A_411 = arith.index_cast %mul3A_377 : i32 to index
      %swap3A_412 = tpu.vector_load %arg19[%swap3A_410, %swap3A_411] {strides = array<i32>} : memref<16x640xf32, #tpu.memory_space<vmem>>, vector<16xf32>,
      tpu.vector_store %arg19[%swap3A_410, %swap3A_411], %mul3A_408 {strides = array<i32>} : memref<16x640xf32, #tpu.memory_space<vmem>>, vector<16xf32>,
      %get3A_413 = arith.constant 4 : i32
      %get3A_414 = arith.index_cast %get3A_413 : i32 to index
      %get3A_415 = arith.index_cast %mul3A_377 : i32 to index
      %get3A_416 = tpu.vector_load %arg19[%get3A_414, %get3A_415] {strides = array<i32>} : memref<16x640xf32, #tpu.memory_space<vmem>>, vector<16xf32>,
      %mul3A_417 = arith.mulf %get3A_416, %mul3A_375 : vector<16xf32>
      %swap3A_418 = arith.constant 4 : i32
      %swap3A_419 = arith.index_cast %swap3A_418 : i32 to index
      %swap3A_420 = arith.index_cast %mul3A_377 : i32 to index
      %swap3A_421 = tpu.vector_load %arg19[%swap3A_419, %swap3A_420] {strides = array<i32>} : memref<16x640xf32, #tpu.memory_space<vmem>>, vector<16xf32>,
      tpu.vector_store %arg19[%swap3A_419, %swap3A_420], %mul3A_417 {strides = array<i32>} : memref<16x640xf32, #tpu.memory_space<vmem>>, vector<16xf32>,
      %get3A_422 = arith.constant 5 : i32
      %get3A_423 = arith.index_cast %get3A_422 : i32 to index
      %get3A_424 = arith.index_cast %mul3A_377 : i32 to index
      %get3A_425 = tpu.vector_load %arg19[%get3A_423, %get3A_424] {strides = array<i32>} : memref<16x640xf32, #tpu.memory_space<vmem>>, vector<16xf32>,
      %mul3A_426 = arith.mulf %get3A_425, %mul3A_375 : vector<16xf32>
      %swap3A_427 = arith.constant 5 : i32
      %swap3A_428 = arith.index_cast %swap3A_427 : i32 to index
      %swap3A_429 = arith.index_cast %mul3A_377 : i32 to index
      %swap3A_430 = tpu.vector_load %arg19[%swap3A_428, %swap3A_429] {strides = array<i32>} : memref<16x640xf32, #tpu.memory_space<vmem>>, vector<16xf32>,
      tpu.vector_store %arg19[%swap3A_428, %swap3A_429], %mul3A_426 {strides = array<i32>} : memref<16x640xf32, #tpu.memory_space<vmem>>, vector<16xf32>,
      %get3A_431 = arith.constant 6 : i32
      %get3A_432 = arith.index_cast %get3A_431 : i32 to index
      %get3A_433 = arith.index_cast %mul3A_377 : i32 to index
      %get3A_434 = tpu.vector_load %arg19[%get3A_432, %get3A_433] {strides = array<i32>} : memref<16x640xf32, #tpu.memory_space<vmem>>, vector<16xf32>,
      %mul3A_435 = arith.mulf %get3A_434, %mul3A_375 : vector<16xf32>
      %swap3A_436 = arith.constant 6 : i32
      %swap3A_437 = arith.index_cast %swap3A_436 : i32 to index
      %swap3A_438 = arith.index_cast %mul3A_377 : i32 to index
      %swap3A_439 = tpu.vector_load %arg19[%swap3A_437, %swap3A_438] {strides = array<i32>} : memref<16x640xf32, #tpu.memory_space<vmem>>, vector<16xf32>,
      tpu.vector_store %arg19[%swap3A_437, %swap3A_438], %mul3A_435 {strides = array<i32>} : memref<16x640xf32, #tpu.memory_space<vmem>>, vector<16xf32>,
      %get3A_440 = arith.constant 7 : i32
      %get3A_441 = arith.index_cast %get3A_440 : i32 to index
      %get3A_442 = arith.index_cast %mul3A_377 : i32 to index
      %get3A_443 = tpu.vector_load %arg19[%get3A_441, %get3A_442] {strides = array<i32>} : memref<16x640xf32, #tpu.memory_space<vmem>>, vector<16xf32>,
      %mul3A_444 = arith.mulf %get3A_443, %mul3A_375 : vector<16xf32>
      %swap3A_445 = arith.constant 7 : i32
      %swap3A_446 = arith.index_cast %swap3A_445 : i32 to index
      %swap3A_447 = arith.index_cast %mul3A_377 : i32 to index
      %swap3A_448 = tpu.vector_load %arg19[%swap3A_446, %swap3A_447] {strides = array<i32>} : memref<16x640xf32, #tpu.memory_space<vmem>>, vector<16xf32>,
      tpu.vector_store %arg19[%swap3A_446, %swap3A_447], %mul3A_444 {strides = array<i32>} : memref<16x640xf32, #tpu.memory_space<vmem>>, vector<16xf32>,
      %get3A_449 = arith.constant 8 : i32
      %get3A_450 = arith.index_cast %get3A_449 : i32 to index
      %get3A_451 = arith.index_cast %mul3A_377 : i32 to index
      %get3A_452 = tpu.vector_load %arg19[%get3A_450, %get3A_451] {strides = array<i32>} : memref<16x640xf32, #tpu.memory_space<vmem>>, vector<16xf32>,
      %mul3A_453 = arith.mulf %get3A_452, %mul3A_375 : vector<16xf32>
      %swap3A_454 = arith.constant 8 : i32
      %swap3A_455 = arith.index_cast %swap3A_454 : i32 to index
      %swap3A_456 = arith.index_cast %mul3A_377 : i32 to index
      %swap3A_457 = tpu.vector_load %arg19[%swap3A_455, %swap3A_456] {strides = array<i32>} : memref<16x640xf32, #tpu.memory_space<vmem>>, vector<16xf32>,
      tpu.vector_store %arg19[%swap3A_455, %swap3A_456], %mul3A_453 {strides = array<i32>} : memref<16x640xf32, #tpu.memory_space<vmem>>, vector<16xf32>,
      %get3A_458 = arith.constant 9 : i32
      %get3A_459 = arith.index_cast %get3A_458 : i32 to index
      %get3A_460 = arith.index_cast %mul3A_377 : i32 to index
      %get3A_461 = tpu.vector_load %arg19[%get3A_459, %get3A_460] {strides = array<i32>} : memref<16x640xf32, #tpu.memory_space<vmem>>, vector<16xf32>,
      %mul3A_462 = arith.mulf %get3A_461, %mul3A_375 : vector<16xf32>
      %swap3A_463 = arith.constant 9 : i32
      %swap3A_464 = arith.index_cast %swap3A_463 : i32 to index
      %swap3A_465 = arith.index_cast %mul3A_377 : i32 to index
      %swap3A_466 = tpu.vector_load %arg19[%swap3A_464, %swap3A_465] {strides = array<i32>} : memref<16x640xf32, #tpu.memory_space<vmem>>, vector<16xf32>,
      tpu.vector_store %arg19[%swap3A_464, %swap3A_465], %mul3A_462 {strides = array<i32>} : memref<16x640xf32, #tpu.memory_space<vmem>>, vector<16xf32>,
      %get3A_467 = arith.constant 10 : i32
      %get3A_468 = arith.index_cast %get3A_467 : i32 to index
      %get3A_469 = arith.index_cast %mul3A_377 : i32 to index
      %get3A_470 = tpu.vector_load %arg19[%get3A_468, %get3A_469] {strides = array<i32>} : memref<16x640xf32, #tpu.memory_space<vmem>>, vector<16xf32>,
      %mul3A_471 = arith.mulf %get3A_470, %mul3A_375 : vector<16xf32>
      %swap3A_472 = arith.constant 10 : i32
      %swap3A_473 = arith.index_cast %swap3A_472 : i32 to index
      %swap3A_474 = arith.index_cast %mul3A_377 : i32 to index
      %swap3A_475 = tpu.vector_load %arg19[%swap3A_473, %swap3A_474] {strides = array<i32>} : memref<16x640xf32, #tpu.memory_space<vmem>>, vector<16xf32>,
      tpu.vector_store %arg19[%swap3A_473, %swap3A_474], %mul3A_471 {strides = array<i32>} : memref<16x640xf32, #tpu.memory_space<vmem>>, vector<16xf32>,
      %get3A_476 = arith.constant 11 : i32
      %get3A_477 = arith.index_cast %get3A_476 : i32 to index
      %get3A_478 = arith.index_cast %mul3A_377 : i32 to index
      %get3A_479 = tpu.vector_load %arg19[%get3A_477, %get3A_478] {strides = array<i32>} : memref<16x640xf32, #tpu.memory_space<vmem>>, vector<16xf32>,
      %mul3A_480 = arith.mulf %get3A_479, %mul3A_375 : vector<16xf32>
      %swap3A_481 = arith.constant 11 : i32
      %swap3A_482 = arith.index_cast %swap3A_481 : i32 to index
      %swap3A_483 = arith.index_cast %mul3A_377 : i32 to index
      %swap3A_484 = tpu.vector_load %arg19[%swap3A_482, %swap3A_483] {strides = array<i32>} : memref<16x640xf32, #tpu.memory_space<vmem>>, vector<16xf32>,
      tpu.vector_store %arg19[%swap3A_482, %swap3A_483], %mul3A_480 {strides = array<i32>} : memref<16x640xf32, #tpu.memory_space<vmem>>, vector<16xf32>,
      %swap3A_485 = arith.constant 12 : i32
      %swap3A_486 = arith.index_cast %swap3A_485 : i32 to index
      %swap3A_487 = arith.index_cast %mul3A_377 : i32 to index
      %swap3A_488 = tpu.vector_load %arg19[%swap3A_486, %swap3A_487] {strides = array<i32>} : memref<16x640xf32, #tpu.memory_space<vmem>>, vector<16xf32>,
      tpu.vector_store %arg19[%swap3A_486, %swap3A_487], %mul3A_375 {strides = array<i32>} : memref<16x640xf32, #tpu.memory_space<vmem>>, vector<16xf32>,
      %get3A_489 = arith.constant 13 : i32
      %get3A_490 = arith.index_cast %get3A_489 : i32 to index
      %get3A_491 = arith.index_cast %mul3A_377 : i32 to index
      %get3A_492 = tpu.vector_load %arg19[%get3A_490, %get3A_491] {strides = array<i32>} : memref<16x640xf32, #tpu.memory_space<vmem>>, vector<16xf32>,
      %mul3A_493 = arith.mulf %get3A_492, %mul3A_375 : vector<16xf32>
      %swap3A_494 = arith.constant 13 : i32
      %swap3A_495 = arith.index_cast %swap3A_494 : i32 to index
      %swap3A_496 = arith.index_cast %mul3A_377 : i32 to index
      %swap3A_497 = tpu.vector_load %arg19[%swap3A_495, %swap3A_496] {strides = array<i32>} : memref<16x640xf32, #tpu.memory_space<vmem>>, vector<16xf32>,
      tpu.vector_store %arg19[%swap3A_495, %swap3A_496], %mul3A_493 {strides = array<i32>} : memref<16x640xf32, #tpu.memory_space<vmem>>, vector<16xf32>,
      %get3A_498 = arith.constant 14 : i32
      %get3A_499 = arith.index_cast %get3A_498 : i32 to index
      %get3A_500 = arith.index_cast %mul3A_377 : i32 to index
      %get3A_501 = tpu.vector_load %arg19[%get3A_499, %get3A_500] {strides = array<i32>} : memref<16x640xf32, #tpu.memory_space<vmem>>, vector<16xf32>,
      %mul3A_502 = arith.mulf %get3A_501, %mul3A_375 : vector<16xf32>
      %swap3A_503 = arith.constant 14 : i32
      %swap3A_504 = arith.index_cast %swap3A_503 : i32 to index
      %swap3A_505 = arith.index_cast %mul3A_377 : i32 to index
      %swap3A_506 = tpu.vector_load %arg19[%swap3A_504, %swap3A_505] {strides = array<i32>} : memref<16x640xf32, #tpu.memory_space<vmem>>, vector<16xf32>,
      tpu.vector_store %arg19[%swap3A_504, %swap3A_505], %mul3A_502 {strides = array<i32>} : memref<16x640xf32, #tpu.memory_space<vmem>>, vector<16xf32>,
      %get3A_507 = arith.constant 15 : i32
      %get3A_508 = arith.index_cast %get3A_507 : i32 to index
      %get3A_509 = arith.index_cast %mul3A_377 : i32 to index
      %get3A_510 = tpu.vector_load %arg19[%get3A_508, %get3A_509] {strides = array<i32>} : memref<16x640xf32, #tpu.memory_space<vmem>>, vector<16xf32>,
      %mul3A_511 = arith.mulf %get3A_510, %mul3A_375 : vector<16xf32>
      %swap3A_512 = arith.constant 15 : i32
      %swap3A_513 = arith.index_cast %swap3A_512 : i32 to index
      %swap3A_514 = arith.index_cast %mul3A_377 : i32 to index
      %swap3A_515 = tpu.vector_load %arg19[%swap3A_513, %swap3A_514] {strides = array<i32>} : memref<16x640xf32, #tpu.memory_space<vmem>>, vector<16xf32>,
      tpu.vector_store %arg19[%swap3A_513, %swap3A_514], %mul3A_511 {strides = array<i32>} : memref<16x640xf32, #tpu.memory_space<vmem>>, vector<16xf32>,
    }
    %scan3A_79 = arith.constant 40 : i32
    "tpu.region"() ({
      %run_scoped3A = tpu.sem_alloc : memref<!tpu.dma_semaphore, #tpu.memory_space<semaphore_mem>>
      %dma_start3A = arith.constant 0 : i32
      %dma_start3A_338 = tpu.memref_slice %arg20[%dma_start3A, %mul3A_32] : memref<16x10240xf32, #tpu.memory_space<vmem_shared>> -> memref<16x640xf32, #tpu.memory_space<vmem_shared>>
      %dma_start3A_339 = arith.constant 0 : i32
      %dma_start3A_340 = tpu.memref_slice %arg20[%dma_start3A_339, %mul3A_32] : memref<16x10240xf32, #tpu.memory_space<vmem_shared>> -> memref<16x640xf32, #tpu.memory_space<vmem_shared>>
      tpu.enqueue_dma source(%arg19 : memref<16x640xf32, #tpu.memory_space<vmem>>) target(%dma_start3A_340 : memref<16x640xf32, #tpu.memory_space<vmem_shared>>) target_semaphore(%run_scoped3A : memref<!tpu.dma_semaphore, #tpu.memory_space<semaphore_mem>>)
      %dma_wait3A = arith.constant 0 : i32
      %dma_wait3A_341 = tpu.memref_slice %arg20[%dma_wait3A, %mul3A_32] : memref<16x10240xf32, #tpu.memory_space<vmem_shared>> -> memref<16x640xf32, #tpu.memory_space<vmem_shared>>
      %dma_wait3A_342 = arith.constant 0 : i32
      %dma_wait3A_343 = tpu.memref_slice %arg20[%dma_wait3A_342, %mul3A_32] : memref<16x10240xf32, #tpu.memory_space<vmem_shared>> -> memref<16x640xf32, #tpu.memory_space<vmem_shared>>
      tpu.wait_dma2 semaphore(%run_scoped3A : memref<!tpu.dma_semaphore, #tpu.memory_space<semaphore_mem>>) src(%arg19 : memref<16x640xf32, #tpu.memory_space<vmem>>) dst(%dma_wait3A_343 : memref<16x640xf32, #tpu.memory_space<vmem_shared>>)
      tpu.yield
    }) : () -> ()
    %eq3A_80 = arith.constant 0 : i32
    %eq3A_81 = arith.cmpi eq, %arg0, %eq3A_80 : i32
    %convert_element_type3A = arith.extui %eq3A_81 : i1 to i32
    %cond3A = arith.constant 0 : i32
    %cond3A_82 = arith.cmpi ne, %convert_element_type3A, %cond3A : i32
    scf.if %cond3A_82 {
      "tpu.region"() ({
        %run_scoped3A = tpu.sem_alloc : memref<!tpu.dma_semaphore, #tpu.memory_space<semaphore_mem>>
        %dma_start3A = arith.constant 0 : i32
        %dma_start3A_338 = tpu.memref_slice %arg5[%dma_start3A, %mul3A_32] : memref<16x10240xf32, #tpu.memory_space<hbm>> -> memref<16x640xf32, #tpu.memory_space<hbm>>
        %dma_start3A_339 = arith.constant 0 : i32
        %dma_start3A_340 = tpu.memref_slice %arg5[%dma_start3A_339, %mul3A_32] : memref<16x10240xf32, #tpu.memory_space<hbm>> -> memref<16x640xf32, #tpu.memory_space<hbm>>
        tpu.enqueue_dma source(%arg19 : memref<16x640xf32, #tpu.memory_space<vmem>>) target(%dma_start3A_340 : memref<16x640xf32, #tpu.memory_space<hbm>>) target_semaphore(%run_scoped3A : memref<!tpu.dma_semaphore, #tpu.memory_space<semaphore_mem>>)
        %dma_wait3A = arith.constant 0 : i32
        %dma_wait3A_341 = tpu.memref_slice %arg5[%dma_wait3A, %mul3A_32] : memref<16x10240xf32, #tpu.memory_space<hbm>> -> memref<16x640xf32, #tpu.memory_space<hbm>>
        %dma_wait3A_342 = arith.constant 0 : i32
        %dma_wait3A_343 = tpu.memref_slice %arg5[%dma_wait3A_342, %mul3A_32] : memref<16x10240xf32, #tpu.memory_space<hbm>> -> memref<16x640xf32, #tpu.memory_space<hbm>>
        tpu.wait_dma2 semaphore(%run_scoped3A : memref<!tpu.dma_semaphore, #tpu.memory_space<semaphore_mem>>) src(%arg19 : memref<16x640xf32, #tpu.memory_space<vmem>>) dst(%dma_wait3A_343 : memref<16x640xf32, #tpu.memory_space<hbm>>)
        tpu.yield
      }) : () -> ()
    } else {
    }
    %barrier3A_83 = arith.constant 0 : index
    tpu.barrier barrier_id(%barrier3A_83)
    %mul3A_84 = arith.constant 4 : i32
    %mul3A_85 = arith.muli %select_n3A, %mul3A_84 : i32
    %add3A_86 = arith.constant 0 : i32
    %add3A_87 = arith.addi %mul3A_85, %add3A_86 : i32
    "tpu.region"() ({
      %run_scoped3A = tpu.sem_alloc : memref<!tpu.dma_semaphore, #tpu.memory_space<semaphore_mem>>
      %dma_start3A = arith.constant 0 : i32
      %dma_start3A_338 = tpu.memref_slice %arg20[%add3A_87, %dma_start3A] : memref<16x10240xf32, #tpu.memory_space<vmem_shared>> -> memref<1x10240xf32, #tpu.memory_space<vmem_shared>>
      %dma_start3A_339 = tpu.memref_squeeze %dma_start3A_338 : memref<1x10240xf32, #tpu.memory_space<vmem_shared>> -> memref<10240xf32, #tpu.memory_space<vmem_shared>>
      %dma_start3A_340 = arith.constant 0 : i32
      %dma_start3A_341 = tpu.memref_slice %arg20[%add3A_87, %dma_start3A_340] : memref<16x10240xf32, #tpu.memory_space<vmem_shared>> -> memref<1x10240xf32, #tpu.memory_space<vmem_shared>>
      %dma_start3A_342 = tpu.memref_squeeze %dma_start3A_341 : memref<1x10240xf32, #tpu.memory_space<vmem_shared>> -> memref<10240xf32, #tpu.memory_space<vmem_shared>>
      tpu.enqueue_dma source(%dma_start3A_342 : memref<10240xf32, #tpu.memory_space<vmem_shared>>) target(%arg9 : memref<10240xf32, #tpu.memory_space<vmem>>) target_semaphore(%run_scoped3A : memref<!tpu.dma_semaphore, #tpu.memory_space<semaphore_mem>>)
      %dma_wait3A = arith.constant 0 : i32
      %dma_wait3A_343 = tpu.memref_slice %arg20[%add3A_87, %dma_wait3A] : memref<16x10240xf32, #tpu.memory_space<vmem_shared>> -> memref<1x10240xf32, #tpu.memory_space<vmem_shared>>
      %dma_wait3A_344 = tpu.memref_squeeze %dma_wait3A_343 : memref<1x10240xf32, #tpu.memory_space<vmem_shared>> -> memref<10240xf32, #tpu.memory_space<vmem_shared>>
      %dma_wait3A_345 = arith.constant 0 : i32
      %dma_wait3A_346 = tpu.memref_slice %arg20[%add3A_87, %dma_wait3A_345] : memref<16x10240xf32, #tpu.memory_space<vmem_shared>> -> memref<1x10240xf32, #tpu.memory_space<vmem_shared>>
      %dma_wait3A_347 = tpu.memref_squeeze %dma_wait3A_346 : memref<1x10240xf32, #tpu.memory_space<vmem_shared>> -> memref<10240xf32, #tpu.memory_space<vmem_shared>>
      tpu.wait_dma2 semaphore(%run_scoped3A : memref<!tpu.dma_semaphore, #tpu.memory_space<semaphore_mem>>) src(%dma_wait3A_347 : memref<10240xf32, #tpu.memory_space<vmem_shared>>) dst(%arg9 : memref<10240xf32, #tpu.memory_space<vmem>>)
      tpu.yield
    }) : () -> ()
    %mul3A_88 = arith.constant 4 : i32
    %mul3A_89 = arith.muli %select_n3A, %mul3A_88 : i32
    %add3A_90 = arith.constant 1 : i32
    %add3A_91 = arith.addi %mul3A_89, %add3A_90 : i32
    "tpu.region"() ({
      %run_scoped3A = tpu.sem_alloc : memref<!tpu.dma_semaphore, #tpu.memory_space<semaphore_mem>>
      %dma_start3A = arith.constant 0 : i32
      %dma_start3A_338 = tpu.memref_slice %arg20[%add3A_91, %dma_start3A] : memref<16x10240xf32, #tpu.memory_space<vmem_shared>> -> memref<1x10240xf32, #tpu.memory_space<vmem_shared>>
      %dma_start3A_339 = tpu.memref_squeeze %dma_start3A_338 : memref<1x10240xf32, #tpu.memory_space<vmem_shared>> -> memref<10240xf32, #tpu.memory_space<vmem_shared>>
      %dma_start3A_340 = arith.constant 0 : i32
      %dma_start3A_341 = tpu.memref_slice %arg20[%add3A_91, %dma_start3A_340] : memref<16x10240xf32, #tpu.memory_space<vmem_shared>> -> memref<1x10240xf32, #tpu.memory_space<vmem_shared>>
      %dma_start3A_342 = tpu.memref_squeeze %dma_start3A_341 : memref<1x10240xf32, #tpu.memory_space<vmem_shared>> -> memref<10240xf32, #tpu.memory_space<vmem_shared>>
      tpu.enqueue_dma source(%dma_start3A_342 : memref<10240xf32, #tpu.memory_space<vmem_shared>>) target(%arg10 : memref<10240xf32, #tpu.memory_space<vmem>>) target_semaphore(%run_scoped3A : memref<!tpu.dma_semaphore, #tpu.memory_space<semaphore_mem>>)
      %dma_wait3A = arith.constant 0 : i32
      %dma_wait3A_343 = tpu.memref_slice %arg20[%add3A_91, %dma_wait3A] : memref<16x10240xf32, #tpu.memory_space<vmem_shared>> -> memref<1x10240xf32, #tpu.memory_space<vmem_shared>>
      %dma_wait3A_344 = tpu.memref_squeeze %dma_wait3A_343 : memref<1x10240xf32, #tpu.memory_space<vmem_shared>> -> memref<10240xf32, #tpu.memory_space<vmem_shared>>
      %dma_wait3A_345 = arith.constant 0 : i32
      %dma_wait3A_346 = tpu.memref_slice %arg20[%add3A_91, %dma_wait3A_345] : memref<16x10240xf32, #tpu.memory_space<vmem_shared>> -> memref<1x10240xf32, #tpu.memory_space<vmem_shared>>
      %dma_wait3A_347 = tpu.memref_squeeze %dma_wait3A_346 : memref<1x10240xf32, #tpu.memory_space<vmem_shared>> -> memref<10240xf32, #tpu.memory_space<vmem_shared>>
      tpu.wait_dma2 semaphore(%run_scoped3A : memref<!tpu.dma_semaphore, #tpu.memory_space<semaphore_mem>>) src(%dma_wait3A_347 : memref<10240xf32, #tpu.memory_space<vmem_shared>>) dst(%arg10 : memref<10240xf32, #tpu.memory_space<vmem>>)
      tpu.yield
    }) : () -> ()
    %mul3A_92 = arith.constant 4 : i32
    %mul3A_93 = arith.muli %select_n3A, %mul3A_92 : i32
    %add3A_94 = arith.constant 2 : i32
    %add3A_95 = arith.addi %mul3A_93, %add3A_94 : i32
    "tpu.region"() ({
      %run_scoped3A = tpu.sem_alloc : memref<!tpu.dma_semaphore, #tpu.memory_space<semaphore_mem>>
      %dma_start3A = arith.constant 0 : i32
      %dma_start3A_338 = tpu.memref_slice %arg20[%add3A_95, %dma_start3A] : memref<16x10240xf32, #tpu.memory_space<vmem_shared>> -> memref<1x10240xf32, #tpu.memory_space<vmem_shared>>
      %dma_start3A_339 = tpu.memref_squeeze %dma_start3A_338 : memref<1x10240xf32, #tpu.memory_space<vmem_shared>> -> memref<10240xf32, #tpu.memory_space<vmem_shared>>
      %dma_start3A_340 = arith.constant 0 : i32
      %dma_start3A_341 = tpu.memref_slice %arg20[%add3A_95, %dma_start3A_340] : memref<16x10240xf32, #tpu.memory_space<vmem_shared>> -> memref<1x10240xf32, #tpu.memory_space<vmem_shared>>
      %dma_start3A_342 = tpu.memref_squeeze %dma_start3A_341 : memref<1x10240xf32, #tpu.memory_space<vmem_shared>> -> memref<10240xf32, #tpu.memory_space<vmem_shared>>
      tpu.enqueue_dma source(%dma_start3A_342 : memref<10240xf32, #tpu.memory_space<vmem_shared>>) target(%arg11 : memref<10240xf32, #tpu.memory_space<vmem>>) target_semaphore(%run_scoped3A : memref<!tpu.dma_semaphore, #tpu.memory_space<semaphore_mem>>)
      %dma_wait3A = arith.constant 0 : i32
      %dma_wait3A_343 = tpu.memref_slice %arg20[%add3A_95, %dma_wait3A] : memref<16x10240xf32, #tpu.memory_space<vmem_shared>> -> memref<1x10240xf32, #tpu.memory_space<vmem_shared>>
      %dma_wait3A_344 = tpu.memref_squeeze %dma_wait3A_343 : memref<1x10240xf32, #tpu.memory_space<vmem_shared>> -> memref<10240xf32, #tpu.memory_space<vmem_shared>>
      %dma_wait3A_345 = arith.constant 0 : i32
      %dma_wait3A_346 = tpu.memref_slice %arg20[%add3A_95, %dma_wait3A_345] : memref<16x10240xf32, #tpu.memory_space<vmem_shared>> -> memref<1x10240xf32, #tpu.memory_space<vmem_shared>>
      %dma_wait3A_347 = tpu.memref_squeeze %dma_wait3A_346 : memref<1x10240xf32, #tpu.memory_space<vmem_shared>> -> memref<10240xf32, #tpu.memory_space<vmem_shared>>
      tpu.wait_dma2 semaphore(%run_scoped3A : memref<!tpu.dma_semaphore, #tpu.memory_space<semaphore_mem>>) src(%dma_wait3A_347 : memref<10240xf32, #tpu.memory_space<vmem_shared>>) dst(%arg11 : memref<10240xf32, #tpu.memory_space<vmem>>)
      tpu.yield
    }) : () -> ()
    %mul3A_96 = arith.constant 4 : i32
    %mul3A_97 = arith.muli %select_n3A, %mul3A_96 : i32
    %add3A_98 = arith.constant 3 : i32
    %add3A_99 = arith.addi %mul3A_97, %add3A_98 : i32
    "tpu.region"() ({
      %run_scoped3A = tpu.sem_alloc : memref<!tpu.dma_semaphore, #tpu.memory_space<semaphore_mem>>
      %dma_start3A = arith.constant 0 : i32
      %dma_start3A_338 = tpu.memref_slice %arg20[%add3A_99, %dma_start3A] : memref<16x10240xf32, #tpu.memory_space<vmem_shared>> -> memref<1x10240xf32, #tpu.memory_space<vmem_shared>>
      %dma_start3A_339 = tpu.memref_squeeze %dma_start3A_338 : memref<1x10240xf32, #tpu.memory_space<vmem_shared>> -> memref<10240xf32, #tpu.memory_space<vmem_shared>>
      %dma_start3A_340 = arith.constant 0 : i32
      %dma_start3A_341 = tpu.memref_slice %arg20[%add3A_99, %dma_start3A_340] : memref<16x10240xf32, #tpu.memory_space<vmem_shared>> -> memref<1x10240xf32, #tpu.memory_space<vmem_shared>>
      %dma_start3A_342 = tpu.memref_squeeze %dma_start3A_341 : memref<1x10240xf32, #tpu.memory_space<vmem_shared>> -> memref<10240xf32, #tpu.memory_space<vmem_shared>>
      tpu.enqueue_dma source(%dma_start3A_342 : memref<10240xf32, #tpu.memory_space<vmem_shared>>) target(%arg12 : memref<10240xf32, #tpu.memory_space<vmem>>) target_semaphore(%run_scoped3A : memref<!tpu.dma_semaphore, #tpu.memory_space<semaphore_mem>>)
      %dma_wait3A = arith.constant 0 : i32
      %dma_wait3A_343 = tpu.memref_slice %arg20[%add3A_99, %dma_wait3A] : memref<16x10240xf32, #tpu.memory_space<vmem_shared>> -> memref<1x10240xf32, #tpu.memory_space<vmem_shared>>
      %dma_wait3A_344 = tpu.memref_squeeze %dma_wait3A_343 : memref<1x10240xf32, #tpu.memory_space<vmem_shared>> -> memref<10240xf32, #tpu.memory_space<vmem_shared>>
      %dma_wait3A_345 = arith.constant 0 : i32
      %dma_wait3A_346 = tpu.memref_slice %arg20[%add3A_99, %dma_wait3A_345] : memref<16x10240xf32, #tpu.memory_space<vmem_shared>> -> memref<1x10240xf32, #tpu.memory_space<vmem_shared>>
      %dma_wait3A_347 = tpu.memref_squeeze %dma_wait3A_346 : memref<1x10240xf32, #tpu.memory_space<vmem_shared>> -> memref<10240xf32, #tpu.memory_space<vmem_shared>>
      tpu.wait_dma2 semaphore(%run_scoped3A : memref<!tpu.dma_semaphore, #tpu.memory_space<semaphore_mem>>) src(%dma_wait3A_347 : memref<10240xf32, #tpu.memory_space<vmem_shared>>) dst(%arg12 : memref<10240xf32, #tpu.memory_space<vmem>>)
      tpu.yield
    }) : () -> ()
    %barrier3A_100 = arith.constant 0 : index
    tpu.barrier barrier_id(%barrier3A_100)
    %scan3A_101 = arith.constant 0 : i32
    %scan3A_102 = arith.constant 0 : i32
    %scan3A_103 = arith.constant 640 : i32
    %scan3A_104 = arith.addi %scan3A_102, %scan3A_103 : i32
    %scan3A_105 = arith.constant 1 : i32
    scf.for %scan3A_338 = %scan3A_102 to %scan3A_104 step %scan3A_105  : i32 {
      %mul3A_339 = arith.constant 16 : i32
      %mul3A_340 = arith.muli %scan3A_338, %mul3A_339 : i32
      %swap3A = arith.index_cast %mul3A_340 : i32 to index
      %swap3A_341 = tpu.vector_load %arg13[%swap3A] {strides = array<i32>} : memref<10240xf32, #tpu.memory_space<vmem>>, vector<16xf32>,
      tpu.vector_store %arg13[%swap3A], %broadcast_in_dim3A_29 {strides = array<i32>} : memref<10240xf32, #tpu.memory_space<vmem>>, vector<16xf32>,
      %mul3A_342 = arith.constant 16 : i32
      %mul3A_343 = arith.muli %scan3A_338, %mul3A_342 : i32
      %swap3A_344 = arith.index_cast %mul3A_343 : i32 to index
      %swap3A_345 = tpu.vector_load %arg14[%swap3A_344] {strides = array<i32>} : memref<10240xf32, #tpu.memory_space<vmem>>, vector<16xf32>,
      tpu.vector_store %arg14[%swap3A_344], %broadcast_in_dim3A_29 {strides = array<i32>} : memref<10240xf32, #tpu.memory_space<vmem>>, vector<16xf32>,
      %mul3A_346 = arith.constant 16 : i32
      %mul3A_347 = arith.muli %scan3A_338, %mul3A_346 : i32
      %swap3A_348 = arith.index_cast %mul3A_347 : i32 to index
      %swap3A_349 = tpu.vector_load %arg15[%swap3A_348] {strides = array<i32>} : memref<10240xf32, #tpu.memory_space<vmem>>, vector<16xf32>,
      tpu.vector_store %arg15[%swap3A_348], %broadcast_in_dim3A_29 {strides = array<i32>} : memref<10240xf32, #tpu.memory_space<vmem>>, vector<16xf32>,
      %mul3A_350 = arith.constant 16 : i32
      %mul3A_351 = arith.muli %scan3A_338, %mul3A_350 : i32
      %swap3A_352 = arith.index_cast %mul3A_351 : i32 to index
      %swap3A_353 = tpu.vector_load %arg16[%swap3A_352] {strides = array<i32>} : memref<10240xf32, #tpu.memory_space<vmem>>, vector<16xf32>,
      tpu.vector_store %arg16[%swap3A_352], %broadcast_in_dim3A_29 {strides = array<i32>} : memref<10240xf32, #tpu.memory_space<vmem>>, vector<16xf32>,
    }
    %scan3A_106 = arith.constant 640 : i32
    %mul3A_107 = arith.constant 161792 : i32
    %mul3A_108 = arith.muli %arg0, %mul3A_107 : i32
    %mul3A_109 = arith.constant 40448 : i32
    %mul3A_110 = arith.muli %select_n3A_28, %mul3A_109 : i32
    %add3A_111 = arith.addi %mul3A_108, %mul3A_110 : i32
    %add3A_112 = arith.constant 0 : i32
    %add3A_113 = arith.addi %add3A_111, %add3A_112 : i32
    "tpu.region"() ({
      %run_scoped3A = tpu.sem_alloc : memref<!tpu.dma_semaphore, #tpu.memory_space<semaphore_mem>>
      %dma_start3A = tpu.memref_slice %arg2[%add3A_113] : memref<323584xi32, #tpu.memory_space<hbm>> -> memref<10112xi32, #tpu.memory_space<hbm>>
      %dma_start3A_338 = tpu.memref_slice %arg2[%add3A_113] : memref<323584xi32, #tpu.memory_space<hbm>> -> memref<10112xi32, #tpu.memory_space<hbm>>
      tpu.enqueue_dma source(%dma_start3A_338 : memref<10112xi32, #tpu.memory_space<hbm>>) target(%arg7 : memref<10112xi32, #tpu.memory_space<vmem>>) target_semaphore(%run_scoped3A : memref<!tpu.dma_semaphore, #tpu.memory_space<semaphore_mem>>)
      %dma_wait3A = tpu.memref_slice %arg2[%add3A_113] : memref<323584xi32, #tpu.memory_space<hbm>> -> memref<10112xi32, #tpu.memory_space<hbm>>
      %dma_wait3A_339 = tpu.memref_slice %arg2[%add3A_113] : memref<323584xi32, #tpu.memory_space<hbm>> -> memref<10112xi32, #tpu.memory_space<hbm>>
      tpu.wait_dma2 semaphore(%run_scoped3A : memref<!tpu.dma_semaphore, #tpu.memory_space<semaphore_mem>>) src(%dma_wait3A_339 : memref<10112xi32, #tpu.memory_space<hbm>>) dst(%arg7 : memref<10112xi32, #tpu.memory_space<vmem>>)
      tpu.yield
    }) : () -> ()
    %add3A_114 = arith.constant 0 : i32
    %add3A_115 = arith.addi %add3A_111, %add3A_114 : i32
    "tpu.region"() ({
      %run_scoped3A = tpu.sem_alloc : memref<!tpu.dma_semaphore, #tpu.memory_space<semaphore_mem>>
      %dma_start3A = tpu.memref_slice %arg3[%add3A_115] : memref<323584xi32, #tpu.memory_space<hbm>> -> memref<10112xi32, #tpu.memory_space<hbm>>
      %dma_start3A_338 = tpu.memref_slice %arg3[%add3A_115] : memref<323584xi32, #tpu.memory_space<hbm>> -> memref<10112xi32, #tpu.memory_space<hbm>>
      tpu.enqueue_dma source(%dma_start3A_338 : memref<10112xi32, #tpu.memory_space<hbm>>) target(%arg8 : memref<10112xi32, #tpu.memory_space<vmem>>) target_semaphore(%run_scoped3A : memref<!tpu.dma_semaphore, #tpu.memory_space<semaphore_mem>>)
      %dma_wait3A = tpu.memref_slice %arg3[%add3A_115] : memref<323584xi32, #tpu.memory_space<hbm>> -> memref<10112xi32, #tpu.memory_space<hbm>>
      %dma_wait3A_339 = tpu.memref_slice %arg3[%add3A_115] : memref<323584xi32, #tpu.memory_space<hbm>> -> memref<10112xi32, #tpu.memory_space<hbm>>
      tpu.wait_dma2 semaphore(%run_scoped3A : memref<!tpu.dma_semaphore, #tpu.memory_space<semaphore_mem>>) src(%dma_wait3A_339 : memref<10112xi32, #tpu.memory_space<hbm>>) dst(%arg8 : memref<10112xi32, #tpu.memory_space<vmem>>)
      tpu.yield
    }) : () -> ()
    %scan3A_116 = arith.constant 0 : i32
    %scan3A_117 = arith.constant 0 : i32
    %scan3A_118 = arith.constant 79 : i32
    %scan3A_119 = arith.addi %scan3A_117, %scan3A_118 : i32
    %scan3A_120 = arith.constant 1 : i32
    scf.for %scan3A_338 = %scan3A_117 to %scan3A_119 step %scan3A_120  : i32 {
      %mul3A_339 = arith.constant 128 : i32
      %mul3A_340 = arith.muli %scan3A_338, %mul3A_339 : i32
      %add3A_341 = arith.constant 0 : i32
      %add3A_342 = arith.addi %mul3A_340, %add3A_341 : i32
      %get3A = arith.index_cast %add3A_342 : i32 to index
      %get3A_343 = tpu.vector_load %arg7[%get3A] {strides = array<i32>} : memref<10112xi32, #tpu.memory_space<vmem>>, vector<16xi32>,
      %get3A_344 = arith.index_cast %add3A_342 : i32 to index
      %get3A_345 = tpu.vector_load %arg8[%get3A_344] {strides = array<i32>} : memref<10112xi32, #tpu.memory_space<vmem>>, vector<16xi32>,
      %gather3A = tpu.vector_load_idx %arg9[%get3A_343] : memref<10240xf32, #tpu.memory_space<vmem>>[vector<16xi32>], vector<16xf32>,
      tpu.vector_store_idx %arg13[%get3A_345], %gather3A {add = true} : memref<10240xf32, #tpu.memory_space<vmem>>[vector<16xi32>], vector<16xf32>,
      %gather3A_346 = tpu.vector_load_idx %arg10[%get3A_343] : memref<10240xf32, #tpu.memory_space<vmem>>[vector<16xi32>], vector<16xf32>,
      tpu.vector_store_idx %arg14[%get3A_345], %gather3A_346 {add = true} : memref<10240xf32, #tpu.memory_space<vmem>>[vector<16xi32>], vector<16xf32>,
      %gather3A_347 = tpu.vector_load_idx %arg11[%get3A_343] : memref<10240xf32, #tpu.memory_space<vmem>>[vector<16xi32>], vector<16xf32>,
      tpu.vector_store_idx %arg15[%get3A_345], %gather3A_347 {add = true} : memref<10240xf32, #tpu.memory_space<vmem>>[vector<16xi32>], vector<16xf32>,
      %gather3A_348 = tpu.vector_load_idx %arg12[%get3A_343] : memref<10240xf32, #tpu.memory_space<vmem>>[vector<16xi32>], vector<16xf32>,
      tpu.vector_store_idx %arg16[%get3A_345], %gather3A_348 {add = true} : memref<10240xf32, #tpu.memory_space<vmem>>[vector<16xi32>], vector<16xf32>,
      %mul3A_349 = arith.constant 128 : i32
      %mul3A_350 = arith.muli %scan3A_338, %mul3A_349 : i32
      %add3A_351 = arith.constant 16 : i32
      %add3A_352 = arith.addi %mul3A_350, %add3A_351 : i32
      %get3A_353 = arith.index_cast %add3A_352 : i32 to index
      %get3A_354 = tpu.vector_load %arg7[%get3A_353] {strides = array<i32>} : memref<10112xi32, #tpu.memory_space<vmem>>, vector<16xi32>,
      %get3A_355 = arith.index_cast %add3A_352 : i32 to index
      %get3A_356 = tpu.vector_load %arg8[%get3A_355] {strides = array<i32>} : memref<10112xi32, #tpu.memory_space<vmem>>, vector<16xi32>,
      %gather3A_357 = tpu.vector_load_idx %arg9[%get3A_354] : memref<10240xf32, #tpu.memory_space<vmem>>[vector<16xi32>], vector<16xf32>,
      tpu.vector_store_idx %arg13[%get3A_356], %gather3A_357 {add = true} : memref<10240xf32, #tpu.memory_space<vmem>>[vector<16xi32>], vector<16xf32>,
      %gather3A_358 = tpu.vector_load_idx %arg10[%get3A_354] : memref<10240xf32, #tpu.memory_space<vmem>>[vector<16xi32>], vector<16xf32>,
      tpu.vector_store_idx %arg14[%get3A_356], %gather3A_358 {add = true} : memref<10240xf32, #tpu.memory_space<vmem>>[vector<16xi32>], vector<16xf32>,
      %gather3A_359 = tpu.vector_load_idx %arg11[%get3A_354] : memref<10240xf32, #tpu.memory_space<vmem>>[vector<16xi32>], vector<16xf32>,
      tpu.vector_store_idx %arg15[%get3A_356], %gather3A_359 {add = true} : memref<10240xf32, #tpu.memory_space<vmem>>[vector<16xi32>], vector<16xf32>,
      %gather3A_360 = tpu.vector_load_idx %arg12[%get3A_354] : memref<10240xf32, #tpu.memory_space<vmem>>[vector<16xi32>], vector<16xf32>,
      tpu.vector_store_idx %arg16[%get3A_356], %gather3A_360 {add = true} : memref<10240xf32, #tpu.memory_space<vmem>>[vector<16xi32>], vector<16xf32>,
      %mul3A_361 = arith.constant 128 : i32
      %mul3A_362 = arith.muli %scan3A_338, %mul3A_361 : i32
      %add3A_363 = arith.constant 32 : i32
      %add3A_364 = arith.addi %mul3A_362, %add3A_363 : i32
      %get3A_365 = arith.index_cast %add3A_364 : i32 to index
      %get3A_366 = tpu.vector_load %arg7[%get3A_365] {strides = array<i32>} : memref<10112xi32, #tpu.memory_space<vmem>>, vector<16xi32>,
      %get3A_367 = arith.index_cast %add3A_364 : i32 to index
      %get3A_368 = tpu.vector_load %arg8[%get3A_367] {strides = array<i32>} : memref<10112xi32, #tpu.memory_space<vmem>>, vector<16xi32>,
      %gather3A_369 = tpu.vector_load_idx %arg9[%get3A_366] : memref<10240xf32, #tpu.memory_space<vmem>>[vector<16xi32>], vector<16xf32>,
      tpu.vector_store_idx %arg13[%get3A_368], %gather3A_369 {add = true} : memref<10240xf32, #tpu.memory_space<vmem>>[vector<16xi32>], vector<16xf32>,
      %gather3A_370 = tpu.vector_load_idx %arg10[%get3A_366] : memref<10240xf32, #tpu.memory_space<vmem>>[vector<16xi32>], vector<16xf32>,
      tpu.vector_store_idx %arg14[%get3A_368], %gather3A_370 {add = true} : memref<10240xf32, #tpu.memory_space<vmem>>[vector<16xi32>], vector<16xf32>,
      %gather3A_371 = tpu.vector_load_idx %arg11[%get3A_366] : memref<10240xf32, #tpu.memory_space<vmem>>[vector<16xi32>], vector<16xf32>,
      tpu.vector_store_idx %arg15[%get3A_368], %gather3A_371 {add = true} : memref<10240xf32, #tpu.memory_space<vmem>>[vector<16xi32>], vector<16xf32>,
      %gather3A_372 = tpu.vector_load_idx %arg12[%get3A_366] : memref<10240xf32, #tpu.memory_space<vmem>>[vector<16xi32>], vector<16xf32>,
      tpu.vector_store_idx %arg16[%get3A_368], %gather3A_372 {add = true} : memref<10240xf32, #tpu.memory_space<vmem>>[vector<16xi32>], vector<16xf32>,
      %mul3A_373 = arith.constant 128 : i32
      %mul3A_374 = arith.muli %scan3A_338, %mul3A_373 : i32
      %add3A_375 = arith.constant 48 : i32
      %add3A_376 = arith.addi %mul3A_374, %add3A_375 : i32
      %get3A_377 = arith.index_cast %add3A_376 : i32 to index
      %get3A_378 = tpu.vector_load %arg7[%get3A_377] {strides = array<i32>} : memref<10112xi32, #tpu.memory_space<vmem>>, vector<16xi32>,
      %get3A_379 = arith.index_cast %add3A_376 : i32 to index
      %get3A_380 = tpu.vector_load %arg8[%get3A_379] {strides = array<i32>} : memref<10112xi32, #tpu.memory_space<vmem>>, vector<16xi32>,
      %gather3A_381 = tpu.vector_load_idx %arg9[%get3A_378] : memref<10240xf32, #tpu.memory_space<vmem>>[vector<16xi32>], vector<16xf32>,
      tpu.vector_store_idx %arg13[%get3A_380], %gather3A_381 {add = true} : memref<10240xf32, #tpu.memory_space<vmem>>[vector<16xi32>], vector<16xf32>,
      %gather3A_382 = tpu.vector_load_idx %arg10[%get3A_378] : memref<10240xf32, #tpu.memory_space<vmem>>[vector<16xi32>], vector<16xf32>,
      tpu.vector_store_idx %arg14[%get3A_380], %gather3A_382 {add = true} : memref<10240xf32, #tpu.memory_space<vmem>>[vector<16xi32>], vector<16xf32>,
      %gather3A_383 = tpu.vector_load_idx %arg11[%get3A_378] : memref<10240xf32, #tpu.memory_space<vmem>>[vector<16xi32>], vector<16xf32>,
      tpu.vector_store_idx %arg15[%get3A_380], %gather3A_383 {add = true} : memref<10240xf32, #tpu.memory_space<vmem>>[vector<16xi32>], vector<16xf32>,
      %gather3A_384 = tpu.vector_load_idx %arg12[%get3A_378] : memref<10240xf32, #tpu.memory_space<vmem>>[vector<16xi32>], vector<16xf32>,
      tpu.vector_store_idx %arg16[%get3A_380], %gather3A_384 {add = true} : memref<10240xf32, #tpu.memory_space<vmem>>[vector<16xi32>], vector<16xf32>,
      %mul3A_385 = arith.constant 128 : i32
      %mul3A_386 = arith.muli %scan3A_338, %mul3A_385 : i32
      %add3A_387 = arith.constant 64 : i32
      %add3A_388 = arith.addi %mul3A_386, %add3A_387 : i32
      %get3A_389 = arith.index_cast %add3A_388 : i32 to index
      %get3A_390 = tpu.vector_load %arg7[%get3A_389] {strides = array<i32>} : memref<10112xi32, #tpu.memory_space<vmem>>, vector<16xi32>,
      %get3A_391 = arith.index_cast %add3A_388 : i32 to index
      %get3A_392 = tpu.vector_load %arg8[%get3A_391] {strides = array<i32>} : memref<10112xi32, #tpu.memory_space<vmem>>, vector<16xi32>,
      %gather3A_393 = tpu.vector_load_idx %arg9[%get3A_390] : memref<10240xf32, #tpu.memory_space<vmem>>[vector<16xi32>], vector<16xf32>,
      tpu.vector_store_idx %arg13[%get3A_392], %gather3A_393 {add = true} : memref<10240xf32, #tpu.memory_space<vmem>>[vector<16xi32>], vector<16xf32>,
      %gather3A_394 = tpu.vector_load_idx %arg10[%get3A_390] : memref<10240xf32, #tpu.memory_space<vmem>>[vector<16xi32>], vector<16xf32>,
      tpu.vector_store_idx %arg14[%get3A_392], %gather3A_394 {add = true} : memref<10240xf32, #tpu.memory_space<vmem>>[vector<16xi32>], vector<16xf32>,
      %gather3A_395 = tpu.vector_load_idx %arg11[%get3A_390] : memref<10240xf32, #tpu.memory_space<vmem>>[vector<16xi32>], vector<16xf32>,
      tpu.vector_store_idx %arg15[%get3A_392], %gather3A_395 {add = true} : memref<10240xf32, #tpu.memory_space<vmem>>[vector<16xi32>], vector<16xf32>,
      %gather3A_396 = tpu.vector_load_idx %arg12[%get3A_390] : memref<10240xf32, #tpu.memory_space<vmem>>[vector<16xi32>], vector<16xf32>,
      tpu.vector_store_idx %arg16[%get3A_392], %gather3A_396 {add = true} : memref<10240xf32, #tpu.memory_space<vmem>>[vector<16xi32>], vector<16xf32>,
      %mul3A_397 = arith.constant 128 : i32
      %mul3A_398 = arith.muli %scan3A_338, %mul3A_397 : i32
      %add3A_399 = arith.constant 80 : i32
      %add3A_400 = arith.addi %mul3A_398, %add3A_399 : i32
      %get3A_401 = arith.index_cast %add3A_400 : i32 to index
      %get3A_402 = tpu.vector_load %arg7[%get3A_401] {strides = array<i32>} : memref<10112xi32, #tpu.memory_space<vmem>>, vector<16xi32>,
      %get3A_403 = arith.index_cast %add3A_400 : i32 to index
      %get3A_404 = tpu.vector_load %arg8[%get3A_403] {strides = array<i32>} : memref<10112xi32, #tpu.memory_space<vmem>>, vector<16xi32>,
      %gather3A_405 = tpu.vector_load_idx %arg9[%get3A_402] : memref<10240xf32, #tpu.memory_space<vmem>>[vector<16xi32>], vector<16xf32>,
      tpu.vector_store_idx %arg13[%get3A_404], %gather3A_405 {add = true} : memref<10240xf32, #tpu.memory_space<vmem>>[vector<16xi32>], vector<16xf32>,
      %gather3A_406 = tpu.vector_load_idx %arg10[%get3A_402] : memref<10240xf32, #tpu.memory_space<vmem>>[vector<16xi32>], vector<16xf32>,
      tpu.vector_store_idx %arg14[%get3A_404], %gather3A_406 {add = true} : memref<10240xf32, #tpu.memory_space<vmem>>[vector<16xi32>], vector<16xf32>,
      %gather3A_407 = tpu.vector_load_idx %arg11[%get3A_402] : memref<10240xf32, #tpu.memory_space<vmem>>[vector<16xi32>], vector<16xf32>,
      tpu.vector_store_idx %arg15[%get3A_404], %gather3A_407 {add = true} : memref<10240xf32, #tpu.memory_space<vmem>>[vector<16xi32>], vector<16xf32>,
      %gather3A_408 = tpu.vector_load_idx %arg12[%get3A_402] : memref<10240xf32, #tpu.memory_space<vmem>>[vector<16xi32>], vector<16xf32>,
      tpu.vector_store_idx %arg16[%get3A_404], %gather3A_408 {add = true} : memref<10240xf32, #tpu.memory_space<vmem>>[vector<16xi32>], vector<16xf32>,
      %mul3A_409 = arith.constant 128 : i32
      %mul3A_410 = arith.muli %scan3A_338, %mul3A_409 : i32
      %add3A_411 = arith.constant 96 : i32
      %add3A_412 = arith.addi %mul3A_410, %add3A_411 : i32
      %get3A_413 = arith.index_cast %add3A_412 : i32 to index
      %get3A_414 = tpu.vector_load %arg7[%get3A_413] {strides = array<i32>} : memref<10112xi32, #tpu.memory_space<vmem>>, vector<16xi32>,
      %get3A_415 = arith.index_cast %add3A_412 : i32 to index
      %get3A_416 = tpu.vector_load %arg8[%get3A_415] {strides = array<i32>} : memref<10112xi32, #tpu.memory_space<vmem>>, vector<16xi32>,
      %gather3A_417 = tpu.vector_load_idx %arg9[%get3A_414] : memref<10240xf32, #tpu.memory_space<vmem>>[vector<16xi32>], vector<16xf32>,
      tpu.vector_store_idx %arg13[%get3A_416], %gather3A_417 {add = true} : memref<10240xf32, #tpu.memory_space<vmem>>[vector<16xi32>], vector<16xf32>,
      %gather3A_418 = tpu.vector_load_idx %arg10[%get3A_414] : memref<10240xf32, #tpu.memory_space<vmem>>[vector<16xi32>], vector<16xf32>,
      tpu.vector_store_idx %arg14[%get3A_416], %gather3A_418 {add = true} : memref<10240xf32, #tpu.memory_space<vmem>>[vector<16xi32>], vector<16xf32>,
      %gather3A_419 = tpu.vector_load_idx %arg11[%get3A_414] : memref<10240xf32, #tpu.memory_space<vmem>>[vector<16xi32>], vector<16xf32>,
      tpu.vector_store_idx %arg15[%get3A_416], %gather3A_419 {add = true} : memref<10240xf32, #tpu.memory_space<vmem>>[vector<16xi32>], vector<16xf32>,
      %gather3A_420 = tpu.vector_load_idx %arg12[%get3A_414] : memref<10240xf32, #tpu.memory_space<vmem>>[vector<16xi32>], vector<16xf32>,
      tpu.vector_store_idx %arg16[%get3A_416], %gather3A_420 {add = true} : memref<10240xf32, #tpu.memory_space<vmem>>[vector<16xi32>], vector<16xf32>,
      %mul3A_421 = arith.constant 128 : i32
      %mul3A_422 = arith.muli %scan3A_338, %mul3A_421 : i32
      %add3A_423 = arith.constant 112 : i32
      %add3A_424 = arith.addi %mul3A_422, %add3A_423 : i32
      %get3A_425 = arith.index_cast %add3A_424 : i32 to index
      %get3A_426 = tpu.vector_load %arg7[%get3A_425] {strides = array<i32>} : memref<10112xi32, #tpu.memory_space<vmem>>, vector<16xi32>,
      %get3A_427 = arith.index_cast %add3A_424 : i32 to index
      %get3A_428 = tpu.vector_load %arg8[%get3A_427] {strides = array<i32>} : memref<10112xi32, #tpu.memory_space<vmem>>, vector<16xi32>,
      %gather3A_429 = tpu.vector_load_idx %arg9[%get3A_426] : memref<10240xf32, #tpu.memory_space<vmem>>[vector<16xi32>], vector<16xf32>,
      tpu.vector_store_idx %arg13[%get3A_428], %gather3A_429 {add = true} : memref<10240xf32, #tpu.memory_space<vmem>>[vector<16xi32>], vector<16xf32>,
      %gather3A_430 = tpu.vector_load_idx %arg10[%get3A_426] : memref<10240xf32, #tpu.memory_space<vmem>>[vector<16xi32>], vector<16xf32>,
      tpu.vector_store_idx %arg14[%get3A_428], %gather3A_430 {add = true} : memref<10240xf32, #tpu.memory_space<vmem>>[vector<16xi32>], vector<16xf32>,
      %gather3A_431 = tpu.vector_load_idx %arg11[%get3A_426] : memref<10240xf32, #tpu.memory_space<vmem>>[vector<16xi32>], vector<16xf32>,
      tpu.vector_store_idx %arg15[%get3A_428], %gather3A_431 {add = true} : memref<10240xf32, #tpu.memory_space<vmem>>[vector<16xi32>], vector<16xf32>,
      %gather3A_432 = tpu.vector_load_idx %arg12[%get3A_426] : memref<10240xf32, #tpu.memory_space<vmem>>[vector<16xi32>], vector<16xf32>,
      tpu.vector_store_idx %arg16[%get3A_428], %gather3A_432 {add = true} : memref<10240xf32, #tpu.memory_space<vmem>>[vector<16xi32>], vector<16xf32>,
    }
    %scan3A_121 = arith.constant 79 : i32
    %add3A_122 = arith.constant 10112 : i32
    %add3A_123 = arith.addi %add3A_111, %add3A_122 : i32
    "tpu.region"() ({
      %run_scoped3A = tpu.sem_alloc : memref<!tpu.dma_semaphore, #tpu.memory_space<semaphore_mem>>
      %dma_start3A = tpu.memref_slice %arg2[%add3A_123] : memref<323584xi32, #tpu.memory_space<hbm>> -> memref<10112xi32, #tpu.memory_space<hbm>>
      %dma_start3A_338 = tpu.memref_slice %arg2[%add3A_123] : memref<323584xi32, #tpu.memory_space<hbm>> -> memref<10112xi32, #tpu.memory_space<hbm>>
      tpu.enqueue_dma source(%dma_start3A_338 : memref<10112xi32, #tpu.memory_space<hbm>>) target(%arg7 : memref<10112xi32, #tpu.memory_space<vmem>>) target_semaphore(%run_scoped3A : memref<!tpu.dma_semaphore, #tpu.memory_space<semaphore_mem>>)
      %dma_wait3A = tpu.memref_slice %arg2[%add3A_123] : memref<323584xi32, #tpu.memory_space<hbm>> -> memref<10112xi32, #tpu.memory_space<hbm>>
      %dma_wait3A_339 = tpu.memref_slice %arg2[%add3A_123] : memref<323584xi32, #tpu.memory_space<hbm>> -> memref<10112xi32, #tpu.memory_space<hbm>>
      tpu.wait_dma2 semaphore(%run_scoped3A : memref<!tpu.dma_semaphore, #tpu.memory_space<semaphore_mem>>) src(%dma_wait3A_339 : memref<10112xi32, #tpu.memory_space<hbm>>) dst(%arg7 : memref<10112xi32, #tpu.memory_space<vmem>>)
      tpu.yield
    }) : () -> ()
    %add3A_124 = arith.constant 10112 : i32
    %add3A_125 = arith.addi %add3A_111, %add3A_124 : i32
    "tpu.region"() ({
      %run_scoped3A = tpu.sem_alloc : memref<!tpu.dma_semaphore, #tpu.memory_space<semaphore_mem>>
      %dma_start3A = tpu.memref_slice %arg3[%add3A_125] : memref<323584xi32, #tpu.memory_space<hbm>> -> memref<10112xi32, #tpu.memory_space<hbm>>
      %dma_start3A_338 = tpu.memref_slice %arg3[%add3A_125] : memref<323584xi32, #tpu.memory_space<hbm>> -> memref<10112xi32, #tpu.memory_space<hbm>>
      tpu.enqueue_dma source(%dma_start3A_338 : memref<10112xi32, #tpu.memory_space<hbm>>) target(%arg8 : memref<10112xi32, #tpu.memory_space<vmem>>) target_semaphore(%run_scoped3A : memref<!tpu.dma_semaphore, #tpu.memory_space<semaphore_mem>>)
      %dma_wait3A = tpu.memref_slice %arg3[%add3A_125] : memref<323584xi32, #tpu.memory_space<hbm>> -> memref<10112xi32, #tpu.memory_space<hbm>>
      %dma_wait3A_339 = tpu.memref_slice %arg3[%add3A_125] : memref<323584xi32, #tpu.memory_space<hbm>> -> memref<10112xi32, #tpu.memory_space<hbm>>
      tpu.wait_dma2 semaphore(%run_scoped3A : memref<!tpu.dma_semaphore, #tpu.memory_space<semaphore_mem>>) src(%dma_wait3A_339 : memref<10112xi32, #tpu.memory_space<hbm>>) dst(%arg8 : memref<10112xi32, #tpu.memory_space<vmem>>)
      tpu.yield
    }) : () -> ()
    %scan3A_126 = arith.constant 0 : i32
    %scan3A_127 = arith.constant 0 : i32
    %scan3A_128 = arith.constant 79 : i32
    %scan3A_129 = arith.addi %scan3A_127, %scan3A_128 : i32
    %scan3A_130 = arith.constant 1 : i32
    scf.for %scan3A_338 = %scan3A_127 to %scan3A_129 step %scan3A_130  : i32 {
      %mul3A_339 = arith.constant 128 : i32
      %mul3A_340 = arith.muli %scan3A_338, %mul3A_339 : i32
      %add3A_341 = arith.constant 0 : i32
      %add3A_342 = arith.addi %mul3A_340, %add3A_341 : i32
      %get3A = arith.index_cast %add3A_342 : i32 to index
      %get3A_343 = tpu.vector_load %arg7[%get3A] {strides = array<i32>} : memref<10112xi32, #tpu.memory_space<vmem>>, vector<16xi32>,
      %get3A_344 = arith.index_cast %add3A_342 : i32 to index
      %get3A_345 = tpu.vector_load %arg8[%get3A_344] {strides = array<i32>} : memref<10112xi32, #tpu.memory_space<vmem>>, vector<16xi32>,
      %gather3A = tpu.vector_load_idx %arg9[%get3A_343] : memref<10240xf32, #tpu.memory_space<vmem>>[vector<16xi32>], vector<16xf32>,
      tpu.vector_store_idx %arg13[%get3A_345], %gather3A {add = true} : memref<10240xf32, #tpu.memory_space<vmem>>[vector<16xi32>], vector<16xf32>,
      %gather3A_346 = tpu.vector_load_idx %arg10[%get3A_343] : memref<10240xf32, #tpu.memory_space<vmem>>[vector<16xi32>], vector<16xf32>,
      tpu.vector_store_idx %arg14[%get3A_345], %gather3A_346 {add = true} : memref<10240xf32, #tpu.memory_space<vmem>>[vector<16xi32>], vector<16xf32>,
      %gather3A_347 = tpu.vector_load_idx %arg11[%get3A_343] : memref<10240xf32, #tpu.memory_space<vmem>>[vector<16xi32>], vector<16xf32>,
      tpu.vector_store_idx %arg15[%get3A_345], %gather3A_347 {add = true} : memref<10240xf32, #tpu.memory_space<vmem>>[vector<16xi32>], vector<16xf32>,
      %gather3A_348 = tpu.vector_load_idx %arg12[%get3A_343] : memref<10240xf32, #tpu.memory_space<vmem>>[vector<16xi32>], vector<16xf32>,
      tpu.vector_store_idx %arg16[%get3A_345], %gather3A_348 {add = true} : memref<10240xf32, #tpu.memory_space<vmem>>[vector<16xi32>], vector<16xf32>,
      %mul3A_349 = arith.constant 128 : i32
      %mul3A_350 = arith.muli %scan3A_338, %mul3A_349 : i32
      %add3A_351 = arith.constant 16 : i32
      %add3A_352 = arith.addi %mul3A_350, %add3A_351 : i32
      %get3A_353 = arith.index_cast %add3A_352 : i32 to index
      %get3A_354 = tpu.vector_load %arg7[%get3A_353] {strides = array<i32>} : memref<10112xi32, #tpu.memory_space<vmem>>, vector<16xi32>,
      %get3A_355 = arith.index_cast %add3A_352 : i32 to index
      %get3A_356 = tpu.vector_load %arg8[%get3A_355] {strides = array<i32>} : memref<10112xi32, #tpu.memory_space<vmem>>, vector<16xi32>,
      %gather3A_357 = tpu.vector_load_idx %arg9[%get3A_354] : memref<10240xf32, #tpu.memory_space<vmem>>[vector<16xi32>], vector<16xf32>,
      tpu.vector_store_idx %arg13[%get3A_356], %gather3A_357 {add = true} : memref<10240xf32, #tpu.memory_space<vmem>>[vector<16xi32>], vector<16xf32>,
      %gather3A_358 = tpu.vector_load_idx %arg10[%get3A_354] : memref<10240xf32, #tpu.memory_space<vmem>>[vector<16xi32>], vector<16xf32>,
      tpu.vector_store_idx %arg14[%get3A_356], %gather3A_358 {add = true} : memref<10240xf32, #tpu.memory_space<vmem>>[vector<16xi32>], vector<16xf32>,
      %gather3A_359 = tpu.vector_load_idx %arg11[%get3A_354] : memref<10240xf32, #tpu.memory_space<vmem>>[vector<16xi32>], vector<16xf32>,
      tpu.vector_store_idx %arg15[%get3A_356], %gather3A_359 {add = true} : memref<10240xf32, #tpu.memory_space<vmem>>[vector<16xi32>], vector<16xf32>,
      %gather3A_360 = tpu.vector_load_idx %arg12[%get3A_354] : memref<10240xf32, #tpu.memory_space<vmem>>[vector<16xi32>], vector<16xf32>,
      tpu.vector_store_idx %arg16[%get3A_356], %gather3A_360 {add = true} : memref<10240xf32, #tpu.memory_space<vmem>>[vector<16xi32>], vector<16xf32>,
      %mul3A_361 = arith.constant 128 : i32
      %mul3A_362 = arith.muli %scan3A_338, %mul3A_361 : i32
      %add3A_363 = arith.constant 32 : i32
      %add3A_364 = arith.addi %mul3A_362, %add3A_363 : i32
      %get3A_365 = arith.index_cast %add3A_364 : i32 to index
      %get3A_366 = tpu.vector_load %arg7[%get3A_365] {strides = array<i32>} : memref<10112xi32, #tpu.memory_space<vmem>>, vector<16xi32>,
      %get3A_367 = arith.index_cast %add3A_364 : i32 to index
      %get3A_368 = tpu.vector_load %arg8[%get3A_367] {strides = array<i32>} : memref<10112xi32, #tpu.memory_space<vmem>>, vector<16xi32>,
      %gather3A_369 = tpu.vector_load_idx %arg9[%get3A_366] : memref<10240xf32, #tpu.memory_space<vmem>>[vector<16xi32>], vector<16xf32>,
      tpu.vector_store_idx %arg13[%get3A_368], %gather3A_369 {add = true} : memref<10240xf32, #tpu.memory_space<vmem>>[vector<16xi32>], vector<16xf32>,
      %gather3A_370 = tpu.vector_load_idx %arg10[%get3A_366] : memref<10240xf32, #tpu.memory_space<vmem>>[vector<16xi32>], vector<16xf32>,
      tpu.vector_store_idx %arg14[%get3A_368], %gather3A_370 {add = true} : memref<10240xf32, #tpu.memory_space<vmem>>[vector<16xi32>], vector<16xf32>,
      %gather3A_371 = tpu.vector_load_idx %arg11[%get3A_366] : memref<10240xf32, #tpu.memory_space<vmem>>[vector<16xi32>], vector<16xf32>,
      tpu.vector_store_idx %arg15[%get3A_368], %gather3A_371 {add = true} : memref<10240xf32, #tpu.memory_space<vmem>>[vector<16xi32>], vector<16xf32>,
      %gather3A_372 = tpu.vector_load_idx %arg12[%get3A_366] : memref<10240xf32, #tpu.memory_space<vmem>>[vector<16xi32>], vector<16xf32>,
      tpu.vector_store_idx %arg16[%get3A_368], %gather3A_372 {add = true} : memref<10240xf32, #tpu.memory_space<vmem>>[vector<16xi32>], vector<16xf32>,
      %mul3A_373 = arith.constant 128 : i32
      %mul3A_374 = arith.muli %scan3A_338, %mul3A_373 : i32
      %add3A_375 = arith.constant 48 : i32
      %add3A_376 = arith.addi %mul3A_374, %add3A_375 : i32
      %get3A_377 = arith.index_cast %add3A_376 : i32 to index
      %get3A_378 = tpu.vector_load %arg7[%get3A_377] {strides = array<i32>} : memref<10112xi32, #tpu.memory_space<vmem>>, vector<16xi32>,
      %get3A_379 = arith.index_cast %add3A_376 : i32 to index
      %get3A_380 = tpu.vector_load %arg8[%get3A_379] {strides = array<i32>} : memref<10112xi32, #tpu.memory_space<vmem>>, vector<16xi32>,
      %gather3A_381 = tpu.vector_load_idx %arg9[%get3A_378] : memref<10240xf32, #tpu.memory_space<vmem>>[vector<16xi32>], vector<16xf32>,
      tpu.vector_store_idx %arg13[%get3A_380], %gather3A_381 {add = true} : memref<10240xf32, #tpu.memory_space<vmem>>[vector<16xi32>], vector<16xf32>,
      %gather3A_382 = tpu.vector_load_idx %arg10[%get3A_378] : memref<10240xf32, #tpu.memory_space<vmem>>[vector<16xi32>], vector<16xf32>,
      tpu.vector_store_idx %arg14[%get3A_380], %gather3A_382 {add = true} : memref<10240xf32, #tpu.memory_space<vmem>>[vector<16xi32>], vector<16xf32>,
      %gather3A_383 = tpu.vector_load_idx %arg11[%get3A_378] : memref<10240xf32, #tpu.memory_space<vmem>>[vector<16xi32>], vector<16xf32>,
      tpu.vector_store_idx %arg15[%get3A_380], %gather3A_383 {add = true} : memref<10240xf32, #tpu.memory_space<vmem>>[vector<16xi32>], vector<16xf32>,
      %gather3A_384 = tpu.vector_load_idx %arg12[%get3A_378] : memref<10240xf32, #tpu.memory_space<vmem>>[vector<16xi32>], vector<16xf32>,
      tpu.vector_store_idx %arg16[%get3A_380], %gather3A_384 {add = true} : memref<10240xf32, #tpu.memory_space<vmem>>[vector<16xi32>], vector<16xf32>,
      %mul3A_385 = arith.constant 128 : i32
      %mul3A_386 = arith.muli %scan3A_338, %mul3A_385 : i32
      %add3A_387 = arith.constant 64 : i32
      %add3A_388 = arith.addi %mul3A_386, %add3A_387 : i32
      %get3A_389 = arith.index_cast %add3A_388 : i32 to index
      %get3A_390 = tpu.vector_load %arg7[%get3A_389] {strides = array<i32>} : memref<10112xi32, #tpu.memory_space<vmem>>, vector<16xi32>,
      %get3A_391 = arith.index_cast %add3A_388 : i32 to index
      %get3A_392 = tpu.vector_load %arg8[%get3A_391] {strides = array<i32>} : memref<10112xi32, #tpu.memory_space<vmem>>, vector<16xi32>,
      %gather3A_393 = tpu.vector_load_idx %arg9[%get3A_390] : memref<10240xf32, #tpu.memory_space<vmem>>[vector<16xi32>], vector<16xf32>,
      tpu.vector_store_idx %arg13[%get3A_392], %gather3A_393 {add = true} : memref<10240xf32, #tpu.memory_space<vmem>>[vector<16xi32>], vector<16xf32>,
      %gather3A_394 = tpu.vector_load_idx %arg10[%get3A_390] : memref<10240xf32, #tpu.memory_space<vmem>>[vector<16xi32>], vector<16xf32>,
      tpu.vector_store_idx %arg14[%get3A_392], %gather3A_394 {add = true} : memref<10240xf32, #tpu.memory_space<vmem>>[vector<16xi32>], vector<16xf32>,
      %gather3A_395 = tpu.vector_load_idx %arg11[%get3A_390] : memref<10240xf32, #tpu.memory_space<vmem>>[vector<16xi32>], vector<16xf32>,
      tpu.vector_store_idx %arg15[%get3A_392], %gather3A_395 {add = true} : memref<10240xf32, #tpu.memory_space<vmem>>[vector<16xi32>], vector<16xf32>,
      %gather3A_396 = tpu.vector_load_idx %arg12[%get3A_390] : memref<10240xf32, #tpu.memory_space<vmem>>[vector<16xi32>], vector<16xf32>,
      tpu.vector_store_idx %arg16[%get3A_392], %gather3A_396 {add = true} : memref<10240xf32, #tpu.memory_space<vmem>>[vector<16xi32>], vector<16xf32>,
      %mul3A_397 = arith.constant 128 : i32
      %mul3A_398 = arith.muli %scan3A_338, %mul3A_397 : i32
      %add3A_399 = arith.constant 80 : i32
      %add3A_400 = arith.addi %mul3A_398, %add3A_399 : i32
      %get3A_401 = arith.index_cast %add3A_400 : i32 to index
      %get3A_402 = tpu.vector_load %arg7[%get3A_401] {strides = array<i32>} : memref<10112xi32, #tpu.memory_space<vmem>>, vector<16xi32>,
      %get3A_403 = arith.index_cast %add3A_400 : i32 to index
      %get3A_404 = tpu.vector_load %arg8[%get3A_403] {strides = array<i32>} : memref<10112xi32, #tpu.memory_space<vmem>>, vector<16xi32>,
      %gather3A_405 = tpu.vector_load_idx %arg9[%get3A_402] : memref<10240xf32, #tpu.memory_space<vmem>>[vector<16xi32>], vector<16xf32>,
      tpu.vector_store_idx %arg13[%get3A_404], %gather3A_405 {add = true} : memref<10240xf32, #tpu.memory_space<vmem>>[vector<16xi32>], vector<16xf32>,
      %gather3A_406 = tpu.vector_load_idx %arg10[%get3A_402] : memref<10240xf32, #tpu.memory_space<vmem>>[vector<16xi32>], vector<16xf32>,
      tpu.vector_store_idx %arg14[%get3A_404], %gather3A_406 {add = true} : memref<10240xf32, #tpu.memory_space<vmem>>[vector<16xi32>], vector<16xf32>,
      %gather3A_407 = tpu.vector_load_idx %arg11[%get3A_402] : memref<10240xf32, #tpu.memory_space<vmem>>[vector<16xi32>], vector<16xf32>,
      tpu.vector_store_idx %arg15[%get3A_404], %gather3A_407 {add = true} : memref<10240xf32, #tpu.memory_space<vmem>>[vector<16xi32>], vector<16xf32>,
      %gather3A_408 = tpu.vector_load_idx %arg12[%get3A_402] : memref<10240xf32, #tpu.memory_space<vmem>>[vector<16xi32>], vector<16xf32>,
      tpu.vector_store_idx %arg16[%get3A_404], %gather3A_408 {add = true} : memref<10240xf32, #tpu.memory_space<vmem>>[vector<16xi32>], vector<16xf32>,
      %mul3A_409 = arith.constant 128 : i32
      %mul3A_410 = arith.muli %scan3A_338, %mul3A_409 : i32
      %add3A_411 = arith.constant 96 : i32
      %add3A_412 = arith.addi %mul3A_410, %add3A_411 : i32
      %get3A_413 = arith.index_cast %add3A_412 : i32 to index
      %get3A_414 = tpu.vector_load %arg7[%get3A_413] {strides = array<i32>} : memref<10112xi32, #tpu.memory_space<vmem>>, vector<16xi32>,
      %get3A_415 = arith.index_cast %add3A_412 : i32 to index
      %get3A_416 = tpu.vector_load %arg8[%get3A_415] {strides = array<i32>} : memref<10112xi32, #tpu.memory_space<vmem>>, vector<16xi32>,
      %gather3A_417 = tpu.vector_load_idx %arg9[%get3A_414] : memref<10240xf32, #tpu.memory_space<vmem>>[vector<16xi32>], vector<16xf32>,
      tpu.vector_store_idx %arg13[%get3A_416], %gather3A_417 {add = true} : memref<10240xf32, #tpu.memory_space<vmem>>[vector<16xi32>], vector<16xf32>,
      %gather3A_418 = tpu.vector_load_idx %arg10[%get3A_414] : memref<10240xf32, #tpu.memory_space<vmem>>[vector<16xi32>], vector<16xf32>,
      tpu.vector_store_idx %arg14[%get3A_416], %gather3A_418 {add = true} : memref<10240xf32, #tpu.memory_space<vmem>>[vector<16xi32>], vector<16xf32>,
      %gather3A_419 = tpu.vector_load_idx %arg11[%get3A_414] : memref<10240xf32, #tpu.memory_space<vmem>>[vector<16xi32>], vector<16xf32>,
      tpu.vector_store_idx %arg15[%get3A_416], %gather3A_419 {add = true} : memref<10240xf32, #tpu.memory_space<vmem>>[vector<16xi32>], vector<16xf32>,
      %gather3A_420 = tpu.vector_load_idx %arg12[%get3A_414] : memref<10240xf32, #tpu.memory_space<vmem>>[vector<16xi32>], vector<16xf32>,
      tpu.vector_store_idx %arg16[%get3A_416], %gather3A_420 {add = true} : memref<10240xf32, #tpu.memory_space<vmem>>[vector<16xi32>], vector<16xf32>,
      %mul3A_421 = arith.constant 128 : i32
      %mul3A_422 = arith.muli %scan3A_338, %mul3A_421 : i32
      %add3A_423 = arith.constant 112 : i32
      %add3A_424 = arith.addi %mul3A_422, %add3A_423 : i32
      %get3A_425 = arith.index_cast %add3A_424 : i32 to index
      %get3A_426 = tpu.vector_load %arg7[%get3A_425] {strides = array<i32>} : memref<10112xi32, #tpu.memory_space<vmem>>, vector<16xi32>,
      %get3A_427 = arith.index_cast %add3A_424 : i32 to index
      %get3A_428 = tpu.vector_load %arg8[%get3A_427] {strides = array<i32>} : memref<10112xi32, #tpu.memory_space<vmem>>, vector<16xi32>,
      %gather3A_429 = tpu.vector_load_idx %arg9[%get3A_426] : memref<10240xf32, #tpu.memory_space<vmem>>[vector<16xi32>], vector<16xf32>,
      tpu.vector_store_idx %arg13[%get3A_428], %gather3A_429 {add = true} : memref<10240xf32, #tpu.memory_space<vmem>>[vector<16xi32>], vector<16xf32>,
      %gather3A_430 = tpu.vector_load_idx %arg10[%get3A_426] : memref<10240xf32, #tpu.memory_space<vmem>>[vector<16xi32>], vector<16xf32>,
      tpu.vector_store_idx %arg14[%get3A_428], %gather3A_430 {add = true} : memref<10240xf32, #tpu.memory_space<vmem>>[vector<16xi32>], vector<16xf32>,
      %gather3A_431 = tpu.vector_load_idx %arg11[%get3A_426] : memref<10240xf32, #tpu.memory_space<vmem>>[vector<16xi32>], vector<16xf32>,
      tpu.vector_store_idx %arg15[%get3A_428], %gather3A_431 {add = true} : memref<10240xf32, #tpu.memory_space<vmem>>[vector<16xi32>], vector<16xf32>,
      %gather3A_432 = tpu.vector_load_idx %arg12[%get3A_426] : memref<10240xf32, #tpu.memory_space<vmem>>[vector<16xi32>], vector<16xf32>,
      tpu.vector_store_idx %arg16[%get3A_428], %gather3A_432 {add = true} : memref<10240xf32, #tpu.memory_space<vmem>>[vector<16xi32>], vector<16xf32>,
    }
    %scan3A_131 = arith.constant 79 : i32
    %add3A_132 = arith.constant 20224 : i32
    %add3A_133 = arith.addi %add3A_111, %add3A_132 : i32
    "tpu.region"() ({
      %run_scoped3A = tpu.sem_alloc : memref<!tpu.dma_semaphore, #tpu.memory_space<semaphore_mem>>
      %dma_start3A = tpu.memref_slice %arg2[%add3A_133] : memref<323584xi32, #tpu.memory_space<hbm>> -> memref<10112xi32, #tpu.memory_space<hbm>>
      %dma_start3A_338 = tpu.memref_slice %arg2[%add3A_133] : memref<323584xi32, #tpu.memory_space<hbm>> -> memref<10112xi32, #tpu.memory_space<hbm>>
      tpu.enqueue_dma source(%dma_start3A_338 : memref<10112xi32, #tpu.memory_space<hbm>>) target(%arg7 : memref<10112xi32, #tpu.memory_space<vmem>>) target_semaphore(%run_scoped3A : memref<!tpu.dma_semaphore, #tpu.memory_space<semaphore_mem>>)
      %dma_wait3A = tpu.memref_slice %arg2[%add3A_133] : memref<323584xi32, #tpu.memory_space<hbm>> -> memref<10112xi32, #tpu.memory_space<hbm>>
      %dma_wait3A_339 = tpu.memref_slice %arg2[%add3A_133] : memref<323584xi32, #tpu.memory_space<hbm>> -> memref<10112xi32, #tpu.memory_space<hbm>>
      tpu.wait_dma2 semaphore(%run_scoped3A : memref<!tpu.dma_semaphore, #tpu.memory_space<semaphore_mem>>) src(%dma_wait3A_339 : memref<10112xi32, #tpu.memory_space<hbm>>) dst(%arg7 : memref<10112xi32, #tpu.memory_space<vmem>>)
      tpu.yield
    }) : () -> ()
    %add3A_134 = arith.constant 20224 : i32
    %add3A_135 = arith.addi %add3A_111, %add3A_134 : i32
    "tpu.region"() ({
      %run_scoped3A = tpu.sem_alloc : memref<!tpu.dma_semaphore, #tpu.memory_space<semaphore_mem>>
      %dma_start3A = tpu.memref_slice %arg3[%add3A_135] : memref<323584xi32, #tpu.memory_space<hbm>> -> memref<10112xi32, #tpu.memory_space<hbm>>
      %dma_start3A_338 = tpu.memref_slice %arg3[%add3A_135] : memref<323584xi32, #tpu.memory_space<hbm>> -> memref<10112xi32, #tpu.memory_space<hbm>>
      tpu.enqueue_dma source(%dma_start3A_338 : memref<10112xi32, #tpu.memory_space<hbm>>) target(%arg8 : memref<10112xi32, #tpu.memory_space<vmem>>) target_semaphore(%run_scoped3A : memref<!tpu.dma_semaphore, #tpu.memory_space<semaphore_mem>>)
      %dma_wait3A = tpu.memref_slice %arg3[%add3A_135] : memref<323584xi32, #tpu.memory_space<hbm>> -> memref<10112xi32, #tpu.memory_space<hbm>>
      %dma_wait3A_339 = tpu.memref_slice %arg3[%add3A_135] : memref<323584xi32, #tpu.memory_space<hbm>> -> memref<10112xi32, #tpu.memory_space<hbm>>
      tpu.wait_dma2 semaphore(%run_scoped3A : memref<!tpu.dma_semaphore, #tpu.memory_space<semaphore_mem>>) src(%dma_wait3A_339 : memref<10112xi32, #tpu.memory_space<hbm>>) dst(%arg8 : memref<10112xi32, #tpu.memory_space<vmem>>)
      tpu.yield
    }) : () -> ()
    %scan3A_136 = arith.constant 0 : i32
    %scan3A_137 = arith.constant 0 : i32
    %scan3A_138 = arith.constant 79 : i32
    %scan3A_139 = arith.addi %scan3A_137, %scan3A_138 : i32
    %scan3A_140 = arith.constant 1 : i32
    scf.for %scan3A_338 = %scan3A_137 to %scan3A_139 step %scan3A_140  : i32 {
      %mul3A_339 = arith.constant 128 : i32
      %mul3A_340 = arith.muli %scan3A_338, %mul3A_339 : i32
      %add3A_341 = arith.constant 0 : i32
      %add3A_342 = arith.addi %mul3A_340, %add3A_341 : i32
      %get3A = arith.index_cast %add3A_342 : i32 to index
      %get3A_343 = tpu.vector_load %arg7[%get3A] {strides = array<i32>} : memref<10112xi32, #tpu.memory_space<vmem>>, vector<16xi32>,
      %get3A_344 = arith.index_cast %add3A_342 : i32 to index
      %get3A_345 = tpu.vector_load %arg8[%get3A_344] {strides = array<i32>} : memref<10112xi32, #tpu.memory_space<vmem>>, vector<16xi32>,
      %gather3A = tpu.vector_load_idx %arg9[%get3A_343] : memref<10240xf32, #tpu.memory_space<vmem>>[vector<16xi32>], vector<16xf32>,
      tpu.vector_store_idx %arg13[%get3A_345], %gather3A {add = true} : memref<10240xf32, #tpu.memory_space<vmem>>[vector<16xi32>], vector<16xf32>,
      %gather3A_346 = tpu.vector_load_idx %arg10[%get3A_343] : memref<10240xf32, #tpu.memory_space<vmem>>[vector<16xi32>], vector<16xf32>,
      tpu.vector_store_idx %arg14[%get3A_345], %gather3A_346 {add = true} : memref<10240xf32, #tpu.memory_space<vmem>>[vector<16xi32>], vector<16xf32>,
      %gather3A_347 = tpu.vector_load_idx %arg11[%get3A_343] : memref<10240xf32, #tpu.memory_space<vmem>>[vector<16xi32>], vector<16xf32>,
      tpu.vector_store_idx %arg15[%get3A_345], %gather3A_347 {add = true} : memref<10240xf32, #tpu.memory_space<vmem>>[vector<16xi32>], vector<16xf32>,
      %gather3A_348 = tpu.vector_load_idx %arg12[%get3A_343] : memref<10240xf32, #tpu.memory_space<vmem>>[vector<16xi32>], vector<16xf32>,
      tpu.vector_store_idx %arg16[%get3A_345], %gather3A_348 {add = true} : memref<10240xf32, #tpu.memory_space<vmem>>[vector<16xi32>], vector<16xf32>,
      %mul3A_349 = arith.constant 128 : i32
      %mul3A_350 = arith.muli %scan3A_338, %mul3A_349 : i32
      %add3A_351 = arith.constant 16 : i32
      %add3A_352 = arith.addi %mul3A_350, %add3A_351 : i32
      %get3A_353 = arith.index_cast %add3A_352 : i32 to index
      %get3A_354 = tpu.vector_load %arg7[%get3A_353] {strides = array<i32>} : memref<10112xi32, #tpu.memory_space<vmem>>, vector<16xi32>,
      %get3A_355 = arith.index_cast %add3A_352 : i32 to index
      %get3A_356 = tpu.vector_load %arg8[%get3A_355] {strides = array<i32>} : memref<10112xi32, #tpu.memory_space<vmem>>, vector<16xi32>,
      %gather3A_357 = tpu.vector_load_idx %arg9[%get3A_354] : memref<10240xf32, #tpu.memory_space<vmem>>[vector<16xi32>], vector<16xf32>,
      tpu.vector_store_idx %arg13[%get3A_356], %gather3A_357 {add = true} : memref<10240xf32, #tpu.memory_space<vmem>>[vector<16xi32>], vector<16xf32>,
      %gather3A_358 = tpu.vector_load_idx %arg10[%get3A_354] : memref<10240xf32, #tpu.memory_space<vmem>>[vector<16xi32>], vector<16xf32>,
      tpu.vector_store_idx %arg14[%get3A_356], %gather3A_358 {add = true} : memref<10240xf32, #tpu.memory_space<vmem>>[vector<16xi32>], vector<16xf32>,
      %gather3A_359 = tpu.vector_load_idx %arg11[%get3A_354] : memref<10240xf32, #tpu.memory_space<vmem>>[vector<16xi32>], vector<16xf32>,
      tpu.vector_store_idx %arg15[%get3A_356], %gather3A_359 {add = true} : memref<10240xf32, #tpu.memory_space<vmem>>[vector<16xi32>], vector<16xf32>,
      %gather3A_360 = tpu.vector_load_idx %arg12[%get3A_354] : memref<10240xf32, #tpu.memory_space<vmem>>[vector<16xi32>], vector<16xf32>,
      tpu.vector_store_idx %arg16[%get3A_356], %gather3A_360 {add = true} : memref<10240xf32, #tpu.memory_space<vmem>>[vector<16xi32>], vector<16xf32>,
      %mul3A_361 = arith.constant 128 : i32
      %mul3A_362 = arith.muli %scan3A_338, %mul3A_361 : i32
      %add3A_363 = arith.constant 32 : i32
      %add3A_364 = arith.addi %mul3A_362, %add3A_363 : i32
      %get3A_365 = arith.index_cast %add3A_364 : i32 to index
      %get3A_366 = tpu.vector_load %arg7[%get3A_365] {strides = array<i32>} : memref<10112xi32, #tpu.memory_space<vmem>>, vector<16xi32>,
      %get3A_367 = arith.index_cast %add3A_364 : i32 to index
      %get3A_368 = tpu.vector_load %arg8[%get3A_367] {strides = array<i32>} : memref<10112xi32, #tpu.memory_space<vmem>>, vector<16xi32>,
      %gather3A_369 = tpu.vector_load_idx %arg9[%get3A_366] : memref<10240xf32, #tpu.memory_space<vmem>>[vector<16xi32>], vector<16xf32>,
      tpu.vector_store_idx %arg13[%get3A_368], %gather3A_369 {add = true} : memref<10240xf32, #tpu.memory_space<vmem>>[vector<16xi32>], vector<16xf32>,
      %gather3A_370 = tpu.vector_load_idx %arg10[%get3A_366] : memref<10240xf32, #tpu.memory_space<vmem>>[vector<16xi32>], vector<16xf32>,
      tpu.vector_store_idx %arg14[%get3A_368], %gather3A_370 {add = true} : memref<10240xf32, #tpu.memory_space<vmem>>[vector<16xi32>], vector<16xf32>,
      %gather3A_371 = tpu.vector_load_idx %arg11[%get3A_366] : memref<10240xf32, #tpu.memory_space<vmem>>[vector<16xi32>], vector<16xf32>,
      tpu.vector_store_idx %arg15[%get3A_368], %gather3A_371 {add = true} : memref<10240xf32, #tpu.memory_space<vmem>>[vector<16xi32>], vector<16xf32>,
      %gather3A_372 = tpu.vector_load_idx %arg12[%get3A_366] : memref<10240xf32, #tpu.memory_space<vmem>>[vector<16xi32>], vector<16xf32>,
      tpu.vector_store_idx %arg16[%get3A_368], %gather3A_372 {add = true} : memref<10240xf32, #tpu.memory_space<vmem>>[vector<16xi32>], vector<16xf32>,
      %mul3A_373 = arith.constant 128 : i32
      %mul3A_374 = arith.muli %scan3A_338, %mul3A_373 : i32
      %add3A_375 = arith.constant 48 : i32
      %add3A_376 = arith.addi %mul3A_374, %add3A_375 : i32
      %get3A_377 = arith.index_cast %add3A_376 : i32 to index
      %get3A_378 = tpu.vector_load %arg7[%get3A_377] {strides = array<i32>} : memref<10112xi32, #tpu.memory_space<vmem>>, vector<16xi32>,
      %get3A_379 = arith.index_cast %add3A_376 : i32 to index
      %get3A_380 = tpu.vector_load %arg8[%get3A_379] {strides = array<i32>} : memref<10112xi32, #tpu.memory_space<vmem>>, vector<16xi32>,
      %gather3A_381 = tpu.vector_load_idx %arg9[%get3A_378] : memref<10240xf32, #tpu.memory_space<vmem>>[vector<16xi32>], vector<16xf32>,
      tpu.vector_store_idx %arg13[%get3A_380], %gather3A_381 {add = true} : memref<10240xf32, #tpu.memory_space<vmem>>[vector<16xi32>], vector<16xf32>,
      %gather3A_382 = tpu.vector_load_idx %arg10[%get3A_378] : memref<10240xf32, #tpu.memory_space<vmem>>[vector<16xi32>], vector<16xf32>,
      tpu.vector_store_idx %arg14[%get3A_380], %gather3A_382 {add = true} : memref<10240xf32, #tpu.memory_space<vmem>>[vector<16xi32>], vector<16xf32>,
      %gather3A_383 = tpu.vector_load_idx %arg11[%get3A_378] : memref<10240xf32, #tpu.memory_space<vmem>>[vector<16xi32>], vector<16xf32>,
      tpu.vector_store_idx %arg15[%get3A_380], %gather3A_383 {add = true} : memref<10240xf32, #tpu.memory_space<vmem>>[vector<16xi32>], vector<16xf32>,
      %gather3A_384 = tpu.vector_load_idx %arg12[%get3A_378] : memref<10240xf32, #tpu.memory_space<vmem>>[vector<16xi32>], vector<16xf32>,
      tpu.vector_store_idx %arg16[%get3A_380], %gather3A_384 {add = true} : memref<10240xf32, #tpu.memory_space<vmem>>[vector<16xi32>], vector<16xf32>,
      %mul3A_385 = arith.constant 128 : i32
      %mul3A_386 = arith.muli %scan3A_338, %mul3A_385 : i32
      %add3A_387 = arith.constant 64 : i32
      %add3A_388 = arith.addi %mul3A_386, %add3A_387 : i32
      %get3A_389 = arith.index_cast %add3A_388 : i32 to index
      %get3A_390 = tpu.vector_load %arg7[%get3A_389] {strides = array<i32>} : memref<10112xi32, #tpu.memory_space<vmem>>, vector<16xi32>,
      %get3A_391 = arith.index_cast %add3A_388 : i32 to index
      %get3A_392 = tpu.vector_load %arg8[%get3A_391] {strides = array<i32>} : memref<10112xi32, #tpu.memory_space<vmem>>, vector<16xi32>,
      %gather3A_393 = tpu.vector_load_idx %arg9[%get3A_390] : memref<10240xf32, #tpu.memory_space<vmem>>[vector<16xi32>], vector<16xf32>,
      tpu.vector_store_idx %arg13[%get3A_392], %gather3A_393 {add = true} : memref<10240xf32, #tpu.memory_space<vmem>>[vector<16xi32>], vector<16xf32>,
      %gather3A_394 = tpu.vector_load_idx %arg10[%get3A_390] : memref<10240xf32, #tpu.memory_space<vmem>>[vector<16xi32>], vector<16xf32>,
      tpu.vector_store_idx %arg14[%get3A_392], %gather3A_394 {add = true} : memref<10240xf32, #tpu.memory_space<vmem>>[vector<16xi32>], vector<16xf32>,
      %gather3A_395 = tpu.vector_load_idx %arg11[%get3A_390] : memref<10240xf32, #tpu.memory_space<vmem>>[vector<16xi32>], vector<16xf32>,
      tpu.vector_store_idx %arg15[%get3A_392], %gather3A_395 {add = true} : memref<10240xf32, #tpu.memory_space<vmem>>[vector<16xi32>], vector<16xf32>,
      %gather3A_396 = tpu.vector_load_idx %arg12[%get3A_390] : memref<10240xf32, #tpu.memory_space<vmem>>[vector<16xi32>], vector<16xf32>,
      tpu.vector_store_idx %arg16[%get3A_392], %gather3A_396 {add = true} : memref<10240xf32, #tpu.memory_space<vmem>>[vector<16xi32>], vector<16xf32>,
      %mul3A_397 = arith.constant 128 : i32
      %mul3A_398 = arith.muli %scan3A_338, %mul3A_397 : i32
      %add3A_399 = arith.constant 80 : i32
      %add3A_400 = arith.addi %mul3A_398, %add3A_399 : i32
      %get3A_401 = arith.index_cast %add3A_400 : i32 to index
      %get3A_402 = tpu.vector_load %arg7[%get3A_401] {strides = array<i32>} : memref<10112xi32, #tpu.memory_space<vmem>>, vector<16xi32>,
      %get3A_403 = arith.index_cast %add3A_400 : i32 to index
      %get3A_404 = tpu.vector_load %arg8[%get3A_403] {strides = array<i32>} : memref<10112xi32, #tpu.memory_space<vmem>>, vector<16xi32>,
      %gather3A_405 = tpu.vector_load_idx %arg9[%get3A_402] : memref<10240xf32, #tpu.memory_space<vmem>>[vector<16xi32>], vector<16xf32>,
      tpu.vector_store_idx %arg13[%get3A_404], %gather3A_405 {add = true} : memref<10240xf32, #tpu.memory_space<vmem>>[vector<16xi32>], vector<16xf32>,
      %gather3A_406 = tpu.vector_load_idx %arg10[%get3A_402] : memref<10240xf32, #tpu.memory_space<vmem>>[vector<16xi32>], vector<16xf32>,
      tpu.vector_store_idx %arg14[%get3A_404], %gather3A_406 {add = true} : memref<10240xf32, #tpu.memory_space<vmem>>[vector<16xi32>], vector<16xf32>,
      %gather3A_407 = tpu.vector_load_idx %arg11[%get3A_402] : memref<10240xf32, #tpu.memory_space<vmem>>[vector<16xi32>], vector<16xf32>,
      tpu.vector_store_idx %arg15[%get3A_404], %gather3A_407 {add = true} : memref<10240xf32, #tpu.memory_space<vmem>>[vector<16xi32>], vector<16xf32>,
      %gather3A_408 = tpu.vector_load_idx %arg12[%get3A_402] : memref<10240xf32, #tpu.memory_space<vmem>>[vector<16xi32>], vector<16xf32>,
      tpu.vector_store_idx %arg16[%get3A_404], %gather3A_408 {add = true} : memref<10240xf32, #tpu.memory_space<vmem>>[vector<16xi32>], vector<16xf32>,
      %mul3A_409 = arith.constant 128 : i32
      %mul3A_410 = arith.muli %scan3A_338, %mul3A_409 : i32
      %add3A_411 = arith.constant 96 : i32
      %add3A_412 = arith.addi %mul3A_410, %add3A_411 : i32
      %get3A_413 = arith.index_cast %add3A_412 : i32 to index
      %get3A_414 = tpu.vector_load %arg7[%get3A_413] {strides = array<i32>} : memref<10112xi32, #tpu.memory_space<vmem>>, vector<16xi32>,
      %get3A_415 = arith.index_cast %add3A_412 : i32 to index
      %get3A_416 = tpu.vector_load %arg8[%get3A_415] {strides = array<i32>} : memref<10112xi32, #tpu.memory_space<vmem>>, vector<16xi32>,
      %gather3A_417 = tpu.vector_load_idx %arg9[%get3A_414] : memref<10240xf32, #tpu.memory_space<vmem>>[vector<16xi32>], vector<16xf32>,
      tpu.vector_store_idx %arg13[%get3A_416], %gather3A_417 {add = true} : memref<10240xf32, #tpu.memory_space<vmem>>[vector<16xi32>], vector<16xf32>,
      %gather3A_418 = tpu.vector_load_idx %arg10[%get3A_414] : memref<10240xf32, #tpu.memory_space<vmem>>[vector<16xi32>], vector<16xf32>,
      tpu.vector_store_idx %arg14[%get3A_416], %gather3A_418 {add = true} : memref<10240xf32, #tpu.memory_space<vmem>>[vector<16xi32>], vector<16xf32>,
      %gather3A_419 = tpu.vector_load_idx %arg11[%get3A_414] : memref<10240xf32, #tpu.memory_space<vmem>>[vector<16xi32>], vector<16xf32>,
      tpu.vector_store_idx %arg15[%get3A_416], %gather3A_419 {add = true} : memref<10240xf32, #tpu.memory_space<vmem>>[vector<16xi32>], vector<16xf32>,
      %gather3A_420 = tpu.vector_load_idx %arg12[%get3A_414] : memref<10240xf32, #tpu.memory_space<vmem>>[vector<16xi32>], vector<16xf32>,
      tpu.vector_store_idx %arg16[%get3A_416], %gather3A_420 {add = true} : memref<10240xf32, #tpu.memory_space<vmem>>[vector<16xi32>], vector<16xf32>,
      %mul3A_421 = arith.constant 128 : i32
      %mul3A_422 = arith.muli %scan3A_338, %mul3A_421 : i32
      %add3A_423 = arith.constant 112 : i32
      %add3A_424 = arith.addi %mul3A_422, %add3A_423 : i32
      %get3A_425 = arith.index_cast %add3A_424 : i32 to index
      %get3A_426 = tpu.vector_load %arg7[%get3A_425] {strides = array<i32>} : memref<10112xi32, #tpu.memory_space<vmem>>, vector<16xi32>,
      %get3A_427 = arith.index_cast %add3A_424 : i32 to index
      %get3A_428 = tpu.vector_load %arg8[%get3A_427] {strides = array<i32>} : memref<10112xi32, #tpu.memory_space<vmem>>, vector<16xi32>,
      %gather3A_429 = tpu.vector_load_idx %arg9[%get3A_426] : memref<10240xf32, #tpu.memory_space<vmem>>[vector<16xi32>], vector<16xf32>,
      tpu.vector_store_idx %arg13[%get3A_428], %gather3A_429 {add = true} : memref<10240xf32, #tpu.memory_space<vmem>>[vector<16xi32>], vector<16xf32>,
      %gather3A_430 = tpu.vector_load_idx %arg10[%get3A_426] : memref<10240xf32, #tpu.memory_space<vmem>>[vector<16xi32>], vector<16xf32>,
      tpu.vector_store_idx %arg14[%get3A_428], %gather3A_430 {add = true} : memref<10240xf32, #tpu.memory_space<vmem>>[vector<16xi32>], vector<16xf32>,
      %gather3A_431 = tpu.vector_load_idx %arg11[%get3A_426] : memref<10240xf32, #tpu.memory_space<vmem>>[vector<16xi32>], vector<16xf32>,
      tpu.vector_store_idx %arg15[%get3A_428], %gather3A_431 {add = true} : memref<10240xf32, #tpu.memory_space<vmem>>[vector<16xi32>], vector<16xf32>,
      %gather3A_432 = tpu.vector_load_idx %arg12[%get3A_426] : memref<10240xf32, #tpu.memory_space<vmem>>[vector<16xi32>], vector<16xf32>,
      tpu.vector_store_idx %arg16[%get3A_428], %gather3A_432 {add = true} : memref<10240xf32, #tpu.memory_space<vmem>>[vector<16xi32>], vector<16xf32>,
    }
    %scan3A_141 = arith.constant 79 : i32
    %add3A_142 = arith.constant 30336 : i32
    %add3A_143 = arith.addi %add3A_111, %add3A_142 : i32
    "tpu.region"() ({
      %run_scoped3A = tpu.sem_alloc : memref<!tpu.dma_semaphore, #tpu.memory_space<semaphore_mem>>
      %dma_start3A = tpu.memref_slice %arg2[%add3A_143] : memref<323584xi32, #tpu.memory_space<hbm>> -> memref<10112xi32, #tpu.memory_space<hbm>>
      %dma_start3A_338 = tpu.memref_slice %arg2[%add3A_143] : memref<323584xi32, #tpu.memory_space<hbm>> -> memref<10112xi32, #tpu.memory_space<hbm>>
      tpu.enqueue_dma source(%dma_start3A_338 : memref<10112xi32, #tpu.memory_space<hbm>>) target(%arg7 : memref<10112xi32, #tpu.memory_space<vmem>>) target_semaphore(%run_scoped3A : memref<!tpu.dma_semaphore, #tpu.memory_space<semaphore_mem>>)
      %dma_wait3A = tpu.memref_slice %arg2[%add3A_143] : memref<323584xi32, #tpu.memory_space<hbm>> -> memref<10112xi32, #tpu.memory_space<hbm>>
      %dma_wait3A_339 = tpu.memref_slice %arg2[%add3A_143] : memref<323584xi32, #tpu.memory_space<hbm>> -> memref<10112xi32, #tpu.memory_space<hbm>>
      tpu.wait_dma2 semaphore(%run_scoped3A : memref<!tpu.dma_semaphore, #tpu.memory_space<semaphore_mem>>) src(%dma_wait3A_339 : memref<10112xi32, #tpu.memory_space<hbm>>) dst(%arg7 : memref<10112xi32, #tpu.memory_space<vmem>>)
      tpu.yield
    }) : () -> ()
    %add3A_144 = arith.constant 30336 : i32
    %add3A_145 = arith.addi %add3A_111, %add3A_144 : i32
    "tpu.region"() ({
      %run_scoped3A = tpu.sem_alloc : memref<!tpu.dma_semaphore, #tpu.memory_space<semaphore_mem>>
      %dma_start3A = tpu.memref_slice %arg3[%add3A_145] : memref<323584xi32, #tpu.memory_space<hbm>> -> memref<10112xi32, #tpu.memory_space<hbm>>
      %dma_start3A_338 = tpu.memref_slice %arg3[%add3A_145] : memref<323584xi32, #tpu.memory_space<hbm>> -> memref<10112xi32, #tpu.memory_space<hbm>>
      tpu.enqueue_dma source(%dma_start3A_338 : memref<10112xi32, #tpu.memory_space<hbm>>) target(%arg8 : memref<10112xi32, #tpu.memory_space<vmem>>) target_semaphore(%run_scoped3A : memref<!tpu.dma_semaphore, #tpu.memory_space<semaphore_mem>>)
      %dma_wait3A = tpu.memref_slice %arg3[%add3A_145] : memref<323584xi32, #tpu.memory_space<hbm>> -> memref<10112xi32, #tpu.memory_space<hbm>>
      %dma_wait3A_339 = tpu.memref_slice %arg3[%add3A_145] : memref<323584xi32, #tpu.memory_space<hbm>> -> memref<10112xi32, #tpu.memory_space<hbm>>
      tpu.wait_dma2 semaphore(%run_scoped3A : memref<!tpu.dma_semaphore, #tpu.memory_space<semaphore_mem>>) src(%dma_wait3A_339 : memref<10112xi32, #tpu.memory_space<hbm>>) dst(%arg8 : memref<10112xi32, #tpu.memory_space<vmem>>)
      tpu.yield
    }) : () -> ()
    %scan3A_146 = arith.constant 0 : i32
    %scan3A_147 = arith.constant 0 : i32
    %scan3A_148 = arith.constant 79 : i32
    %scan3A_149 = arith.addi %scan3A_147, %scan3A_148 : i32
    %scan3A_150 = arith.constant 1 : i32
    scf.for %scan3A_338 = %scan3A_147 to %scan3A_149 step %scan3A_150  : i32 {
      %mul3A_339 = arith.constant 128 : i32
      %mul3A_340 = arith.muli %scan3A_338, %mul3A_339 : i32
      %add3A_341 = arith.constant 0 : i32
      %add3A_342 = arith.addi %mul3A_340, %add3A_341 : i32
      %get3A = arith.index_cast %add3A_342 : i32 to index
      %get3A_343 = tpu.vector_load %arg7[%get3A] {strides = array<i32>} : memref<10112xi32, #tpu.memory_space<vmem>>, vector<16xi32>,
      %get3A_344 = arith.index_cast %add3A_342 : i32 to index
      %get3A_345 = tpu.vector_load %arg8[%get3A_344] {strides = array<i32>} : memref<10112xi32, #tpu.memory_space<vmem>>, vector<16xi32>,
      %gather3A = tpu.vector_load_idx %arg9[%get3A_343] : memref<10240xf32, #tpu.memory_space<vmem>>[vector<16xi32>], vector<16xf32>,
      tpu.vector_store_idx %arg13[%get3A_345], %gather3A {add = true} : memref<10240xf32, #tpu.memory_space<vmem>>[vector<16xi32>], vector<16xf32>,
      %gather3A_346 = tpu.vector_load_idx %arg10[%get3A_343] : memref<10240xf32, #tpu.memory_space<vmem>>[vector<16xi32>], vector<16xf32>,
      tpu.vector_store_idx %arg14[%get3A_345], %gather3A_346 {add = true} : memref<10240xf32, #tpu.memory_space<vmem>>[vector<16xi32>], vector<16xf32>,
      %gather3A_347 = tpu.vector_load_idx %arg11[%get3A_343] : memref<10240xf32, #tpu.memory_space<vmem>>[vector<16xi32>], vector<16xf32>,
      tpu.vector_store_idx %arg15[%get3A_345], %gather3A_347 {add = true} : memref<10240xf32, #tpu.memory_space<vmem>>[vector<16xi32>], vector<16xf32>,
      %gather3A_348 = tpu.vector_load_idx %arg12[%get3A_343] : memref<10240xf32, #tpu.memory_space<vmem>>[vector<16xi32>], vector<16xf32>,
      tpu.vector_store_idx %arg16[%get3A_345], %gather3A_348 {add = true} : memref<10240xf32, #tpu.memory_space<vmem>>[vector<16xi32>], vector<16xf32>,
      %mul3A_349 = arith.constant 128 : i32
      %mul3A_350 = arith.muli %scan3A_338, %mul3A_349 : i32
      %add3A_351 = arith.constant 16 : i32
      %add3A_352 = arith.addi %mul3A_350, %add3A_351 : i32
      %get3A_353 = arith.index_cast %add3A_352 : i32 to index
      %get3A_354 = tpu.vector_load %arg7[%get3A_353] {strides = array<i32>} : memref<10112xi32, #tpu.memory_space<vmem>>, vector<16xi32>,
      %get3A_355 = arith.index_cast %add3A_352 : i32 to index
      %get3A_356 = tpu.vector_load %arg8[%get3A_355] {strides = array<i32>} : memref<10112xi32, #tpu.memory_space<vmem>>, vector<16xi32>,
      %gather3A_357 = tpu.vector_load_idx %arg9[%get3A_354] : memref<10240xf32, #tpu.memory_space<vmem>>[vector<16xi32>], vector<16xf32>,
      tpu.vector_store_idx %arg13[%get3A_356], %gather3A_357 {add = true} : memref<10240xf32, #tpu.memory_space<vmem>>[vector<16xi32>], vector<16xf32>,
      %gather3A_358 = tpu.vector_load_idx %arg10[%get3A_354] : memref<10240xf32, #tpu.memory_space<vmem>>[vector<16xi32>], vector<16xf32>,
      tpu.vector_store_idx %arg14[%get3A_356], %gather3A_358 {add = true} : memref<10240xf32, #tpu.memory_space<vmem>>[vector<16xi32>], vector<16xf32>,
      %gather3A_359 = tpu.vector_load_idx %arg11[%get3A_354] : memref<10240xf32, #tpu.memory_space<vmem>>[vector<16xi32>], vector<16xf32>,
      tpu.vector_store_idx %arg15[%get3A_356], %gather3A_359 {add = true} : memref<10240xf32, #tpu.memory_space<vmem>>[vector<16xi32>], vector<16xf32>,
      %gather3A_360 = tpu.vector_load_idx %arg12[%get3A_354] : memref<10240xf32, #tpu.memory_space<vmem>>[vector<16xi32>], vector<16xf32>,
      tpu.vector_store_idx %arg16[%get3A_356], %gather3A_360 {add = true} : memref<10240xf32, #tpu.memory_space<vmem>>[vector<16xi32>], vector<16xf32>,
      %mul3A_361 = arith.constant 128 : i32
      %mul3A_362 = arith.muli %scan3A_338, %mul3A_361 : i32
      %add3A_363 = arith.constant 32 : i32
      %add3A_364 = arith.addi %mul3A_362, %add3A_363 : i32
      %get3A_365 = arith.index_cast %add3A_364 : i32 to index
      %get3A_366 = tpu.vector_load %arg7[%get3A_365] {strides = array<i32>} : memref<10112xi32, #tpu.memory_space<vmem>>, vector<16xi32>,
      %get3A_367 = arith.index_cast %add3A_364 : i32 to index
      %get3A_368 = tpu.vector_load %arg8[%get3A_367] {strides = array<i32>} : memref<10112xi32, #tpu.memory_space<vmem>>, vector<16xi32>,
      %gather3A_369 = tpu.vector_load_idx %arg9[%get3A_366] : memref<10240xf32, #tpu.memory_space<vmem>>[vector<16xi32>], vector<16xf32>,
      tpu.vector_store_idx %arg13[%get3A_368], %gather3A_369 {add = true} : memref<10240xf32, #tpu.memory_space<vmem>>[vector<16xi32>], vector<16xf32>,
      %gather3A_370 = tpu.vector_load_idx %arg10[%get3A_366] : memref<10240xf32, #tpu.memory_space<vmem>>[vector<16xi32>], vector<16xf32>,
      tpu.vector_store_idx %arg14[%get3A_368], %gather3A_370 {add = true} : memref<10240xf32, #tpu.memory_space<vmem>>[vector<16xi32>], vector<16xf32>,
      %gather3A_371 = tpu.vector_load_idx %arg11[%get3A_366] : memref<10240xf32, #tpu.memory_space<vmem>>[vector<16xi32>], vector<16xf32>,
      tpu.vector_store_idx %arg15[%get3A_368], %gather3A_371 {add = true} : memref<10240xf32, #tpu.memory_space<vmem>>[vector<16xi32>], vector<16xf32>,
      %gather3A_372 = tpu.vector_load_idx %arg12[%get3A_366] : memref<10240xf32, #tpu.memory_space<vmem>>[vector<16xi32>], vector<16xf32>,
      tpu.vector_store_idx %arg16[%get3A_368], %gather3A_372 {add = true} : memref<10240xf32, #tpu.memory_space<vmem>>[vector<16xi32>], vector<16xf32>,
      %mul3A_373 = arith.constant 128 : i32
      %mul3A_374 = arith.muli %scan3A_338, %mul3A_373 : i32
      %add3A_375 = arith.constant 48 : i32
      %add3A_376 = arith.addi %mul3A_374, %add3A_375 : i32
      %get3A_377 = arith.index_cast %add3A_376 : i32 to index
      %get3A_378 = tpu.vector_load %arg7[%get3A_377] {strides = array<i32>} : memref<10112xi32, #tpu.memory_space<vmem>>, vector<16xi32>,
      %get3A_379 = arith.index_cast %add3A_376 : i32 to index
      %get3A_380 = tpu.vector_load %arg8[%get3A_379] {strides = array<i32>} : memref<10112xi32, #tpu.memory_space<vmem>>, vector<16xi32>,
      %gather3A_381 = tpu.vector_load_idx %arg9[%get3A_378] : memref<10240xf32, #tpu.memory_space<vmem>>[vector<16xi32>], vector<16xf32>,
      tpu.vector_store_idx %arg13[%get3A_380], %gather3A_381 {add = true} : memref<10240xf32, #tpu.memory_space<vmem>>[vector<16xi32>], vector<16xf32>,
      %gather3A_382 = tpu.vector_load_idx %arg10[%get3A_378] : memref<10240xf32, #tpu.memory_space<vmem>>[vector<16xi32>], vector<16xf32>,
      tpu.vector_store_idx %arg14[%get3A_380], %gather3A_382 {add = true} : memref<10240xf32, #tpu.memory_space<vmem>>[vector<16xi32>], vector<16xf32>,
      %gather3A_383 = tpu.vector_load_idx %arg11[%get3A_378] : memref<10240xf32, #tpu.memory_space<vmem>>[vector<16xi32>], vector<16xf32>,
      tpu.vector_store_idx %arg15[%get3A_380], %gather3A_383 {add = true} : memref<10240xf32, #tpu.memory_space<vmem>>[vector<16xi32>], vector<16xf32>,
      %gather3A_384 = tpu.vector_load_idx %arg12[%get3A_378] : memref<10240xf32, #tpu.memory_space<vmem>>[vector<16xi32>], vector<16xf32>,
      tpu.vector_store_idx %arg16[%get3A_380], %gather3A_384 {add = true} : memref<10240xf32, #tpu.memory_space<vmem>>[vector<16xi32>], vector<16xf32>,
      %mul3A_385 = arith.constant 128 : i32
      %mul3A_386 = arith.muli %scan3A_338, %mul3A_385 : i32
      %add3A_387 = arith.constant 64 : i32
      %add3A_388 = arith.addi %mul3A_386, %add3A_387 : i32
      %get3A_389 = arith.index_cast %add3A_388 : i32 to index
      %get3A_390 = tpu.vector_load %arg7[%get3A_389] {strides = array<i32>} : memref<10112xi32, #tpu.memory_space<vmem>>, vector<16xi32>,
      %get3A_391 = arith.index_cast %add3A_388 : i32 to index
      %get3A_392 = tpu.vector_load %arg8[%get3A_391] {strides = array<i32>} : memref<10112xi32, #tpu.memory_space<vmem>>, vector<16xi32>,
      %gather3A_393 = tpu.vector_load_idx %arg9[%get3A_390] : memref<10240xf32, #tpu.memory_space<vmem>>[vector<16xi32>], vector<16xf32>,
      tpu.vector_store_idx %arg13[%get3A_392], %gather3A_393 {add = true} : memref<10240xf32, #tpu.memory_space<vmem>>[vector<16xi32>], vector<16xf32>,
      %gather3A_394 = tpu.vector_load_idx %arg10[%get3A_390] : memref<10240xf32, #tpu.memory_space<vmem>>[vector<16xi32>], vector<16xf32>,
      tpu.vector_store_idx %arg14[%get3A_392], %gather3A_394 {add = true} : memref<10240xf32, #tpu.memory_space<vmem>>[vector<16xi32>], vector<16xf32>,
      %gather3A_395 = tpu.vector_load_idx %arg11[%get3A_390] : memref<10240xf32, #tpu.memory_space<vmem>>[vector<16xi32>], vector<16xf32>,
      tpu.vector_store_idx %arg15[%get3A_392], %gather3A_395 {add = true} : memref<10240xf32, #tpu.memory_space<vmem>>[vector<16xi32>], vector<16xf32>,
      %gather3A_396 = tpu.vector_load_idx %arg12[%get3A_390] : memref<10240xf32, #tpu.memory_space<vmem>>[vector<16xi32>], vector<16xf32>,
      tpu.vector_store_idx %arg16[%get3A_392], %gather3A_396 {add = true} : memref<10240xf32, #tpu.memory_space<vmem>>[vector<16xi32>], vector<16xf32>,
      %mul3A_397 = arith.constant 128 : i32
      %mul3A_398 = arith.muli %scan3A_338, %mul3A_397 : i32
      %add3A_399 = arith.constant 80 : i32
      %add3A_400 = arith.addi %mul3A_398, %add3A_399 : i32
      %get3A_401 = arith.index_cast %add3A_400 : i32 to index
      %get3A_402 = tpu.vector_load %arg7[%get3A_401] {strides = array<i32>} : memref<10112xi32, #tpu.memory_space<vmem>>, vector<16xi32>,
      %get3A_403 = arith.index_cast %add3A_400 : i32 to index
      %get3A_404 = tpu.vector_load %arg8[%get3A_403] {strides = array<i32>} : memref<10112xi32, #tpu.memory_space<vmem>>, vector<16xi32>,
      %gather3A_405 = tpu.vector_load_idx %arg9[%get3A_402] : memref<10240xf32, #tpu.memory_space<vmem>>[vector<16xi32>], vector<16xf32>,
      tpu.vector_store_idx %arg13[%get3A_404], %gather3A_405 {add = true} : memref<10240xf32, #tpu.memory_space<vmem>>[vector<16xi32>], vector<16xf32>,
      %gather3A_406 = tpu.vector_load_idx %arg10[%get3A_402] : memref<10240xf32, #tpu.memory_space<vmem>>[vector<16xi32>], vector<16xf32>,
      tpu.vector_store_idx %arg14[%get3A_404], %gather3A_406 {add = true} : memref<10240xf32, #tpu.memory_space<vmem>>[vector<16xi32>], vector<16xf32>,
      %gather3A_407 = tpu.vector_load_idx %arg11[%get3A_402] : memref<10240xf32, #tpu.memory_space<vmem>>[vector<16xi32>], vector<16xf32>,
      tpu.vector_store_idx %arg15[%get3A_404], %gather3A_407 {add = true} : memref<10240xf32, #tpu.memory_space<vmem>>[vector<16xi32>], vector<16xf32>,
      %gather3A_408 = tpu.vector_load_idx %arg12[%get3A_402] : memref<10240xf32, #tpu.memory_space<vmem>>[vector<16xi32>], vector<16xf32>,
      tpu.vector_store_idx %arg16[%get3A_404], %gather3A_408 {add = true} : memref<10240xf32, #tpu.memory_space<vmem>>[vector<16xi32>], vector<16xf32>,
      %mul3A_409 = arith.constant 128 : i32
      %mul3A_410 = arith.muli %scan3A_338, %mul3A_409 : i32
      %add3A_411 = arith.constant 96 : i32
      %add3A_412 = arith.addi %mul3A_410, %add3A_411 : i32
      %get3A_413 = arith.index_cast %add3A_412 : i32 to index
      %get3A_414 = tpu.vector_load %arg7[%get3A_413] {strides = array<i32>} : memref<10112xi32, #tpu.memory_space<vmem>>, vector<16xi32>,
      %get3A_415 = arith.index_cast %add3A_412 : i32 to index
      %get3A_416 = tpu.vector_load %arg8[%get3A_415] {strides = array<i32>} : memref<10112xi32, #tpu.memory_space<vmem>>, vector<16xi32>,
      %gather3A_417 = tpu.vector_load_idx %arg9[%get3A_414] : memref<10240xf32, #tpu.memory_space<vmem>>[vector<16xi32>], vector<16xf32>,
      tpu.vector_store_idx %arg13[%get3A_416], %gather3A_417 {add = true} : memref<10240xf32, #tpu.memory_space<vmem>>[vector<16xi32>], vector<16xf32>,
      %gather3A_418 = tpu.vector_load_idx %arg10[%get3A_414] : memref<10240xf32, #tpu.memory_space<vmem>>[vector<16xi32>], vector<16xf32>,
      tpu.vector_store_idx %arg14[%get3A_416], %gather3A_418 {add = true} : memref<10240xf32, #tpu.memory_space<vmem>>[vector<16xi32>], vector<16xf32>,
      %gather3A_419 = tpu.vector_load_idx %arg11[%get3A_414] : memref<10240xf32, #tpu.memory_space<vmem>>[vector<16xi32>], vector<16xf32>,
      tpu.vector_store_idx %arg15[%get3A_416], %gather3A_419 {add = true} : memref<10240xf32, #tpu.memory_space<vmem>>[vector<16xi32>], vector<16xf32>,
      %gather3A_420 = tpu.vector_load_idx %arg12[%get3A_414] : memref<10240xf32, #tpu.memory_space<vmem>>[vector<16xi32>], vector<16xf32>,
      tpu.vector_store_idx %arg16[%get3A_416], %gather3A_420 {add = true} : memref<10240xf32, #tpu.memory_space<vmem>>[vector<16xi32>], vector<16xf32>,
      %mul3A_421 = arith.constant 128 : i32
      %mul3A_422 = arith.muli %scan3A_338, %mul3A_421 : i32
      %add3A_423 = arith.constant 112 : i32
      %add3A_424 = arith.addi %mul3A_422, %add3A_423 : i32
      %get3A_425 = arith.index_cast %add3A_424 : i32 to index
      %get3A_426 = tpu.vector_load %arg7[%get3A_425] {strides = array<i32>} : memref<10112xi32, #tpu.memory_space<vmem>>, vector<16xi32>,
      %get3A_427 = arith.index_cast %add3A_424 : i32 to index
      %get3A_428 = tpu.vector_load %arg8[%get3A_427] {strides = array<i32>} : memref<10112xi32, #tpu.memory_space<vmem>>, vector<16xi32>,
      %gather3A_429 = tpu.vector_load_idx %arg9[%get3A_426] : memref<10240xf32, #tpu.memory_space<vmem>>[vector<16xi32>], vector<16xf32>,
      tpu.vector_store_idx %arg13[%get3A_428], %gather3A_429 {add = true} : memref<10240xf32, #tpu.memory_space<vmem>>[vector<16xi32>], vector<16xf32>,
      %gather3A_430 = tpu.vector_load_idx %arg10[%get3A_426] : memref<10240xf32, #tpu.memory_space<vmem>>[vector<16xi32>], vector<16xf32>,
      tpu.vector_store_idx %arg14[%get3A_428], %gather3A_430 {add = true} : memref<10240xf32, #tpu.memory_space<vmem>>[vector<16xi32>], vector<16xf32>,
      %gather3A_431 = tpu.vector_load_idx %arg11[%get3A_426] : memref<10240xf32, #tpu.memory_space<vmem>>[vector<16xi32>], vector<16xf32>,
      tpu.vector_store_idx %arg15[%get3A_428], %gather3A_431 {add = true} : memref<10240xf32, #tpu.memory_space<vmem>>[vector<16xi32>], vector<16xf32>,
      %gather3A_432 = tpu.vector_load_idx %arg12[%get3A_426] : memref<10240xf32, #tpu.memory_space<vmem>>[vector<16xi32>], vector<16xf32>,
      tpu.vector_store_idx %arg16[%get3A_428], %gather3A_432 {add = true} : memref<10240xf32, #tpu.memory_space<vmem>>[vector<16xi32>], vector<16xf32>,
    }
    %scan3A_151 = arith.constant 79 : i32
    %mul3A_152 = arith.constant 2560 : i32
    %mul3A_153 = arith.muli %select_n3A_28, %mul3A_152 : i32
    "tpu.region"() ({
      %run_scoped3A = tpu.sem_alloc : memref<!tpu.dma_semaphore, #tpu.memory_space<semaphore_mem>>
      %dma_start3A = arith.constant 0 : i32
      %dma_start3A_338 = tpu.memref_slice %arg20[%arg1, %dma_start3A] : memref<16x10240xf32, #tpu.memory_space<vmem_shared>> -> memref<1x10240xf32, #tpu.memory_space<vmem_shared>>
      %dma_start3A_339 = tpu.memref_squeeze %dma_start3A_338 : memref<1x10240xf32, #tpu.memory_space<vmem_shared>> -> memref<10240xf32, #tpu.memory_space<vmem_shared>>
      %dma_start3A_340 = arith.constant 0 : i32
      %dma_start3A_341 = tpu.memref_slice %arg20[%arg1, %dma_start3A_340] : memref<16x10240xf32, #tpu.memory_space<vmem_shared>> -> memref<1x10240xf32, #tpu.memory_space<vmem_shared>>
      %dma_start3A_342 = tpu.memref_squeeze %dma_start3A_341 : memref<1x10240xf32, #tpu.memory_space<vmem_shared>> -> memref<10240xf32, #tpu.memory_space<vmem_shared>>
      tpu.enqueue_dma source(%arg13 : memref<10240xf32, #tpu.memory_space<vmem>>) target(%dma_start3A_342 : memref<10240xf32, #tpu.memory_space<vmem_shared>>) target_semaphore(%run_scoped3A : memref<!tpu.dma_semaphore, #tpu.memory_space<semaphore_mem>>)
      %dma_wait3A = arith.constant 0 : i32
      %dma_wait3A_343 = tpu.memref_slice %arg20[%arg1, %dma_wait3A] : memref<16x10240xf32, #tpu.memory_space<vmem_shared>> -> memref<1x10240xf32, #tpu.memory_space<vmem_shared>>
      %dma_wait3A_344 = tpu.memref_squeeze %dma_wait3A_343 : memref<1x10240xf32, #tpu.memory_space<vmem_shared>> -> memref<10240xf32, #tpu.memory_space<vmem_shared>>
      %dma_wait3A_345 = arith.constant 0 : i32
      %dma_wait3A_346 = tpu.memref_slice %arg20[%arg1, %dma_wait3A_345] : memref<16x10240xf32, #tpu.memory_space<vmem_shared>> -> memref<1x10240xf32, #tpu.memory_space<vmem_shared>>
      %dma_wait3A_347 = tpu.memref_squeeze %dma_wait3A_346 : memref<1x10240xf32, #tpu.memory_space<vmem_shared>> -> memref<10240xf32, #tpu.memory_space<vmem_shared>>
      tpu.wait_dma2 semaphore(%run_scoped3A : memref<!tpu.dma_semaphore, #tpu.memory_space<semaphore_mem>>) src(%arg13 : memref<10240xf32, #tpu.memory_space<vmem>>) dst(%dma_wait3A_347 : memref<10240xf32, #tpu.memory_space<vmem_shared>>)
      tpu.yield
    }) : () -> ()
    %barrier3A_154 = arith.constant 0 : index
    tpu.barrier barrier_id(%barrier3A_154)
    %add3A_155 = arith.constant 0 : i32
    %add3A_156 = arith.addi %mul3A_153, %add3A_155 : i32
    %mul3A_157 = arith.constant 4 : i32
    %mul3A_158 = arith.muli %select_n3A, %mul3A_157 : i32
    "tpu.region"() ({
      %run_scoped3A = tpu.sem_alloc : memref<!tpu.dma_semaphore, #tpu.memory_space<semaphore_mem>>
      %dma_start3A = tpu.memref_slice %arg20[%mul3A_158, %add3A_156] : memref<16x10240xf32, #tpu.memory_space<vmem_shared>> -> memref<4x640xf32, #tpu.memory_space<vmem_shared>>
      %dma_start3A_338 = tpu.memref_slice %arg20[%mul3A_158, %add3A_156] : memref<16x10240xf32, #tpu.memory_space<vmem_shared>> -> memref<4x640xf32, #tpu.memory_space<vmem_shared>>
      tpu.enqueue_dma source(%dma_start3A_338 : memref<4x640xf32, #tpu.memory_space<vmem_shared>>) target(%arg17 : memref<4x640xf32, #tpu.memory_space<vmem>>) target_semaphore(%run_scoped3A : memref<!tpu.dma_semaphore, #tpu.memory_space<semaphore_mem>>)
      %dma_wait3A = tpu.memref_slice %arg20[%mul3A_158, %add3A_156] : memref<16x10240xf32, #tpu.memory_space<vmem_shared>> -> memref<4x640xf32, #tpu.memory_space<vmem_shared>>
      %dma_wait3A_339 = tpu.memref_slice %arg20[%mul3A_158, %add3A_156] : memref<16x10240xf32, #tpu.memory_space<vmem_shared>> -> memref<4x640xf32, #tpu.memory_space<vmem_shared>>
      tpu.wait_dma2 semaphore(%run_scoped3A : memref<!tpu.dma_semaphore, #tpu.memory_space<semaphore_mem>>) src(%dma_wait3A_339 : memref<4x640xf32, #tpu.memory_space<vmem_shared>>) dst(%arg17 : memref<4x640xf32, #tpu.memory_space<vmem>>)
      tpu.yield
    }) : () -> ()
    %scan3A_159 = arith.constant 0 : i32
    %scan3A_160 = arith.constant 0 : i32
    %scan3A_161 = arith.constant 40 : i32
    %scan3A_162 = arith.addi %scan3A_160, %scan3A_161 : i32
    %scan3A_163 = arith.constant 1 : i32
    scf.for %scan3A_338 = %scan3A_160 to %scan3A_162 step %scan3A_163  : i32 {
      %mul3A_339 = arith.constant 16 : i32
      %mul3A_340 = arith.muli %scan3A_338, %mul3A_339 : i32
      %get3A = arith.constant 0 : i32
      %get3A_341 = arith.index_cast %get3A : i32 to index
      %get3A_342 = arith.index_cast %mul3A_340 : i32 to index
      %get3A_343 = tpu.vector_load %arg17[%get3A_341, %get3A_342] {strides = array<i32>} : memref<4x640xf32, #tpu.memory_space<vmem>>, vector<16xf32>,
      %mul3A_344 = arith.constant 16 : i32
      %mul3A_345 = arith.muli %scan3A_338, %mul3A_344 : i32
      %get3A_346 = arith.constant 1 : i32
      %get3A_347 = arith.index_cast %get3A_346 : i32 to index
      %get3A_348 = arith.index_cast %mul3A_345 : i32 to index
      %get3A_349 = tpu.vector_load %arg17[%get3A_347, %get3A_348] {strides = array<i32>} : memref<4x640xf32, #tpu.memory_space<vmem>>, vector<16xf32>,
      %add3A_350 = arith.addf %get3A_343, %get3A_349 : vector<16xf32>
      %mul3A_351 = arith.constant 16 : i32
      %mul3A_352 = arith.muli %scan3A_338, %mul3A_351 : i32
      %get3A_353 = arith.constant 2 : i32
      %get3A_354 = arith.index_cast %get3A_353 : i32 to index
      %get3A_355 = arith.index_cast %mul3A_352 : i32 to index
      %get3A_356 = tpu.vector_load %arg17[%get3A_354, %get3A_355] {strides = array<i32>} : memref<4x640xf32, #tpu.memory_space<vmem>>, vector<16xf32>,
      %add3A_357 = arith.addf %add3A_350, %get3A_356 : vector<16xf32>
      %mul3A_358 = arith.constant 16 : i32
      %mul3A_359 = arith.muli %scan3A_338, %mul3A_358 : i32
      %get3A_360 = arith.constant 3 : i32
      %get3A_361 = arith.index_cast %get3A_360 : i32 to index
      %get3A_362 = arith.index_cast %mul3A_359 : i32 to index
      %get3A_363 = tpu.vector_load %arg17[%get3A_361, %get3A_362] {strides = array<i32>} : memref<4x640xf32, #tpu.memory_space<vmem>>, vector<16xf32>,
      %add3A_364 = arith.addf %add3A_357, %get3A_363 : vector<16xf32>
      %mul3A_365 = arith.constant 16 : i32
      %mul3A_366 = arith.muli %scan3A_338, %mul3A_365 : i32
      %add3A_367 = arith.addi %add3A_156, %mul3A_366 : i32
      %swap3A = arith.index_cast %add3A_367 : i32 to index
      %swap3A_368 = tpu.vector_load %arg13[%swap3A] {strides = array<i32>} : memref<10240xf32, #tpu.memory_space<vmem>>, vector<16xf32>,
      tpu.vector_store %arg13[%swap3A], %add3A_364 {strides = array<i32>} : memref<10240xf32, #tpu.memory_space<vmem>>, vector<16xf32>,
    }
    %scan3A_164 = arith.constant 40 : i32
    %add3A_165 = arith.constant 640 : i32
    %add3A_166 = arith.addi %mul3A_153, %add3A_165 : i32
    %mul3A_167 = arith.constant 4 : i32
    %mul3A_168 = arith.muli %select_n3A, %mul3A_167 : i32
    "tpu.region"() ({
      %run_scoped3A = tpu.sem_alloc : memref<!tpu.dma_semaphore, #tpu.memory_space<semaphore_mem>>
      %dma_start3A = tpu.memref_slice %arg20[%mul3A_168, %add3A_166] : memref<16x10240xf32, #tpu.memory_space<vmem_shared>> -> memref<4x640xf32, #tpu.memory_space<vmem_shared>>
      %dma_start3A_338 = tpu.memref_slice %arg20[%mul3A_168, %add3A_166] : memref<16x10240xf32, #tpu.memory_space<vmem_shared>> -> memref<4x640xf32, #tpu.memory_space<vmem_shared>>
      tpu.enqueue_dma source(%dma_start3A_338 : memref<4x640xf32, #tpu.memory_space<vmem_shared>>) target(%arg17 : memref<4x640xf32, #tpu.memory_space<vmem>>) target_semaphore(%run_scoped3A : memref<!tpu.dma_semaphore, #tpu.memory_space<semaphore_mem>>)
      %dma_wait3A = tpu.memref_slice %arg20[%mul3A_168, %add3A_166] : memref<16x10240xf32, #tpu.memory_space<vmem_shared>> -> memref<4x640xf32, #tpu.memory_space<vmem_shared>>
      %dma_wait3A_339 = tpu.memref_slice %arg20[%mul3A_168, %add3A_166] : memref<16x10240xf32, #tpu.memory_space<vmem_shared>> -> memref<4x640xf32, #tpu.memory_space<vmem_shared>>
      tpu.wait_dma2 semaphore(%run_scoped3A : memref<!tpu.dma_semaphore, #tpu.memory_space<semaphore_mem>>) src(%dma_wait3A_339 : memref<4x640xf32, #tpu.memory_space<vmem_shared>>) dst(%arg17 : memref<4x640xf32, #tpu.memory_space<vmem>>)
      tpu.yield
    }) : () -> ()
    %scan3A_169 = arith.constant 0 : i32
    %scan3A_170 = arith.constant 0 : i32
    %scan3A_171 = arith.constant 40 : i32
    %scan3A_172 = arith.addi %scan3A_170, %scan3A_171 : i32
    %scan3A_173 = arith.constant 1 : i32
    scf.for %scan3A_338 = %scan3A_170 to %scan3A_172 step %scan3A_173  : i32 {
      %mul3A_339 = arith.constant 16 : i32
      %mul3A_340 = arith.muli %scan3A_338, %mul3A_339 : i32
      %get3A = arith.constant 0 : i32
      %get3A_341 = arith.index_cast %get3A : i32 to index
      %get3A_342 = arith.index_cast %mul3A_340 : i32 to index
      %get3A_343 = tpu.vector_load %arg17[%get3A_341, %get3A_342] {strides = array<i32>} : memref<4x640xf32, #tpu.memory_space<vmem>>, vector<16xf32>,
      %mul3A_344 = arith.constant 16 : i32
      %mul3A_345 = arith.muli %scan3A_338, %mul3A_344 : i32
      %get3A_346 = arith.constant 1 : i32
      %get3A_347 = arith.index_cast %get3A_346 : i32 to index
      %get3A_348 = arith.index_cast %mul3A_345 : i32 to index
      %get3A_349 = tpu.vector_load %arg17[%get3A_347, %get3A_348] {strides = array<i32>} : memref<4x640xf32, #tpu.memory_space<vmem>>, vector<16xf32>,
      %add3A_350 = arith.addf %get3A_343, %get3A_349 : vector<16xf32>
      %mul3A_351 = arith.constant 16 : i32
      %mul3A_352 = arith.muli %scan3A_338, %mul3A_351 : i32
      %get3A_353 = arith.constant 2 : i32
      %get3A_354 = arith.index_cast %get3A_353 : i32 to index
      %get3A_355 = arith.index_cast %mul3A_352 : i32 to index
      %get3A_356 = tpu.vector_load %arg17[%get3A_354, %get3A_355] {strides = array<i32>} : memref<4x640xf32, #tpu.memory_space<vmem>>, vector<16xf32>,
      %add3A_357 = arith.addf %add3A_350, %get3A_356 : vector<16xf32>
      %mul3A_358 = arith.constant 16 : i32
      %mul3A_359 = arith.muli %scan3A_338, %mul3A_358 : i32
      %get3A_360 = arith.constant 3 : i32
      %get3A_361 = arith.index_cast %get3A_360 : i32 to index
      %get3A_362 = arith.index_cast %mul3A_359 : i32 to index
      %get3A_363 = tpu.vector_load %arg17[%get3A_361, %get3A_362] {strides = array<i32>} : memref<4x640xf32, #tpu.memory_space<vmem>>, vector<16xf32>,
      %add3A_364 = arith.addf %add3A_357, %get3A_363 : vector<16xf32>
      %mul3A_365 = arith.constant 16 : i32
      %mul3A_366 = arith.muli %scan3A_338, %mul3A_365 : i32
      %add3A_367 = arith.addi %add3A_166, %mul3A_366 : i32
      %swap3A = arith.index_cast %add3A_367 : i32 to index
      %swap3A_368 = tpu.vector_load %arg13[%swap3A] {strides = array<i32>} : memref<10240xf32, #tpu.memory_space<vmem>>, vector<16xf32>,
      tpu.vector_store %arg13[%swap3A], %add3A_364 {strides = array<i32>} : memref<10240xf32, #tpu.memory_space<vmem>>, vector<16xf32>,
    }
    %scan3A_174 = arith.constant 40 : i32
    %add3A_175 = arith.constant 1280 : i32
    %add3A_176 = arith.addi %mul3A_153, %add3A_175 : i32
    %mul3A_177 = arith.constant 4 : i32
    %mul3A_178 = arith.muli %select_n3A, %mul3A_177 : i32
    "tpu.region"() ({
      %run_scoped3A = tpu.sem_alloc : memref<!tpu.dma_semaphore, #tpu.memory_space<semaphore_mem>>
      %dma_start3A = tpu.memref_slice %arg20[%mul3A_178, %add3A_176] : memref<16x10240xf32, #tpu.memory_space<vmem_shared>> -> memref<4x640xf32, #tpu.memory_space<vmem_shared>>
      %dma_start3A_338 = tpu.memref_slice %arg20[%mul3A_178, %add3A_176] : memref<16x10240xf32, #tpu.memory_space<vmem_shared>> -> memref<4x640xf32, #tpu.memory_space<vmem_shared>>
      tpu.enqueue_dma source(%dma_start3A_338 : memref<4x640xf32, #tpu.memory_space<vmem_shared>>) target(%arg17 : memref<4x640xf32, #tpu.memory_space<vmem>>) target_semaphore(%run_scoped3A : memref<!tpu.dma_semaphore, #tpu.memory_space<semaphore_mem>>)
      %dma_wait3A = tpu.memref_slice %arg20[%mul3A_178, %add3A_176] : memref<16x10240xf32, #tpu.memory_space<vmem_shared>> -> memref<4x640xf32, #tpu.memory_space<vmem_shared>>
      %dma_wait3A_339 = tpu.memref_slice %arg20[%mul3A_178, %add3A_176] : memref<16x10240xf32, #tpu.memory_space<vmem_shared>> -> memref<4x640xf32, #tpu.memory_space<vmem_shared>>
      tpu.wait_dma2 semaphore(%run_scoped3A : memref<!tpu.dma_semaphore, #tpu.memory_space<semaphore_mem>>) src(%dma_wait3A_339 : memref<4x640xf32, #tpu.memory_space<vmem_shared>>) dst(%arg17 : memref<4x640xf32, #tpu.memory_space<vmem>>)
      tpu.yield
    }) : () -> ()
    %scan3A_179 = arith.constant 0 : i32
    %scan3A_180 = arith.constant 0 : i32
    %scan3A_181 = arith.constant 40 : i32
    %scan3A_182 = arith.addi %scan3A_180, %scan3A_181 : i32
    %scan3A_183 = arith.constant 1 : i32
    scf.for %scan3A_338 = %scan3A_180 to %scan3A_182 step %scan3A_183  : i32 {
      %mul3A_339 = arith.constant 16 : i32
      %mul3A_340 = arith.muli %scan3A_338, %mul3A_339 : i32
      %get3A = arith.constant 0 : i32
      %get3A_341 = arith.index_cast %get3A : i32 to index
      %get3A_342 = arith.index_cast %mul3A_340 : i32 to index
      %get3A_343 = tpu.vector_load %arg17[%get3A_341, %get3A_342] {strides = array<i32>} : memref<4x640xf32, #tpu.memory_space<vmem>>, vector<16xf32>,
      %mul3A_344 = arith.constant 16 : i32
      %mul3A_345 = arith.muli %scan3A_338, %mul3A_344 : i32
      %get3A_346 = arith.constant 1 : i32
      %get3A_347 = arith.index_cast %get3A_346 : i32 to index
      %get3A_348 = arith.index_cast %mul3A_345 : i32 to index
      %get3A_349 = tpu.vector_load %arg17[%get3A_347, %get3A_348] {strides = array<i32>} : memref<4x640xf32, #tpu.memory_space<vmem>>, vector<16xf32>,
      %add3A_350 = arith.addf %get3A_343, %get3A_349 : vector<16xf32>
      %mul3A_351 = arith.constant 16 : i32
      %mul3A_352 = arith.muli %scan3A_338, %mul3A_351 : i32
      %get3A_353 = arith.constant 2 : i32
      %get3A_354 = arith.index_cast %get3A_353 : i32 to index
      %get3A_355 = arith.index_cast %mul3A_352 : i32 to index
      %get3A_356 = tpu.vector_load %arg17[%get3A_354, %get3A_355] {strides = array<i32>} : memref<4x640xf32, #tpu.memory_space<vmem>>, vector<16xf32>,
      %add3A_357 = arith.addf %add3A_350, %get3A_356 : vector<16xf32>
      %mul3A_358 = arith.constant 16 : i32
      %mul3A_359 = arith.muli %scan3A_338, %mul3A_358 : i32
      %get3A_360 = arith.constant 3 : i32
      %get3A_361 = arith.index_cast %get3A_360 : i32 to index
      %get3A_362 = arith.index_cast %mul3A_359 : i32 to index
      %get3A_363 = tpu.vector_load %arg17[%get3A_361, %get3A_362] {strides = array<i32>} : memref<4x640xf32, #tpu.memory_space<vmem>>, vector<16xf32>,
      %add3A_364 = arith.addf %add3A_357, %get3A_363 : vector<16xf32>
      %mul3A_365 = arith.constant 16 : i32
      %mul3A_366 = arith.muli %scan3A_338, %mul3A_365 : i32
      %add3A_367 = arith.addi %add3A_176, %mul3A_366 : i32
      %swap3A = arith.index_cast %add3A_367 : i32 to index
      %swap3A_368 = tpu.vector_load %arg13[%swap3A] {strides = array<i32>} : memref<10240xf32, #tpu.memory_space<vmem>>, vector<16xf32>,
      tpu.vector_store %arg13[%swap3A], %add3A_364 {strides = array<i32>} : memref<10240xf32, #tpu.memory_space<vmem>>, vector<16xf32>,
    }
    %scan3A_184 = arith.constant 40 : i32
    %add3A_185 = arith.constant 1920 : i32
    %add3A_186 = arith.addi %mul3A_153, %add3A_185 : i32
    %mul3A_187 = arith.constant 4 : i32
    %mul3A_188 = arith.muli %select_n3A, %mul3A_187 : i32
    "tpu.region"() ({
      %run_scoped3A = tpu.sem_alloc : memref<!tpu.dma_semaphore, #tpu.memory_space<semaphore_mem>>
      %dma_start3A = tpu.memref_slice %arg20[%mul3A_188, %add3A_186] : memref<16x10240xf32, #tpu.memory_space<vmem_shared>> -> memref<4x640xf32, #tpu.memory_space<vmem_shared>>
      %dma_start3A_338 = tpu.memref_slice %arg20[%mul3A_188, %add3A_186] : memref<16x10240xf32, #tpu.memory_space<vmem_shared>> -> memref<4x640xf32, #tpu.memory_space<vmem_shared>>
      tpu.enqueue_dma source(%dma_start3A_338 : memref<4x640xf32, #tpu.memory_space<vmem_shared>>) target(%arg17 : memref<4x640xf32, #tpu.memory_space<vmem>>) target_semaphore(%run_scoped3A : memref<!tpu.dma_semaphore, #tpu.memory_space<semaphore_mem>>)
      %dma_wait3A = tpu.memref_slice %arg20[%mul3A_188, %add3A_186] : memref<16x10240xf32, #tpu.memory_space<vmem_shared>> -> memref<4x640xf32, #tpu.memory_space<vmem_shared>>
      %dma_wait3A_339 = tpu.memref_slice %arg20[%mul3A_188, %add3A_186] : memref<16x10240xf32, #tpu.memory_space<vmem_shared>> -> memref<4x640xf32, #tpu.memory_space<vmem_shared>>
      tpu.wait_dma2 semaphore(%run_scoped3A : memref<!tpu.dma_semaphore, #tpu.memory_space<semaphore_mem>>) src(%dma_wait3A_339 : memref<4x640xf32, #tpu.memory_space<vmem_shared>>) dst(%arg17 : memref<4x640xf32, #tpu.memory_space<vmem>>)
      tpu.yield
    }) : () -> ()
    %scan3A_189 = arith.constant 0 : i32
    %scan3A_190 = arith.constant 0 : i32
    %scan3A_191 = arith.constant 40 : i32
    %scan3A_192 = arith.addi %scan3A_190, %scan3A_191 : i32
    %scan3A_193 = arith.constant 1 : i32
    scf.for %scan3A_338 = %scan3A_190 to %scan3A_192 step %scan3A_193  : i32 {
      %mul3A_339 = arith.constant 16 : i32
      %mul3A_340 = arith.muli %scan3A_338, %mul3A_339 : i32
      %get3A = arith.constant 0 : i32
      %get3A_341 = arith.index_cast %get3A : i32 to index
      %get3A_342 = arith.index_cast %mul3A_340 : i32 to index
      %get3A_343 = tpu.vector_load %arg17[%get3A_341, %get3A_342] {strides = array<i32>} : memref<4x640xf32, #tpu.memory_space<vmem>>, vector<16xf32>,
      %mul3A_344 = arith.constant 16 : i32
      %mul3A_345 = arith.muli %scan3A_338, %mul3A_344 : i32
      %get3A_346 = arith.constant 1 : i32
      %get3A_347 = arith.index_cast %get3A_346 : i32 to index
      %get3A_348 = arith.index_cast %mul3A_345 : i32 to index
      %get3A_349 = tpu.vector_load %arg17[%get3A_347, %get3A_348] {strides = array<i32>} : memref<4x640xf32, #tpu.memory_space<vmem>>, vector<16xf32>,
      %add3A_350 = arith.addf %get3A_343, %get3A_349 : vector<16xf32>
      %mul3A_351 = arith.constant 16 : i32
      %mul3A_352 = arith.muli %scan3A_338, %mul3A_351 : i32
      %get3A_353 = arith.constant 2 : i32
      %get3A_354 = arith.index_cast %get3A_353 : i32 to index
      %get3A_355 = arith.index_cast %mul3A_352 : i32 to index
      %get3A_356 = tpu.vector_load %arg17[%get3A_354, %get3A_355] {strides = array<i32>} : memref<4x640xf32, #tpu.memory_space<vmem>>, vector<16xf32>,
      %add3A_357 = arith.addf %add3A_350, %get3A_356 : vector<16xf32>
      %mul3A_358 = arith.constant 16 : i32
      %mul3A_359 = arith.muli %scan3A_338, %mul3A_358 : i32
      %get3A_360 = arith.constant 3 : i32
      %get3A_361 = arith.index_cast %get3A_360 : i32 to index
      %get3A_362 = arith.index_cast %mul3A_359 : i32 to index
      %get3A_363 = tpu.vector_load %arg17[%get3A_361, %get3A_362] {strides = array<i32>} : memref<4x640xf32, #tpu.memory_space<vmem>>, vector<16xf32>,
      %add3A_364 = arith.addf %add3A_357, %get3A_363 : vector<16xf32>
      %mul3A_365 = arith.constant 16 : i32
      %mul3A_366 = arith.muli %scan3A_338, %mul3A_365 : i32
      %add3A_367 = arith.addi %add3A_186, %mul3A_366 : i32
      %swap3A = arith.index_cast %add3A_367 : i32 to index
      %swap3A_368 = tpu.vector_load %arg13[%swap3A] {strides = array<i32>} : memref<10240xf32, #tpu.memory_space<vmem>>, vector<16xf32>,
      tpu.vector_store %arg13[%swap3A], %add3A_364 {strides = array<i32>} : memref<10240xf32, #tpu.memory_space<vmem>>, vector<16xf32>,
    }
    %scan3A_194 = arith.constant 40 : i32
    %mul3A_195 = arith.constant 4 : i32
    %mul3A_196 = arith.muli %select_n3A, %mul3A_195 : i32
    %add3A_197 = arith.constant 0 : i32
    %add3A_198 = arith.addi %mul3A_196, %add3A_197 : i32
    "tpu.region"() ({
      %run_scoped3A = tpu.sem_alloc : memref<!tpu.dma_semaphore, #tpu.memory_space<semaphore_mem>>
      %dma_start3A = tpu.memref_slice %arg13[%mul3A_153] : memref<10240xf32, #tpu.memory_space<vmem>> -> memref<2560xf32, #tpu.memory_space<vmem>>
      %dma_start3A_338 = tpu.memref_slice %arg6[%arg0, %add3A_198, %mul3A_153] : memref<2x16x10240xf32, #tpu.memory_space<hbm>> -> memref<1x1x2560xf32, #tpu.memory_space<hbm>>
      %dma_start3A_339 = tpu.memref_squeeze %dma_start3A_338 : memref<1x1x2560xf32, #tpu.memory_space<hbm>> -> memref<2560xf32, #tpu.memory_space<hbm>>
      %dma_start3A_340 = tpu.memref_slice %arg6[%arg0, %add3A_198, %mul3A_153] : memref<2x16x10240xf32, #tpu.memory_space<hbm>> -> memref<1x1x2560xf32, #tpu.memory_space<hbm>>
      %dma_start3A_341 = tpu.memref_squeeze %dma_start3A_340 : memref<1x1x2560xf32, #tpu.memory_space<hbm>> -> memref<2560xf32, #tpu.memory_space<hbm>>
      %dma_start3A_342 = tpu.memref_slice %arg13[%mul3A_153] : memref<10240xf32, #tpu.memory_space<vmem>> -> memref<2560xf32, #tpu.memory_space<vmem>>
      tpu.enqueue_dma source(%dma_start3A_342 : memref<2560xf32, #tpu.memory_space<vmem>>) target(%dma_start3A_341 : memref<2560xf32, #tpu.memory_space<hbm>>) target_semaphore(%run_scoped3A : memref<!tpu.dma_semaphore, #tpu.memory_space<semaphore_mem>>)
      %dma_wait3A = tpu.memref_slice %arg13[%mul3A_153] : memref<10240xf32, #tpu.memory_space<vmem>> -> memref<2560xf32, #tpu.memory_space<vmem>>
      %dma_wait3A_343 = tpu.memref_slice %arg6[%arg0, %add3A_198, %mul3A_153] : memref<2x16x10240xf32, #tpu.memory_space<hbm>> -> memref<1x1x2560xf32, #tpu.memory_space<hbm>>
      %dma_wait3A_344 = tpu.memref_squeeze %dma_wait3A_343 : memref<1x1x2560xf32, #tpu.memory_space<hbm>> -> memref<2560xf32, #tpu.memory_space<hbm>>
      %dma_wait3A_345 = tpu.memref_slice %arg6[%arg0, %add3A_198, %mul3A_153] : memref<2x16x10240xf32, #tpu.memory_space<hbm>> -> memref<1x1x2560xf32, #tpu.memory_space<hbm>>
      %dma_wait3A_346 = tpu.memref_squeeze %dma_wait3A_345 : memref<1x1x2560xf32, #tpu.memory_space<hbm>> -> memref<2560xf32, #tpu.memory_space<hbm>>
      %dma_wait3A_347 = tpu.memref_slice %arg13[%mul3A_153] : memref<10240xf32, #tpu.memory_space<vmem>> -> memref<2560xf32, #tpu.memory_space<vmem>>
      tpu.wait_dma2 semaphore(%run_scoped3A : memref<!tpu.dma_semaphore, #tpu.memory_space<semaphore_mem>>) src(%dma_wait3A_347 : memref<2560xf32, #tpu.memory_space<vmem>>) dst(%dma_wait3A_346 : memref<2560xf32, #tpu.memory_space<hbm>>)
      tpu.yield
    }) : () -> ()
    %barrier3A_199 = arith.constant 0 : index
    tpu.barrier barrier_id(%barrier3A_199)
    "tpu.region"() ({
      %run_scoped3A = tpu.sem_alloc : memref<!tpu.dma_semaphore, #tpu.memory_space<semaphore_mem>>
      %dma_start3A = arith.constant 0 : i32
      %dma_start3A_338 = tpu.memref_slice %arg20[%arg1, %dma_start3A] : memref<16x10240xf32, #tpu.memory_space<vmem_shared>> -> memref<1x10240xf32, #tpu.memory_space<vmem_shared>>
      %dma_start3A_339 = tpu.memref_squeeze %dma_start3A_338 : memref<1x10240xf32, #tpu.memory_space<vmem_shared>> -> memref<10240xf32, #tpu.memory_space<vmem_shared>>
      %dma_start3A_340 = arith.constant 0 : i32
      %dma_start3A_341 = tpu.memref_slice %arg20[%arg1, %dma_start3A_340] : memref<16x10240xf32, #tpu.memory_space<vmem_shared>> -> memref<1x10240xf32, #tpu.memory_space<vmem_shared>>
      %dma_start3A_342 = tpu.memref_squeeze %dma_start3A_341 : memref<1x10240xf32, #tpu.memory_space<vmem_shared>> -> memref<10240xf32, #tpu.memory_space<vmem_shared>>
      tpu.enqueue_dma source(%arg14 : memref<10240xf32, #tpu.memory_space<vmem>>) target(%dma_start3A_342 : memref<10240xf32, #tpu.memory_space<vmem_shared>>) target_semaphore(%run_scoped3A : memref<!tpu.dma_semaphore, #tpu.memory_space<semaphore_mem>>)
      %dma_wait3A = arith.constant 0 : i32
      %dma_wait3A_343 = tpu.memref_slice %arg20[%arg1, %dma_wait3A] : memref<16x10240xf32, #tpu.memory_space<vmem_shared>> -> memref<1x10240xf32, #tpu.memory_space<vmem_shared>>
      %dma_wait3A_344 = tpu.memref_squeeze %dma_wait3A_343 : memref<1x10240xf32, #tpu.memory_space<vmem_shared>> -> memref<10240xf32, #tpu.memory_space<vmem_shared>>
      %dma_wait3A_345 = arith.constant 0 : i32
      %dma_wait3A_346 = tpu.memref_slice %arg20[%arg1, %dma_wait3A_345] : memref<16x10240xf32, #tpu.memory_space<vmem_shared>> -> memref<1x10240xf32, #tpu.memory_space<vmem_shared>>
      %dma_wait3A_347 = tpu.memref_squeeze %dma_wait3A_346 : memref<1x10240xf32, #tpu.memory_space<vmem_shared>> -> memref<10240xf32, #tpu.memory_space<vmem_shared>>
      tpu.wait_dma2 semaphore(%run_scoped3A : memref<!tpu.dma_semaphore, #tpu.memory_space<semaphore_mem>>) src(%arg14 : memref<10240xf32, #tpu.memory_space<vmem>>) dst(%dma_wait3A_347 : memref<10240xf32, #tpu.memory_space<vmem_shared>>)
      tpu.yield
    }) : () -> ()
    %barrier3A_200 = arith.constant 0 : index
    tpu.barrier barrier_id(%barrier3A_200)
    %add3A_201 = arith.constant 0 : i32
    %add3A_202 = arith.addi %mul3A_153, %add3A_201 : i32
    %mul3A_203 = arith.constant 4 : i32
    %mul3A_204 = arith.muli %select_n3A, %mul3A_203 : i32
    "tpu.region"() ({
      %run_scoped3A = tpu.sem_alloc : memref<!tpu.dma_semaphore, #tpu.memory_space<semaphore_mem>>
      %dma_start3A = tpu.memref_slice %arg20[%mul3A_204, %add3A_202] : memref<16x10240xf32, #tpu.memory_space<vmem_shared>> -> memref<4x640xf32, #tpu.memory_space<vmem_shared>>
      %dma_start3A_338 = tpu.memref_slice %arg20[%mul3A_204, %add3A_202] : memref<16x10240xf32, #tpu.memory_space<vmem_shared>> -> memref<4x640xf32, #tpu.memory_space<vmem_shared>>
      tpu.enqueue_dma source(%dma_start3A_338 : memref<4x640xf32, #tpu.memory_space<vmem_shared>>) target(%arg17 : memref<4x640xf32, #tpu.memory_space<vmem>>) target_semaphore(%run_scoped3A : memref<!tpu.dma_semaphore, #tpu.memory_space<semaphore_mem>>)
      %dma_wait3A = tpu.memref_slice %arg20[%mul3A_204, %add3A_202] : memref<16x10240xf32, #tpu.memory_space<vmem_shared>> -> memref<4x640xf32, #tpu.memory_space<vmem_shared>>
      %dma_wait3A_339 = tpu.memref_slice %arg20[%mul3A_204, %add3A_202] : memref<16x10240xf32, #tpu.memory_space<vmem_shared>> -> memref<4x640xf32, #tpu.memory_space<vmem_shared>>
      tpu.wait_dma2 semaphore(%run_scoped3A : memref<!tpu.dma_semaphore, #tpu.memory_space<semaphore_mem>>) src(%dma_wait3A_339 : memref<4x640xf32, #tpu.memory_space<vmem_shared>>) dst(%arg17 : memref<4x640xf32, #tpu.memory_space<vmem>>)
      tpu.yield
    }) : () -> ()
    %scan3A_205 = arith.constant 0 : i32
    %scan3A_206 = arith.constant 0 : i32
    %scan3A_207 = arith.constant 40 : i32
    %scan3A_208 = arith.addi %scan3A_206, %scan3A_207 : i32
    %scan3A_209 = arith.constant 1 : i32
    scf.for %scan3A_338 = %scan3A_206 to %scan3A_208 step %scan3A_209  : i32 {
      %mul3A_339 = arith.constant 16 : i32
      %mul3A_340 = arith.muli %scan3A_338, %mul3A_339 : i32
      %get3A = arith.constant 0 : i32
      %get3A_341 = arith.index_cast %get3A : i32 to index
      %get3A_342 = arith.index_cast %mul3A_340 : i32 to index
      %get3A_343 = tpu.vector_load %arg17[%get3A_341, %get3A_342] {strides = array<i32>} : memref<4x640xf32, #tpu.memory_space<vmem>>, vector<16xf32>,
      %mul3A_344 = arith.constant 16 : i32
      %mul3A_345 = arith.muli %scan3A_338, %mul3A_344 : i32
      %get3A_346 = arith.constant 1 : i32
      %get3A_347 = arith.index_cast %get3A_346 : i32 to index
      %get3A_348 = arith.index_cast %mul3A_345 : i32 to index
      %get3A_349 = tpu.vector_load %arg17[%get3A_347, %get3A_348] {strides = array<i32>} : memref<4x640xf32, #tpu.memory_space<vmem>>, vector<16xf32>,
      %add3A_350 = arith.addf %get3A_343, %get3A_349 : vector<16xf32>
      %mul3A_351 = arith.constant 16 : i32
      %mul3A_352 = arith.muli %scan3A_338, %mul3A_351 : i32
      %get3A_353 = arith.constant 2 : i32
      %get3A_354 = arith.index_cast %get3A_353 : i32 to index
      %get3A_355 = arith.index_cast %mul3A_352 : i32 to index
      %get3A_356 = tpu.vector_load %arg17[%get3A_354, %get3A_355] {strides = array<i32>} : memref<4x640xf32, #tpu.memory_space<vmem>>, vector<16xf32>,
      %add3A_357 = arith.addf %add3A_350, %get3A_356 : vector<16xf32>
      %mul3A_358 = arith.constant 16 : i32
      %mul3A_359 = arith.muli %scan3A_338, %mul3A_358 : i32
      %get3A_360 = arith.constant 3 : i32
      %get3A_361 = arith.index_cast %get3A_360 : i32 to index
      %get3A_362 = arith.index_cast %mul3A_359 : i32 to index
      %get3A_363 = tpu.vector_load %arg17[%get3A_361, %get3A_362] {strides = array<i32>} : memref<4x640xf32, #tpu.memory_space<vmem>>, vector<16xf32>,
      %add3A_364 = arith.addf %add3A_357, %get3A_363 : vector<16xf32>
      %mul3A_365 = arith.constant 16 : i32
      %mul3A_366 = arith.muli %scan3A_338, %mul3A_365 : i32
      %add3A_367 = arith.addi %add3A_202, %mul3A_366 : i32
      %swap3A = arith.index_cast %add3A_367 : i32 to index
      %swap3A_368 = tpu.vector_load %arg14[%swap3A] {strides = array<i32>} : memref<10240xf32, #tpu.memory_space<vmem>>, vector<16xf32>,
      tpu.vector_store %arg14[%swap3A], %add3A_364 {strides = array<i32>} : memref<10240xf32, #tpu.memory_space<vmem>>, vector<16xf32>,
    }
    %scan3A_210 = arith.constant 40 : i32
    %add3A_211 = arith.constant 640 : i32
    %add3A_212 = arith.addi %mul3A_153, %add3A_211 : i32
    %mul3A_213 = arith.constant 4 : i32
    %mul3A_214 = arith.muli %select_n3A, %mul3A_213 : i32
    "tpu.region"() ({
      %run_scoped3A = tpu.sem_alloc : memref<!tpu.dma_semaphore, #tpu.memory_space<semaphore_mem>>
      %dma_start3A = tpu.memref_slice %arg20[%mul3A_214, %add3A_212] : memref<16x10240xf32, #tpu.memory_space<vmem_shared>> -> memref<4x640xf32, #tpu.memory_space<vmem_shared>>
      %dma_start3A_338 = tpu.memref_slice %arg20[%mul3A_214, %add3A_212] : memref<16x10240xf32, #tpu.memory_space<vmem_shared>> -> memref<4x640xf32, #tpu.memory_space<vmem_shared>>
      tpu.enqueue_dma source(%dma_start3A_338 : memref<4x640xf32, #tpu.memory_space<vmem_shared>>) target(%arg17 : memref<4x640xf32, #tpu.memory_space<vmem>>) target_semaphore(%run_scoped3A : memref<!tpu.dma_semaphore, #tpu.memory_space<semaphore_mem>>)
      %dma_wait3A = tpu.memref_slice %arg20[%mul3A_214, %add3A_212] : memref<16x10240xf32, #tpu.memory_space<vmem_shared>> -> memref<4x640xf32, #tpu.memory_space<vmem_shared>>
      %dma_wait3A_339 = tpu.memref_slice %arg20[%mul3A_214, %add3A_212] : memref<16x10240xf32, #tpu.memory_space<vmem_shared>> -> memref<4x640xf32, #tpu.memory_space<vmem_shared>>
      tpu.wait_dma2 semaphore(%run_scoped3A : memref<!tpu.dma_semaphore, #tpu.memory_space<semaphore_mem>>) src(%dma_wait3A_339 : memref<4x640xf32, #tpu.memory_space<vmem_shared>>) dst(%arg17 : memref<4x640xf32, #tpu.memory_space<vmem>>)
      tpu.yield
    }) : () -> ()
    %scan3A_215 = arith.constant 0 : i32
    %scan3A_216 = arith.constant 0 : i32
    %scan3A_217 = arith.constant 40 : i32
    %scan3A_218 = arith.addi %scan3A_216, %scan3A_217 : i32
    %scan3A_219 = arith.constant 1 : i32
    scf.for %scan3A_338 = %scan3A_216 to %scan3A_218 step %scan3A_219  : i32 {
      %mul3A_339 = arith.constant 16 : i32
      %mul3A_340 = arith.muli %scan3A_338, %mul3A_339 : i32
      %get3A = arith.constant 0 : i32
      %get3A_341 = arith.index_cast %get3A : i32 to index
      %get3A_342 = arith.index_cast %mul3A_340 : i32 to index
      %get3A_343 = tpu.vector_load %arg17[%get3A_341, %get3A_342] {strides = array<i32>} : memref<4x640xf32, #tpu.memory_space<vmem>>, vector<16xf32>,
      %mul3A_344 = arith.constant 16 : i32
      %mul3A_345 = arith.muli %scan3A_338, %mul3A_344 : i32
      %get3A_346 = arith.constant 1 : i32
      %get3A_347 = arith.index_cast %get3A_346 : i32 to index
      %get3A_348 = arith.index_cast %mul3A_345 : i32 to index
      %get3A_349 = tpu.vector_load %arg17[%get3A_347, %get3A_348] {strides = array<i32>} : memref<4x640xf32, #tpu.memory_space<vmem>>, vector<16xf32>,
      %add3A_350 = arith.addf %get3A_343, %get3A_349 : vector<16xf32>
      %mul3A_351 = arith.constant 16 : i32
      %mul3A_352 = arith.muli %scan3A_338, %mul3A_351 : i32
      %get3A_353 = arith.constant 2 : i32
      %get3A_354 = arith.index_cast %get3A_353 : i32 to index
      %get3A_355 = arith.index_cast %mul3A_352 : i32 to index
      %get3A_356 = tpu.vector_load %arg17[%get3A_354, %get3A_355] {strides = array<i32>} : memref<4x640xf32, #tpu.memory_space<vmem>>, vector<16xf32>,
      %add3A_357 = arith.addf %add3A_350, %get3A_356 : vector<16xf32>
      %mul3A_358 = arith.constant 16 : i32
      %mul3A_359 = arith.muli %scan3A_338, %mul3A_358 : i32
      %get3A_360 = arith.constant 3 : i32
      %get3A_361 = arith.index_cast %get3A_360 : i32 to index
      %get3A_362 = arith.index_cast %mul3A_359 : i32 to index
      %get3A_363 = tpu.vector_load %arg17[%get3A_361, %get3A_362] {strides = array<i32>} : memref<4x640xf32, #tpu.memory_space<vmem>>, vector<16xf32>,
      %add3A_364 = arith.addf %add3A_357, %get3A_363 : vector<16xf32>
      %mul3A_365 = arith.constant 16 : i32
      %mul3A_366 = arith.muli %scan3A_338, %mul3A_365 : i32
      %add3A_367 = arith.addi %add3A_212, %mul3A_366 : i32
      %swap3A = arith.index_cast %add3A_367 : i32 to index
      %swap3A_368 = tpu.vector_load %arg14[%swap3A] {strides = array<i32>} : memref<10240xf32, #tpu.memory_space<vmem>>, vector<16xf32>,
      tpu.vector_store %arg14[%swap3A], %add3A_364 {strides = array<i32>} : memref<10240xf32, #tpu.memory_space<vmem>>, vector<16xf32>,
    }
    %scan3A_220 = arith.constant 40 : i32
    %add3A_221 = arith.constant 1280 : i32
    %add3A_222 = arith.addi %mul3A_153, %add3A_221 : i32
    %mul3A_223 = arith.constant 4 : i32
    %mul3A_224 = arith.muli %select_n3A, %mul3A_223 : i32
    "tpu.region"() ({
      %run_scoped3A = tpu.sem_alloc : memref<!tpu.dma_semaphore, #tpu.memory_space<semaphore_mem>>
      %dma_start3A = tpu.memref_slice %arg20[%mul3A_224, %add3A_222] : memref<16x10240xf32, #tpu.memory_space<vmem_shared>> -> memref<4x640xf32, #tpu.memory_space<vmem_shared>>
      %dma_start3A_338 = tpu.memref_slice %arg20[%mul3A_224, %add3A_222] : memref<16x10240xf32, #tpu.memory_space<vmem_shared>> -> memref<4x640xf32, #tpu.memory_space<vmem_shared>>
      tpu.enqueue_dma source(%dma_start3A_338 : memref<4x640xf32, #tpu.memory_space<vmem_shared>>) target(%arg17 : memref<4x640xf32, #tpu.memory_space<vmem>>) target_semaphore(%run_scoped3A : memref<!tpu.dma_semaphore, #tpu.memory_space<semaphore_mem>>)
      %dma_wait3A = tpu.memref_slice %arg20[%mul3A_224, %add3A_222] : memref<16x10240xf32, #tpu.memory_space<vmem_shared>> -> memref<4x640xf32, #tpu.memory_space<vmem_shared>>
      %dma_wait3A_339 = tpu.memref_slice %arg20[%mul3A_224, %add3A_222] : memref<16x10240xf32, #tpu.memory_space<vmem_shared>> -> memref<4x640xf32, #tpu.memory_space<vmem_shared>>
      tpu.wait_dma2 semaphore(%run_scoped3A : memref<!tpu.dma_semaphore, #tpu.memory_space<semaphore_mem>>) src(%dma_wait3A_339 : memref<4x640xf32, #tpu.memory_space<vmem_shared>>) dst(%arg17 : memref<4x640xf32, #tpu.memory_space<vmem>>)
      tpu.yield
    }) : () -> ()
    %scan3A_225 = arith.constant 0 : i32
    %scan3A_226 = arith.constant 0 : i32
    %scan3A_227 = arith.constant 40 : i32
    %scan3A_228 = arith.addi %scan3A_226, %scan3A_227 : i32
    %scan3A_229 = arith.constant 1 : i32
    scf.for %scan3A_338 = %scan3A_226 to %scan3A_228 step %scan3A_229  : i32 {
      %mul3A_339 = arith.constant 16 : i32
      %mul3A_340 = arith.muli %scan3A_338, %mul3A_339 : i32
      %get3A = arith.constant 0 : i32
      %get3A_341 = arith.index_cast %get3A : i32 to index
      %get3A_342 = arith.index_cast %mul3A_340 : i32 to index
      %get3A_343 = tpu.vector_load %arg17[%get3A_341, %get3A_342] {strides = array<i32>} : memref<4x640xf32, #tpu.memory_space<vmem>>, vector<16xf32>,
      %mul3A_344 = arith.constant 16 : i32
      %mul3A_345 = arith.muli %scan3A_338, %mul3A_344 : i32
      %get3A_346 = arith.constant 1 : i32
      %get3A_347 = arith.index_cast %get3A_346 : i32 to index
      %get3A_348 = arith.index_cast %mul3A_345 : i32 to index
      %get3A_349 = tpu.vector_load %arg17[%get3A_347, %get3A_348] {strides = array<i32>} : memref<4x640xf32, #tpu.memory_space<vmem>>, vector<16xf32>,
      %add3A_350 = arith.addf %get3A_343, %get3A_349 : vector<16xf32>
      %mul3A_351 = arith.constant 16 : i32
      %mul3A_352 = arith.muli %scan3A_338, %mul3A_351 : i32
      %get3A_353 = arith.constant 2 : i32
      %get3A_354 = arith.index_cast %get3A_353 : i32 to index
      %get3A_355 = arith.index_cast %mul3A_352 : i32 to index
      %get3A_356 = tpu.vector_load %arg17[%get3A_354, %get3A_355] {strides = array<i32>} : memref<4x640xf32, #tpu.memory_space<vmem>>, vector<16xf32>,
      %add3A_357 = arith.addf %add3A_350, %get3A_356 : vector<16xf32>
      %mul3A_358 = arith.constant 16 : i32
      %mul3A_359 = arith.muli %scan3A_338, %mul3A_358 : i32
      %get3A_360 = arith.constant 3 : i32
      %get3A_361 = arith.index_cast %get3A_360 : i32 to index
      %get3A_362 = arith.index_cast %mul3A_359 : i32 to index
      %get3A_363 = tpu.vector_load %arg17[%get3A_361, %get3A_362] {strides = array<i32>} : memref<4x640xf32, #tpu.memory_space<vmem>>, vector<16xf32>,
      %add3A_364 = arith.addf %add3A_357, %get3A_363 : vector<16xf32>
      %mul3A_365 = arith.constant 16 : i32
      %mul3A_366 = arith.muli %scan3A_338, %mul3A_365 : i32
      %add3A_367 = arith.addi %add3A_222, %mul3A_366 : i32
      %swap3A = arith.index_cast %add3A_367 : i32 to index
      %swap3A_368 = tpu.vector_load %arg14[%swap3A] {strides = array<i32>} : memref<10240xf32, #tpu.memory_space<vmem>>, vector<16xf32>,
      tpu.vector_store %arg14[%swap3A], %add3A_364 {strides = array<i32>} : memref<10240xf32, #tpu.memory_space<vmem>>, vector<16xf32>,
    }
    %scan3A_230 = arith.constant 40 : i32
    %add3A_231 = arith.constant 1920 : i32
    %add3A_232 = arith.addi %mul3A_153, %add3A_231 : i32
    %mul3A_233 = arith.constant 4 : i32
    %mul3A_234 = arith.muli %select_n3A, %mul3A_233 : i32
    "tpu.region"() ({
      %run_scoped3A = tpu.sem_alloc : memref<!tpu.dma_semaphore, #tpu.memory_space<semaphore_mem>>
      %dma_start3A = tpu.memref_slice %arg20[%mul3A_234, %add3A_232] : memref<16x10240xf32, #tpu.memory_space<vmem_shared>> -> memref<4x640xf32, #tpu.memory_space<vmem_shared>>
      %dma_start3A_338 = tpu.memref_slice %arg20[%mul3A_234, %add3A_232] : memref<16x10240xf32, #tpu.memory_space<vmem_shared>> -> memref<4x640xf32, #tpu.memory_space<vmem_shared>>
      tpu.enqueue_dma source(%dma_start3A_338 : memref<4x640xf32, #tpu.memory_space<vmem_shared>>) target(%arg17 : memref<4x640xf32, #tpu.memory_space<vmem>>) target_semaphore(%run_scoped3A : memref<!tpu.dma_semaphore, #tpu.memory_space<semaphore_mem>>)
      %dma_wait3A = tpu.memref_slice %arg20[%mul3A_234, %add3A_232] : memref<16x10240xf32, #tpu.memory_space<vmem_shared>> -> memref<4x640xf32, #tpu.memory_space<vmem_shared>>
      %dma_wait3A_339 = tpu.memref_slice %arg20[%mul3A_234, %add3A_232] : memref<16x10240xf32, #tpu.memory_space<vmem_shared>> -> memref<4x640xf32, #tpu.memory_space<vmem_shared>>
      tpu.wait_dma2 semaphore(%run_scoped3A : memref<!tpu.dma_semaphore, #tpu.memory_space<semaphore_mem>>) src(%dma_wait3A_339 : memref<4x640xf32, #tpu.memory_space<vmem_shared>>) dst(%arg17 : memref<4x640xf32, #tpu.memory_space<vmem>>)
      tpu.yield
    }) : () -> ()
    %scan3A_235 = arith.constant 0 : i32
    %scan3A_236 = arith.constant 0 : i32
    %scan3A_237 = arith.constant 40 : i32
    %scan3A_238 = arith.addi %scan3A_236, %scan3A_237 : i32
    %scan3A_239 = arith.constant 1 : i32
    scf.for %scan3A_338 = %scan3A_236 to %scan3A_238 step %scan3A_239  : i32 {
      %mul3A_339 = arith.constant 16 : i32
      %mul3A_340 = arith.muli %scan3A_338, %mul3A_339 : i32
      %get3A = arith.constant 0 : i32
      %get3A_341 = arith.index_cast %get3A : i32 to index
      %get3A_342 = arith.index_cast %mul3A_340 : i32 to index
      %get3A_343 = tpu.vector_load %arg17[%get3A_341, %get3A_342] {strides = array<i32>} : memref<4x640xf32, #tpu.memory_space<vmem>>, vector<16xf32>,
      %mul3A_344 = arith.constant 16 : i32
      %mul3A_345 = arith.muli %scan3A_338, %mul3A_344 : i32
      %get3A_346 = arith.constant 1 : i32
      %get3A_347 = arith.index_cast %get3A_346 : i32 to index
      %get3A_348 = arith.index_cast %mul3A_345 : i32 to index
      %get3A_349 = tpu.vector_load %arg17[%get3A_347, %get3A_348] {strides = array<i32>} : memref<4x640xf32, #tpu.memory_space<vmem>>, vector<16xf32>,
      %add3A_350 = arith.addf %get3A_343, %get3A_349 : vector<16xf32>
      %mul3A_351 = arith.constant 16 : i32
      %mul3A_352 = arith.muli %scan3A_338, %mul3A_351 : i32
      %get3A_353 = arith.constant 2 : i32
      %get3A_354 = arith.index_cast %get3A_353 : i32 to index
      %get3A_355 = arith.index_cast %mul3A_352 : i32 to index
      %get3A_356 = tpu.vector_load %arg17[%get3A_354, %get3A_355] {strides = array<i32>} : memref<4x640xf32, #tpu.memory_space<vmem>>, vector<16xf32>,
      %add3A_357 = arith.addf %add3A_350, %get3A_356 : vector<16xf32>
      %mul3A_358 = arith.constant 16 : i32
      %mul3A_359 = arith.muli %scan3A_338, %mul3A_358 : i32
      %get3A_360 = arith.constant 3 : i32
      %get3A_361 = arith.index_cast %get3A_360 : i32 to index
      %get3A_362 = arith.index_cast %mul3A_359 : i32 to index
      %get3A_363 = tpu.vector_load %arg17[%get3A_361, %get3A_362] {strides = array<i32>} : memref<4x640xf32, #tpu.memory_space<vmem>>, vector<16xf32>,
      %add3A_364 = arith.addf %add3A_357, %get3A_363 : vector<16xf32>
      %mul3A_365 = arith.constant 16 : i32
      %mul3A_366 = arith.muli %scan3A_338, %mul3A_365 : i32
      %add3A_367 = arith.addi %add3A_232, %mul3A_366 : i32
      %swap3A = arith.index_cast %add3A_367 : i32 to index
      %swap3A_368 = tpu.vector_load %arg14[%swap3A] {strides = array<i32>} : memref<10240xf32, #tpu.memory_space<vmem>>, vector<16xf32>,
      tpu.vector_store %arg14[%swap3A], %add3A_364 {strides = array<i32>} : memref<10240xf32, #tpu.memory_space<vmem>>, vector<16xf32>,
    }
    %scan3A_240 = arith.constant 40 : i32
    %mul3A_241 = arith.constant 4 : i32
    %mul3A_242 = arith.muli %select_n3A, %mul3A_241 : i32
    %add3A_243 = arith.constant 1 : i32
    %add3A_244 = arith.addi %mul3A_242, %add3A_243 : i32
    "tpu.region"() ({
      %run_scoped3A = tpu.sem_alloc : memref<!tpu.dma_semaphore, #tpu.memory_space<semaphore_mem>>
      %dma_start3A = tpu.memref_slice %arg14[%mul3A_153] : memref<10240xf32, #tpu.memory_space<vmem>> -> memref<2560xf32, #tpu.memory_space<vmem>>
      %dma_start3A_338 = tpu.memref_slice %arg6[%arg0, %add3A_244, %mul3A_153] : memref<2x16x10240xf32, #tpu.memory_space<hbm>> -> memref<1x1x2560xf32, #tpu.memory_space<hbm>>
      %dma_start3A_339 = tpu.memref_squeeze %dma_start3A_338 : memref<1x1x2560xf32, #tpu.memory_space<hbm>> -> memref<2560xf32, #tpu.memory_space<hbm>>
      %dma_start3A_340 = tpu.memref_slice %arg6[%arg0, %add3A_244, %mul3A_153] : memref<2x16x10240xf32, #tpu.memory_space<hbm>> -> memref<1x1x2560xf32, #tpu.memory_space<hbm>>
      %dma_start3A_341 = tpu.memref_squeeze %dma_start3A_340 : memref<1x1x2560xf32, #tpu.memory_space<hbm>> -> memref<2560xf32, #tpu.memory_space<hbm>>
      %dma_start3A_342 = tpu.memref_slice %arg14[%mul3A_153] : memref<10240xf32, #tpu.memory_space<vmem>> -> memref<2560xf32, #tpu.memory_space<vmem>>
      tpu.enqueue_dma source(%dma_start3A_342 : memref<2560xf32, #tpu.memory_space<vmem>>) target(%dma_start3A_341 : memref<2560xf32, #tpu.memory_space<hbm>>) target_semaphore(%run_scoped3A : memref<!tpu.dma_semaphore, #tpu.memory_space<semaphore_mem>>)
      %dma_wait3A = tpu.memref_slice %arg14[%mul3A_153] : memref<10240xf32, #tpu.memory_space<vmem>> -> memref<2560xf32, #tpu.memory_space<vmem>>
      %dma_wait3A_343 = tpu.memref_slice %arg6[%arg0, %add3A_244, %mul3A_153] : memref<2x16x10240xf32, #tpu.memory_space<hbm>> -> memref<1x1x2560xf32, #tpu.memory_space<hbm>>
      %dma_wait3A_344 = tpu.memref_squeeze %dma_wait3A_343 : memref<1x1x2560xf32, #tpu.memory_space<hbm>> -> memref<2560xf32, #tpu.memory_space<hbm>>
      %dma_wait3A_345 = tpu.memref_slice %arg6[%arg0, %add3A_244, %mul3A_153] : memref<2x16x10240xf32, #tpu.memory_space<hbm>> -> memref<1x1x2560xf32, #tpu.memory_space<hbm>>
      %dma_wait3A_346 = tpu.memref_squeeze %dma_wait3A_345 : memref<1x1x2560xf32, #tpu.memory_space<hbm>> -> memref<2560xf32, #tpu.memory_space<hbm>>
      %dma_wait3A_347 = tpu.memref_slice %arg14[%mul3A_153] : memref<10240xf32, #tpu.memory_space<vmem>> -> memref<2560xf32, #tpu.memory_space<vmem>>
      tpu.wait_dma2 semaphore(%run_scoped3A : memref<!tpu.dma_semaphore, #tpu.memory_space<semaphore_mem>>) src(%dma_wait3A_347 : memref<2560xf32, #tpu.memory_space<vmem>>) dst(%dma_wait3A_346 : memref<2560xf32, #tpu.memory_space<hbm>>)
      tpu.yield
    }) : () -> ()
    %barrier3A_245 = arith.constant 0 : index
    tpu.barrier barrier_id(%barrier3A_245)
    "tpu.region"() ({
      %run_scoped3A = tpu.sem_alloc : memref<!tpu.dma_semaphore, #tpu.memory_space<semaphore_mem>>
      %dma_start3A = arith.constant 0 : i32
      %dma_start3A_338 = tpu.memref_slice %arg20[%arg1, %dma_start3A] : memref<16x10240xf32, #tpu.memory_space<vmem_shared>> -> memref<1x10240xf32, #tpu.memory_space<vmem_shared>>
      %dma_start3A_339 = tpu.memref_squeeze %dma_start3A_338 : memref<1x10240xf32, #tpu.memory_space<vmem_shared>> -> memref<10240xf32, #tpu.memory_space<vmem_shared>>
      %dma_start3A_340 = arith.constant 0 : i32
      %dma_start3A_341 = tpu.memref_slice %arg20[%arg1, %dma_start3A_340] : memref<16x10240xf32, #tpu.memory_space<vmem_shared>> -> memref<1x10240xf32, #tpu.memory_space<vmem_shared>>
      %dma_start3A_342 = tpu.memref_squeeze %dma_start3A_341 : memref<1x10240xf32, #tpu.memory_space<vmem_shared>> -> memref<10240xf32, #tpu.memory_space<vmem_shared>>
      tpu.enqueue_dma source(%arg15 : memref<10240xf32, #tpu.memory_space<vmem>>) target(%dma_start3A_342 : memref<10240xf32, #tpu.memory_space<vmem_shared>>) target_semaphore(%run_scoped3A : memref<!tpu.dma_semaphore, #tpu.memory_space<semaphore_mem>>)
      %dma_wait3A = arith.constant 0 : i32
      %dma_wait3A_343 = tpu.memref_slice %arg20[%arg1, %dma_wait3A] : memref<16x10240xf32, #tpu.memory_space<vmem_shared>> -> memref<1x10240xf32, #tpu.memory_space<vmem_shared>>
      %dma_wait3A_344 = tpu.memref_squeeze %dma_wait3A_343 : memref<1x10240xf32, #tpu.memory_space<vmem_shared>> -> memref<10240xf32, #tpu.memory_space<vmem_shared>>
      %dma_wait3A_345 = arith.constant 0 : i32
      %dma_wait3A_346 = tpu.memref_slice %arg20[%arg1, %dma_wait3A_345] : memref<16x10240xf32, #tpu.memory_space<vmem_shared>> -> memref<1x10240xf32, #tpu.memory_space<vmem_shared>>
      %dma_wait3A_347 = tpu.memref_squeeze %dma_wait3A_346 : memref<1x10240xf32, #tpu.memory_space<vmem_shared>> -> memref<10240xf32, #tpu.memory_space<vmem_shared>>
      tpu.wait_dma2 semaphore(%run_scoped3A : memref<!tpu.dma_semaphore, #tpu.memory_space<semaphore_mem>>) src(%arg15 : memref<10240xf32, #tpu.memory_space<vmem>>) dst(%dma_wait3A_347 : memref<10240xf32, #tpu.memory_space<vmem_shared>>)
      tpu.yield
    }) : () -> ()
    %barrier3A_246 = arith.constant 0 : index
    tpu.barrier barrier_id(%barrier3A_246)
    %add3A_247 = arith.constant 0 : i32
    %add3A_248 = arith.addi %mul3A_153, %add3A_247 : i32
    %mul3A_249 = arith.constant 4 : i32
    %mul3A_250 = arith.muli %select_n3A, %mul3A_249 : i32
    "tpu.region"() ({
      %run_scoped3A = tpu.sem_alloc : memref<!tpu.dma_semaphore, #tpu.memory_space<semaphore_mem>>
      %dma_start3A = tpu.memref_slice %arg20[%mul3A_250, %add3A_248] : memref<16x10240xf32, #tpu.memory_space<vmem_shared>> -> memref<4x640xf32, #tpu.memory_space<vmem_shared>>
      %dma_start3A_338 = tpu.memref_slice %arg20[%mul3A_250, %add3A_248] : memref<16x10240xf32, #tpu.memory_space<vmem_shared>> -> memref<4x640xf32, #tpu.memory_space<vmem_shared>>
      tpu.enqueue_dma source(%dma_start3A_338 : memref<4x640xf32, #tpu.memory_space<vmem_shared>>) target(%arg17 : memref<4x640xf32, #tpu.memory_space<vmem>>) target_semaphore(%run_scoped3A : memref<!tpu.dma_semaphore, #tpu.memory_space<semaphore_mem>>)
      %dma_wait3A = tpu.memref_slice %arg20[%mul3A_250, %add3A_248] : memref<16x10240xf32, #tpu.memory_space<vmem_shared>> -> memref<4x640xf32, #tpu.memory_space<vmem_shared>>
      %dma_wait3A_339 = tpu.memref_slice %arg20[%mul3A_250, %add3A_248] : memref<16x10240xf32, #tpu.memory_space<vmem_shared>> -> memref<4x640xf32, #tpu.memory_space<vmem_shared>>
      tpu.wait_dma2 semaphore(%run_scoped3A : memref<!tpu.dma_semaphore, #tpu.memory_space<semaphore_mem>>) src(%dma_wait3A_339 : memref<4x640xf32, #tpu.memory_space<vmem_shared>>) dst(%arg17 : memref<4x640xf32, #tpu.memory_space<vmem>>)
      tpu.yield
    }) : () -> ()
    %scan3A_251 = arith.constant 0 : i32
    %scan3A_252 = arith.constant 0 : i32
    %scan3A_253 = arith.constant 40 : i32
    %scan3A_254 = arith.addi %scan3A_252, %scan3A_253 : i32
    %scan3A_255 = arith.constant 1 : i32
    scf.for %scan3A_338 = %scan3A_252 to %scan3A_254 step %scan3A_255  : i32 {
      %mul3A_339 = arith.constant 16 : i32
      %mul3A_340 = arith.muli %scan3A_338, %mul3A_339 : i32
      %get3A = arith.constant 0 : i32
      %get3A_341 = arith.index_cast %get3A : i32 to index
      %get3A_342 = arith.index_cast %mul3A_340 : i32 to index
      %get3A_343 = tpu.vector_load %arg17[%get3A_341, %get3A_342] {strides = array<i32>} : memref<4x640xf32, #tpu.memory_space<vmem>>, vector<16xf32>,
      %mul3A_344 = arith.constant 16 : i32
      %mul3A_345 = arith.muli %scan3A_338, %mul3A_344 : i32
      %get3A_346 = arith.constant 1 : i32
      %get3A_347 = arith.index_cast %get3A_346 : i32 to index
      %get3A_348 = arith.index_cast %mul3A_345 : i32 to index
      %get3A_349 = tpu.vector_load %arg17[%get3A_347, %get3A_348] {strides = array<i32>} : memref<4x640xf32, #tpu.memory_space<vmem>>, vector<16xf32>,
      %add3A_350 = arith.addf %get3A_343, %get3A_349 : vector<16xf32>
      %mul3A_351 = arith.constant 16 : i32
      %mul3A_352 = arith.muli %scan3A_338, %mul3A_351 : i32
      %get3A_353 = arith.constant 2 : i32
      %get3A_354 = arith.index_cast %get3A_353 : i32 to index
      %get3A_355 = arith.index_cast %mul3A_352 : i32 to index
      %get3A_356 = tpu.vector_load %arg17[%get3A_354, %get3A_355] {strides = array<i32>} : memref<4x640xf32, #tpu.memory_space<vmem>>, vector<16xf32>,
      %add3A_357 = arith.addf %add3A_350, %get3A_356 : vector<16xf32>
      %mul3A_358 = arith.constant 16 : i32
      %mul3A_359 = arith.muli %scan3A_338, %mul3A_358 : i32
      %get3A_360 = arith.constant 3 : i32
      %get3A_361 = arith.index_cast %get3A_360 : i32 to index
      %get3A_362 = arith.index_cast %mul3A_359 : i32 to index
      %get3A_363 = tpu.vector_load %arg17[%get3A_361, %get3A_362] {strides = array<i32>} : memref<4x640xf32, #tpu.memory_space<vmem>>, vector<16xf32>,
      %add3A_364 = arith.addf %add3A_357, %get3A_363 : vector<16xf32>
      %mul3A_365 = arith.constant 16 : i32
      %mul3A_366 = arith.muli %scan3A_338, %mul3A_365 : i32
      %add3A_367 = arith.addi %add3A_248, %mul3A_366 : i32
      %swap3A = arith.index_cast %add3A_367 : i32 to index
      %swap3A_368 = tpu.vector_load %arg15[%swap3A] {strides = array<i32>} : memref<10240xf32, #tpu.memory_space<vmem>>, vector<16xf32>,
      tpu.vector_store %arg15[%swap3A], %add3A_364 {strides = array<i32>} : memref<10240xf32, #tpu.memory_space<vmem>>, vector<16xf32>,
    }
    %scan3A_256 = arith.constant 40 : i32
    %add3A_257 = arith.constant 640 : i32
    %add3A_258 = arith.addi %mul3A_153, %add3A_257 : i32
    %mul3A_259 = arith.constant 4 : i32
    %mul3A_260 = arith.muli %select_n3A, %mul3A_259 : i32
    "tpu.region"() ({
      %run_scoped3A = tpu.sem_alloc : memref<!tpu.dma_semaphore, #tpu.memory_space<semaphore_mem>>
      %dma_start3A = tpu.memref_slice %arg20[%mul3A_260, %add3A_258] : memref<16x10240xf32, #tpu.memory_space<vmem_shared>> -> memref<4x640xf32, #tpu.memory_space<vmem_shared>>
      %dma_start3A_338 = tpu.memref_slice %arg20[%mul3A_260, %add3A_258] : memref<16x10240xf32, #tpu.memory_space<vmem_shared>> -> memref<4x640xf32, #tpu.memory_space<vmem_shared>>
      tpu.enqueue_dma source(%dma_start3A_338 : memref<4x640xf32, #tpu.memory_space<vmem_shared>>) target(%arg17 : memref<4x640xf32, #tpu.memory_space<vmem>>) target_semaphore(%run_scoped3A : memref<!tpu.dma_semaphore, #tpu.memory_space<semaphore_mem>>)
      %dma_wait3A = tpu.memref_slice %arg20[%mul3A_260, %add3A_258] : memref<16x10240xf32, #tpu.memory_space<vmem_shared>> -> memref<4x640xf32, #tpu.memory_space<vmem_shared>>
      %dma_wait3A_339 = tpu.memref_slice %arg20[%mul3A_260, %add3A_258] : memref<16x10240xf32, #tpu.memory_space<vmem_shared>> -> memref<4x640xf32, #tpu.memory_space<vmem_shared>>
      tpu.wait_dma2 semaphore(%run_scoped3A : memref<!tpu.dma_semaphore, #tpu.memory_space<semaphore_mem>>) src(%dma_wait3A_339 : memref<4x640xf32, #tpu.memory_space<vmem_shared>>) dst(%arg17 : memref<4x640xf32, #tpu.memory_space<vmem>>)
      tpu.yield
    }) : () -> ()
    %scan3A_261 = arith.constant 0 : i32
    %scan3A_262 = arith.constant 0 : i32
    %scan3A_263 = arith.constant 40 : i32
    %scan3A_264 = arith.addi %scan3A_262, %scan3A_263 : i32
    %scan3A_265 = arith.constant 1 : i32
    scf.for %scan3A_338 = %scan3A_262 to %scan3A_264 step %scan3A_265  : i32 {
      %mul3A_339 = arith.constant 16 : i32
      %mul3A_340 = arith.muli %scan3A_338, %mul3A_339 : i32
      %get3A = arith.constant 0 : i32
      %get3A_341 = arith.index_cast %get3A : i32 to index
      %get3A_342 = arith.index_cast %mul3A_340 : i32 to index
      %get3A_343 = tpu.vector_load %arg17[%get3A_341, %get3A_342] {strides = array<i32>} : memref<4x640xf32, #tpu.memory_space<vmem>>, vector<16xf32>,
      %mul3A_344 = arith.constant 16 : i32
      %mul3A_345 = arith.muli %scan3A_338, %mul3A_344 : i32
      %get3A_346 = arith.constant 1 : i32
      %get3A_347 = arith.index_cast %get3A_346 : i32 to index
      %get3A_348 = arith.index_cast %mul3A_345 : i32 to index
      %get3A_349 = tpu.vector_load %arg17[%get3A_347, %get3A_348] {strides = array<i32>} : memref<4x640xf32, #tpu.memory_space<vmem>>, vector<16xf32>,
      %add3A_350 = arith.addf %get3A_343, %get3A_349 : vector<16xf32>
      %mul3A_351 = arith.constant 16 : i32
      %mul3A_352 = arith.muli %scan3A_338, %mul3A_351 : i32
      %get3A_353 = arith.constant 2 : i32
      %get3A_354 = arith.index_cast %get3A_353 : i32 to index
      %get3A_355 = arith.index_cast %mul3A_352 : i32 to index
      %get3A_356 = tpu.vector_load %arg17[%get3A_354, %get3A_355] {strides = array<i32>} : memref<4x640xf32, #tpu.memory_space<vmem>>, vector<16xf32>,
      %add3A_357 = arith.addf %add3A_350, %get3A_356 : vector<16xf32>
      %mul3A_358 = arith.constant 16 : i32
      %mul3A_359 = arith.muli %scan3A_338, %mul3A_358 : i32
      %get3A_360 = arith.constant 3 : i32
      %get3A_361 = arith.index_cast %get3A_360 : i32 to index
      %get3A_362 = arith.index_cast %mul3A_359 : i32 to index
      %get3A_363 = tpu.vector_load %arg17[%get3A_361, %get3A_362] {strides = array<i32>} : memref<4x640xf32, #tpu.memory_space<vmem>>, vector<16xf32>,
      %add3A_364 = arith.addf %add3A_357, %get3A_363 : vector<16xf32>
      %mul3A_365 = arith.constant 16 : i32
      %mul3A_366 = arith.muli %scan3A_338, %mul3A_365 : i32
      %add3A_367 = arith.addi %add3A_258, %mul3A_366 : i32
      %swap3A = arith.index_cast %add3A_367 : i32 to index
      %swap3A_368 = tpu.vector_load %arg15[%swap3A] {strides = array<i32>} : memref<10240xf32, #tpu.memory_space<vmem>>, vector<16xf32>,
      tpu.vector_store %arg15[%swap3A], %add3A_364 {strides = array<i32>} : memref<10240xf32, #tpu.memory_space<vmem>>, vector<16xf32>,
    }
    %scan3A_266 = arith.constant 40 : i32
    %add3A_267 = arith.constant 1280 : i32
    %add3A_268 = arith.addi %mul3A_153, %add3A_267 : i32
    %mul3A_269 = arith.constant 4 : i32
    %mul3A_270 = arith.muli %select_n3A, %mul3A_269 : i32
    "tpu.region"() ({
      %run_scoped3A = tpu.sem_alloc : memref<!tpu.dma_semaphore, #tpu.memory_space<semaphore_mem>>
      %dma_start3A = tpu.memref_slice %arg20[%mul3A_270, %add3A_268] : memref<16x10240xf32, #tpu.memory_space<vmem_shared>> -> memref<4x640xf32, #tpu.memory_space<vmem_shared>>
      %dma_start3A_338 = tpu.memref_slice %arg20[%mul3A_270, %add3A_268] : memref<16x10240xf32, #tpu.memory_space<vmem_shared>> -> memref<4x640xf32, #tpu.memory_space<vmem_shared>>
      tpu.enqueue_dma source(%dma_start3A_338 : memref<4x640xf32, #tpu.memory_space<vmem_shared>>) target(%arg17 : memref<4x640xf32, #tpu.memory_space<vmem>>) target_semaphore(%run_scoped3A : memref<!tpu.dma_semaphore, #tpu.memory_space<semaphore_mem>>)
      %dma_wait3A = tpu.memref_slice %arg20[%mul3A_270, %add3A_268] : memref<16x10240xf32, #tpu.memory_space<vmem_shared>> -> memref<4x640xf32, #tpu.memory_space<vmem_shared>>
      %dma_wait3A_339 = tpu.memref_slice %arg20[%mul3A_270, %add3A_268] : memref<16x10240xf32, #tpu.memory_space<vmem_shared>> -> memref<4x640xf32, #tpu.memory_space<vmem_shared>>
      tpu.wait_dma2 semaphore(%run_scoped3A : memref<!tpu.dma_semaphore, #tpu.memory_space<semaphore_mem>>) src(%dma_wait3A_339 : memref<4x640xf32, #tpu.memory_space<vmem_shared>>) dst(%arg17 : memref<4x640xf32, #tpu.memory_space<vmem>>)
      tpu.yield
    }) : () -> ()
    %scan3A_271 = arith.constant 0 : i32
    %scan3A_272 = arith.constant 0 : i32
    %scan3A_273 = arith.constant 40 : i32
    %scan3A_274 = arith.addi %scan3A_272, %scan3A_273 : i32
    %scan3A_275 = arith.constant 1 : i32
    scf.for %scan3A_338 = %scan3A_272 to %scan3A_274 step %scan3A_275  : i32 {
      %mul3A_339 = arith.constant 16 : i32
      %mul3A_340 = arith.muli %scan3A_338, %mul3A_339 : i32
      %get3A = arith.constant 0 : i32
      %get3A_341 = arith.index_cast %get3A : i32 to index
      %get3A_342 = arith.index_cast %mul3A_340 : i32 to index
      %get3A_343 = tpu.vector_load %arg17[%get3A_341, %get3A_342] {strides = array<i32>} : memref<4x640xf32, #tpu.memory_space<vmem>>, vector<16xf32>,
      %mul3A_344 = arith.constant 16 : i32
      %mul3A_345 = arith.muli %scan3A_338, %mul3A_344 : i32
      %get3A_346 = arith.constant 1 : i32
      %get3A_347 = arith.index_cast %get3A_346 : i32 to index
      %get3A_348 = arith.index_cast %mul3A_345 : i32 to index
      %get3A_349 = tpu.vector_load %arg17[%get3A_347, %get3A_348] {strides = array<i32>} : memref<4x640xf32, #tpu.memory_space<vmem>>, vector<16xf32>,
      %add3A_350 = arith.addf %get3A_343, %get3A_349 : vector<16xf32>
      %mul3A_351 = arith.constant 16 : i32
      %mul3A_352 = arith.muli %scan3A_338, %mul3A_351 : i32
      %get3A_353 = arith.constant 2 : i32
      %get3A_354 = arith.index_cast %get3A_353 : i32 to index
      %get3A_355 = arith.index_cast %mul3A_352 : i32 to index
      %get3A_356 = tpu.vector_load %arg17[%get3A_354, %get3A_355] {strides = array<i32>} : memref<4x640xf32, #tpu.memory_space<vmem>>, vector<16xf32>,
      %add3A_357 = arith.addf %add3A_350, %get3A_356 : vector<16xf32>
      %mul3A_358 = arith.constant 16 : i32
      %mul3A_359 = arith.muli %scan3A_338, %mul3A_358 : i32
      %get3A_360 = arith.constant 3 : i32
      %get3A_361 = arith.index_cast %get3A_360 : i32 to index
      %get3A_362 = arith.index_cast %mul3A_359 : i32 to index
      %get3A_363 = tpu.vector_load %arg17[%get3A_361, %get3A_362] {strides = array<i32>} : memref<4x640xf32, #tpu.memory_space<vmem>>, vector<16xf32>,
      %add3A_364 = arith.addf %add3A_357, %get3A_363 : vector<16xf32>
      %mul3A_365 = arith.constant 16 : i32
      %mul3A_366 = arith.muli %scan3A_338, %mul3A_365 : i32
      %add3A_367 = arith.addi %add3A_268, %mul3A_366 : i32
      %swap3A = arith.index_cast %add3A_367 : i32 to index
      %swap3A_368 = tpu.vector_load %arg15[%swap3A] {strides = array<i32>} : memref<10240xf32, #tpu.memory_space<vmem>>, vector<16xf32>,
      tpu.vector_store %arg15[%swap3A], %add3A_364 {strides = array<i32>} : memref<10240xf32, #tpu.memory_space<vmem>>, vector<16xf32>,
    }
    %scan3A_276 = arith.constant 40 : i32
    %add3A_277 = arith.constant 1920 : i32
    %add3A_278 = arith.addi %mul3A_153, %add3A_277 : i32
    %mul3A_279 = arith.constant 4 : i32
    %mul3A_280 = arith.muli %select_n3A, %mul3A_279 : i32
    "tpu.region"() ({
      %run_scoped3A = tpu.sem_alloc : memref<!tpu.dma_semaphore, #tpu.memory_space<semaphore_mem>>
      %dma_start3A = tpu.memref_slice %arg20[%mul3A_280, %add3A_278] : memref<16x10240xf32, #tpu.memory_space<vmem_shared>> -> memref<4x640xf32, #tpu.memory_space<vmem_shared>>
      %dma_start3A_338 = tpu.memref_slice %arg20[%mul3A_280, %add3A_278] : memref<16x10240xf32, #tpu.memory_space<vmem_shared>> -> memref<4x640xf32, #tpu.memory_space<vmem_shared>>
      tpu.enqueue_dma source(%dma_start3A_338 : memref<4x640xf32, #tpu.memory_space<vmem_shared>>) target(%arg17 : memref<4x640xf32, #tpu.memory_space<vmem>>) target_semaphore(%run_scoped3A : memref<!tpu.dma_semaphore, #tpu.memory_space<semaphore_mem>>)
      %dma_wait3A = tpu.memref_slice %arg20[%mul3A_280, %add3A_278] : memref<16x10240xf32, #tpu.memory_space<vmem_shared>> -> memref<4x640xf32, #tpu.memory_space<vmem_shared>>
      %dma_wait3A_339 = tpu.memref_slice %arg20[%mul3A_280, %add3A_278] : memref<16x10240xf32, #tpu.memory_space<vmem_shared>> -> memref<4x640xf32, #tpu.memory_space<vmem_shared>>
      tpu.wait_dma2 semaphore(%run_scoped3A : memref<!tpu.dma_semaphore, #tpu.memory_space<semaphore_mem>>) src(%dma_wait3A_339 : memref<4x640xf32, #tpu.memory_space<vmem_shared>>) dst(%arg17 : memref<4x640xf32, #tpu.memory_space<vmem>>)
      tpu.yield
    }) : () -> ()
    %scan3A_281 = arith.constant 0 : i32
    %scan3A_282 = arith.constant 0 : i32
    %scan3A_283 = arith.constant 40 : i32
    %scan3A_284 = arith.addi %scan3A_282, %scan3A_283 : i32
    %scan3A_285 = arith.constant 1 : i32
    scf.for %scan3A_338 = %scan3A_282 to %scan3A_284 step %scan3A_285  : i32 {
      %mul3A_339 = arith.constant 16 : i32
      %mul3A_340 = arith.muli %scan3A_338, %mul3A_339 : i32
      %get3A = arith.constant 0 : i32
      %get3A_341 = arith.index_cast %get3A : i32 to index
      %get3A_342 = arith.index_cast %mul3A_340 : i32 to index
      %get3A_343 = tpu.vector_load %arg17[%get3A_341, %get3A_342] {strides = array<i32>} : memref<4x640xf32, #tpu.memory_space<vmem>>, vector<16xf32>,
      %mul3A_344 = arith.constant 16 : i32
      %mul3A_345 = arith.muli %scan3A_338, %mul3A_344 : i32
      %get3A_346 = arith.constant 1 : i32
      %get3A_347 = arith.index_cast %get3A_346 : i32 to index
      %get3A_348 = arith.index_cast %mul3A_345 : i32 to index
      %get3A_349 = tpu.vector_load %arg17[%get3A_347, %get3A_348] {strides = array<i32>} : memref<4x640xf32, #tpu.memory_space<vmem>>, vector<16xf32>,
      %add3A_350 = arith.addf %get3A_343, %get3A_349 : vector<16xf32>
      %mul3A_351 = arith.constant 16 : i32
      %mul3A_352 = arith.muli %scan3A_338, %mul3A_351 : i32
      %get3A_353 = arith.constant 2 : i32
      %get3A_354 = arith.index_cast %get3A_353 : i32 to index
      %get3A_355 = arith.index_cast %mul3A_352 : i32 to index
      %get3A_356 = tpu.vector_load %arg17[%get3A_354, %get3A_355] {strides = array<i32>} : memref<4x640xf32, #tpu.memory_space<vmem>>, vector<16xf32>,
      %add3A_357 = arith.addf %add3A_350, %get3A_356 : vector<16xf32>
      %mul3A_358 = arith.constant 16 : i32
      %mul3A_359 = arith.muli %scan3A_338, %mul3A_358 : i32
      %get3A_360 = arith.constant 3 : i32
      %get3A_361 = arith.index_cast %get3A_360 : i32 to index
      %get3A_362 = arith.index_cast %mul3A_359 : i32 to index
      %get3A_363 = tpu.vector_load %arg17[%get3A_361, %get3A_362] {strides = array<i32>} : memref<4x640xf32, #tpu.memory_space<vmem>>, vector<16xf32>,
      %add3A_364 = arith.addf %add3A_357, %get3A_363 : vector<16xf32>
      %mul3A_365 = arith.constant 16 : i32
      %mul3A_366 = arith.muli %scan3A_338, %mul3A_365 : i32
      %add3A_367 = arith.addi %add3A_278, %mul3A_366 : i32
      %swap3A = arith.index_cast %add3A_367 : i32 to index
      %swap3A_368 = tpu.vector_load %arg15[%swap3A] {strides = array<i32>} : memref<10240xf32, #tpu.memory_space<vmem>>, vector<16xf32>,
      tpu.vector_store %arg15[%swap3A], %add3A_364 {strides = array<i32>} : memref<10240xf32, #tpu.memory_space<vmem>>, vector<16xf32>,
    }
    %scan3A_286 = arith.constant 40 : i32
    %mul3A_287 = arith.constant 4 : i32
    %mul3A_288 = arith.muli %select_n3A, %mul3A_287 : i32
    %add3A_289 = arith.constant 2 : i32
    %add3A_290 = arith.addi %mul3A_288, %add3A_289 : i32
    "tpu.region"() ({
      %run_scoped3A = tpu.sem_alloc : memref<!tpu.dma_semaphore, #tpu.memory_space<semaphore_mem>>
      %dma_start3A = tpu.memref_slice %arg15[%mul3A_153] : memref<10240xf32, #tpu.memory_space<vmem>> -> memref<2560xf32, #tpu.memory_space<vmem>>
      %dma_start3A_338 = tpu.memref_slice %arg6[%arg0, %add3A_290, %mul3A_153] : memref<2x16x10240xf32, #tpu.memory_space<hbm>> -> memref<1x1x2560xf32, #tpu.memory_space<hbm>>
      %dma_start3A_339 = tpu.memref_squeeze %dma_start3A_338 : memref<1x1x2560xf32, #tpu.memory_space<hbm>> -> memref<2560xf32, #tpu.memory_space<hbm>>
      %dma_start3A_340 = tpu.memref_slice %arg6[%arg0, %add3A_290, %mul3A_153] : memref<2x16x10240xf32, #tpu.memory_space<hbm>> -> memref<1x1x2560xf32, #tpu.memory_space<hbm>>
      %dma_start3A_341 = tpu.memref_squeeze %dma_start3A_340 : memref<1x1x2560xf32, #tpu.memory_space<hbm>> -> memref<2560xf32, #tpu.memory_space<hbm>>
      %dma_start3A_342 = tpu.memref_slice %arg15[%mul3A_153] : memref<10240xf32, #tpu.memory_space<vmem>> -> memref<2560xf32, #tpu.memory_space<vmem>>
      tpu.enqueue_dma source(%dma_start3A_342 : memref<2560xf32, #tpu.memory_space<vmem>>) target(%dma_start3A_341 : memref<2560xf32, #tpu.memory_space<hbm>>) target_semaphore(%run_scoped3A : memref<!tpu.dma_semaphore, #tpu.memory_space<semaphore_mem>>)
      %dma_wait3A = tpu.memref_slice %arg15[%mul3A_153] : memref<10240xf32, #tpu.memory_space<vmem>> -> memref<2560xf32, #tpu.memory_space<vmem>>
      %dma_wait3A_343 = tpu.memref_slice %arg6[%arg0, %add3A_290, %mul3A_153] : memref<2x16x10240xf32, #tpu.memory_space<hbm>> -> memref<1x1x2560xf32, #tpu.memory_space<hbm>>
      %dma_wait3A_344 = tpu.memref_squeeze %dma_wait3A_343 : memref<1x1x2560xf32, #tpu.memory_space<hbm>> -> memref<2560xf32, #tpu.memory_space<hbm>>
      %dma_wait3A_345 = tpu.memref_slice %arg6[%arg0, %add3A_290, %mul3A_153] : memref<2x16x10240xf32, #tpu.memory_space<hbm>> -> memref<1x1x2560xf32, #tpu.memory_space<hbm>>
      %dma_wait3A_346 = tpu.memref_squeeze %dma_wait3A_345 : memref<1x1x2560xf32, #tpu.memory_space<hbm>> -> memref<2560xf32, #tpu.memory_space<hbm>>
      %dma_wait3A_347 = tpu.memref_slice %arg15[%mul3A_153] : memref<10240xf32, #tpu.memory_space<vmem>> -> memref<2560xf32, #tpu.memory_space<vmem>>
      tpu.wait_dma2 semaphore(%run_scoped3A : memref<!tpu.dma_semaphore, #tpu.memory_space<semaphore_mem>>) src(%dma_wait3A_347 : memref<2560xf32, #tpu.memory_space<vmem>>) dst(%dma_wait3A_346 : memref<2560xf32, #tpu.memory_space<hbm>>)
      tpu.yield
    }) : () -> ()
    %barrier3A_291 = arith.constant 0 : index
    tpu.barrier barrier_id(%barrier3A_291)
    "tpu.region"() ({
      %run_scoped3A = tpu.sem_alloc : memref<!tpu.dma_semaphore, #tpu.memory_space<semaphore_mem>>
      %dma_start3A = arith.constant 0 : i32
      %dma_start3A_338 = tpu.memref_slice %arg20[%arg1, %dma_start3A] : memref<16x10240xf32, #tpu.memory_space<vmem_shared>> -> memref<1x10240xf32, #tpu.memory_space<vmem_shared>>
      %dma_start3A_339 = tpu.memref_squeeze %dma_start3A_338 : memref<1x10240xf32, #tpu.memory_space<vmem_shared>> -> memref<10240xf32, #tpu.memory_space<vmem_shared>>
      %dma_start3A_340 = arith.constant 0 : i32
      %dma_start3A_341 = tpu.memref_slice %arg20[%arg1, %dma_start3A_340] : memref<16x10240xf32, #tpu.memory_space<vmem_shared>> -> memref<1x10240xf32, #tpu.memory_space<vmem_shared>>
      %dma_start3A_342 = tpu.memref_squeeze %dma_start3A_341 : memref<1x10240xf32, #tpu.memory_space<vmem_shared>> -> memref<10240xf32, #tpu.memory_space<vmem_shared>>
      tpu.enqueue_dma source(%arg16 : memref<10240xf32, #tpu.memory_space<vmem>>) target(%dma_start3A_342 : memref<10240xf32, #tpu.memory_space<vmem_shared>>) target_semaphore(%run_scoped3A : memref<!tpu.dma_semaphore, #tpu.memory_space<semaphore_mem>>)
      %dma_wait3A = arith.constant 0 : i32
      %dma_wait3A_343 = tpu.memref_slice %arg20[%arg1, %dma_wait3A] : memref<16x10240xf32, #tpu.memory_space<vmem_shared>> -> memref<1x10240xf32, #tpu.memory_space<vmem_shared>>
      %dma_wait3A_344 = tpu.memref_squeeze %dma_wait3A_343 : memref<1x10240xf32, #tpu.memory_space<vmem_shared>> -> memref<10240xf32, #tpu.memory_space<vmem_shared>>
      %dma_wait3A_345 = arith.constant 0 : i32
      %dma_wait3A_346 = tpu.memref_slice %arg20[%arg1, %dma_wait3A_345] : memref<16x10240xf32, #tpu.memory_space<vmem_shared>> -> memref<1x10240xf32, #tpu.memory_space<vmem_shared>>
      %dma_wait3A_347 = tpu.memref_squeeze %dma_wait3A_346 : memref<1x10240xf32, #tpu.memory_space<vmem_shared>> -> memref<10240xf32, #tpu.memory_space<vmem_shared>>
      tpu.wait_dma2 semaphore(%run_scoped3A : memref<!tpu.dma_semaphore, #tpu.memory_space<semaphore_mem>>) src(%arg16 : memref<10240xf32, #tpu.memory_space<vmem>>) dst(%dma_wait3A_347 : memref<10240xf32, #tpu.memory_space<vmem_shared>>)
      tpu.yield
    }) : () -> ()
    %barrier3A_292 = arith.constant 0 : index
    tpu.barrier barrier_id(%barrier3A_292)
    %add3A_293 = arith.constant 0 : i32
    %add3A_294 = arith.addi %mul3A_153, %add3A_293 : i32
    %mul3A_295 = arith.constant 4 : i32
    %mul3A_296 = arith.muli %select_n3A, %mul3A_295 : i32
    "tpu.region"() ({
      %run_scoped3A = tpu.sem_alloc : memref<!tpu.dma_semaphore, #tpu.memory_space<semaphore_mem>>
      %dma_start3A = tpu.memref_slice %arg20[%mul3A_296, %add3A_294] : memref<16x10240xf32, #tpu.memory_space<vmem_shared>> -> memref<4x640xf32, #tpu.memory_space<vmem_shared>>
      %dma_start3A_338 = tpu.memref_slice %arg20[%mul3A_296, %add3A_294] : memref<16x10240xf32, #tpu.memory_space<vmem_shared>> -> memref<4x640xf32, #tpu.memory_space<vmem_shared>>
      tpu.enqueue_dma source(%dma_start3A_338 : memref<4x640xf32, #tpu.memory_space<vmem_shared>>) target(%arg17 : memref<4x640xf32, #tpu.memory_space<vmem>>) target_semaphore(%run_scoped3A : memref<!tpu.dma_semaphore, #tpu.memory_space<semaphore_mem>>)
      %dma_wait3A = tpu.memref_slice %arg20[%mul3A_296, %add3A_294] : memref<16x10240xf32, #tpu.memory_space<vmem_shared>> -> memref<4x640xf32, #tpu.memory_space<vmem_shared>>
      %dma_wait3A_339 = tpu.memref_slice %arg20[%mul3A_296, %add3A_294] : memref<16x10240xf32, #tpu.memory_space<vmem_shared>> -> memref<4x640xf32, #tpu.memory_space<vmem_shared>>
      tpu.wait_dma2 semaphore(%run_scoped3A : memref<!tpu.dma_semaphore, #tpu.memory_space<semaphore_mem>>) src(%dma_wait3A_339 : memref<4x640xf32, #tpu.memory_space<vmem_shared>>) dst(%arg17 : memref<4x640xf32, #tpu.memory_space<vmem>>)
      tpu.yield
    }) : () -> ()
    %scan3A_297 = arith.constant 0 : i32
    %scan3A_298 = arith.constant 0 : i32
    %scan3A_299 = arith.constant 40 : i32
    %scan3A_300 = arith.addi %scan3A_298, %scan3A_299 : i32
    %scan3A_301 = arith.constant 1 : i32
    scf.for %scan3A_338 = %scan3A_298 to %scan3A_300 step %scan3A_301  : i32 {
      %mul3A_339 = arith.constant 16 : i32
      %mul3A_340 = arith.muli %scan3A_338, %mul3A_339 : i32
      %get3A = arith.constant 0 : i32
      %get3A_341 = arith.index_cast %get3A : i32 to index
      %get3A_342 = arith.index_cast %mul3A_340 : i32 to index
      %get3A_343 = tpu.vector_load %arg17[%get3A_341, %get3A_342] {strides = array<i32>} : memref<4x640xf32, #tpu.memory_space<vmem>>, vector<16xf32>,
      %mul3A_344 = arith.constant 16 : i32
      %mul3A_345 = arith.muli %scan3A_338, %mul3A_344 : i32
      %get3A_346 = arith.constant 1 : i32
      %get3A_347 = arith.index_cast %get3A_346 : i32 to index
      %get3A_348 = arith.index_cast %mul3A_345 : i32 to index
      %get3A_349 = tpu.vector_load %arg17[%get3A_347, %get3A_348] {strides = array<i32>} : memref<4x640xf32, #tpu.memory_space<vmem>>, vector<16xf32>,
      %add3A_350 = arith.addf %get3A_343, %get3A_349 : vector<16xf32>
      %mul3A_351 = arith.constant 16 : i32
      %mul3A_352 = arith.muli %scan3A_338, %mul3A_351 : i32
      %get3A_353 = arith.constant 2 : i32
      %get3A_354 = arith.index_cast %get3A_353 : i32 to index
      %get3A_355 = arith.index_cast %mul3A_352 : i32 to index
      %get3A_356 = tpu.vector_load %arg17[%get3A_354, %get3A_355] {strides = array<i32>} : memref<4x640xf32, #tpu.memory_space<vmem>>, vector<16xf32>,
      %add3A_357 = arith.addf %add3A_350, %get3A_356 : vector<16xf32>
      %mul3A_358 = arith.constant 16 : i32
      %mul3A_359 = arith.muli %scan3A_338, %mul3A_358 : i32
      %get3A_360 = arith.constant 3 : i32
      %get3A_361 = arith.index_cast %get3A_360 : i32 to index
      %get3A_362 = arith.index_cast %mul3A_359 : i32 to index
      %get3A_363 = tpu.vector_load %arg17[%get3A_361, %get3A_362] {strides = array<i32>} : memref<4x640xf32, #tpu.memory_space<vmem>>, vector<16xf32>,
      %add3A_364 = arith.addf %add3A_357, %get3A_363 : vector<16xf32>
      %mul3A_365 = arith.constant 16 : i32
      %mul3A_366 = arith.muli %scan3A_338, %mul3A_365 : i32
      %add3A_367 = arith.addi %add3A_294, %mul3A_366 : i32
      %swap3A = arith.index_cast %add3A_367 : i32 to index
      %swap3A_368 = tpu.vector_load %arg16[%swap3A] {strides = array<i32>} : memref<10240xf32, #tpu.memory_space<vmem>>, vector<16xf32>,
      tpu.vector_store %arg16[%swap3A], %add3A_364 {strides = array<i32>} : memref<10240xf32, #tpu.memory_space<vmem>>, vector<16xf32>,
    }
    %scan3A_302 = arith.constant 40 : i32
    %add3A_303 = arith.constant 640 : i32
    %add3A_304 = arith.addi %mul3A_153, %add3A_303 : i32
    %mul3A_305 = arith.constant 4 : i32
    %mul3A_306 = arith.muli %select_n3A, %mul3A_305 : i32
    "tpu.region"() ({
      %run_scoped3A = tpu.sem_alloc : memref<!tpu.dma_semaphore, #tpu.memory_space<semaphore_mem>>
      %dma_start3A = tpu.memref_slice %arg20[%mul3A_306, %add3A_304] : memref<16x10240xf32, #tpu.memory_space<vmem_shared>> -> memref<4x640xf32, #tpu.memory_space<vmem_shared>>
      %dma_start3A_338 = tpu.memref_slice %arg20[%mul3A_306, %add3A_304] : memref<16x10240xf32, #tpu.memory_space<vmem_shared>> -> memref<4x640xf32, #tpu.memory_space<vmem_shared>>
      tpu.enqueue_dma source(%dma_start3A_338 : memref<4x640xf32, #tpu.memory_space<vmem_shared>>) target(%arg17 : memref<4x640xf32, #tpu.memory_space<vmem>>) target_semaphore(%run_scoped3A : memref<!tpu.dma_semaphore, #tpu.memory_space<semaphore_mem>>)
      %dma_wait3A = tpu.memref_slice %arg20[%mul3A_306, %add3A_304] : memref<16x10240xf32, #tpu.memory_space<vmem_shared>> -> memref<4x640xf32, #tpu.memory_space<vmem_shared>>
      %dma_wait3A_339 = tpu.memref_slice %arg20[%mul3A_306, %add3A_304] : memref<16x10240xf32, #tpu.memory_space<vmem_shared>> -> memref<4x640xf32, #tpu.memory_space<vmem_shared>>
      tpu.wait_dma2 semaphore(%run_scoped3A : memref<!tpu.dma_semaphore, #tpu.memory_space<semaphore_mem>>) src(%dma_wait3A_339 : memref<4x640xf32, #tpu.memory_space<vmem_shared>>) dst(%arg17 : memref<4x640xf32, #tpu.memory_space<vmem>>)
      tpu.yield
    }) : () -> ()
    %scan3A_307 = arith.constant 0 : i32
    %scan3A_308 = arith.constant 0 : i32
    %scan3A_309 = arith.constant 40 : i32
    %scan3A_310 = arith.addi %scan3A_308, %scan3A_309 : i32
    %scan3A_311 = arith.constant 1 : i32
    scf.for %scan3A_338 = %scan3A_308 to %scan3A_310 step %scan3A_311  : i32 {
      %mul3A_339 = arith.constant 16 : i32
      %mul3A_340 = arith.muli %scan3A_338, %mul3A_339 : i32
      %get3A = arith.constant 0 : i32
      %get3A_341 = arith.index_cast %get3A : i32 to index
      %get3A_342 = arith.index_cast %mul3A_340 : i32 to index
      %get3A_343 = tpu.vector_load %arg17[%get3A_341, %get3A_342] {strides = array<i32>} : memref<4x640xf32, #tpu.memory_space<vmem>>, vector<16xf32>,
      %mul3A_344 = arith.constant 16 : i32
      %mul3A_345 = arith.muli %scan3A_338, %mul3A_344 : i32
      %get3A_346 = arith.constant 1 : i32
      %get3A_347 = arith.index_cast %get3A_346 : i32 to index
      %get3A_348 = arith.index_cast %mul3A_345 : i32 to index
      %get3A_349 = tpu.vector_load %arg17[%get3A_347, %get3A_348] {strides = array<i32>} : memref<4x640xf32, #tpu.memory_space<vmem>>, vector<16xf32>,
      %add3A_350 = arith.addf %get3A_343, %get3A_349 : vector<16xf32>
      %mul3A_351 = arith.constant 16 : i32
      %mul3A_352 = arith.muli %scan3A_338, %mul3A_351 : i32
      %get3A_353 = arith.constant 2 : i32
      %get3A_354 = arith.index_cast %get3A_353 : i32 to index
      %get3A_355 = arith.index_cast %mul3A_352 : i32 to index
      %get3A_356 = tpu.vector_load %arg17[%get3A_354, %get3A_355] {strides = array<i32>} : memref<4x640xf32, #tpu.memory_space<vmem>>, vector<16xf32>,
      %add3A_357 = arith.addf %add3A_350, %get3A_356 : vector<16xf32>
      %mul3A_358 = arith.constant 16 : i32
      %mul3A_359 = arith.muli %scan3A_338, %mul3A_358 : i32
      %get3A_360 = arith.constant 3 : i32
      %get3A_361 = arith.index_cast %get3A_360 : i32 to index
      %get3A_362 = arith.index_cast %mul3A_359 : i32 to index
      %get3A_363 = tpu.vector_load %arg17[%get3A_361, %get3A_362] {strides = array<i32>} : memref<4x640xf32, #tpu.memory_space<vmem>>, vector<16xf32>,
      %add3A_364 = arith.addf %add3A_357, %get3A_363 : vector<16xf32>
      %mul3A_365 = arith.constant 16 : i32
      %mul3A_366 = arith.muli %scan3A_338, %mul3A_365 : i32
      %add3A_367 = arith.addi %add3A_304, %mul3A_366 : i32
      %swap3A = arith.index_cast %add3A_367 : i32 to index
      %swap3A_368 = tpu.vector_load %arg16[%swap3A] {strides = array<i32>} : memref<10240xf32, #tpu.memory_space<vmem>>, vector<16xf32>,
      tpu.vector_store %arg16[%swap3A], %add3A_364 {strides = array<i32>} : memref<10240xf32, #tpu.memory_space<vmem>>, vector<16xf32>,
    }
    %scan3A_312 = arith.constant 40 : i32
    %add3A_313 = arith.constant 1280 : i32
    %add3A_314 = arith.addi %mul3A_153, %add3A_313 : i32
    %mul3A_315 = arith.constant 4 : i32
    %mul3A_316 = arith.muli %select_n3A, %mul3A_315 : i32
    "tpu.region"() ({
      %run_scoped3A = tpu.sem_alloc : memref<!tpu.dma_semaphore, #tpu.memory_space<semaphore_mem>>
      %dma_start3A = tpu.memref_slice %arg20[%mul3A_316, %add3A_314] : memref<16x10240xf32, #tpu.memory_space<vmem_shared>> -> memref<4x640xf32, #tpu.memory_space<vmem_shared>>
      %dma_start3A_338 = tpu.memref_slice %arg20[%mul3A_316, %add3A_314] : memref<16x10240xf32, #tpu.memory_space<vmem_shared>> -> memref<4x640xf32, #tpu.memory_space<vmem_shared>>
      tpu.enqueue_dma source(%dma_start3A_338 : memref<4x640xf32, #tpu.memory_space<vmem_shared>>) target(%arg17 : memref<4x640xf32, #tpu.memory_space<vmem>>) target_semaphore(%run_scoped3A : memref<!tpu.dma_semaphore, #tpu.memory_space<semaphore_mem>>)
      %dma_wait3A = tpu.memref_slice %arg20[%mul3A_316, %add3A_314] : memref<16x10240xf32, #tpu.memory_space<vmem_shared>> -> memref<4x640xf32, #tpu.memory_space<vmem_shared>>
      %dma_wait3A_339 = tpu.memref_slice %arg20[%mul3A_316, %add3A_314] : memref<16x10240xf32, #tpu.memory_space<vmem_shared>> -> memref<4x640xf32, #tpu.memory_space<vmem_shared>>
      tpu.wait_dma2 semaphore(%run_scoped3A : memref<!tpu.dma_semaphore, #tpu.memory_space<semaphore_mem>>) src(%dma_wait3A_339 : memref<4x640xf32, #tpu.memory_space<vmem_shared>>) dst(%arg17 : memref<4x640xf32, #tpu.memory_space<vmem>>)
      tpu.yield
    }) : () -> ()
    %scan3A_317 = arith.constant 0 : i32
    %scan3A_318 = arith.constant 0 : i32
    %scan3A_319 = arith.constant 40 : i32
    %scan3A_320 = arith.addi %scan3A_318, %scan3A_319 : i32
    %scan3A_321 = arith.constant 1 : i32
    scf.for %scan3A_338 = %scan3A_318 to %scan3A_320 step %scan3A_321  : i32 {
      %mul3A_339 = arith.constant 16 : i32
      %mul3A_340 = arith.muli %scan3A_338, %mul3A_339 : i32
      %get3A = arith.constant 0 : i32
      %get3A_341 = arith.index_cast %get3A : i32 to index
      %get3A_342 = arith.index_cast %mul3A_340 : i32 to index
      %get3A_343 = tpu.vector_load %arg17[%get3A_341, %get3A_342] {strides = array<i32>} : memref<4x640xf32, #tpu.memory_space<vmem>>, vector<16xf32>,
      %mul3A_344 = arith.constant 16 : i32
      %mul3A_345 = arith.muli %scan3A_338, %mul3A_344 : i32
      %get3A_346 = arith.constant 1 : i32
      %get3A_347 = arith.index_cast %get3A_346 : i32 to index
      %get3A_348 = arith.index_cast %mul3A_345 : i32 to index
      %get3A_349 = tpu.vector_load %arg17[%get3A_347, %get3A_348] {strides = array<i32>} : memref<4x640xf32, #tpu.memory_space<vmem>>, vector<16xf32>,
      %add3A_350 = arith.addf %get3A_343, %get3A_349 : vector<16xf32>
      %mul3A_351 = arith.constant 16 : i32
      %mul3A_352 = arith.muli %scan3A_338, %mul3A_351 : i32
      %get3A_353 = arith.constant 2 : i32
      %get3A_354 = arith.index_cast %get3A_353 : i32 to index
      %get3A_355 = arith.index_cast %mul3A_352 : i32 to index
      %get3A_356 = tpu.vector_load %arg17[%get3A_354, %get3A_355] {strides = array<i32>} : memref<4x640xf32, #tpu.memory_space<vmem>>, vector<16xf32>,
      %add3A_357 = arith.addf %add3A_350, %get3A_356 : vector<16xf32>
      %mul3A_358 = arith.constant 16 : i32
      %mul3A_359 = arith.muli %scan3A_338, %mul3A_358 : i32
      %get3A_360 = arith.constant 3 : i32
      %get3A_361 = arith.index_cast %get3A_360 : i32 to index
      %get3A_362 = arith.index_cast %mul3A_359 : i32 to index
      %get3A_363 = tpu.vector_load %arg17[%get3A_361, %get3A_362] {strides = array<i32>} : memref<4x640xf32, #tpu.memory_space<vmem>>, vector<16xf32>,
      %add3A_364 = arith.addf %add3A_357, %get3A_363 : vector<16xf32>
      %mul3A_365 = arith.constant 16 : i32
      %mul3A_366 = arith.muli %scan3A_338, %mul3A_365 : i32
      %add3A_367 = arith.addi %add3A_314, %mul3A_366 : i32
      %swap3A = arith.index_cast %add3A_367 : i32 to index
      %swap3A_368 = tpu.vector_load %arg16[%swap3A] {strides = array<i32>} : memref<10240xf32, #tpu.memory_space<vmem>>, vector<16xf32>,
      tpu.vector_store %arg16[%swap3A], %add3A_364 {strides = array<i32>} : memref<10240xf32, #tpu.memory_space<vmem>>, vector<16xf32>,
    }
    %scan3A_322 = arith.constant 40 : i32
    %add3A_323 = arith.constant 1920 : i32
    %add3A_324 = arith.addi %mul3A_153, %add3A_323 : i32
    %mul3A_325 = arith.constant 4 : i32
    %mul3A_326 = arith.muli %select_n3A, %mul3A_325 : i32
    "tpu.region"() ({
      %run_scoped3A = tpu.sem_alloc : memref<!tpu.dma_semaphore, #tpu.memory_space<semaphore_mem>>
      %dma_start3A = tpu.memref_slice %arg20[%mul3A_326, %add3A_324] : memref<16x10240xf32, #tpu.memory_space<vmem_shared>> -> memref<4x640xf32, #tpu.memory_space<vmem_shared>>
      %dma_start3A_338 = tpu.memref_slice %arg20[%mul3A_326, %add3A_324] : memref<16x10240xf32, #tpu.memory_space<vmem_shared>> -> memref<4x640xf32, #tpu.memory_space<vmem_shared>>
      tpu.enqueue_dma source(%dma_start3A_338 : memref<4x640xf32, #tpu.memory_space<vmem_shared>>) target(%arg17 : memref<4x640xf32, #tpu.memory_space<vmem>>) target_semaphore(%run_scoped3A : memref<!tpu.dma_semaphore, #tpu.memory_space<semaphore_mem>>)
      %dma_wait3A = tpu.memref_slice %arg20[%mul3A_326, %add3A_324] : memref<16x10240xf32, #tpu.memory_space<vmem_shared>> -> memref<4x640xf32, #tpu.memory_space<vmem_shared>>
      %dma_wait3A_339 = tpu.memref_slice %arg20[%mul3A_326, %add3A_324] : memref<16x10240xf32, #tpu.memory_space<vmem_shared>> -> memref<4x640xf32, #tpu.memory_space<vmem_shared>>
      tpu.wait_dma2 semaphore(%run_scoped3A : memref<!tpu.dma_semaphore, #tpu.memory_space<semaphore_mem>>) src(%dma_wait3A_339 : memref<4x640xf32, #tpu.memory_space<vmem_shared>>) dst(%arg17 : memref<4x640xf32, #tpu.memory_space<vmem>>)
      tpu.yield
    }) : () -> ()
    %scan3A_327 = arith.constant 0 : i32
    %scan3A_328 = arith.constant 0 : i32
    %scan3A_329 = arith.constant 40 : i32
    %scan3A_330 = arith.addi %scan3A_328, %scan3A_329 : i32
    %scan3A_331 = arith.constant 1 : i32
    scf.for %scan3A_338 = %scan3A_328 to %scan3A_330 step %scan3A_331  : i32 {
      %mul3A_339 = arith.constant 16 : i32
      %mul3A_340 = arith.muli %scan3A_338, %mul3A_339 : i32
      %get3A = arith.constant 0 : i32
      %get3A_341 = arith.index_cast %get3A : i32 to index
      %get3A_342 = arith.index_cast %mul3A_340 : i32 to index
      %get3A_343 = tpu.vector_load %arg17[%get3A_341, %get3A_342] {strides = array<i32>} : memref<4x640xf32, #tpu.memory_space<vmem>>, vector<16xf32>,
      %mul3A_344 = arith.constant 16 : i32
      %mul3A_345 = arith.muli %scan3A_338, %mul3A_344 : i32
      %get3A_346 = arith.constant 1 : i32
      %get3A_347 = arith.index_cast %get3A_346 : i32 to index
      %get3A_348 = arith.index_cast %mul3A_345 : i32 to index
      %get3A_349 = tpu.vector_load %arg17[%get3A_347, %get3A_348] {strides = array<i32>} : memref<4x640xf32, #tpu.memory_space<vmem>>, vector<16xf32>,
      %add3A_350 = arith.addf %get3A_343, %get3A_349 : vector<16xf32>
      %mul3A_351 = arith.constant 16 : i32
      %mul3A_352 = arith.muli %scan3A_338, %mul3A_351 : i32
      %get3A_353 = arith.constant 2 : i32
      %get3A_354 = arith.index_cast %get3A_353 : i32 to index
      %get3A_355 = arith.index_cast %mul3A_352 : i32 to index
      %get3A_356 = tpu.vector_load %arg17[%get3A_354, %get3A_355] {strides = array<i32>} : memref<4x640xf32, #tpu.memory_space<vmem>>, vector<16xf32>,
      %add3A_357 = arith.addf %add3A_350, %get3A_356 : vector<16xf32>
      %mul3A_358 = arith.constant 16 : i32
      %mul3A_359 = arith.muli %scan3A_338, %mul3A_358 : i32
      %get3A_360 = arith.constant 3 : i32
      %get3A_361 = arith.index_cast %get3A_360 : i32 to index
      %get3A_362 = arith.index_cast %mul3A_359 : i32 to index
      %get3A_363 = tpu.vector_load %arg17[%get3A_361, %get3A_362] {strides = array<i32>} : memref<4x640xf32, #tpu.memory_space<vmem>>, vector<16xf32>,
      %add3A_364 = arith.addf %add3A_357, %get3A_363 : vector<16xf32>
      %mul3A_365 = arith.constant 16 : i32
      %mul3A_366 = arith.muli %scan3A_338, %mul3A_365 : i32
      %add3A_367 = arith.addi %add3A_324, %mul3A_366 : i32
      %swap3A = arith.index_cast %add3A_367 : i32 to index
      %swap3A_368 = tpu.vector_load %arg16[%swap3A] {strides = array<i32>} : memref<10240xf32, #tpu.memory_space<vmem>>, vector<16xf32>,
      tpu.vector_store %arg16[%swap3A], %add3A_364 {strides = array<i32>} : memref<10240xf32, #tpu.memory_space<vmem>>, vector<16xf32>,
    }
    %scan3A_332 = arith.constant 40 : i32
    %mul3A_333 = arith.constant 4 : i32
    %mul3A_334 = arith.muli %select_n3A, %mul3A_333 : i32
    %add3A_335 = arith.constant 3 : i32
    %add3A_336 = arith.addi %mul3A_334, %add3A_335 : i32
    "tpu.region"() ({
      %run_scoped3A = tpu.sem_alloc : memref<!tpu.dma_semaphore, #tpu.memory_space<semaphore_mem>>
      %dma_start3A = tpu.memref_slice %arg16[%mul3A_153] : memref<10240xf32, #tpu.memory_space<vmem>> -> memref<2560xf32, #tpu.memory_space<vmem>>
      %dma_start3A_338 = tpu.memref_slice %arg6[%arg0, %add3A_336, %mul3A_153] : memref<2x16x10240xf32, #tpu.memory_space<hbm>> -> memref<1x1x2560xf32, #tpu.memory_space<hbm>>
      %dma_start3A_339 = tpu.memref_squeeze %dma_start3A_338 : memref<1x1x2560xf32, #tpu.memory_space<hbm>> -> memref<2560xf32, #tpu.memory_space<hbm>>
      %dma_start3A_340 = tpu.memref_slice %arg6[%arg0, %add3A_336, %mul3A_153] : memref<2x16x10240xf32, #tpu.memory_space<hbm>> -> memref<1x1x2560xf32, #tpu.memory_space<hbm>>
      %dma_start3A_341 = tpu.memref_squeeze %dma_start3A_340 : memref<1x1x2560xf32, #tpu.memory_space<hbm>> -> memref<2560xf32, #tpu.memory_space<hbm>>
      %dma_start3A_342 = tpu.memref_slice %arg16[%mul3A_153] : memref<10240xf32, #tpu.memory_space<vmem>> -> memref<2560xf32, #tpu.memory_space<vmem>>
      tpu.enqueue_dma source(%dma_start3A_342 : memref<2560xf32, #tpu.memory_space<vmem>>) target(%dma_start3A_341 : memref<2560xf32, #tpu.memory_space<hbm>>) target_semaphore(%run_scoped3A : memref<!tpu.dma_semaphore, #tpu.memory_space<semaphore_mem>>)
      %dma_wait3A = tpu.memref_slice %arg16[%mul3A_153] : memref<10240xf32, #tpu.memory_space<vmem>> -> memref<2560xf32, #tpu.memory_space<vmem>>
      %dma_wait3A_343 = tpu.memref_slice %arg6[%arg0, %add3A_336, %mul3A_153] : memref<2x16x10240xf32, #tpu.memory_space<hbm>> -> memref<1x1x2560xf32, #tpu.memory_space<hbm>>
      %dma_wait3A_344 = tpu.memref_squeeze %dma_wait3A_343 : memref<1x1x2560xf32, #tpu.memory_space<hbm>> -> memref<2560xf32, #tpu.memory_space<hbm>>
      %dma_wait3A_345 = tpu.memref_slice %arg6[%arg0, %add3A_336, %mul3A_153] : memref<2x16x10240xf32, #tpu.memory_space<hbm>> -> memref<1x1x2560xf32, #tpu.memory_space<hbm>>
      %dma_wait3A_346 = tpu.memref_squeeze %dma_wait3A_345 : memref<1x1x2560xf32, #tpu.memory_space<hbm>> -> memref<2560xf32, #tpu.memory_space<hbm>>
      %dma_wait3A_347 = tpu.memref_slice %arg16[%mul3A_153] : memref<10240xf32, #tpu.memory_space<vmem>> -> memref<2560xf32, #tpu.memory_space<vmem>>
      tpu.wait_dma2 semaphore(%run_scoped3A : memref<!tpu.dma_semaphore, #tpu.memory_space<semaphore_mem>>) src(%dma_wait3A_347 : memref<2560xf32, #tpu.memory_space<vmem>>) dst(%dma_wait3A_346 : memref<2560xf32, #tpu.memory_space<hbm>>)
      tpu.yield
    }) : () -> ()
    %barrier3A_337 = arith.constant 0 : index
    tpu.barrier barrier_id(%barrier3A_337)
    return
  }
}

module attributes {stable_mosaic.version = 14 : i64} {
  func.func @_main_body(%arg0: i32, %arg1: memref<2x16x1024xf32, #tpu.memory_space<vmem>>, %arg2: memref<16x1024xf32, #tpu.memory_space<vmem>>, %arg3: memref<128x128xf32, #tpu.memory_space<vmem>>, %arg4: memref<384x128xf32, #tpu.memory_space<vmem>>, %arg5: memref<384x128xf32, #tpu.memory_space<vmem>>, %arg6: memref<384x128xf32, #tpu.memory_space<vmem>>, %arg7: memref<128x128xf32, #tpu.memory_space<vmem>>, %arg8: memref<128x256xf32, #tpu.memory_space<vmem>>, %arg9: memref<8x128xf32, #tpu.memory_space<vmem>>, %arg10: memref<1x128xf32, #tpu.memory_space<vmem>>, %arg11: memref<1x128xf32, #tpu.memory_space<vmem>>, %arg12: memref<1x128xf32, #tpu.memory_space<vmem>>, %arg13: memref<1x384xf32, #tpu.memory_space<vmem>>, %arg14: memref<1x384xf32, #tpu.memory_space<vmem>>, %arg15: memref<1x384xf32, #tpu.memory_space<vmem>>, %arg16: memref<1x128xf32, #tpu.memory_space<vmem>>, %arg17: memref<1x128xf32, #tpu.memory_space<vmem>>, %arg18: memref<1x128xf32, #tpu.memory_space<vmem>>, %arg19: memref<1x128xf32, #tpu.memory_space<vmem>>, %arg20: memref<1x1xf32, #tpu.memory_space<vmem>>, %arg21: memref<1024x1xf32, #tpu.memory_space<vmem>>) attributes {dimension_semantics = [#tpu.dimension_semantics<arbitrary>], iteration_bounds = array<i64: 10>, scalar_prefetch = 0 : i64, scratch_operands = 0 : i64, tpu.core_type = #tpu.core_type<tc>, window_params = [{transform_indices = @transform_0, window_bounds = array<i64: 2, 16, 1024>}, {transform_indices = @transform_1, window_bounds = array<i64: 16, 1024>}, {pipeline_mode = #tpu.pipeline_mode<synchronous>, transform_indices = @transform_2, window_bounds = array<i64: 128, 128>}, {pipeline_mode = #tpu.pipeline_mode<synchronous>, transform_indices = @transform_3, window_bounds = array<i64: 384, 128>}, {pipeline_mode = #tpu.pipeline_mode<synchronous>, transform_indices = @transform_4, window_bounds = array<i64: 384, 128>}, {pipeline_mode = #tpu.pipeline_mode<synchronous>, transform_indices = @transform_5, window_bounds = array<i64: 384, 128>}, {pipeline_mode = #tpu.pipeline_mode<synchronous>, transform_indices = @transform_6, window_bounds = array<i64: 128, 128>}, {pipeline_mode = #tpu.pipeline_mode<synchronous>, transform_indices = @transform_7, window_bounds = array<i64: 128, 256>}, {pipeline_mode = #tpu.pipeline_mode<synchronous>, transform_indices = @transform_8, window_bounds = array<i64: 8, 128>}, {pipeline_mode = #tpu.pipeline_mode<synchronous>, transform_indices = @transform_9, window_bounds = array<i64: 1, 128>}, {pipeline_mode = #tpu.pipeline_mode<synchronous>, transform_indices = @transform_10, window_bounds = array<i64: 1, 128>}, {pipeline_mode = #tpu.pipeline_mode<synchronous>, transform_indices = @transform_11, window_bounds = array<i64: 1, 128>}, {pipeline_mode = #tpu.pipeline_mode<synchronous>, transform_indices = @transform_12, window_bounds = array<i64: 1, 384>}, {pipeline_mode = #tpu.pipeline_mode<synchronous>, transform_indices = @transform_13, window_bounds = array<i64: 1, 384>}, {pipeline_mode = #tpu.pipeline_mode<synchronous>, transform_indices = @transform_14, window_bounds = array<i64: 1, 384>}, {pipeline_mode = #tpu.pipeline_mode<synchronous>, transform_indices = @transform_15, window_bounds = array<i64: 1, 128>}, {pipeline_mode = #tpu.pipeline_mode<synchronous>, transform_indices = @transform_16, window_bounds = array<i64: 1, 128>}, {pipeline_mode = #tpu.pipeline_mode<synchronous>, transform_indices = @transform_17, window_bounds = array<i64: 1, 128>}, {pipeline_mode = #tpu.pipeline_mode<synchronous>, transform_indices = @transform_18, window_bounds = array<i64: 1, 128>}, {pipeline_mode = #tpu.pipeline_mode<synchronous>, transform_indices = @transform_19, window_bounds = array<i64: 1, 1>}, {transform_indices = @transform_20, window_bounds = array<i64: 1024, 1>}]} {
    %broadcast_in_dim3A = arith.constant 1.000000e+00 : f32
    %broadcast_in_dim3A_0 = vector.broadcast %broadcast_in_dim3A : f32 to vector<1x16xf32>
    %get3A = arith.constant 0 : index
    %get3A_1 = arith.constant 0 : index
    %get3A_2 = vector.load %arg2[%get3A, %get3A_1] : memref<16x1024xf32, #tpu.memory_space<vmem>>, vector<16x1024xf32>
    %slice3A = vector.extract_strided_slice %get3A_2 {offsets = [12, 0], sizes = [1, 1024], strides = [1, 1]} : vector<16x1024xf32> to vector<1x1024xf32>
    %get3A_3 = arith.constant 0 : index
    %get3A_4 = arith.constant 0 : index
    %get3A_5 = arith.constant 0 : index
    %get3A_6 = vector.load %arg1[%get3A_3, %get3A_4, %get3A_5] : memref<2x16x1024xf32, #tpu.memory_space<vmem>>, vector<1x16x1024xf32>
    %get3A_7 = vector.shape_cast %get3A_6 : vector<1x16x1024xf32> to vector<16x1024xf32>
    %get3A_8 = arith.constant 1 : index
    %get3A_9 = arith.constant 0 : index
    %get3A_10 = arith.constant 0 : index
    %get3A_11 = vector.load %arg1[%get3A_8, %get3A_9, %get3A_10] : memref<2x16x1024xf32, #tpu.memory_space<vmem>>, vector<1x16x1024xf32>
    %get3A_12 = vector.shape_cast %get3A_11 : vector<1x16x1024xf32> to vector<16x1024xf32>
    %add3A = arith.addf %get3A_7, %get3A_12 : vector<16x1024xf32>
    %add3A_13 = arith.addf %add3A, %get3A_2 : vector<16x1024xf32>
    %mul3A = vector.broadcast %slice3A : vector<1x1024xf32> to vector<16x1024xf32>
    %mul3A_14 = arith.mulf %mul3A, %add3A_13 : vector<16x1024xf32>
    %transpose3A = tpu.transpose %mul3A_14, [1, 0] : vector<16x1024xf32> -> vector<1024x16xf32>
    %slice3A_15 = vector.extract_strided_slice %transpose3A {offsets = [0, 12], sizes = [1024, 1], strides = [1, 1]} : vector<1024x16xf32> to vector<1024x1xf32>
    %slice3A_16 = vector.extract_strided_slice %transpose3A {offsets = [0, 11], sizes = [1024, 1], strides = [1, 1]} : vector<1024x16xf32> to vector<1024x1xf32>
    %iota3A = tpu.iota {dimensions = array<i32: 1>} : vector<1x16xi32>
    %lt3A = arith.constant 12 : i32
    %lt3A_17 = vector.broadcast %lt3A : i32 to vector<1x16xi32>
    %lt3A_18 = arith.cmpi slt, %iota3A, %lt3A_17 : vector<1x16xi32>
    %convert_element_type3A = arith.extui %lt3A_18 : vector<1x16xi1> to vector<1x16xi32>
    %convert_element_type3A_19 = arith.sitofp %convert_element_type3A : vector<1x16xi32> to vector<1x16xf32>
    %mul3A_20 = vector.broadcast %convert_element_type3A_19 : vector<1x16xf32> to vector<1024x16xf32>
    %mul3A_21 = arith.mulf %transpose3A, %mul3A_20 : vector<1024x16xf32>
    %get3A_22 = arith.constant 0 : index
    %get3A_23 = arith.constant 0 : index
    %get3A_24 = vector.load %arg10[%get3A_22, %get3A_23] : memref<1x128xf32, #tpu.memory_space<vmem>>, vector<1x128xf32>
    %get3A_25 = arith.constant 0 : index
    %get3A_26 = arith.constant 0 : index
    %get3A_27 = vector.load %arg11[%get3A_25, %get3A_26] : memref<1x128xf32, #tpu.memory_space<vmem>>, vector<1x128xf32>
    %get3A_28 = arith.constant 0 : index
    %get3A_29 = arith.constant 0 : index
    %get3A_30 = vector.load %arg12[%get3A_28, %get3A_29] : memref<1x128xf32, #tpu.memory_space<vmem>>, vector<1x128xf32>
    %get3A_31 = arith.constant 0 : index
    %get3A_32 = arith.constant 0 : index
    %get3A_33 = vector.load %arg3[%get3A_31, %get3A_32] : memref<128x128xf32, #tpu.memory_space<vmem>>, vector<128x128xf32>
    %dot_general3A = arith.constant dense<0.000000e+00> : vector<1x128xf32>
    %dot_general3A_34 = tpu.matmul %get3A_24, %get3A_33, %dot_general3A {dimension_numbers = #tpu.dot_dimension_numbers<[1], [1], [0], [0], [0, 0, 1, 0], [], []>, transpose_lhs_hint = false} : vector<1x128xf32>, vector<128x128xf32>, vector<1x128xf32> -> vector<1x128xf32>
    %get3A_35 = arith.constant 0 : index
    %get3A_36 = arith.constant 0 : index
    %get3A_37 = vector.load %arg3[%get3A_35, %get3A_36] : memref<128x128xf32, #tpu.memory_space<vmem>>, vector<128x128xf32>
    %dot_general3A_38 = arith.constant dense<0.000000e+00> : vector<1x128xf32>
    %dot_general3A_39 = tpu.matmul %get3A_27, %get3A_37, %dot_general3A_38 {dimension_numbers = #tpu.dot_dimension_numbers<[1], [1], [0], [0], [0, 0, 1, 0], [], []>, transpose_lhs_hint = false} : vector<1x128xf32>, vector<128x128xf32>, vector<1x128xf32> -> vector<1x128xf32>
    %get3A_40 = arith.constant 0 : index
    %get3A_41 = arith.constant 0 : index
    %get3A_42 = vector.load %arg4[%get3A_40, %get3A_41] : memref<384x128xf32, #tpu.memory_space<vmem>>, vector<384x128xf32>
    %dot_general3A_43 = arith.constant dense<0.000000e+00> : vector<1x384xf32>
    %dot_general3A_44 = tpu.matmul %dot_general3A_34, %get3A_42, %dot_general3A_43 {dimension_numbers = #tpu.dot_dimension_numbers<[1], [1], [0], [0], [0, 0, 1, 0], [], []>, transpose_lhs_hint = false} : vector<1x128xf32>, vector<384x128xf32>, vector<1x384xf32> -> vector<1x384xf32>
    %get3A_45 = arith.constant 0 : index
    %get3A_46 = arith.constant 0 : index
    %get3A_47 = vector.load %arg4[%get3A_45, %get3A_46] : memref<384x128xf32, #tpu.memory_space<vmem>>, vector<384x128xf32>
    %dot_general3A_48 = arith.constant dense<0.000000e+00> : vector<1x384xf32>
    %dot_general3A_49 = tpu.matmul %dot_general3A_39, %get3A_47, %dot_general3A_48 {dimension_numbers = #tpu.dot_dimension_numbers<[1], [1], [0], [0], [0, 0, 1, 0], [], []>, transpose_lhs_hint = false} : vector<1x128xf32>, vector<384x128xf32>, vector<1x384xf32> -> vector<1x384xf32>
    %get3A_50 = arith.constant 0 : index
    %get3A_51 = arith.constant 0 : index
    %get3A_52 = vector.load %arg4[%get3A_50, %get3A_51] : memref<384x128xf32, #tpu.memory_space<vmem>>, vector<384x128xf32>
    %dot_general3A_53 = arith.constant dense<0.000000e+00> : vector<1x384xf32>
    %dot_general3A_54 = tpu.matmul %get3A_30, %get3A_52, %dot_general3A_53 {dimension_numbers = #tpu.dot_dimension_numbers<[1], [1], [0], [0], [0, 0, 1, 0], [], []>, transpose_lhs_hint = false} : vector<1x128xf32>, vector<384x128xf32>, vector<1x384xf32> -> vector<1x384xf32>
    %get3A_55 = arith.constant 0 : index
    %get3A_56 = arith.constant 0 : index
    %get3A_57 = vector.load %arg13[%get3A_55, %get3A_56] : memref<1x384xf32, #tpu.memory_space<vmem>>, vector<1x384xf32>
    %add3A_58 = arith.addf %dot_general3A_54, %get3A_57 : vector<1x384xf32>
    %broadcast_in_dim3A_59 = arith.constant 0.000000e+00 : f32
    %broadcast_in_dim3A_60 = vector.broadcast %broadcast_in_dim3A_59 : f32 to vector<1024x128xf32>
    %dot_general3A_61 = arith.constant dense<0.000000e+00> : vector<1024x384xf32>
    %dot_general3A_62 = tpu.matmul %slice3A_15, %dot_general3A_49, %dot_general3A_61 {dimension_numbers = #tpu.dot_dimension_numbers<[1], [0], [0], [1], [0, 0, 1, 1], [], []>, transpose_lhs_hint = false} : vector<1024x1xf32>, vector<1x384xf32>, vector<1024x384xf32> -> vector<1024x384xf32>
    %add3A_63 = vector.broadcast %add3A_58 : vector<1x384xf32> to vector<1024x384xf32>
    %add3A_64 = arith.addf %dot_general3A_62, %add3A_63 : vector<1024x384xf32>
    %get3A_65 = arith.constant 0 : index
    %get3A_66 = arith.constant 0 : index
    %get3A_67 = vector.load %arg14[%get3A_65, %get3A_66] : memref<1x384xf32, #tpu.memory_space<vmem>>, vector<1x384xf32>
    %slice3A_68 = vector.extract_strided_slice %transpose3A {offsets = [0, 0], sizes = [1024, 1], strides = [1, 1]} : vector<1024x16xf32> to vector<1024x1xf32>
    %dot_general3A_69 = arith.constant dense<0.000000e+00> : vector<1024x384xf32>
    %dot_general3A_70 = tpu.matmul %slice3A_68, %dot_general3A_44, %dot_general3A_69 {dimension_numbers = #tpu.dot_dimension_numbers<[1], [0], [0], [1], [0, 0, 1, 1], [], []>, transpose_lhs_hint = false} : vector<1024x1xf32>, vector<1x384xf32>, vector<1024x384xf32> -> vector<1024x384xf32>
    %add3A_71 = arith.addf %dot_general3A_70, %add3A_64 : vector<1024x384xf32>
    %get3A_72 = arith.constant 0 : index
    %get3A_73 = arith.constant 0 : index
    %get3A_74 = vector.load %arg5[%get3A_72, %get3A_73] : memref<384x128xf32, #tpu.memory_space<vmem>>, vector<384x128xf32>
    %dot_general3A_75 = arith.constant dense<0.000000e+00> : vector<1024x384xf32>
    %dot_general3A_76 = tpu.matmul %broadcast_in_dim3A_60, %get3A_74, %dot_general3A_75 {dimension_numbers = #tpu.dot_dimension_numbers<[1], [1], [0], [0], [0, 0, 1, 0], [], []>, transpose_lhs_hint = false} : vector<1024x128xf32>, vector<384x128xf32>, vector<1024x384xf32> -> vector<1024x384xf32>
    %add3A_77 = vector.broadcast %get3A_67 : vector<1x384xf32> to vector<1024x384xf32>
    %add3A_78 = arith.addf %dot_general3A_76, %add3A_77 : vector<1024x384xf32>
    %slice3A_79 = vector.extract_strided_slice %add3A_71 {offsets = [0, 0], sizes = [1024, 128], strides = [1, 1]} : vector<1024x384xf32> to vector<1024x128xf32>
    %slice3A_80 = vector.extract_strided_slice %add3A_78 {offsets = [0, 0], sizes = [1024, 128], strides = [1, 1]} : vector<1024x384xf32> to vector<1024x128xf32>
    %add3A_81 = arith.addf %slice3A_79, %slice3A_80 : vector<1024x128xf32>
    %logistic3A = arith.negf %add3A_81 : vector<1024x128xf32>
    %logistic3A_82 = math.exp %logistic3A : vector<1024x128xf32>
    %logistic3A_83 = arith.constant 1.000000e+00 : f32
    %logistic3A_84 = vector.broadcast %logistic3A_83 : f32 to vector<1024x128xf32>
    %logistic3A_85 = arith.addf %logistic3A_84, %logistic3A_82 : vector<1024x128xf32>
    %logistic3A_86 = arith.divf %logistic3A_84, %logistic3A_85 : vector<1024x128xf32>
    %slice3A_87 = vector.extract_strided_slice %add3A_71 {offsets = [0, 128], sizes = [1024, 128], strides = [1, 1]} : vector<1024x384xf32> to vector<1024x128xf32>
    %slice3A_88 = vector.extract_strided_slice %add3A_78 {offsets = [0, 128], sizes = [1024, 128], strides = [1, 1]} : vector<1024x384xf32> to vector<1024x128xf32>
    %add3A_89 = arith.addf %slice3A_87, %slice3A_88 : vector<1024x128xf32>
    %logistic3A_90 = arith.negf %add3A_89 : vector<1024x128xf32>
    %logistic3A_91 = math.exp %logistic3A_90 : vector<1024x128xf32>
    %logistic3A_92 = arith.constant 1.000000e+00 : f32
    %logistic3A_93 = vector.broadcast %logistic3A_92 : f32 to vector<1024x128xf32>
    %logistic3A_94 = arith.addf %logistic3A_93, %logistic3A_91 : vector<1024x128xf32>
    %logistic3A_95 = arith.divf %logistic3A_93, %logistic3A_94 : vector<1024x128xf32>
    %slice3A_96 = vector.extract_strided_slice %add3A_71 {offsets = [0, 256], sizes = [1024, 128], strides = [1, 1]} : vector<1024x384xf32> to vector<1024x128xf32>
    %slice3A_97 = vector.extract_strided_slice %add3A_78 {offsets = [0, 256], sizes = [1024, 128], strides = [1, 1]} : vector<1024x384xf32> to vector<1024x128xf32>
    %mul3A_98 = arith.mulf %logistic3A_86, %slice3A_97 : vector<1024x128xf32>
    %add3A_99 = arith.addf %slice3A_96, %mul3A_98 : vector<1024x128xf32>
    %tanh3A = math.tanh %add3A_99 : vector<1024x128xf32>
    %sub3A = arith.constant 1.000000e+00 : f32
    %sub3A_100 = vector.broadcast %sub3A : f32 to vector<1024x128xf32>
    %sub3A_101 = arith.subf %sub3A_100, %logistic3A_95 : vector<1024x128xf32>
    %mul3A_102 = arith.mulf %sub3A_101, %tanh3A : vector<1024x128xf32>
    %mul3A_103 = arith.mulf %logistic3A_95, %broadcast_in_dim3A_60 : vector<1024x128xf32>
    %add3A_104 = arith.addf %mul3A_102, %mul3A_103 : vector<1024x128xf32>
    %slice3A_105 = vector.extract_strided_slice %transpose3A {offsets = [0, 1], sizes = [1024, 1], strides = [1, 1]} : vector<1024x16xf32> to vector<1024x1xf32>
    %dot_general3A_106 = arith.constant dense<0.000000e+00> : vector<1024x384xf32>
    %dot_general3A_107 = tpu.matmul %slice3A_105, %dot_general3A_44, %dot_general3A_106 {dimension_numbers = #tpu.dot_dimension_numbers<[1], [0], [0], [1], [0, 0, 1, 1], [], []>, transpose_lhs_hint = false} : vector<1024x1xf32>, vector<1x384xf32>, vector<1024x384xf32> -> vector<1024x384xf32>
    %add3A_108 = arith.addf %dot_general3A_107, %add3A_64 : vector<1024x384xf32>
    %get3A_109 = arith.constant 0 : index
    %get3A_110 = arith.constant 0 : index
    %get3A_111 = vector.load %arg5[%get3A_109, %get3A_110] : memref<384x128xf32, #tpu.memory_space<vmem>>, vector<384x128xf32>
    %dot_general3A_112 = arith.constant dense<0.000000e+00> : vector<1024x384xf32>
    %dot_general3A_113 = tpu.matmul %add3A_104, %get3A_111, %dot_general3A_112 {dimension_numbers = #tpu.dot_dimension_numbers<[1], [1], [0], [0], [0, 0, 1, 0], [], []>, transpose_lhs_hint = false} : vector<1024x128xf32>, vector<384x128xf32>, vector<1024x384xf32> -> vector<1024x384xf32>
    %add3A_114 = vector.broadcast %get3A_67 : vector<1x384xf32> to vector<1024x384xf32>
    %add3A_115 = arith.addf %dot_general3A_113, %add3A_114 : vector<1024x384xf32>
    %slice3A_116 = vector.extract_strided_slice %add3A_108 {offsets = [0, 0], sizes = [1024, 128], strides = [1, 1]} : vector<1024x384xf32> to vector<1024x128xf32>
    %slice3A_117 = vector.extract_strided_slice %add3A_115 {offsets = [0, 0], sizes = [1024, 128], strides = [1, 1]} : vector<1024x384xf32> to vector<1024x128xf32>
    %add3A_118 = arith.addf %slice3A_116, %slice3A_117 : vector<1024x128xf32>
    %logistic3A_119 = arith.negf %add3A_118 : vector<1024x128xf32>
    %logistic3A_120 = math.exp %logistic3A_119 : vector<1024x128xf32>
    %logistic3A_121 = arith.constant 1.000000e+00 : f32
    %logistic3A_122 = vector.broadcast %logistic3A_121 : f32 to vector<1024x128xf32>
    %logistic3A_123 = arith.addf %logistic3A_122, %logistic3A_120 : vector<1024x128xf32>
    %logistic3A_124 = arith.divf %logistic3A_122, %logistic3A_123 : vector<1024x128xf32>
    %slice3A_125 = vector.extract_strided_slice %add3A_108 {offsets = [0, 128], sizes = [1024, 128], strides = [1, 1]} : vector<1024x384xf32> to vector<1024x128xf32>
    %slice3A_126 = vector.extract_strided_slice %add3A_115 {offsets = [0, 128], sizes = [1024, 128], strides = [1, 1]} : vector<1024x384xf32> to vector<1024x128xf32>
    %add3A_127 = arith.addf %slice3A_125, %slice3A_126 : vector<1024x128xf32>
    %logistic3A_128 = arith.negf %add3A_127 : vector<1024x128xf32>
    %logistic3A_129 = math.exp %logistic3A_128 : vector<1024x128xf32>
    %logistic3A_130 = arith.constant 1.000000e+00 : f32
    %logistic3A_131 = vector.broadcast %logistic3A_130 : f32 to vector<1024x128xf32>
    %logistic3A_132 = arith.addf %logistic3A_131, %logistic3A_129 : vector<1024x128xf32>
    %logistic3A_133 = arith.divf %logistic3A_131, %logistic3A_132 : vector<1024x128xf32>
    %slice3A_134 = vector.extract_strided_slice %add3A_108 {offsets = [0, 256], sizes = [1024, 128], strides = [1, 1]} : vector<1024x384xf32> to vector<1024x128xf32>
    %slice3A_135 = vector.extract_strided_slice %add3A_115 {offsets = [0, 256], sizes = [1024, 128], strides = [1, 1]} : vector<1024x384xf32> to vector<1024x128xf32>
    %mul3A_136 = arith.mulf %logistic3A_124, %slice3A_135 : vector<1024x128xf32>
    %add3A_137 = arith.addf %slice3A_134, %mul3A_136 : vector<1024x128xf32>
    %tanh3A_138 = math.tanh %add3A_137 : vector<1024x128xf32>
    %sub3A_139 = arith.constant 1.000000e+00 : f32
    %sub3A_140 = vector.broadcast %sub3A_139 : f32 to vector<1024x128xf32>
    %sub3A_141 = arith.subf %sub3A_140, %logistic3A_133 : vector<1024x128xf32>
    %mul3A_142 = arith.mulf %sub3A_141, %tanh3A_138 : vector<1024x128xf32>
    %mul3A_143 = arith.mulf %logistic3A_133, %add3A_104 : vector<1024x128xf32>
    %add3A_144 = arith.addf %mul3A_142, %mul3A_143 : vector<1024x128xf32>
    %slice3A_145 = vector.extract_strided_slice %transpose3A {offsets = [0, 2], sizes = [1024, 1], strides = [1, 1]} : vector<1024x16xf32> to vector<1024x1xf32>
    %dot_general3A_146 = arith.constant dense<0.000000e+00> : vector<1024x384xf32>
    %dot_general3A_147 = tpu.matmul %slice3A_145, %dot_general3A_44, %dot_general3A_146 {dimension_numbers = #tpu.dot_dimension_numbers<[1], [0], [0], [1], [0, 0, 1, 1], [], []>, transpose_lhs_hint = false} : vector<1024x1xf32>, vector<1x384xf32>, vector<1024x384xf32> -> vector<1024x384xf32>
    %add3A_148 = arith.addf %dot_general3A_147, %add3A_64 : vector<1024x384xf32>
    %get3A_149 = arith.constant 0 : index
    %get3A_150 = arith.constant 0 : index
    %get3A_151 = vector.load %arg5[%get3A_149, %get3A_150] : memref<384x128xf32, #tpu.memory_space<vmem>>, vector<384x128xf32>
    %dot_general3A_152 = arith.constant dense<0.000000e+00> : vector<1024x384xf32>
    %dot_general3A_153 = tpu.matmul %add3A_144, %get3A_151, %dot_general3A_152 {dimension_numbers = #tpu.dot_dimension_numbers<[1], [1], [0], [0], [0, 0, 1, 0], [], []>, transpose_lhs_hint = false} : vector<1024x128xf32>, vector<384x128xf32>, vector<1024x384xf32> -> vector<1024x384xf32>
    %add3A_154 = vector.broadcast %get3A_67 : vector<1x384xf32> to vector<1024x384xf32>
    %add3A_155 = arith.addf %dot_general3A_153, %add3A_154 : vector<1024x384xf32>
    %slice3A_156 = vector.extract_strided_slice %add3A_148 {offsets = [0, 0], sizes = [1024, 128], strides = [1, 1]} : vector<1024x384xf32> to vector<1024x128xf32>
    %slice3A_157 = vector.extract_strided_slice %add3A_155 {offsets = [0, 0], sizes = [1024, 128], strides = [1, 1]} : vector<1024x384xf32> to vector<1024x128xf32>
    %add3A_158 = arith.addf %slice3A_156, %slice3A_157 : vector<1024x128xf32>
    %logistic3A_159 = arith.negf %add3A_158 : vector<1024x128xf32>
    %logistic3A_160 = math.exp %logistic3A_159 : vector<1024x128xf32>
    %logistic3A_161 = arith.constant 1.000000e+00 : f32
    %logistic3A_162 = vector.broadcast %logistic3A_161 : f32 to vector<1024x128xf32>
    %logistic3A_163 = arith.addf %logistic3A_162, %logistic3A_160 : vector<1024x128xf32>
    %logistic3A_164 = arith.divf %logistic3A_162, %logistic3A_163 : vector<1024x128xf32>
    %slice3A_165 = vector.extract_strided_slice %add3A_148 {offsets = [0, 128], sizes = [1024, 128], strides = [1, 1]} : vector<1024x384xf32> to vector<1024x128xf32>
    %slice3A_166 = vector.extract_strided_slice %add3A_155 {offsets = [0, 128], sizes = [1024, 128], strides = [1, 1]} : vector<1024x384xf32> to vector<1024x128xf32>
    %add3A_167 = arith.addf %slice3A_165, %slice3A_166 : vector<1024x128xf32>
    %logistic3A_168 = arith.negf %add3A_167 : vector<1024x128xf32>
    %logistic3A_169 = math.exp %logistic3A_168 : vector<1024x128xf32>
    %logistic3A_170 = arith.constant 1.000000e+00 : f32
    %logistic3A_171 = vector.broadcast %logistic3A_170 : f32 to vector<1024x128xf32>
    %logistic3A_172 = arith.addf %logistic3A_171, %logistic3A_169 : vector<1024x128xf32>
    %logistic3A_173 = arith.divf %logistic3A_171, %logistic3A_172 : vector<1024x128xf32>
    %slice3A_174 = vector.extract_strided_slice %add3A_148 {offsets = [0, 256], sizes = [1024, 128], strides = [1, 1]} : vector<1024x384xf32> to vector<1024x128xf32>
    %slice3A_175 = vector.extract_strided_slice %add3A_155 {offsets = [0, 256], sizes = [1024, 128], strides = [1, 1]} : vector<1024x384xf32> to vector<1024x128xf32>
    %mul3A_176 = arith.mulf %logistic3A_164, %slice3A_175 : vector<1024x128xf32>
    %add3A_177 = arith.addf %slice3A_174, %mul3A_176 : vector<1024x128xf32>
    %tanh3A_178 = math.tanh %add3A_177 : vector<1024x128xf32>
    %sub3A_179 = arith.constant 1.000000e+00 : f32
    %sub3A_180 = vector.broadcast %sub3A_179 : f32 to vector<1024x128xf32>
    %sub3A_181 = arith.subf %sub3A_180, %logistic3A_173 : vector<1024x128xf32>
    %mul3A_182 = arith.mulf %sub3A_181, %tanh3A_178 : vector<1024x128xf32>
    %mul3A_183 = arith.mulf %logistic3A_173, %add3A_144 : vector<1024x128xf32>
    %add3A_184 = arith.addf %mul3A_182, %mul3A_183 : vector<1024x128xf32>
    %slice3A_185 = vector.extract_strided_slice %transpose3A {offsets = [0, 3], sizes = [1024, 1], strides = [1, 1]} : vector<1024x16xf32> to vector<1024x1xf32>
    %dot_general3A_186 = arith.constant dense<0.000000e+00> : vector<1024x384xf32>
    %dot_general3A_187 = tpu.matmul %slice3A_185, %dot_general3A_44, %dot_general3A_186 {dimension_numbers = #tpu.dot_dimension_numbers<[1], [0], [0], [1], [0, 0, 1, 1], [], []>, transpose_lhs_hint = false} : vector<1024x1xf32>, vector<1x384xf32>, vector<1024x384xf32> -> vector<1024x384xf32>
    %add3A_188 = arith.addf %dot_general3A_187, %add3A_64 : vector<1024x384xf32>
    %get3A_189 = arith.constant 0 : index
    %get3A_190 = arith.constant 0 : index
    %get3A_191 = vector.load %arg5[%get3A_189, %get3A_190] : memref<384x128xf32, #tpu.memory_space<vmem>>, vector<384x128xf32>
    %dot_general3A_192 = arith.constant dense<0.000000e+00> : vector<1024x384xf32>
    %dot_general3A_193 = tpu.matmul %add3A_184, %get3A_191, %dot_general3A_192 {dimension_numbers = #tpu.dot_dimension_numbers<[1], [1], [0], [0], [0, 0, 1, 0], [], []>, transpose_lhs_hint = false} : vector<1024x128xf32>, vector<384x128xf32>, vector<1024x384xf32> -> vector<1024x384xf32>
    %add3A_194 = vector.broadcast %get3A_67 : vector<1x384xf32> to vector<1024x384xf32>
    %add3A_195 = arith.addf %dot_general3A_193, %add3A_194 : vector<1024x384xf32>
    %slice3A_196 = vector.extract_strided_slice %add3A_188 {offsets = [0, 0], sizes = [1024, 128], strides = [1, 1]} : vector<1024x384xf32> to vector<1024x128xf32>
    %slice3A_197 = vector.extract_strided_slice %add3A_195 {offsets = [0, 0], sizes = [1024, 128], strides = [1, 1]} : vector<1024x384xf32> to vector<1024x128xf32>
    %add3A_198 = arith.addf %slice3A_196, %slice3A_197 : vector<1024x128xf32>
    %logistic3A_199 = arith.negf %add3A_198 : vector<1024x128xf32>
    %logistic3A_200 = math.exp %logistic3A_199 : vector<1024x128xf32>
    %logistic3A_201 = arith.constant 1.000000e+00 : f32
    %logistic3A_202 = vector.broadcast %logistic3A_201 : f32 to vector<1024x128xf32>
    %logistic3A_203 = arith.addf %logistic3A_202, %logistic3A_200 : vector<1024x128xf32>
    %logistic3A_204 = arith.divf %logistic3A_202, %logistic3A_203 : vector<1024x128xf32>
    %slice3A_205 = vector.extract_strided_slice %add3A_188 {offsets = [0, 128], sizes = [1024, 128], strides = [1, 1]} : vector<1024x384xf32> to vector<1024x128xf32>
    %slice3A_206 = vector.extract_strided_slice %add3A_195 {offsets = [0, 128], sizes = [1024, 128], strides = [1, 1]} : vector<1024x384xf32> to vector<1024x128xf32>
    %add3A_207 = arith.addf %slice3A_205, %slice3A_206 : vector<1024x128xf32>
    %logistic3A_208 = arith.negf %add3A_207 : vector<1024x128xf32>
    %logistic3A_209 = math.exp %logistic3A_208 : vector<1024x128xf32>
    %logistic3A_210 = arith.constant 1.000000e+00 : f32
    %logistic3A_211 = vector.broadcast %logistic3A_210 : f32 to vector<1024x128xf32>
    %logistic3A_212 = arith.addf %logistic3A_211, %logistic3A_209 : vector<1024x128xf32>
    %logistic3A_213 = arith.divf %logistic3A_211, %logistic3A_212 : vector<1024x128xf32>
    %slice3A_214 = vector.extract_strided_slice %add3A_188 {offsets = [0, 256], sizes = [1024, 128], strides = [1, 1]} : vector<1024x384xf32> to vector<1024x128xf32>
    %slice3A_215 = vector.extract_strided_slice %add3A_195 {offsets = [0, 256], sizes = [1024, 128], strides = [1, 1]} : vector<1024x384xf32> to vector<1024x128xf32>
    %mul3A_216 = arith.mulf %logistic3A_204, %slice3A_215 : vector<1024x128xf32>
    %add3A_217 = arith.addf %slice3A_214, %mul3A_216 : vector<1024x128xf32>
    %tanh3A_218 = math.tanh %add3A_217 : vector<1024x128xf32>
    %sub3A_219 = arith.constant 1.000000e+00 : f32
    %sub3A_220 = vector.broadcast %sub3A_219 : f32 to vector<1024x128xf32>
    %sub3A_221 = arith.subf %sub3A_220, %logistic3A_213 : vector<1024x128xf32>
    %mul3A_222 = arith.mulf %sub3A_221, %tanh3A_218 : vector<1024x128xf32>
    %mul3A_223 = arith.mulf %logistic3A_213, %add3A_184 : vector<1024x128xf32>
    %add3A_224 = arith.addf %mul3A_222, %mul3A_223 : vector<1024x128xf32>
    %slice3A_225 = vector.extract_strided_slice %transpose3A {offsets = [0, 4], sizes = [1024, 1], strides = [1, 1]} : vector<1024x16xf32> to vector<1024x1xf32>
    %dot_general3A_226 = arith.constant dense<0.000000e+00> : vector<1024x384xf32>
    %dot_general3A_227 = tpu.matmul %slice3A_225, %dot_general3A_44, %dot_general3A_226 {dimension_numbers = #tpu.dot_dimension_numbers<[1], [0], [0], [1], [0, 0, 1, 1], [], []>, transpose_lhs_hint = false} : vector<1024x1xf32>, vector<1x384xf32>, vector<1024x384xf32> -> vector<1024x384xf32>
    %add3A_228 = arith.addf %dot_general3A_227, %add3A_64 : vector<1024x384xf32>
    %get3A_229 = arith.constant 0 : index
    %get3A_230 = arith.constant 0 : index
    %get3A_231 = vector.load %arg5[%get3A_229, %get3A_230] : memref<384x128xf32, #tpu.memory_space<vmem>>, vector<384x128xf32>
    %dot_general3A_232 = arith.constant dense<0.000000e+00> : vector<1024x384xf32>
    %dot_general3A_233 = tpu.matmul %add3A_224, %get3A_231, %dot_general3A_232 {dimension_numbers = #tpu.dot_dimension_numbers<[1], [1], [0], [0], [0, 0, 1, 0], [], []>, transpose_lhs_hint = false} : vector<1024x128xf32>, vector<384x128xf32>, vector<1024x384xf32> -> vector<1024x384xf32>
    %add3A_234 = vector.broadcast %get3A_67 : vector<1x384xf32> to vector<1024x384xf32>
    %add3A_235 = arith.addf %dot_general3A_233, %add3A_234 : vector<1024x384xf32>
    %slice3A_236 = vector.extract_strided_slice %add3A_228 {offsets = [0, 0], sizes = [1024, 128], strides = [1, 1]} : vector<1024x384xf32> to vector<1024x128xf32>
    %slice3A_237 = vector.extract_strided_slice %add3A_235 {offsets = [0, 0], sizes = [1024, 128], strides = [1, 1]} : vector<1024x384xf32> to vector<1024x128xf32>
    %add3A_238 = arith.addf %slice3A_236, %slice3A_237 : vector<1024x128xf32>
    %logistic3A_239 = arith.negf %add3A_238 : vector<1024x128xf32>
    %logistic3A_240 = math.exp %logistic3A_239 : vector<1024x128xf32>
    %logistic3A_241 = arith.constant 1.000000e+00 : f32
    %logistic3A_242 = vector.broadcast %logistic3A_241 : f32 to vector<1024x128xf32>
    %logistic3A_243 = arith.addf %logistic3A_242, %logistic3A_240 : vector<1024x128xf32>
    %logistic3A_244 = arith.divf %logistic3A_242, %logistic3A_243 : vector<1024x128xf32>
    %slice3A_245 = vector.extract_strided_slice %add3A_228 {offsets = [0, 128], sizes = [1024, 128], strides = [1, 1]} : vector<1024x384xf32> to vector<1024x128xf32>
    %slice3A_246 = vector.extract_strided_slice %add3A_235 {offsets = [0, 128], sizes = [1024, 128], strides = [1, 1]} : vector<1024x384xf32> to vector<1024x128xf32>
    %add3A_247 = arith.addf %slice3A_245, %slice3A_246 : vector<1024x128xf32>
    %logistic3A_248 = arith.negf %add3A_247 : vector<1024x128xf32>
    %logistic3A_249 = math.exp %logistic3A_248 : vector<1024x128xf32>
    %logistic3A_250 = arith.constant 1.000000e+00 : f32
    %logistic3A_251 = vector.broadcast %logistic3A_250 : f32 to vector<1024x128xf32>
    %logistic3A_252 = arith.addf %logistic3A_251, %logistic3A_249 : vector<1024x128xf32>
    %logistic3A_253 = arith.divf %logistic3A_251, %logistic3A_252 : vector<1024x128xf32>
    %slice3A_254 = vector.extract_strided_slice %add3A_228 {offsets = [0, 256], sizes = [1024, 128], strides = [1, 1]} : vector<1024x384xf32> to vector<1024x128xf32>
    %slice3A_255 = vector.extract_strided_slice %add3A_235 {offsets = [0, 256], sizes = [1024, 128], strides = [1, 1]} : vector<1024x384xf32> to vector<1024x128xf32>
    %mul3A_256 = arith.mulf %logistic3A_244, %slice3A_255 : vector<1024x128xf32>
    %add3A_257 = arith.addf %slice3A_254, %mul3A_256 : vector<1024x128xf32>
    %tanh3A_258 = math.tanh %add3A_257 : vector<1024x128xf32>
    %sub3A_259 = arith.constant 1.000000e+00 : f32
    %sub3A_260 = vector.broadcast %sub3A_259 : f32 to vector<1024x128xf32>
    %sub3A_261 = arith.subf %sub3A_260, %logistic3A_253 : vector<1024x128xf32>
    %mul3A_262 = arith.mulf %sub3A_261, %tanh3A_258 : vector<1024x128xf32>
    %mul3A_263 = arith.mulf %logistic3A_253, %add3A_224 : vector<1024x128xf32>
    %add3A_264 = arith.addf %mul3A_262, %mul3A_263 : vector<1024x128xf32>
    %slice3A_265 = vector.extract_strided_slice %transpose3A {offsets = [0, 5], sizes = [1024, 1], strides = [1, 1]} : vector<1024x16xf32> to vector<1024x1xf32>
    %dot_general3A_266 = arith.constant dense<0.000000e+00> : vector<1024x384xf32>
    %dot_general3A_267 = tpu.matmul %slice3A_265, %dot_general3A_44, %dot_general3A_266 {dimension_numbers = #tpu.dot_dimension_numbers<[1], [0], [0], [1], [0, 0, 1, 1], [], []>, transpose_lhs_hint = false} : vector<1024x1xf32>, vector<1x384xf32>, vector<1024x384xf32> -> vector<1024x384xf32>
    %add3A_268 = arith.addf %dot_general3A_267, %add3A_64 : vector<1024x384xf32>
    %get3A_269 = arith.constant 0 : index
    %get3A_270 = arith.constant 0 : index
    %get3A_271 = vector.load %arg5[%get3A_269, %get3A_270] : memref<384x128xf32, #tpu.memory_space<vmem>>, vector<384x128xf32>
    %dot_general3A_272 = arith.constant dense<0.000000e+00> : vector<1024x384xf32>
    %dot_general3A_273 = tpu.matmul %add3A_264, %get3A_271, %dot_general3A_272 {dimension_numbers = #tpu.dot_dimension_numbers<[1], [1], [0], [0], [0, 0, 1, 0], [], []>, transpose_lhs_hint = false} : vector<1024x128xf32>, vector<384x128xf32>, vector<1024x384xf32> -> vector<1024x384xf32>
    %add3A_274 = vector.broadcast %get3A_67 : vector<1x384xf32> to vector<1024x384xf32>
    %add3A_275 = arith.addf %dot_general3A_273, %add3A_274 : vector<1024x384xf32>
    %slice3A_276 = vector.extract_strided_slice %add3A_268 {offsets = [0, 0], sizes = [1024, 128], strides = [1, 1]} : vector<1024x384xf32> to vector<1024x128xf32>
    %slice3A_277 = vector.extract_strided_slice %add3A_275 {offsets = [0, 0], sizes = [1024, 128], strides = [1, 1]} : vector<1024x384xf32> to vector<1024x128xf32>
    %add3A_278 = arith.addf %slice3A_276, %slice3A_277 : vector<1024x128xf32>
    %logistic3A_279 = arith.negf %add3A_278 : vector<1024x128xf32>
    %logistic3A_280 = math.exp %logistic3A_279 : vector<1024x128xf32>
    %logistic3A_281 = arith.constant 1.000000e+00 : f32
    %logistic3A_282 = vector.broadcast %logistic3A_281 : f32 to vector<1024x128xf32>
    %logistic3A_283 = arith.addf %logistic3A_282, %logistic3A_280 : vector<1024x128xf32>
    %logistic3A_284 = arith.divf %logistic3A_282, %logistic3A_283 : vector<1024x128xf32>
    %slice3A_285 = vector.extract_strided_slice %add3A_268 {offsets = [0, 128], sizes = [1024, 128], strides = [1, 1]} : vector<1024x384xf32> to vector<1024x128xf32>
    %slice3A_286 = vector.extract_strided_slice %add3A_275 {offsets = [0, 128], sizes = [1024, 128], strides = [1, 1]} : vector<1024x384xf32> to vector<1024x128xf32>
    %add3A_287 = arith.addf %slice3A_285, %slice3A_286 : vector<1024x128xf32>
    %logistic3A_288 = arith.negf %add3A_287 : vector<1024x128xf32>
    %logistic3A_289 = math.exp %logistic3A_288 : vector<1024x128xf32>
    %logistic3A_290 = arith.constant 1.000000e+00 : f32
    %logistic3A_291 = vector.broadcast %logistic3A_290 : f32 to vector<1024x128xf32>
    %logistic3A_292 = arith.addf %logistic3A_291, %logistic3A_289 : vector<1024x128xf32>
    %logistic3A_293 = arith.divf %logistic3A_291, %logistic3A_292 : vector<1024x128xf32>
    %slice3A_294 = vector.extract_strided_slice %add3A_268 {offsets = [0, 256], sizes = [1024, 128], strides = [1, 1]} : vector<1024x384xf32> to vector<1024x128xf32>
    %slice3A_295 = vector.extract_strided_slice %add3A_275 {offsets = [0, 256], sizes = [1024, 128], strides = [1, 1]} : vector<1024x384xf32> to vector<1024x128xf32>
    %mul3A_296 = arith.mulf %logistic3A_284, %slice3A_295 : vector<1024x128xf32>
    %add3A_297 = arith.addf %slice3A_294, %mul3A_296 : vector<1024x128xf32>
    %tanh3A_298 = math.tanh %add3A_297 : vector<1024x128xf32>
    %sub3A_299 = arith.constant 1.000000e+00 : f32
    %sub3A_300 = vector.broadcast %sub3A_299 : f32 to vector<1024x128xf32>
    %sub3A_301 = arith.subf %sub3A_300, %logistic3A_293 : vector<1024x128xf32>
    %mul3A_302 = arith.mulf %sub3A_301, %tanh3A_298 : vector<1024x128xf32>
    %mul3A_303 = arith.mulf %logistic3A_293, %add3A_264 : vector<1024x128xf32>
    %add3A_304 = arith.addf %mul3A_302, %mul3A_303 : vector<1024x128xf32>
    %slice3A_305 = vector.extract_strided_slice %transpose3A {offsets = [0, 6], sizes = [1024, 1], strides = [1, 1]} : vector<1024x16xf32> to vector<1024x1xf32>
    %dot_general3A_306 = arith.constant dense<0.000000e+00> : vector<1024x384xf32>
    %dot_general3A_307 = tpu.matmul %slice3A_305, %dot_general3A_44, %dot_general3A_306 {dimension_numbers = #tpu.dot_dimension_numbers<[1], [0], [0], [1], [0, 0, 1, 1], [], []>, transpose_lhs_hint = false} : vector<1024x1xf32>, vector<1x384xf32>, vector<1024x384xf32> -> vector<1024x384xf32>
    %add3A_308 = arith.addf %dot_general3A_307, %add3A_64 : vector<1024x384xf32>
    %get3A_309 = arith.constant 0 : index
    %get3A_310 = arith.constant 0 : index
    %get3A_311 = vector.load %arg5[%get3A_309, %get3A_310] : memref<384x128xf32, #tpu.memory_space<vmem>>, vector<384x128xf32>
    %dot_general3A_312 = arith.constant dense<0.000000e+00> : vector<1024x384xf32>
    %dot_general3A_313 = tpu.matmul %add3A_304, %get3A_311, %dot_general3A_312 {dimension_numbers = #tpu.dot_dimension_numbers<[1], [1], [0], [0], [0, 0, 1, 0], [], []>, transpose_lhs_hint = false} : vector<1024x128xf32>, vector<384x128xf32>, vector<1024x384xf32> -> vector<1024x384xf32>
    %add3A_314 = vector.broadcast %get3A_67 : vector<1x384xf32> to vector<1024x384xf32>
    %add3A_315 = arith.addf %dot_general3A_313, %add3A_314 : vector<1024x384xf32>
    %slice3A_316 = vector.extract_strided_slice %add3A_308 {offsets = [0, 0], sizes = [1024, 128], strides = [1, 1]} : vector<1024x384xf32> to vector<1024x128xf32>
    %slice3A_317 = vector.extract_strided_slice %add3A_315 {offsets = [0, 0], sizes = [1024, 128], strides = [1, 1]} : vector<1024x384xf32> to vector<1024x128xf32>
    %add3A_318 = arith.addf %slice3A_316, %slice3A_317 : vector<1024x128xf32>
    %logistic3A_319 = arith.negf %add3A_318 : vector<1024x128xf32>
    %logistic3A_320 = math.exp %logistic3A_319 : vector<1024x128xf32>
    %logistic3A_321 = arith.constant 1.000000e+00 : f32
    %logistic3A_322 = vector.broadcast %logistic3A_321 : f32 to vector<1024x128xf32>
    %logistic3A_323 = arith.addf %logistic3A_322, %logistic3A_320 : vector<1024x128xf32>
    %logistic3A_324 = arith.divf %logistic3A_322, %logistic3A_323 : vector<1024x128xf32>
    %slice3A_325 = vector.extract_strided_slice %add3A_308 {offsets = [0, 128], sizes = [1024, 128], strides = [1, 1]} : vector<1024x384xf32> to vector<1024x128xf32>
    %slice3A_326 = vector.extract_strided_slice %add3A_315 {offsets = [0, 128], sizes = [1024, 128], strides = [1, 1]} : vector<1024x384xf32> to vector<1024x128xf32>
    %add3A_327 = arith.addf %slice3A_325, %slice3A_326 : vector<1024x128xf32>
    %logistic3A_328 = arith.negf %add3A_327 : vector<1024x128xf32>
    %logistic3A_329 = math.exp %logistic3A_328 : vector<1024x128xf32>
    %logistic3A_330 = arith.constant 1.000000e+00 : f32
    %logistic3A_331 = vector.broadcast %logistic3A_330 : f32 to vector<1024x128xf32>
    %logistic3A_332 = arith.addf %logistic3A_331, %logistic3A_329 : vector<1024x128xf32>
    %logistic3A_333 = arith.divf %logistic3A_331, %logistic3A_332 : vector<1024x128xf32>
    %slice3A_334 = vector.extract_strided_slice %add3A_308 {offsets = [0, 256], sizes = [1024, 128], strides = [1, 1]} : vector<1024x384xf32> to vector<1024x128xf32>
    %slice3A_335 = vector.extract_strided_slice %add3A_315 {offsets = [0, 256], sizes = [1024, 128], strides = [1, 1]} : vector<1024x384xf32> to vector<1024x128xf32>
    %mul3A_336 = arith.mulf %logistic3A_324, %slice3A_335 : vector<1024x128xf32>
    %add3A_337 = arith.addf %slice3A_334, %mul3A_336 : vector<1024x128xf32>
    %tanh3A_338 = math.tanh %add3A_337 : vector<1024x128xf32>
    %sub3A_339 = arith.constant 1.000000e+00 : f32
    %sub3A_340 = vector.broadcast %sub3A_339 : f32 to vector<1024x128xf32>
    %sub3A_341 = arith.subf %sub3A_340, %logistic3A_333 : vector<1024x128xf32>
    %mul3A_342 = arith.mulf %sub3A_341, %tanh3A_338 : vector<1024x128xf32>
    %mul3A_343 = arith.mulf %logistic3A_333, %add3A_304 : vector<1024x128xf32>
    %add3A_344 = arith.addf %mul3A_342, %mul3A_343 : vector<1024x128xf32>
    %slice3A_345 = vector.extract_strided_slice %transpose3A {offsets = [0, 7], sizes = [1024, 1], strides = [1, 1]} : vector<1024x16xf32> to vector<1024x1xf32>
    %dot_general3A_346 = arith.constant dense<0.000000e+00> : vector<1024x384xf32>
    %dot_general3A_347 = tpu.matmul %slice3A_345, %dot_general3A_44, %dot_general3A_346 {dimension_numbers = #tpu.dot_dimension_numbers<[1], [0], [0], [1], [0, 0, 1, 1], [], []>, transpose_lhs_hint = false} : vector<1024x1xf32>, vector<1x384xf32>, vector<1024x384xf32> -> vector<1024x384xf32>
    %add3A_348 = arith.addf %dot_general3A_347, %add3A_64 : vector<1024x384xf32>
    %get3A_349 = arith.constant 0 : index
    %get3A_350 = arith.constant 0 : index
    %get3A_351 = vector.load %arg5[%get3A_349, %get3A_350] : memref<384x128xf32, #tpu.memory_space<vmem>>, vector<384x128xf32>
    %dot_general3A_352 = arith.constant dense<0.000000e+00> : vector<1024x384xf32>
    %dot_general3A_353 = tpu.matmul %add3A_344, %get3A_351, %dot_general3A_352 {dimension_numbers = #tpu.dot_dimension_numbers<[1], [1], [0], [0], [0, 0, 1, 0], [], []>, transpose_lhs_hint = false} : vector<1024x128xf32>, vector<384x128xf32>, vector<1024x384xf32> -> vector<1024x384xf32>
    %add3A_354 = vector.broadcast %get3A_67 : vector<1x384xf32> to vector<1024x384xf32>
    %add3A_355 = arith.addf %dot_general3A_353, %add3A_354 : vector<1024x384xf32>
    %slice3A_356 = vector.extract_strided_slice %add3A_348 {offsets = [0, 0], sizes = [1024, 128], strides = [1, 1]} : vector<1024x384xf32> to vector<1024x128xf32>
    %slice3A_357 = vector.extract_strided_slice %add3A_355 {offsets = [0, 0], sizes = [1024, 128], strides = [1, 1]} : vector<1024x384xf32> to vector<1024x128xf32>
    %add3A_358 = arith.addf %slice3A_356, %slice3A_357 : vector<1024x128xf32>
    %logistic3A_359 = arith.negf %add3A_358 : vector<1024x128xf32>
    %logistic3A_360 = math.exp %logistic3A_359 : vector<1024x128xf32>
    %logistic3A_361 = arith.constant 1.000000e+00 : f32
    %logistic3A_362 = vector.broadcast %logistic3A_361 : f32 to vector<1024x128xf32>
    %logistic3A_363 = arith.addf %logistic3A_362, %logistic3A_360 : vector<1024x128xf32>
    %logistic3A_364 = arith.divf %logistic3A_362, %logistic3A_363 : vector<1024x128xf32>
    %slice3A_365 = vector.extract_strided_slice %add3A_348 {offsets = [0, 128], sizes = [1024, 128], strides = [1, 1]} : vector<1024x384xf32> to vector<1024x128xf32>
    %slice3A_366 = vector.extract_strided_slice %add3A_355 {offsets = [0, 128], sizes = [1024, 128], strides = [1, 1]} : vector<1024x384xf32> to vector<1024x128xf32>
    %add3A_367 = arith.addf %slice3A_365, %slice3A_366 : vector<1024x128xf32>
    %logistic3A_368 = arith.negf %add3A_367 : vector<1024x128xf32>
    %logistic3A_369 = math.exp %logistic3A_368 : vector<1024x128xf32>
    %logistic3A_370 = arith.constant 1.000000e+00 : f32
    %logistic3A_371 = vector.broadcast %logistic3A_370 : f32 to vector<1024x128xf32>
    %logistic3A_372 = arith.addf %logistic3A_371, %logistic3A_369 : vector<1024x128xf32>
    %logistic3A_373 = arith.divf %logistic3A_371, %logistic3A_372 : vector<1024x128xf32>
    %slice3A_374 = vector.extract_strided_slice %add3A_348 {offsets = [0, 256], sizes = [1024, 128], strides = [1, 1]} : vector<1024x384xf32> to vector<1024x128xf32>
    %slice3A_375 = vector.extract_strided_slice %add3A_355 {offsets = [0, 256], sizes = [1024, 128], strides = [1, 1]} : vector<1024x384xf32> to vector<1024x128xf32>
    %mul3A_376 = arith.mulf %logistic3A_364, %slice3A_375 : vector<1024x128xf32>
    %add3A_377 = arith.addf %slice3A_374, %mul3A_376 : vector<1024x128xf32>
    %tanh3A_378 = math.tanh %add3A_377 : vector<1024x128xf32>
    %sub3A_379 = arith.constant 1.000000e+00 : f32
    %sub3A_380 = vector.broadcast %sub3A_379 : f32 to vector<1024x128xf32>
    %sub3A_381 = arith.subf %sub3A_380, %logistic3A_373 : vector<1024x128xf32>
    %mul3A_382 = arith.mulf %sub3A_381, %tanh3A_378 : vector<1024x128xf32>
    %mul3A_383 = arith.mulf %logistic3A_373, %add3A_344 : vector<1024x128xf32>
    %add3A_384 = arith.addf %mul3A_382, %mul3A_383 : vector<1024x128xf32>
    %slice3A_385 = vector.extract_strided_slice %transpose3A {offsets = [0, 8], sizes = [1024, 1], strides = [1, 1]} : vector<1024x16xf32> to vector<1024x1xf32>
    %dot_general3A_386 = arith.constant dense<0.000000e+00> : vector<1024x384xf32>
    %dot_general3A_387 = tpu.matmul %slice3A_385, %dot_general3A_44, %dot_general3A_386 {dimension_numbers = #tpu.dot_dimension_numbers<[1], [0], [0], [1], [0, 0, 1, 1], [], []>, transpose_lhs_hint = false} : vector<1024x1xf32>, vector<1x384xf32>, vector<1024x384xf32> -> vector<1024x384xf32>
    %add3A_388 = arith.addf %dot_general3A_387, %add3A_64 : vector<1024x384xf32>
    %get3A_389 = arith.constant 0 : index
    %get3A_390 = arith.constant 0 : index
    %get3A_391 = vector.load %arg5[%get3A_389, %get3A_390] : memref<384x128xf32, #tpu.memory_space<vmem>>, vector<384x128xf32>
    %dot_general3A_392 = arith.constant dense<0.000000e+00> : vector<1024x384xf32>
    %dot_general3A_393 = tpu.matmul %add3A_384, %get3A_391, %dot_general3A_392 {dimension_numbers = #tpu.dot_dimension_numbers<[1], [1], [0], [0], [0, 0, 1, 0], [], []>, transpose_lhs_hint = false} : vector<1024x128xf32>, vector<384x128xf32>, vector<1024x384xf32> -> vector<1024x384xf32>
    %add3A_394 = vector.broadcast %get3A_67 : vector<1x384xf32> to vector<1024x384xf32>
    %add3A_395 = arith.addf %dot_general3A_393, %add3A_394 : vector<1024x384xf32>
    %slice3A_396 = vector.extract_strided_slice %add3A_388 {offsets = [0, 0], sizes = [1024, 128], strides = [1, 1]} : vector<1024x384xf32> to vector<1024x128xf32>
    %slice3A_397 = vector.extract_strided_slice %add3A_395 {offsets = [0, 0], sizes = [1024, 128], strides = [1, 1]} : vector<1024x384xf32> to vector<1024x128xf32>
    %add3A_398 = arith.addf %slice3A_396, %slice3A_397 : vector<1024x128xf32>
    %logistic3A_399 = arith.negf %add3A_398 : vector<1024x128xf32>
    %logistic3A_400 = math.exp %logistic3A_399 : vector<1024x128xf32>
    %logistic3A_401 = arith.constant 1.000000e+00 : f32
    %logistic3A_402 = vector.broadcast %logistic3A_401 : f32 to vector<1024x128xf32>
    %logistic3A_403 = arith.addf %logistic3A_402, %logistic3A_400 : vector<1024x128xf32>
    %logistic3A_404 = arith.divf %logistic3A_402, %logistic3A_403 : vector<1024x128xf32>
    %slice3A_405 = vector.extract_strided_slice %add3A_388 {offsets = [0, 128], sizes = [1024, 128], strides = [1, 1]} : vector<1024x384xf32> to vector<1024x128xf32>
    %slice3A_406 = vector.extract_strided_slice %add3A_395 {offsets = [0, 128], sizes = [1024, 128], strides = [1, 1]} : vector<1024x384xf32> to vector<1024x128xf32>
    %add3A_407 = arith.addf %slice3A_405, %slice3A_406 : vector<1024x128xf32>
    %logistic3A_408 = arith.negf %add3A_407 : vector<1024x128xf32>
    %logistic3A_409 = math.exp %logistic3A_408 : vector<1024x128xf32>
    %logistic3A_410 = arith.constant 1.000000e+00 : f32
    %logistic3A_411 = vector.broadcast %logistic3A_410 : f32 to vector<1024x128xf32>
    %logistic3A_412 = arith.addf %logistic3A_411, %logistic3A_409 : vector<1024x128xf32>
    %logistic3A_413 = arith.divf %logistic3A_411, %logistic3A_412 : vector<1024x128xf32>
    %slice3A_414 = vector.extract_strided_slice %add3A_388 {offsets = [0, 256], sizes = [1024, 128], strides = [1, 1]} : vector<1024x384xf32> to vector<1024x128xf32>
    %slice3A_415 = vector.extract_strided_slice %add3A_395 {offsets = [0, 256], sizes = [1024, 128], strides = [1, 1]} : vector<1024x384xf32> to vector<1024x128xf32>
    %mul3A_416 = arith.mulf %logistic3A_404, %slice3A_415 : vector<1024x128xf32>
    %add3A_417 = arith.addf %slice3A_414, %mul3A_416 : vector<1024x128xf32>
    %tanh3A_418 = math.tanh %add3A_417 : vector<1024x128xf32>
    %sub3A_419 = arith.constant 1.000000e+00 : f32
    %sub3A_420 = vector.broadcast %sub3A_419 : f32 to vector<1024x128xf32>
    %sub3A_421 = arith.subf %sub3A_420, %logistic3A_413 : vector<1024x128xf32>
    %mul3A_422 = arith.mulf %sub3A_421, %tanh3A_418 : vector<1024x128xf32>
    %mul3A_423 = arith.mulf %logistic3A_413, %add3A_384 : vector<1024x128xf32>
    %add3A_424 = arith.addf %mul3A_422, %mul3A_423 : vector<1024x128xf32>
    %slice3A_425 = vector.extract_strided_slice %transpose3A {offsets = [0, 9], sizes = [1024, 1], strides = [1, 1]} : vector<1024x16xf32> to vector<1024x1xf32>
    %dot_general3A_426 = arith.constant dense<0.000000e+00> : vector<1024x384xf32>
    %dot_general3A_427 = tpu.matmul %slice3A_425, %dot_general3A_44, %dot_general3A_426 {dimension_numbers = #tpu.dot_dimension_numbers<[1], [0], [0], [1], [0, 0, 1, 1], [], []>, transpose_lhs_hint = false} : vector<1024x1xf32>, vector<1x384xf32>, vector<1024x384xf32> -> vector<1024x384xf32>
    %add3A_428 = arith.addf %dot_general3A_427, %add3A_64 : vector<1024x384xf32>
    %get3A_429 = arith.constant 0 : index
    %get3A_430 = arith.constant 0 : index
    %get3A_431 = vector.load %arg5[%get3A_429, %get3A_430] : memref<384x128xf32, #tpu.memory_space<vmem>>, vector<384x128xf32>
    %dot_general3A_432 = arith.constant dense<0.000000e+00> : vector<1024x384xf32>
    %dot_general3A_433 = tpu.matmul %add3A_424, %get3A_431, %dot_general3A_432 {dimension_numbers = #tpu.dot_dimension_numbers<[1], [1], [0], [0], [0, 0, 1, 0], [], []>, transpose_lhs_hint = false} : vector<1024x128xf32>, vector<384x128xf32>, vector<1024x384xf32> -> vector<1024x384xf32>
    %add3A_434 = vector.broadcast %get3A_67 : vector<1x384xf32> to vector<1024x384xf32>
    %add3A_435 = arith.addf %dot_general3A_433, %add3A_434 : vector<1024x384xf32>
    %slice3A_436 = vector.extract_strided_slice %add3A_428 {offsets = [0, 0], sizes = [1024, 128], strides = [1, 1]} : vector<1024x384xf32> to vector<1024x128xf32>
    %slice3A_437 = vector.extract_strided_slice %add3A_435 {offsets = [0, 0], sizes = [1024, 128], strides = [1, 1]} : vector<1024x384xf32> to vector<1024x128xf32>
    %add3A_438 = arith.addf %slice3A_436, %slice3A_437 : vector<1024x128xf32>
    %logistic3A_439 = arith.negf %add3A_438 : vector<1024x128xf32>
    %logistic3A_440 = math.exp %logistic3A_439 : vector<1024x128xf32>
    %logistic3A_441 = arith.constant 1.000000e+00 : f32
    %logistic3A_442 = vector.broadcast %logistic3A_441 : f32 to vector<1024x128xf32>
    %logistic3A_443 = arith.addf %logistic3A_442, %logistic3A_440 : vector<1024x128xf32>
    %logistic3A_444 = arith.divf %logistic3A_442, %logistic3A_443 : vector<1024x128xf32>
    %slice3A_445 = vector.extract_strided_slice %add3A_428 {offsets = [0, 128], sizes = [1024, 128], strides = [1, 1]} : vector<1024x384xf32> to vector<1024x128xf32>
    %slice3A_446 = vector.extract_strided_slice %add3A_435 {offsets = [0, 128], sizes = [1024, 128], strides = [1, 1]} : vector<1024x384xf32> to vector<1024x128xf32>
    %add3A_447 = arith.addf %slice3A_445, %slice3A_446 : vector<1024x128xf32>
    %logistic3A_448 = arith.negf %add3A_447 : vector<1024x128xf32>
    %logistic3A_449 = math.exp %logistic3A_448 : vector<1024x128xf32>
    %logistic3A_450 = arith.constant 1.000000e+00 : f32
    %logistic3A_451 = vector.broadcast %logistic3A_450 : f32 to vector<1024x128xf32>
    %logistic3A_452 = arith.addf %logistic3A_451, %logistic3A_449 : vector<1024x128xf32>
    %logistic3A_453 = arith.divf %logistic3A_451, %logistic3A_452 : vector<1024x128xf32>
    %slice3A_454 = vector.extract_strided_slice %add3A_428 {offsets = [0, 256], sizes = [1024, 128], strides = [1, 1]} : vector<1024x384xf32> to vector<1024x128xf32>
    %slice3A_455 = vector.extract_strided_slice %add3A_435 {offsets = [0, 256], sizes = [1024, 128], strides = [1, 1]} : vector<1024x384xf32> to vector<1024x128xf32>
    %mul3A_456 = arith.mulf %logistic3A_444, %slice3A_455 : vector<1024x128xf32>
    %add3A_457 = arith.addf %slice3A_454, %mul3A_456 : vector<1024x128xf32>
    %tanh3A_458 = math.tanh %add3A_457 : vector<1024x128xf32>
    %sub3A_459 = arith.constant 1.000000e+00 : f32
    %sub3A_460 = vector.broadcast %sub3A_459 : f32 to vector<1024x128xf32>
    %sub3A_461 = arith.subf %sub3A_460, %logistic3A_453 : vector<1024x128xf32>
    %mul3A_462 = arith.mulf %sub3A_461, %tanh3A_458 : vector<1024x128xf32>
    %mul3A_463 = arith.mulf %logistic3A_453, %add3A_424 : vector<1024x128xf32>
    %add3A_464 = arith.addf %mul3A_462, %mul3A_463 : vector<1024x128xf32>
    %slice3A_465 = vector.extract_strided_slice %transpose3A {offsets = [0, 10], sizes = [1024, 1], strides = [1, 1]} : vector<1024x16xf32> to vector<1024x1xf32>
    %dot_general3A_466 = arith.constant dense<0.000000e+00> : vector<1024x384xf32>
    %dot_general3A_467 = tpu.matmul %slice3A_465, %dot_general3A_44, %dot_general3A_466 {dimension_numbers = #tpu.dot_dimension_numbers<[1], [0], [0], [1], [0, 0, 1, 1], [], []>, transpose_lhs_hint = false} : vector<1024x1xf32>, vector<1x384xf32>, vector<1024x384xf32> -> vector<1024x384xf32>
    %add3A_468 = arith.addf %dot_general3A_467, %add3A_64 : vector<1024x384xf32>
    %get3A_469 = arith.constant 0 : index
    %get3A_470 = arith.constant 0 : index
    %get3A_471 = vector.load %arg5[%get3A_469, %get3A_470] : memref<384x128xf32, #tpu.memory_space<vmem>>, vector<384x128xf32>
    %dot_general3A_472 = arith.constant dense<0.000000e+00> : vector<1024x384xf32>
    %dot_general3A_473 = tpu.matmul %add3A_464, %get3A_471, %dot_general3A_472 {dimension_numbers = #tpu.dot_dimension_numbers<[1], [1], [0], [0], [0, 0, 1, 0], [], []>, transpose_lhs_hint = false} : vector<1024x128xf32>, vector<384x128xf32>, vector<1024x384xf32> -> vector<1024x384xf32>
    %add3A_474 = vector.broadcast %get3A_67 : vector<1x384xf32> to vector<1024x384xf32>
    %add3A_475 = arith.addf %dot_general3A_473, %add3A_474 : vector<1024x384xf32>
    %slice3A_476 = vector.extract_strided_slice %add3A_468 {offsets = [0, 0], sizes = [1024, 128], strides = [1, 1]} : vector<1024x384xf32> to vector<1024x128xf32>
    %slice3A_477 = vector.extract_strided_slice %add3A_475 {offsets = [0, 0], sizes = [1024, 128], strides = [1, 1]} : vector<1024x384xf32> to vector<1024x128xf32>
    %add3A_478 = arith.addf %slice3A_476, %slice3A_477 : vector<1024x128xf32>
    %logistic3A_479 = arith.negf %add3A_478 : vector<1024x128xf32>
    %logistic3A_480 = math.exp %logistic3A_479 : vector<1024x128xf32>
    %logistic3A_481 = arith.constant 1.000000e+00 : f32
    %logistic3A_482 = vector.broadcast %logistic3A_481 : f32 to vector<1024x128xf32>
    %logistic3A_483 = arith.addf %logistic3A_482, %logistic3A_480 : vector<1024x128xf32>
    %logistic3A_484 = arith.divf %logistic3A_482, %logistic3A_483 : vector<1024x128xf32>
    %slice3A_485 = vector.extract_strided_slice %add3A_468 {offsets = [0, 128], sizes = [1024, 128], strides = [1, 1]} : vector<1024x384xf32> to vector<1024x128xf32>
    %slice3A_486 = vector.extract_strided_slice %add3A_475 {offsets = [0, 128], sizes = [1024, 128], strides = [1, 1]} : vector<1024x384xf32> to vector<1024x128xf32>
    %add3A_487 = arith.addf %slice3A_485, %slice3A_486 : vector<1024x128xf32>
    %logistic3A_488 = arith.negf %add3A_487 : vector<1024x128xf32>
    %logistic3A_489 = math.exp %logistic3A_488 : vector<1024x128xf32>
    %logistic3A_490 = arith.constant 1.000000e+00 : f32
    %logistic3A_491 = vector.broadcast %logistic3A_490 : f32 to vector<1024x128xf32>
    %logistic3A_492 = arith.addf %logistic3A_491, %logistic3A_489 : vector<1024x128xf32>
    %logistic3A_493 = arith.divf %logistic3A_491, %logistic3A_492 : vector<1024x128xf32>
    %slice3A_494 = vector.extract_strided_slice %add3A_468 {offsets = [0, 256], sizes = [1024, 128], strides = [1, 1]} : vector<1024x384xf32> to vector<1024x128xf32>
    %slice3A_495 = vector.extract_strided_slice %add3A_475 {offsets = [0, 256], sizes = [1024, 128], strides = [1, 1]} : vector<1024x384xf32> to vector<1024x128xf32>
    %mul3A_496 = arith.mulf %logistic3A_484, %slice3A_495 : vector<1024x128xf32>
    %add3A_497 = arith.addf %slice3A_494, %mul3A_496 : vector<1024x128xf32>
    %tanh3A_498 = math.tanh %add3A_497 : vector<1024x128xf32>
    %sub3A_499 = arith.constant 1.000000e+00 : f32
    %sub3A_500 = vector.broadcast %sub3A_499 : f32 to vector<1024x128xf32>
    %sub3A_501 = arith.subf %sub3A_500, %logistic3A_493 : vector<1024x128xf32>
    %mul3A_502 = arith.mulf %sub3A_501, %tanh3A_498 : vector<1024x128xf32>
    %mul3A_503 = arith.mulf %logistic3A_493, %add3A_464 : vector<1024x128xf32>
    %add3A_504 = arith.addf %mul3A_502, %mul3A_503 : vector<1024x128xf32>
    %slice3A_505 = vector.extract_strided_slice %transpose3A {offsets = [0, 11], sizes = [1024, 1], strides = [1, 1]} : vector<1024x16xf32> to vector<1024x1xf32>
    %dot_general3A_506 = arith.constant dense<0.000000e+00> : vector<1024x384xf32>
    %dot_general3A_507 = tpu.matmul %slice3A_505, %dot_general3A_44, %dot_general3A_506 {dimension_numbers = #tpu.dot_dimension_numbers<[1], [0], [0], [1], [0, 0, 1, 1], [], []>, transpose_lhs_hint = false} : vector<1024x1xf32>, vector<1x384xf32>, vector<1024x384xf32> -> vector<1024x384xf32>
    %add3A_508 = arith.addf %dot_general3A_507, %add3A_64 : vector<1024x384xf32>
    %get3A_509 = arith.constant 0 : index
    %get3A_510 = arith.constant 0 : index
    %get3A_511 = vector.load %arg5[%get3A_509, %get3A_510] : memref<384x128xf32, #tpu.memory_space<vmem>>, vector<384x128xf32>
    %dot_general3A_512 = arith.constant dense<0.000000e+00> : vector<1024x384xf32>
    %dot_general3A_513 = tpu.matmul %add3A_504, %get3A_511, %dot_general3A_512 {dimension_numbers = #tpu.dot_dimension_numbers<[1], [1], [0], [0], [0, 0, 1, 0], [], []>, transpose_lhs_hint = false} : vector<1024x128xf32>, vector<384x128xf32>, vector<1024x384xf32> -> vector<1024x384xf32>
    %add3A_514 = vector.broadcast %get3A_67 : vector<1x384xf32> to vector<1024x384xf32>
    %add3A_515 = arith.addf %dot_general3A_513, %add3A_514 : vector<1024x384xf32>
    %slice3A_516 = vector.extract_strided_slice %add3A_508 {offsets = [0, 0], sizes = [1024, 128], strides = [1, 1]} : vector<1024x384xf32> to vector<1024x128xf32>
    %slice3A_517 = vector.extract_strided_slice %add3A_515 {offsets = [0, 0], sizes = [1024, 128], strides = [1, 1]} : vector<1024x384xf32> to vector<1024x128xf32>
    %add3A_518 = arith.addf %slice3A_516, %slice3A_517 : vector<1024x128xf32>
    %logistic3A_519 = arith.negf %add3A_518 : vector<1024x128xf32>
    %logistic3A_520 = math.exp %logistic3A_519 : vector<1024x128xf32>
    %logistic3A_521 = arith.constant 1.000000e+00 : f32
    %logistic3A_522 = vector.broadcast %logistic3A_521 : f32 to vector<1024x128xf32>
    %logistic3A_523 = arith.addf %logistic3A_522, %logistic3A_520 : vector<1024x128xf32>
    %logistic3A_524 = arith.divf %logistic3A_522, %logistic3A_523 : vector<1024x128xf32>
    %slice3A_525 = vector.extract_strided_slice %add3A_508 {offsets = [0, 128], sizes = [1024, 128], strides = [1, 1]} : vector<1024x384xf32> to vector<1024x128xf32>
    %slice3A_526 = vector.extract_strided_slice %add3A_515 {offsets = [0, 128], sizes = [1024, 128], strides = [1, 1]} : vector<1024x384xf32> to vector<1024x128xf32>
    %add3A_527 = arith.addf %slice3A_525, %slice3A_526 : vector<1024x128xf32>
    %logistic3A_528 = arith.negf %add3A_527 : vector<1024x128xf32>
    %logistic3A_529 = math.exp %logistic3A_528 : vector<1024x128xf32>
    %logistic3A_530 = arith.constant 1.000000e+00 : f32
    %logistic3A_531 = vector.broadcast %logistic3A_530 : f32 to vector<1024x128xf32>
    %logistic3A_532 = arith.addf %logistic3A_531, %logistic3A_529 : vector<1024x128xf32>
    %logistic3A_533 = arith.divf %logistic3A_531, %logistic3A_532 : vector<1024x128xf32>
    %slice3A_534 = vector.extract_strided_slice %add3A_508 {offsets = [0, 256], sizes = [1024, 128], strides = [1, 1]} : vector<1024x384xf32> to vector<1024x128xf32>
    %slice3A_535 = vector.extract_strided_slice %add3A_515 {offsets = [0, 256], sizes = [1024, 128], strides = [1, 1]} : vector<1024x384xf32> to vector<1024x128xf32>
    %mul3A_536 = arith.mulf %logistic3A_524, %slice3A_535 : vector<1024x128xf32>
    %add3A_537 = arith.addf %slice3A_534, %mul3A_536 : vector<1024x128xf32>
    %tanh3A_538 = math.tanh %add3A_537 : vector<1024x128xf32>
    %sub3A_539 = arith.constant 1.000000e+00 : f32
    %sub3A_540 = vector.broadcast %sub3A_539 : f32 to vector<1024x128xf32>
    %sub3A_541 = arith.subf %sub3A_540, %logistic3A_533 : vector<1024x128xf32>
    %mul3A_542 = arith.mulf %sub3A_541, %tanh3A_538 : vector<1024x128xf32>
    %mul3A_543 = arith.mulf %logistic3A_533, %add3A_504 : vector<1024x128xf32>
    %add3A_544 = arith.addf %mul3A_542, %mul3A_543 : vector<1024x128xf32>
    %get3A_545 = arith.constant 0 : index
    %get3A_546 = arith.constant 0 : index
    %get3A_547 = vector.load %arg6[%get3A_545, %get3A_546] : memref<384x128xf32, #tpu.memory_space<vmem>>, vector<384x128xf32>
    %dot_general3A_548 = arith.constant dense<0.000000e+00> : vector<1x384xf32>
    %dot_general3A_549 = tpu.matmul %dot_general3A_34, %get3A_547, %dot_general3A_548 {dimension_numbers = #tpu.dot_dimension_numbers<[1], [1], [0], [0], [0, 0, 1, 0], [], []>, transpose_lhs_hint = false} : vector<1x128xf32>, vector<384x128xf32>, vector<1x384xf32> -> vector<1x384xf32>
    %get3A_550 = arith.constant 0 : index
    %get3A_551 = arith.constant 0 : index
    %get3A_552 = vector.load %arg6[%get3A_550, %get3A_551] : memref<384x128xf32, #tpu.memory_space<vmem>>, vector<384x128xf32>
    %dot_general3A_553 = arith.constant dense<0.000000e+00> : vector<1x384xf32>
    %dot_general3A_554 = tpu.matmul %dot_general3A_39, %get3A_552, %dot_general3A_553 {dimension_numbers = #tpu.dot_dimension_numbers<[1], [1], [0], [0], [0, 0, 1, 0], [], []>, transpose_lhs_hint = false} : vector<1x128xf32>, vector<384x128xf32>, vector<1x384xf32> -> vector<1x384xf32>
    %get3A_555 = arith.constant 0 : index
    %get3A_556 = arith.constant 0 : index
    %get3A_557 = vector.load %arg6[%get3A_555, %get3A_556] : memref<384x128xf32, #tpu.memory_space<vmem>>, vector<384x128xf32>
    %dot_general3A_558 = arith.constant dense<0.000000e+00> : vector<1x384xf32>
    %dot_general3A_559 = tpu.matmul %get3A_30, %get3A_557, %dot_general3A_558 {dimension_numbers = #tpu.dot_dimension_numbers<[1], [1], [0], [0], [0, 0, 1, 0], [], []>, transpose_lhs_hint = false} : vector<1x128xf32>, vector<384x128xf32>, vector<1x384xf32> -> vector<1x384xf32>
    %get3A_560 = arith.constant 0 : index
    %get3A_561 = arith.constant 0 : index
    %get3A_562 = vector.load %arg15[%get3A_560, %get3A_561] : memref<1x384xf32, #tpu.memory_space<vmem>>, vector<1x384xf32>
    %add3A_563 = arith.addf %dot_general3A_559, %get3A_562 : vector<1x384xf32>
    %slice3A_564 = vector.extract_strided_slice %dot_general3A_549 {offsets = [0, 256], sizes = [1, 128], strides = [1, 1]} : vector<1x384xf32> to vector<1x128xf32>
    %slice3A_565 = vector.extract_strided_slice %dot_general3A_554 {offsets = [0, 256], sizes = [1, 128], strides = [1, 1]} : vector<1x384xf32> to vector<1x128xf32>
    %slice3A_566 = vector.extract_strided_slice %add3A_563 {offsets = [0, 256], sizes = [1, 128], strides = [1, 1]} : vector<1x384xf32> to vector<1x128xf32>
    %get3A_567 = arith.constant 0 : index
    %get3A_568 = arith.constant 0 : index
    %get3A_569 = vector.load %arg7[%get3A_567, %get3A_568] : memref<128x128xf32, #tpu.memory_space<vmem>>, vector<128x128xf32>
    %dot_general3A_570 = arith.constant dense<0.000000e+00> : vector<1x128xf32>
    %dot_general3A_571 = tpu.matmul %slice3A_565, %get3A_569, %dot_general3A_570 {dimension_numbers = #tpu.dot_dimension_numbers<[1], [1], [0], [0], [0, 0, 1, 0], [], []>, transpose_lhs_hint = false} : vector<1x128xf32>, vector<128x128xf32>, vector<1x128xf32> -> vector<1x128xf32>
    %get3A_572 = arith.constant 0 : index
    %get3A_573 = arith.constant 0 : index
    %get3A_574 = vector.load %arg7[%get3A_572, %get3A_573] : memref<128x128xf32, #tpu.memory_space<vmem>>, vector<128x128xf32>
    %dot_general3A_575 = arith.constant dense<0.000000e+00> : vector<1x128xf32>
    %dot_general3A_576 = tpu.matmul %slice3A_566, %get3A_574, %dot_general3A_575 {dimension_numbers = #tpu.dot_dimension_numbers<[1], [1], [0], [0], [0, 0, 1, 0], [], []>, transpose_lhs_hint = false} : vector<1x128xf32>, vector<128x128xf32>, vector<1x128xf32> -> vector<1x128xf32>
    %get3A_577 = arith.constant 0 : index
    %get3A_578 = arith.constant 0 : index
    %get3A_579 = vector.load %arg16[%get3A_577, %get3A_578] : memref<1x128xf32, #tpu.memory_space<vmem>>, vector<1x128xf32>
    %add3A_580 = arith.addf %dot_general3A_576, %get3A_579 : vector<1x128xf32>
    %dot_general3A_581 = arith.constant dense<0.000000e+00> : vector<1024x128xf32>
    %dot_general3A_582 = tpu.matmul %slice3A_16, %dot_general3A_34, %dot_general3A_581 {dimension_numbers = #tpu.dot_dimension_numbers<[1], [0], [0], [1], [0, 0, 1, 1], [], []>, transpose_lhs_hint = false} : vector<1024x1xf32>, vector<1x128xf32>, vector<1024x128xf32> -> vector<1024x128xf32>
    %add3A_583 = arith.addf %dot_general3A_39, %dot_general3A_571 : vector<1x128xf32>
    %dot_general3A_584 = arith.constant dense<0.000000e+00> : vector<1024x128xf32>
    %dot_general3A_585 = tpu.matmul %slice3A_15, %add3A_583, %dot_general3A_584 {dimension_numbers = #tpu.dot_dimension_numbers<[1], [0], [0], [1], [0, 0, 1, 1], [], []>, transpose_lhs_hint = false} : vector<1024x1xf32>, vector<1x128xf32>, vector<1024x128xf32> -> vector<1024x128xf32>
    %add3A_586 = arith.addf %dot_general3A_582, %dot_general3A_585 : vector<1024x128xf32>
    %add3A_587 = arith.addf %get3A_30, %add3A_580 : vector<1x128xf32>
    %add3A_588 = vector.broadcast %add3A_587 : vector<1x128xf32> to vector<1024x128xf32>
    %add3A_589 = arith.addf %add3A_586, %add3A_588 : vector<1024x128xf32>
    %ge3A = arith.constant 12 : i32
    %ge3A_590 = vector.broadcast %ge3A : i32 to vector<1x16xi32>
    %ge3A_591 = arith.cmpi sge, %iota3A, %ge3A_590 : vector<1x16xi32>
    %convert_element_type3A_592 = arith.extui %ge3A_591 : vector<1x16xi1> to vector<1x16xi32>
    %convert_element_type3A_593 = arith.sitofp %convert_element_type3A_592 : vector<1x16xi32> to vector<1x16xf32>
    %mul3A_594 = arith.constant -1.000000e+30 : f32
    %mul3A_595 = vector.broadcast %mul3A_594 : f32 to vector<1x16xf32>
    %mul3A_596 = arith.mulf %convert_element_type3A_593, %mul3A_595 : vector<1x16xf32>
    %slice3A_597 = vector.extract_strided_slice %dot_general3A_549 {offsets = [0, 0], sizes = [1, 32], strides = [1, 1]} : vector<1x384xf32> to vector<1x32xf32>
    %slice3A_598 = vector.extract_strided_slice %dot_general3A_549 {offsets = [0, 128], sizes = [1, 32], strides = [1, 1]} : vector<1x384xf32> to vector<1x32xf32>
    %slice3A_599 = vector.extract_strided_slice %dot_general3A_554 {offsets = [0, 0], sizes = [1, 32], strides = [1, 1]} : vector<1x384xf32> to vector<1x32xf32>
    %slice3A_600 = vector.extract_strided_slice %dot_general3A_554 {offsets = [0, 128], sizes = [1, 32], strides = [1, 1]} : vector<1x384xf32> to vector<1x32xf32>
    %slice3A_601 = vector.extract_strided_slice %add3A_563 {offsets = [0, 0], sizes = [1, 32], strides = [1, 1]} : vector<1x384xf32> to vector<1x32xf32>
    %slice3A_602 = vector.extract_strided_slice %add3A_563 {offsets = [0, 128], sizes = [1, 32], strides = [1, 1]} : vector<1x384xf32> to vector<1x32xf32>
    %mul3A_603 = arith.mulf %slice3A_597, %slice3A_598 : vector<1x32xf32>
    %reduce_sum3A = vector.shape_cast %mul3A_603 : vector<1x32xf32> to vector<1x1x32xf32>
    %reduce_sum3A_604 = arith.constant dense<0.000000e+00> : vector<1xf32>
    %reduce_sum3A_605 = vector.multi_reduction <add>, %reduce_sum3A, %reduce_sum3A_604 [1, 2] : vector<1x1x32xf32> to vector<1xf32>
    %reduce_sum3A_606 = vector.shape_cast %reduce_sum3A_605 : vector<1xf32> to vector<1x1x1xf32>
    %reduce_sum3A_607 = vector.extract %reduce_sum3A_606[0, 0, 0] : f32 from vector<1x1x1xf32>
    %mul3A_608 = arith.mulf %slice3A_597, %slice3A_600 : vector<1x32xf32>
    %reduce_sum3A_609 = vector.shape_cast %mul3A_608 : vector<1x32xf32> to vector<1x1x32xf32>
    %reduce_sum3A_610 = arith.constant dense<0.000000e+00> : vector<1xf32>
    %reduce_sum3A_611 = vector.multi_reduction <add>, %reduce_sum3A_609, %reduce_sum3A_610 [1, 2] : vector<1x1x32xf32> to vector<1xf32>
    %reduce_sum3A_612 = vector.shape_cast %reduce_sum3A_611 : vector<1xf32> to vector<1x1x1xf32>
    %reduce_sum3A_613 = vector.extract %reduce_sum3A_612[0, 0, 0] : f32 from vector<1x1x1xf32>
    %mul3A_614 = arith.mulf %slice3A_597, %slice3A_602 : vector<1x32xf32>
    %reduce_sum3A_615 = vector.shape_cast %mul3A_614 : vector<1x32xf32> to vector<1x1x32xf32>
    %reduce_sum3A_616 = arith.constant dense<0.000000e+00> : vector<1xf32>
    %reduce_sum3A_617 = vector.multi_reduction <add>, %reduce_sum3A_615, %reduce_sum3A_616 [1, 2] : vector<1x1x32xf32> to vector<1xf32>
    %reduce_sum3A_618 = vector.shape_cast %reduce_sum3A_617 : vector<1xf32> to vector<1x1x1xf32>
    %reduce_sum3A_619 = vector.extract %reduce_sum3A_618[0, 0, 0] : f32 from vector<1x1x1xf32>
    %mul3A_620 = arith.mulf %slice3A_599, %slice3A_598 : vector<1x32xf32>
    %reduce_sum3A_621 = vector.shape_cast %mul3A_620 : vector<1x32xf32> to vector<1x1x32xf32>
    %reduce_sum3A_622 = arith.constant dense<0.000000e+00> : vector<1xf32>
    %reduce_sum3A_623 = vector.multi_reduction <add>, %reduce_sum3A_621, %reduce_sum3A_622 [1, 2] : vector<1x1x32xf32> to vector<1xf32>
    %reduce_sum3A_624 = vector.shape_cast %reduce_sum3A_623 : vector<1xf32> to vector<1x1x1xf32>
    %reduce_sum3A_625 = vector.extract %reduce_sum3A_624[0, 0, 0] : f32 from vector<1x1x1xf32>
    %mul3A_626 = arith.mulf %slice3A_601, %slice3A_598 : vector<1x32xf32>
    %reduce_sum3A_627 = vector.shape_cast %mul3A_626 : vector<1x32xf32> to vector<1x1x32xf32>
    %reduce_sum3A_628 = arith.constant dense<0.000000e+00> : vector<1xf32>
    %reduce_sum3A_629 = vector.multi_reduction <add>, %reduce_sum3A_627, %reduce_sum3A_628 [1, 2] : vector<1x1x32xf32> to vector<1xf32>
    %reduce_sum3A_630 = vector.shape_cast %reduce_sum3A_629 : vector<1xf32> to vector<1x1x1xf32>
    %reduce_sum3A_631 = vector.extract %reduce_sum3A_630[0, 0, 0] : f32 from vector<1x1x1xf32>
    %mul3A_632 = arith.mulf %slice3A_599, %slice3A_600 : vector<1x32xf32>
    %reduce_sum3A_633 = vector.shape_cast %mul3A_632 : vector<1x32xf32> to vector<1x1x32xf32>
    %reduce_sum3A_634 = arith.constant dense<0.000000e+00> : vector<1xf32>
    %reduce_sum3A_635 = vector.multi_reduction <add>, %reduce_sum3A_633, %reduce_sum3A_634 [1, 2] : vector<1x1x32xf32> to vector<1xf32>
    %reduce_sum3A_636 = vector.shape_cast %reduce_sum3A_635 : vector<1xf32> to vector<1x1x1xf32>
    %reduce_sum3A_637 = vector.extract %reduce_sum3A_636[0, 0, 0] : f32 from vector<1x1x1xf32>
    %mul3A_638 = arith.mulf %slice3A_599, %slice3A_602 : vector<1x32xf32>
    %reduce_sum3A_639 = vector.shape_cast %mul3A_638 : vector<1x32xf32> to vector<1x1x32xf32>
    %reduce_sum3A_640 = arith.constant dense<0.000000e+00> : vector<1xf32>
    %reduce_sum3A_641 = vector.multi_reduction <add>, %reduce_sum3A_639, %reduce_sum3A_640 [1, 2] : vector<1x1x32xf32> to vector<1xf32>
    %reduce_sum3A_642 = vector.shape_cast %reduce_sum3A_641 : vector<1xf32> to vector<1x1x1xf32>
    %reduce_sum3A_643 = vector.extract %reduce_sum3A_642[0, 0, 0] : f32 from vector<1x1x1xf32>
    %mul3A_644 = arith.mulf %slice3A_601, %slice3A_600 : vector<1x32xf32>
    %reduce_sum3A_645 = vector.shape_cast %mul3A_644 : vector<1x32xf32> to vector<1x1x32xf32>
    %reduce_sum3A_646 = arith.constant dense<0.000000e+00> : vector<1xf32>
    %reduce_sum3A_647 = vector.multi_reduction <add>, %reduce_sum3A_645, %reduce_sum3A_646 [1, 2] : vector<1x1x32xf32> to vector<1xf32>
    %reduce_sum3A_648 = vector.shape_cast %reduce_sum3A_647 : vector<1xf32> to vector<1x1x1xf32>
    %reduce_sum3A_649 = vector.extract %reduce_sum3A_648[0, 0, 0] : f32 from vector<1x1x1xf32>
    %add3A_650 = arith.addf %reduce_sum3A_643, %reduce_sum3A_649 : f32
    %mul3A_651 = arith.mulf %slice3A_601, %slice3A_602 : vector<1x32xf32>
    %reduce_sum3A_652 = vector.shape_cast %mul3A_651 : vector<1x32xf32> to vector<1x1x32xf32>
    %reduce_sum3A_653 = arith.constant dense<0.000000e+00> : vector<1xf32>
    %reduce_sum3A_654 = vector.multi_reduction <add>, %reduce_sum3A_652, %reduce_sum3A_653 [1, 2] : vector<1x1x32xf32> to vector<1xf32>
    %reduce_sum3A_655 = vector.shape_cast %reduce_sum3A_654 : vector<1xf32> to vector<1x1x1xf32>
    %reduce_sum3A_656 = vector.extract %reduce_sum3A_655[0, 0, 0] : f32 from vector<1x1x1xf32>
    %mul3A_657 = vector.broadcast %reduce_sum3A_607 : f32 to vector<1024x1xf32>
    %mul3A_658 = arith.mulf %slice3A_16, %mul3A_657 : vector<1024x1xf32>
    %mul3A_659 = vector.broadcast %reduce_sum3A_625 : f32 to vector<1024x1xf32>
    %mul3A_660 = arith.mulf %slice3A_15, %mul3A_659 : vector<1024x1xf32>
    %add3A_661 = arith.addf %mul3A_658, %mul3A_660 : vector<1024x1xf32>
    %add3A_662 = vector.broadcast %reduce_sum3A_631 : f32 to vector<1024x1xf32>
    %add3A_663 = arith.addf %add3A_661, %add3A_662 : vector<1024x1xf32>
    %mul3A_664 = arith.constant 0.176776692 : f32
    %mul3A_665 = vector.broadcast %mul3A_664 : f32 to vector<1024x1xf32>
    %mul3A_666 = arith.mulf %add3A_663, %mul3A_665 : vector<1024x1xf32>
    %mul3A_667 = vector.broadcast %reduce_sum3A_613 : f32 to vector<1024x1xf32>
    %mul3A_668 = arith.mulf %slice3A_15, %mul3A_667 : vector<1024x1xf32>
    %add3A_669 = vector.broadcast %reduce_sum3A_619 : f32 to vector<1024x1xf32>
    %add3A_670 = arith.addf %mul3A_668, %add3A_669 : vector<1024x1xf32>
    %mul3A_671 = arith.mulf %slice3A_16, %add3A_670 : vector<1024x1xf32>
    %mul3A_672 = arith.mulf %slice3A_15, %slice3A_15 : vector<1024x1xf32>
    %mul3A_673 = vector.broadcast %reduce_sum3A_637 : f32 to vector<1024x1xf32>
    %mul3A_674 = arith.mulf %mul3A_672, %mul3A_673 : vector<1024x1xf32>
    %add3A_675 = arith.addf %mul3A_671, %mul3A_674 : vector<1024x1xf32>
    %mul3A_676 = vector.broadcast %add3A_650 : f32 to vector<1024x1xf32>
    %mul3A_677 = arith.mulf %slice3A_15, %mul3A_676 : vector<1024x1xf32>
    %add3A_678 = arith.addf %add3A_675, %mul3A_677 : vector<1024x1xf32>
    %add3A_679 = vector.broadcast %reduce_sum3A_656 : f32 to vector<1024x1xf32>
    %add3A_680 = arith.addf %add3A_678, %add3A_679 : vector<1024x1xf32>
    %mul3A_681 = arith.constant 0.176776692 : f32
    %mul3A_682 = vector.broadcast %mul3A_681 : f32 to vector<1024x1xf32>
    %mul3A_683 = arith.mulf %add3A_680, %mul3A_682 : vector<1024x1xf32>
    %dot_general3A_684 = arith.constant dense<0.000000e+00> : vector<1024x16xf32>
    %dot_general3A_685 = tpu.matmul %mul3A_666, %broadcast_in_dim3A_0, %dot_general3A_684 {dimension_numbers = #tpu.dot_dimension_numbers<[1], [0], [0], [1], [0, 0, 1, 1], [], []>, transpose_lhs_hint = false} : vector<1024x1xf32>, vector<1x16xf32>, vector<1024x16xf32> -> vector<1024x16xf32>
    %mul3A_686 = arith.mulf %mul3A_21, %dot_general3A_685 : vector<1024x16xf32>
    %dot_general3A_687 = arith.constant dense<0.000000e+00> : vector<1024x16xf32>
    %dot_general3A_688 = tpu.matmul %mul3A_683, %broadcast_in_dim3A_0, %dot_general3A_687 {dimension_numbers = #tpu.dot_dimension_numbers<[1], [0], [0], [1], [0, 0, 1, 1], [], []>, transpose_lhs_hint = false} : vector<1024x1xf32>, vector<1x16xf32>, vector<1024x16xf32> -> vector<1024x16xf32>
    %add3A_689 = arith.addf %mul3A_686, %dot_general3A_688 : vector<1024x16xf32>
    %add3A_690 = vector.broadcast %mul3A_596 : vector<1x16xf32> to vector<1024x16xf32>
    %add3A_691 = arith.addf %add3A_689, %add3A_690 : vector<1024x16xf32>
    %reduce_max3A = arith.constant dense<0xFF800000> : vector<1024xf32>
    %reduce_max3A_692 = vector.multi_reduction <maximumf>, %add3A_691, %reduce_max3A [1] : vector<1024x16xf32> to vector<1024xf32>
    %broadcast_in_dim3A_693 = vector.shape_cast %reduce_max3A_692 : vector<1024xf32> to vector<1024x1xf32>
    %dot_general3A_694 = arith.constant dense<0.000000e+00> : vector<1024x16xf32>
    %dot_general3A_695 = tpu.matmul %broadcast_in_dim3A_693, %broadcast_in_dim3A_0, %dot_general3A_694 {dimension_numbers = #tpu.dot_dimension_numbers<[1], [0], [0], [1], [0, 0, 1, 1], [], []>, transpose_lhs_hint = false} : vector<1024x1xf32>, vector<1x16xf32>, vector<1024x16xf32> -> vector<1024x16xf32>
    %sub3A_696 = arith.subf %add3A_691, %dot_general3A_695 : vector<1024x16xf32>
    %exp3A = math.exp %sub3A_696 : vector<1024x16xf32>
    %reduce_sum3A_697 = arith.constant dense<0.000000e+00> : vector<1024xf32>
    %reduce_sum3A_698 = vector.multi_reduction <add>, %exp3A, %reduce_sum3A_697 [1] : vector<1024x16xf32> to vector<1024xf32>
    %broadcast_in_dim3A_699 = vector.shape_cast %reduce_sum3A_698 : vector<1024xf32> to vector<1024x1xf32>
    %div3A = arith.constant 1.000000e+00 : f32
    %div3A_700 = vector.broadcast %div3A : f32 to vector<1024x1xf32>
    %div3A_701 = arith.divf %div3A_700, %broadcast_in_dim3A_699 : vector<1024x1xf32>
    %dot_general3A_702 = arith.constant dense<0.000000e+00> : vector<1024x16xf32>
    %dot_general3A_703 = tpu.matmul %div3A_701, %broadcast_in_dim3A_0, %dot_general3A_702 {dimension_numbers = #tpu.dot_dimension_numbers<[1], [0], [0], [1], [0, 0, 1, 1], [], []>, transpose_lhs_hint = false} : vector<1024x1xf32>, vector<1x16xf32>, vector<1024x16xf32> -> vector<1024x16xf32>
    %mul3A_704 = arith.mulf %exp3A, %dot_general3A_703 : vector<1024x16xf32>
    %mul3A_705 = arith.mulf %mul3A_704, %mul3A_21 : vector<1024x16xf32>
    %reduce_sum3A_706 = arith.constant dense<0.000000e+00> : vector<1024xf32>
    %reduce_sum3A_707 = vector.multi_reduction <add>, %mul3A_705, %reduce_sum3A_706 [1] : vector<1024x16xf32> to vector<1024xf32>
    %broadcast_in_dim3A_708 = vector.shape_cast %reduce_sum3A_707 : vector<1024xf32> to vector<1024x1xf32>
    %slice3A_709 = vector.extract_strided_slice %slice3A_564 {offsets = [0, 0], sizes = [1, 32], strides = [1, 1]} : vector<1x128xf32> to vector<1x32xf32>
    %get3A_710 = arith.constant 0 : index
    %get3A_711 = arith.constant 0 : index
    %get3A_712 = vector.load %arg7[%get3A_710, %get3A_711] : memref<128x128xf32, #tpu.memory_space<vmem>>, vector<128x32xf32>
    %dot_general3A_713 = arith.constant dense<0.000000e+00> : vector<1x128xf32>
    %dot_general3A_714 = tpu.matmul %slice3A_709, %get3A_712, %dot_general3A_713 {dimension_numbers = #tpu.dot_dimension_numbers<[1], [1], [0], [0], [0, 0, 1, 0], [], []>, transpose_lhs_hint = false} : vector<1x32xf32>, vector<128x32xf32>, vector<1x128xf32> -> vector<1x128xf32>
    %dot_general3A_715 = arith.constant dense<0.000000e+00> : vector<1024x128xf32>
    %dot_general3A_716 = tpu.matmul %broadcast_in_dim3A_708, %dot_general3A_714, %dot_general3A_715 {dimension_numbers = #tpu.dot_dimension_numbers<[1], [0], [0], [1], [0, 0, 1, 1], [], []>, transpose_lhs_hint = false} : vector<1024x1xf32>, vector<1x128xf32>, vector<1024x128xf32> -> vector<1024x128xf32>
    %add3A_717 = arith.addf %add3A_589, %dot_general3A_716 : vector<1024x128xf32>
    %slice3A_718 = vector.extract_strided_slice %dot_general3A_549 {offsets = [0, 32], sizes = [1, 32], strides = [1, 1]} : vector<1x384xf32> to vector<1x32xf32>
    %slice3A_719 = vector.extract_strided_slice %dot_general3A_549 {offsets = [0, 160], sizes = [1, 32], strides = [1, 1]} : vector<1x384xf32> to vector<1x32xf32>
    %slice3A_720 = vector.extract_strided_slice %dot_general3A_554 {offsets = [0, 32], sizes = [1, 32], strides = [1, 1]} : vector<1x384xf32> to vector<1x32xf32>
    %slice3A_721 = vector.extract_strided_slice %dot_general3A_554 {offsets = [0, 160], sizes = [1, 32], strides = [1, 1]} : vector<1x384xf32> to vector<1x32xf32>
    %slice3A_722 = vector.extract_strided_slice %add3A_563 {offsets = [0, 32], sizes = [1, 32], strides = [1, 1]} : vector<1x384xf32> to vector<1x32xf32>
    %slice3A_723 = vector.extract_strided_slice %add3A_563 {offsets = [0, 160], sizes = [1, 32], strides = [1, 1]} : vector<1x384xf32> to vector<1x32xf32>
    %mul3A_724 = arith.mulf %slice3A_718, %slice3A_719 : vector<1x32xf32>
    %reduce_sum3A_725 = vector.shape_cast %mul3A_724 : vector<1x32xf32> to vector<1x1x32xf32>
    %reduce_sum3A_726 = arith.constant dense<0.000000e+00> : vector<1xf32>
    %reduce_sum3A_727 = vector.multi_reduction <add>, %reduce_sum3A_725, %reduce_sum3A_726 [1, 2] : vector<1x1x32xf32> to vector<1xf32>
    %reduce_sum3A_728 = vector.shape_cast %reduce_sum3A_727 : vector<1xf32> to vector<1x1x1xf32>
    %reduce_sum3A_729 = vector.extract %reduce_sum3A_728[0, 0, 0] : f32 from vector<1x1x1xf32>
    %mul3A_730 = arith.mulf %slice3A_718, %slice3A_721 : vector<1x32xf32>
    %reduce_sum3A_731 = vector.shape_cast %mul3A_730 : vector<1x32xf32> to vector<1x1x32xf32>
    %reduce_sum3A_732 = arith.constant dense<0.000000e+00> : vector<1xf32>
    %reduce_sum3A_733 = vector.multi_reduction <add>, %reduce_sum3A_731, %reduce_sum3A_732 [1, 2] : vector<1x1x32xf32> to vector<1xf32>
    %reduce_sum3A_734 = vector.shape_cast %reduce_sum3A_733 : vector<1xf32> to vector<1x1x1xf32>
    %reduce_sum3A_735 = vector.extract %reduce_sum3A_734[0, 0, 0] : f32 from vector<1x1x1xf32>
    %mul3A_736 = arith.mulf %slice3A_718, %slice3A_723 : vector<1x32xf32>
    %reduce_sum3A_737 = vector.shape_cast %mul3A_736 : vector<1x32xf32> to vector<1x1x32xf32>
    %reduce_sum3A_738 = arith.constant dense<0.000000e+00> : vector<1xf32>
    %reduce_sum3A_739 = vector.multi_reduction <add>, %reduce_sum3A_737, %reduce_sum3A_738 [1, 2] : vector<1x1x32xf32> to vector<1xf32>
    %reduce_sum3A_740 = vector.shape_cast %reduce_sum3A_739 : vector<1xf32> to vector<1x1x1xf32>
    %reduce_sum3A_741 = vector.extract %reduce_sum3A_740[0, 0, 0] : f32 from vector<1x1x1xf32>
    %mul3A_742 = arith.mulf %slice3A_720, %slice3A_719 : vector<1x32xf32>
    %reduce_sum3A_743 = vector.shape_cast %mul3A_742 : vector<1x32xf32> to vector<1x1x32xf32>
    %reduce_sum3A_744 = arith.constant dense<0.000000e+00> : vector<1xf32>
    %reduce_sum3A_745 = vector.multi_reduction <add>, %reduce_sum3A_743, %reduce_sum3A_744 [1, 2] : vector<1x1x32xf32> to vector<1xf32>
    %reduce_sum3A_746 = vector.shape_cast %reduce_sum3A_745 : vector<1xf32> to vector<1x1x1xf32>
    %reduce_sum3A_747 = vector.extract %reduce_sum3A_746[0, 0, 0] : f32 from vector<1x1x1xf32>
    %mul3A_748 = arith.mulf %slice3A_722, %slice3A_719 : vector<1x32xf32>
    %reduce_sum3A_749 = vector.shape_cast %mul3A_748 : vector<1x32xf32> to vector<1x1x32xf32>
    %reduce_sum3A_750 = arith.constant dense<0.000000e+00> : vector<1xf32>
    %reduce_sum3A_751 = vector.multi_reduction <add>, %reduce_sum3A_749, %reduce_sum3A_750 [1, 2] : vector<1x1x32xf32> to vector<1xf32>
    %reduce_sum3A_752 = vector.shape_cast %reduce_sum3A_751 : vector<1xf32> to vector<1x1x1xf32>
    %reduce_sum3A_753 = vector.extract %reduce_sum3A_752[0, 0, 0] : f32 from vector<1x1x1xf32>
    %mul3A_754 = arith.mulf %slice3A_720, %slice3A_721 : vector<1x32xf32>
    %reduce_sum3A_755 = vector.shape_cast %mul3A_754 : vector<1x32xf32> to vector<1x1x32xf32>
    %reduce_sum3A_756 = arith.constant dense<0.000000e+00> : vector<1xf32>
    %reduce_sum3A_757 = vector.multi_reduction <add>, %reduce_sum3A_755, %reduce_sum3A_756 [1, 2] : vector<1x1x32xf32> to vector<1xf32>
    %reduce_sum3A_758 = vector.shape_cast %reduce_sum3A_757 : vector<1xf32> to vector<1x1x1xf32>
    %reduce_sum3A_759 = vector.extract %reduce_sum3A_758[0, 0, 0] : f32 from vector<1x1x1xf32>
    %mul3A_760 = arith.mulf %slice3A_720, %slice3A_723 : vector<1x32xf32>
    %reduce_sum3A_761 = vector.shape_cast %mul3A_760 : vector<1x32xf32> to vector<1x1x32xf32>
    %reduce_sum3A_762 = arith.constant dense<0.000000e+00> : vector<1xf32>
    %reduce_sum3A_763 = vector.multi_reduction <add>, %reduce_sum3A_761, %reduce_sum3A_762 [1, 2] : vector<1x1x32xf32> to vector<1xf32>
    %reduce_sum3A_764 = vector.shape_cast %reduce_sum3A_763 : vector<1xf32> to vector<1x1x1xf32>
    %reduce_sum3A_765 = vector.extract %reduce_sum3A_764[0, 0, 0] : f32 from vector<1x1x1xf32>
    %mul3A_766 = arith.mulf %slice3A_722, %slice3A_721 : vector<1x32xf32>
    %reduce_sum3A_767 = vector.shape_cast %mul3A_766 : vector<1x32xf32> to vector<1x1x32xf32>
    %reduce_sum3A_768 = arith.constant dense<0.000000e+00> : vector<1xf32>
    %reduce_sum3A_769 = vector.multi_reduction <add>, %reduce_sum3A_767, %reduce_sum3A_768 [1, 2] : vector<1x1x32xf32> to vector<1xf32>
    %reduce_sum3A_770 = vector.shape_cast %reduce_sum3A_769 : vector<1xf32> to vector<1x1x1xf32>
    %reduce_sum3A_771 = vector.extract %reduce_sum3A_770[0, 0, 0] : f32 from vector<1x1x1xf32>
    %add3A_772 = arith.addf %reduce_sum3A_765, %reduce_sum3A_771 : f32
    %mul3A_773 = arith.mulf %slice3A_722, %slice3A_723 : vector<1x32xf32>
    %reduce_sum3A_774 = vector.shape_cast %mul3A_773 : vector<1x32xf32> to vector<1x1x32xf32>
    %reduce_sum3A_775 = arith.constant dense<0.000000e+00> : vector<1xf32>
    %reduce_sum3A_776 = vector.multi_reduction <add>, %reduce_sum3A_774, %reduce_sum3A_775 [1, 2] : vector<1x1x32xf32> to vector<1xf32>
    %reduce_sum3A_777 = vector.shape_cast %reduce_sum3A_776 : vector<1xf32> to vector<1x1x1xf32>
    %reduce_sum3A_778 = vector.extract %reduce_sum3A_777[0, 0, 0] : f32 from vector<1x1x1xf32>
    %mul3A_779 = vector.broadcast %reduce_sum3A_729 : f32 to vector<1024x1xf32>
    %mul3A_780 = arith.mulf %slice3A_16, %mul3A_779 : vector<1024x1xf32>
    %mul3A_781 = vector.broadcast %reduce_sum3A_747 : f32 to vector<1024x1xf32>
    %mul3A_782 = arith.mulf %slice3A_15, %mul3A_781 : vector<1024x1xf32>
    %add3A_783 = arith.addf %mul3A_780, %mul3A_782 : vector<1024x1xf32>
    %add3A_784 = vector.broadcast %reduce_sum3A_753 : f32 to vector<1024x1xf32>
    %add3A_785 = arith.addf %add3A_783, %add3A_784 : vector<1024x1xf32>
    %mul3A_786 = arith.constant 0.176776692 : f32
    %mul3A_787 = vector.broadcast %mul3A_786 : f32 to vector<1024x1xf32>
    %mul3A_788 = arith.mulf %add3A_785, %mul3A_787 : vector<1024x1xf32>
    %mul3A_789 = vector.broadcast %reduce_sum3A_735 : f32 to vector<1024x1xf32>
    %mul3A_790 = arith.mulf %slice3A_15, %mul3A_789 : vector<1024x1xf32>
    %add3A_791 = vector.broadcast %reduce_sum3A_741 : f32 to vector<1024x1xf32>
    %add3A_792 = arith.addf %mul3A_790, %add3A_791 : vector<1024x1xf32>
    %mul3A_793 = arith.mulf %slice3A_16, %add3A_792 : vector<1024x1xf32>
    %mul3A_794 = arith.mulf %slice3A_15, %slice3A_15 : vector<1024x1xf32>
    %mul3A_795 = vector.broadcast %reduce_sum3A_759 : f32 to vector<1024x1xf32>
    %mul3A_796 = arith.mulf %mul3A_794, %mul3A_795 : vector<1024x1xf32>
    %add3A_797 = arith.addf %mul3A_793, %mul3A_796 : vector<1024x1xf32>
    %mul3A_798 = vector.broadcast %add3A_772 : f32 to vector<1024x1xf32>
    %mul3A_799 = arith.mulf %slice3A_15, %mul3A_798 : vector<1024x1xf32>
    %add3A_800 = arith.addf %add3A_797, %mul3A_799 : vector<1024x1xf32>
    %add3A_801 = vector.broadcast %reduce_sum3A_778 : f32 to vector<1024x1xf32>
    %add3A_802 = arith.addf %add3A_800, %add3A_801 : vector<1024x1xf32>
    %mul3A_803 = arith.constant 0.176776692 : f32
    %mul3A_804 = vector.broadcast %mul3A_803 : f32 to vector<1024x1xf32>
    %mul3A_805 = arith.mulf %add3A_802, %mul3A_804 : vector<1024x1xf32>
    %dot_general3A_806 = arith.constant dense<0.000000e+00> : vector<1024x16xf32>
    %dot_general3A_807 = tpu.matmul %mul3A_788, %broadcast_in_dim3A_0, %dot_general3A_806 {dimension_numbers = #tpu.dot_dimension_numbers<[1], [0], [0], [1], [0, 0, 1, 1], [], []>, transpose_lhs_hint = false} : vector<1024x1xf32>, vector<1x16xf32>, vector<1024x16xf32> -> vector<1024x16xf32>
    %mul3A_808 = arith.mulf %mul3A_21, %dot_general3A_807 : vector<1024x16xf32>
    %dot_general3A_809 = arith.constant dense<0.000000e+00> : vector<1024x16xf32>
    %dot_general3A_810 = tpu.matmul %mul3A_805, %broadcast_in_dim3A_0, %dot_general3A_809 {dimension_numbers = #tpu.dot_dimension_numbers<[1], [0], [0], [1], [0, 0, 1, 1], [], []>, transpose_lhs_hint = false} : vector<1024x1xf32>, vector<1x16xf32>, vector<1024x16xf32> -> vector<1024x16xf32>
    %add3A_811 = arith.addf %mul3A_808, %dot_general3A_810 : vector<1024x16xf32>
    %add3A_812 = vector.broadcast %mul3A_596 : vector<1x16xf32> to vector<1024x16xf32>
    %add3A_813 = arith.addf %add3A_811, %add3A_812 : vector<1024x16xf32>
    %reduce_max3A_814 = arith.constant dense<0xFF800000> : vector<1024xf32>
    %reduce_max3A_815 = vector.multi_reduction <maximumf>, %add3A_813, %reduce_max3A_814 [1] : vector<1024x16xf32> to vector<1024xf32>
    %broadcast_in_dim3A_816 = vector.shape_cast %reduce_max3A_815 : vector<1024xf32> to vector<1024x1xf32>
    %dot_general3A_817 = arith.constant dense<0.000000e+00> : vector<1024x16xf32>
    %dot_general3A_818 = tpu.matmul %broadcast_in_dim3A_816, %broadcast_in_dim3A_0, %dot_general3A_817 {dimension_numbers = #tpu.dot_dimension_numbers<[1], [0], [0], [1], [0, 0, 1, 1], [], []>, transpose_lhs_hint = false} : vector<1024x1xf32>, vector<1x16xf32>, vector<1024x16xf32> -> vector<1024x16xf32>
    %sub3A_819 = arith.subf %add3A_813, %dot_general3A_818 : vector<1024x16xf32>
    %exp3A_820 = math.exp %sub3A_819 : vector<1024x16xf32>
    %reduce_sum3A_821 = arith.constant dense<0.000000e+00> : vector<1024xf32>
    %reduce_sum3A_822 = vector.multi_reduction <add>, %exp3A_820, %reduce_sum3A_821 [1] : vector<1024x16xf32> to vector<1024xf32>
    %broadcast_in_dim3A_823 = vector.shape_cast %reduce_sum3A_822 : vector<1024xf32> to vector<1024x1xf32>
    %div3A_824 = arith.constant 1.000000e+00 : f32
    %div3A_825 = vector.broadcast %div3A_824 : f32 to vector<1024x1xf32>
    %div3A_826 = arith.divf %div3A_825, %broadcast_in_dim3A_823 : vector<1024x1xf32>
    %dot_general3A_827 = arith.constant dense<0.000000e+00> : vector<1024x16xf32>
    %dot_general3A_828 = tpu.matmul %div3A_826, %broadcast_in_dim3A_0, %dot_general3A_827 {dimension_numbers = #tpu.dot_dimension_numbers<[1], [0], [0], [1], [0, 0, 1, 1], [], []>, transpose_lhs_hint = false} : vector<1024x1xf32>, vector<1x16xf32>, vector<1024x16xf32> -> vector<1024x16xf32>
    %mul3A_829 = arith.mulf %exp3A_820, %dot_general3A_828 : vector<1024x16xf32>
    %mul3A_830 = arith.mulf %mul3A_829, %mul3A_21 : vector<1024x16xf32>
    %reduce_sum3A_831 = arith.constant dense<0.000000e+00> : vector<1024xf32>
    %reduce_sum3A_832 = vector.multi_reduction <add>, %mul3A_830, %reduce_sum3A_831 [1] : vector<1024x16xf32> to vector<1024xf32>
    %broadcast_in_dim3A_833 = vector.shape_cast %reduce_sum3A_832 : vector<1024xf32> to vector<1024x1xf32>
    %slice3A_834 = vector.extract_strided_slice %slice3A_564 {offsets = [0, 32], sizes = [1, 32], strides = [1, 1]} : vector<1x128xf32> to vector<1x32xf32>
    %get3A_835 = arith.constant 0 : index
    %get3A_836 = arith.constant 32 : index
    %get3A_837 = vector.load %arg7[%get3A_835, %get3A_836] : memref<128x128xf32, #tpu.memory_space<vmem>>, vector<128x32xf32>
    %dot_general3A_838 = arith.constant dense<0.000000e+00> : vector<1x128xf32>
    %dot_general3A_839 = tpu.matmul %slice3A_834, %get3A_837, %dot_general3A_838 {dimension_numbers = #tpu.dot_dimension_numbers<[1], [1], [0], [0], [0, 0, 1, 0], [], []>, transpose_lhs_hint = false} : vector<1x32xf32>, vector<128x32xf32>, vector<1x128xf32> -> vector<1x128xf32>
    %dot_general3A_840 = arith.constant dense<0.000000e+00> : vector<1024x128xf32>
    %dot_general3A_841 = tpu.matmul %broadcast_in_dim3A_833, %dot_general3A_839, %dot_general3A_840 {dimension_numbers = #tpu.dot_dimension_numbers<[1], [0], [0], [1], [0, 0, 1, 1], [], []>, transpose_lhs_hint = false} : vector<1024x1xf32>, vector<1x128xf32>, vector<1024x128xf32> -> vector<1024x128xf32>
    %add3A_842 = arith.addf %add3A_717, %dot_general3A_841 : vector<1024x128xf32>
    %slice3A_843 = vector.extract_strided_slice %dot_general3A_549 {offsets = [0, 64], sizes = [1, 32], strides = [1, 1]} : vector<1x384xf32> to vector<1x32xf32>
    %slice3A_844 = vector.extract_strided_slice %dot_general3A_549 {offsets = [0, 192], sizes = [1, 32], strides = [1, 1]} : vector<1x384xf32> to vector<1x32xf32>
    %slice3A_845 = vector.extract_strided_slice %dot_general3A_554 {offsets = [0, 64], sizes = [1, 32], strides = [1, 1]} : vector<1x384xf32> to vector<1x32xf32>
    %slice3A_846 = vector.extract_strided_slice %dot_general3A_554 {offsets = [0, 192], sizes = [1, 32], strides = [1, 1]} : vector<1x384xf32> to vector<1x32xf32>
    %slice3A_847 = vector.extract_strided_slice %add3A_563 {offsets = [0, 64], sizes = [1, 32], strides = [1, 1]} : vector<1x384xf32> to vector<1x32xf32>
    %slice3A_848 = vector.extract_strided_slice %add3A_563 {offsets = [0, 192], sizes = [1, 32], strides = [1, 1]} : vector<1x384xf32> to vector<1x32xf32>
    %mul3A_849 = arith.mulf %slice3A_843, %slice3A_844 : vector<1x32xf32>
    %reduce_sum3A_850 = vector.shape_cast %mul3A_849 : vector<1x32xf32> to vector<1x1x32xf32>
    %reduce_sum3A_851 = arith.constant dense<0.000000e+00> : vector<1xf32>
    %reduce_sum3A_852 = vector.multi_reduction <add>, %reduce_sum3A_850, %reduce_sum3A_851 [1, 2] : vector<1x1x32xf32> to vector<1xf32>
    %reduce_sum3A_853 = vector.shape_cast %reduce_sum3A_852 : vector<1xf32> to vector<1x1x1xf32>
    %reduce_sum3A_854 = vector.extract %reduce_sum3A_853[0, 0, 0] : f32 from vector<1x1x1xf32>
    %mul3A_855 = arith.mulf %slice3A_843, %slice3A_846 : vector<1x32xf32>
    %reduce_sum3A_856 = vector.shape_cast %mul3A_855 : vector<1x32xf32> to vector<1x1x32xf32>
    %reduce_sum3A_857 = arith.constant dense<0.000000e+00> : vector<1xf32>
    %reduce_sum3A_858 = vector.multi_reduction <add>, %reduce_sum3A_856, %reduce_sum3A_857 [1, 2] : vector<1x1x32xf32> to vector<1xf32>
    %reduce_sum3A_859 = vector.shape_cast %reduce_sum3A_858 : vector<1xf32> to vector<1x1x1xf32>
    %reduce_sum3A_860 = vector.extract %reduce_sum3A_859[0, 0, 0] : f32 from vector<1x1x1xf32>
    %mul3A_861 = arith.mulf %slice3A_843, %slice3A_848 : vector<1x32xf32>
    %reduce_sum3A_862 = vector.shape_cast %mul3A_861 : vector<1x32xf32> to vector<1x1x32xf32>
    %reduce_sum3A_863 = arith.constant dense<0.000000e+00> : vector<1xf32>
    %reduce_sum3A_864 = vector.multi_reduction <add>, %reduce_sum3A_862, %reduce_sum3A_863 [1, 2] : vector<1x1x32xf32> to vector<1xf32>
    %reduce_sum3A_865 = vector.shape_cast %reduce_sum3A_864 : vector<1xf32> to vector<1x1x1xf32>
    %reduce_sum3A_866 = vector.extract %reduce_sum3A_865[0, 0, 0] : f32 from vector<1x1x1xf32>
    %mul3A_867 = arith.mulf %slice3A_845, %slice3A_844 : vector<1x32xf32>
    %reduce_sum3A_868 = vector.shape_cast %mul3A_867 : vector<1x32xf32> to vector<1x1x32xf32>
    %reduce_sum3A_869 = arith.constant dense<0.000000e+00> : vector<1xf32>
    %reduce_sum3A_870 = vector.multi_reduction <add>, %reduce_sum3A_868, %reduce_sum3A_869 [1, 2] : vector<1x1x32xf32> to vector<1xf32>
    %reduce_sum3A_871 = vector.shape_cast %reduce_sum3A_870 : vector<1xf32> to vector<1x1x1xf32>
    %reduce_sum3A_872 = vector.extract %reduce_sum3A_871[0, 0, 0] : f32 from vector<1x1x1xf32>
    %mul3A_873 = arith.mulf %slice3A_847, %slice3A_844 : vector<1x32xf32>
    %reduce_sum3A_874 = vector.shape_cast %mul3A_873 : vector<1x32xf32> to vector<1x1x32xf32>
    %reduce_sum3A_875 = arith.constant dense<0.000000e+00> : vector<1xf32>
    %reduce_sum3A_876 = vector.multi_reduction <add>, %reduce_sum3A_874, %reduce_sum3A_875 [1, 2] : vector<1x1x32xf32> to vector<1xf32>
    %reduce_sum3A_877 = vector.shape_cast %reduce_sum3A_876 : vector<1xf32> to vector<1x1x1xf32>
    %reduce_sum3A_878 = vector.extract %reduce_sum3A_877[0, 0, 0] : f32 from vector<1x1x1xf32>
    %mul3A_879 = arith.mulf %slice3A_845, %slice3A_846 : vector<1x32xf32>
    %reduce_sum3A_880 = vector.shape_cast %mul3A_879 : vector<1x32xf32> to vector<1x1x32xf32>
    %reduce_sum3A_881 = arith.constant dense<0.000000e+00> : vector<1xf32>
    %reduce_sum3A_882 = vector.multi_reduction <add>, %reduce_sum3A_880, %reduce_sum3A_881 [1, 2] : vector<1x1x32xf32> to vector<1xf32>
    %reduce_sum3A_883 = vector.shape_cast %reduce_sum3A_882 : vector<1xf32> to vector<1x1x1xf32>
    %reduce_sum3A_884 = vector.extract %reduce_sum3A_883[0, 0, 0] : f32 from vector<1x1x1xf32>
    %mul3A_885 = arith.mulf %slice3A_845, %slice3A_848 : vector<1x32xf32>
    %reduce_sum3A_886 = vector.shape_cast %mul3A_885 : vector<1x32xf32> to vector<1x1x32xf32>
    %reduce_sum3A_887 = arith.constant dense<0.000000e+00> : vector<1xf32>
    %reduce_sum3A_888 = vector.multi_reduction <add>, %reduce_sum3A_886, %reduce_sum3A_887 [1, 2] : vector<1x1x32xf32> to vector<1xf32>
    %reduce_sum3A_889 = vector.shape_cast %reduce_sum3A_888 : vector<1xf32> to vector<1x1x1xf32>
    %reduce_sum3A_890 = vector.extract %reduce_sum3A_889[0, 0, 0] : f32 from vector<1x1x1xf32>
    %mul3A_891 = arith.mulf %slice3A_847, %slice3A_846 : vector<1x32xf32>
    %reduce_sum3A_892 = vector.shape_cast %mul3A_891 : vector<1x32xf32> to vector<1x1x32xf32>
    %reduce_sum3A_893 = arith.constant dense<0.000000e+00> : vector<1xf32>
    %reduce_sum3A_894 = vector.multi_reduction <add>, %reduce_sum3A_892, %reduce_sum3A_893 [1, 2] : vector<1x1x32xf32> to vector<1xf32>
    %reduce_sum3A_895 = vector.shape_cast %reduce_sum3A_894 : vector<1xf32> to vector<1x1x1xf32>
    %reduce_sum3A_896 = vector.extract %reduce_sum3A_895[0, 0, 0] : f32 from vector<1x1x1xf32>
    %add3A_897 = arith.addf %reduce_sum3A_890, %reduce_sum3A_896 : f32
    %mul3A_898 = arith.mulf %slice3A_847, %slice3A_848 : vector<1x32xf32>
    %reduce_sum3A_899 = vector.shape_cast %mul3A_898 : vector<1x32xf32> to vector<1x1x32xf32>
    %reduce_sum3A_900 = arith.constant dense<0.000000e+00> : vector<1xf32>
    %reduce_sum3A_901 = vector.multi_reduction <add>, %reduce_sum3A_899, %reduce_sum3A_900 [1, 2] : vector<1x1x32xf32> to vector<1xf32>
    %reduce_sum3A_902 = vector.shape_cast %reduce_sum3A_901 : vector<1xf32> to vector<1x1x1xf32>
    %reduce_sum3A_903 = vector.extract %reduce_sum3A_902[0, 0, 0] : f32 from vector<1x1x1xf32>
    %mul3A_904 = vector.broadcast %reduce_sum3A_854 : f32 to vector<1024x1xf32>
    %mul3A_905 = arith.mulf %slice3A_16, %mul3A_904 : vector<1024x1xf32>
    %mul3A_906 = vector.broadcast %reduce_sum3A_872 : f32 to vector<1024x1xf32>
    %mul3A_907 = arith.mulf %slice3A_15, %mul3A_906 : vector<1024x1xf32>
    %add3A_908 = arith.addf %mul3A_905, %mul3A_907 : vector<1024x1xf32>
    %add3A_909 = vector.broadcast %reduce_sum3A_878 : f32 to vector<1024x1xf32>
    %add3A_910 = arith.addf %add3A_908, %add3A_909 : vector<1024x1xf32>
    %mul3A_911 = arith.constant 0.176776692 : f32
    %mul3A_912 = vector.broadcast %mul3A_911 : f32 to vector<1024x1xf32>
    %mul3A_913 = arith.mulf %add3A_910, %mul3A_912 : vector<1024x1xf32>
    %mul3A_914 = vector.broadcast %reduce_sum3A_860 : f32 to vector<1024x1xf32>
    %mul3A_915 = arith.mulf %slice3A_15, %mul3A_914 : vector<1024x1xf32>
    %add3A_916 = vector.broadcast %reduce_sum3A_866 : f32 to vector<1024x1xf32>
    %add3A_917 = arith.addf %mul3A_915, %add3A_916 : vector<1024x1xf32>
    %mul3A_918 = arith.mulf %slice3A_16, %add3A_917 : vector<1024x1xf32>
    %mul3A_919 = arith.mulf %slice3A_15, %slice3A_15 : vector<1024x1xf32>
    %mul3A_920 = vector.broadcast %reduce_sum3A_884 : f32 to vector<1024x1xf32>
    %mul3A_921 = arith.mulf %mul3A_919, %mul3A_920 : vector<1024x1xf32>
    %add3A_922 = arith.addf %mul3A_918, %mul3A_921 : vector<1024x1xf32>
    %mul3A_923 = vector.broadcast %add3A_897 : f32 to vector<1024x1xf32>
    %mul3A_924 = arith.mulf %slice3A_15, %mul3A_923 : vector<1024x1xf32>
    %add3A_925 = arith.addf %add3A_922, %mul3A_924 : vector<1024x1xf32>
    %add3A_926 = vector.broadcast %reduce_sum3A_903 : f32 to vector<1024x1xf32>
    %add3A_927 = arith.addf %add3A_925, %add3A_926 : vector<1024x1xf32>
    %mul3A_928 = arith.constant 0.176776692 : f32
    %mul3A_929 = vector.broadcast %mul3A_928 : f32 to vector<1024x1xf32>
    %mul3A_930 = arith.mulf %add3A_927, %mul3A_929 : vector<1024x1xf32>
    %dot_general3A_931 = arith.constant dense<0.000000e+00> : vector<1024x16xf32>
    %dot_general3A_932 = tpu.matmul %mul3A_913, %broadcast_in_dim3A_0, %dot_general3A_931 {dimension_numbers = #tpu.dot_dimension_numbers<[1], [0], [0], [1], [0, 0, 1, 1], [], []>, transpose_lhs_hint = false} : vector<1024x1xf32>, vector<1x16xf32>, vector<1024x16xf32> -> vector<1024x16xf32>
    %mul3A_933 = arith.mulf %mul3A_21, %dot_general3A_932 : vector<1024x16xf32>
    %dot_general3A_934 = arith.constant dense<0.000000e+00> : vector<1024x16xf32>
    %dot_general3A_935 = tpu.matmul %mul3A_930, %broadcast_in_dim3A_0, %dot_general3A_934 {dimension_numbers = #tpu.dot_dimension_numbers<[1], [0], [0], [1], [0, 0, 1, 1], [], []>, transpose_lhs_hint = false} : vector<1024x1xf32>, vector<1x16xf32>, vector<1024x16xf32> -> vector<1024x16xf32>
    %add3A_936 = arith.addf %mul3A_933, %dot_general3A_935 : vector<1024x16xf32>
    %add3A_937 = vector.broadcast %mul3A_596 : vector<1x16xf32> to vector<1024x16xf32>
    %add3A_938 = arith.addf %add3A_936, %add3A_937 : vector<1024x16xf32>
    %reduce_max3A_939 = arith.constant dense<0xFF800000> : vector<1024xf32>
    %reduce_max3A_940 = vector.multi_reduction <maximumf>, %add3A_938, %reduce_max3A_939 [1] : vector<1024x16xf32> to vector<1024xf32>
    %broadcast_in_dim3A_941 = vector.shape_cast %reduce_max3A_940 : vector<1024xf32> to vector<1024x1xf32>
    %dot_general3A_942 = arith.constant dense<0.000000e+00> : vector<1024x16xf32>
    %dot_general3A_943 = tpu.matmul %broadcast_in_dim3A_941, %broadcast_in_dim3A_0, %dot_general3A_942 {dimension_numbers = #tpu.dot_dimension_numbers<[1], [0], [0], [1], [0, 0, 1, 1], [], []>, transpose_lhs_hint = false} : vector<1024x1xf32>, vector<1x16xf32>, vector<1024x16xf32> -> vector<1024x16xf32>
    %sub3A_944 = arith.subf %add3A_938, %dot_general3A_943 : vector<1024x16xf32>
    %exp3A_945 = math.exp %sub3A_944 : vector<1024x16xf32>
    %reduce_sum3A_946 = arith.constant dense<0.000000e+00> : vector<1024xf32>
    %reduce_sum3A_947 = vector.multi_reduction <add>, %exp3A_945, %reduce_sum3A_946 [1] : vector<1024x16xf32> to vector<1024xf32>
    %broadcast_in_dim3A_948 = vector.shape_cast %reduce_sum3A_947 : vector<1024xf32> to vector<1024x1xf32>
    %div3A_949 = arith.constant 1.000000e+00 : f32
    %div3A_950 = vector.broadcast %div3A_949 : f32 to vector<1024x1xf32>
    %div3A_951 = arith.divf %div3A_950, %broadcast_in_dim3A_948 : vector<1024x1xf32>
    %dot_general3A_952 = arith.constant dense<0.000000e+00> : vector<1024x16xf32>
    %dot_general3A_953 = tpu.matmul %div3A_951, %broadcast_in_dim3A_0, %dot_general3A_952 {dimension_numbers = #tpu.dot_dimension_numbers<[1], [0], [0], [1], [0, 0, 1, 1], [], []>, transpose_lhs_hint = false} : vector<1024x1xf32>, vector<1x16xf32>, vector<1024x16xf32> -> vector<1024x16xf32>
    %mul3A_954 = arith.mulf %exp3A_945, %dot_general3A_953 : vector<1024x16xf32>
    %mul3A_955 = arith.mulf %mul3A_954, %mul3A_21 : vector<1024x16xf32>
    %reduce_sum3A_956 = arith.constant dense<0.000000e+00> : vector<1024xf32>
    %reduce_sum3A_957 = vector.multi_reduction <add>, %mul3A_955, %reduce_sum3A_956 [1] : vector<1024x16xf32> to vector<1024xf32>
    %broadcast_in_dim3A_958 = vector.shape_cast %reduce_sum3A_957 : vector<1024xf32> to vector<1024x1xf32>
    %slice3A_959 = vector.extract_strided_slice %slice3A_564 {offsets = [0, 64], sizes = [1, 32], strides = [1, 1]} : vector<1x128xf32> to vector<1x32xf32>
    %get3A_960 = arith.constant 0 : index
    %get3A_961 = arith.constant 64 : index
    %get3A_962 = vector.load %arg7[%get3A_960, %get3A_961] : memref<128x128xf32, #tpu.memory_space<vmem>>, vector<128x32xf32>
    %dot_general3A_963 = arith.constant dense<0.000000e+00> : vector<1x128xf32>
    %dot_general3A_964 = tpu.matmul %slice3A_959, %get3A_962, %dot_general3A_963 {dimension_numbers = #tpu.dot_dimension_numbers<[1], [1], [0], [0], [0, 0, 1, 0], [], []>, transpose_lhs_hint = false} : vector<1x32xf32>, vector<128x32xf32>, vector<1x128xf32> -> vector<1x128xf32>
    %dot_general3A_965 = arith.constant dense<0.000000e+00> : vector<1024x128xf32>
    %dot_general3A_966 = tpu.matmul %broadcast_in_dim3A_958, %dot_general3A_964, %dot_general3A_965 {dimension_numbers = #tpu.dot_dimension_numbers<[1], [0], [0], [1], [0, 0, 1, 1], [], []>, transpose_lhs_hint = false} : vector<1024x1xf32>, vector<1x128xf32>, vector<1024x128xf32> -> vector<1024x128xf32>
    %add3A_967 = arith.addf %add3A_842, %dot_general3A_966 : vector<1024x128xf32>
    %slice3A_968 = vector.extract_strided_slice %dot_general3A_549 {offsets = [0, 96], sizes = [1, 32], strides = [1, 1]} : vector<1x384xf32> to vector<1x32xf32>
    %slice3A_969 = vector.extract_strided_slice %dot_general3A_549 {offsets = [0, 224], sizes = [1, 32], strides = [1, 1]} : vector<1x384xf32> to vector<1x32xf32>
    %slice3A_970 = vector.extract_strided_slice %dot_general3A_554 {offsets = [0, 96], sizes = [1, 32], strides = [1, 1]} : vector<1x384xf32> to vector<1x32xf32>
    %slice3A_971 = vector.extract_strided_slice %dot_general3A_554 {offsets = [0, 224], sizes = [1, 32], strides = [1, 1]} : vector<1x384xf32> to vector<1x32xf32>
    %slice3A_972 = vector.extract_strided_slice %add3A_563 {offsets = [0, 96], sizes = [1, 32], strides = [1, 1]} : vector<1x384xf32> to vector<1x32xf32>
    %slice3A_973 = vector.extract_strided_slice %add3A_563 {offsets = [0, 224], sizes = [1, 32], strides = [1, 1]} : vector<1x384xf32> to vector<1x32xf32>
    %mul3A_974 = arith.mulf %slice3A_968, %slice3A_969 : vector<1x32xf32>
    %reduce_sum3A_975 = vector.shape_cast %mul3A_974 : vector<1x32xf32> to vector<1x1x32xf32>
    %reduce_sum3A_976 = arith.constant dense<0.000000e+00> : vector<1xf32>
    %reduce_sum3A_977 = vector.multi_reduction <add>, %reduce_sum3A_975, %reduce_sum3A_976 [1, 2] : vector<1x1x32xf32> to vector<1xf32>
    %reduce_sum3A_978 = vector.shape_cast %reduce_sum3A_977 : vector<1xf32> to vector<1x1x1xf32>
    %reduce_sum3A_979 = vector.extract %reduce_sum3A_978[0, 0, 0] : f32 from vector<1x1x1xf32>
    %mul3A_980 = arith.mulf %slice3A_968, %slice3A_971 : vector<1x32xf32>
    %reduce_sum3A_981 = vector.shape_cast %mul3A_980 : vector<1x32xf32> to vector<1x1x32xf32>
    %reduce_sum3A_982 = arith.constant dense<0.000000e+00> : vector<1xf32>
    %reduce_sum3A_983 = vector.multi_reduction <add>, %reduce_sum3A_981, %reduce_sum3A_982 [1, 2] : vector<1x1x32xf32> to vector<1xf32>
    %reduce_sum3A_984 = vector.shape_cast %reduce_sum3A_983 : vector<1xf32> to vector<1x1x1xf32>
    %reduce_sum3A_985 = vector.extract %reduce_sum3A_984[0, 0, 0] : f32 from vector<1x1x1xf32>
    %mul3A_986 = arith.mulf %slice3A_968, %slice3A_973 : vector<1x32xf32>
    %reduce_sum3A_987 = vector.shape_cast %mul3A_986 : vector<1x32xf32> to vector<1x1x32xf32>
    %reduce_sum3A_988 = arith.constant dense<0.000000e+00> : vector<1xf32>
    %reduce_sum3A_989 = vector.multi_reduction <add>, %reduce_sum3A_987, %reduce_sum3A_988 [1, 2] : vector<1x1x32xf32> to vector<1xf32>
    %reduce_sum3A_990 = vector.shape_cast %reduce_sum3A_989 : vector<1xf32> to vector<1x1x1xf32>
    %reduce_sum3A_991 = vector.extract %reduce_sum3A_990[0, 0, 0] : f32 from vector<1x1x1xf32>
    %mul3A_992 = arith.mulf %slice3A_970, %slice3A_969 : vector<1x32xf32>
    %reduce_sum3A_993 = vector.shape_cast %mul3A_992 : vector<1x32xf32> to vector<1x1x32xf32>
    %reduce_sum3A_994 = arith.constant dense<0.000000e+00> : vector<1xf32>
    %reduce_sum3A_995 = vector.multi_reduction <add>, %reduce_sum3A_993, %reduce_sum3A_994 [1, 2] : vector<1x1x32xf32> to vector<1xf32>
    %reduce_sum3A_996 = vector.shape_cast %reduce_sum3A_995 : vector<1xf32> to vector<1x1x1xf32>
    %reduce_sum3A_997 = vector.extract %reduce_sum3A_996[0, 0, 0] : f32 from vector<1x1x1xf32>
    %mul3A_998 = arith.mulf %slice3A_972, %slice3A_969 : vector<1x32xf32>
    %reduce_sum3A_999 = vector.shape_cast %mul3A_998 : vector<1x32xf32> to vector<1x1x32xf32>
    %reduce_sum3A_1000 = arith.constant dense<0.000000e+00> : vector<1xf32>
    %reduce_sum3A_1001 = vector.multi_reduction <add>, %reduce_sum3A_999, %reduce_sum3A_1000 [1, 2] : vector<1x1x32xf32> to vector<1xf32>
    %reduce_sum3A_1002 = vector.shape_cast %reduce_sum3A_1001 : vector<1xf32> to vector<1x1x1xf32>
    %reduce_sum3A_1003 = vector.extract %reduce_sum3A_1002[0, 0, 0] : f32 from vector<1x1x1xf32>
    %mul3A_1004 = arith.mulf %slice3A_970, %slice3A_971 : vector<1x32xf32>
    %reduce_sum3A_1005 = vector.shape_cast %mul3A_1004 : vector<1x32xf32> to vector<1x1x32xf32>
    %reduce_sum3A_1006 = arith.constant dense<0.000000e+00> : vector<1xf32>
    %reduce_sum3A_1007 = vector.multi_reduction <add>, %reduce_sum3A_1005, %reduce_sum3A_1006 [1, 2] : vector<1x1x32xf32> to vector<1xf32>
    %reduce_sum3A_1008 = vector.shape_cast %reduce_sum3A_1007 : vector<1xf32> to vector<1x1x1xf32>
    %reduce_sum3A_1009 = vector.extract %reduce_sum3A_1008[0, 0, 0] : f32 from vector<1x1x1xf32>
    %mul3A_1010 = arith.mulf %slice3A_970, %slice3A_973 : vector<1x32xf32>
    %reduce_sum3A_1011 = vector.shape_cast %mul3A_1010 : vector<1x32xf32> to vector<1x1x32xf32>
    %reduce_sum3A_1012 = arith.constant dense<0.000000e+00> : vector<1xf32>
    %reduce_sum3A_1013 = vector.multi_reduction <add>, %reduce_sum3A_1011, %reduce_sum3A_1012 [1, 2] : vector<1x1x32xf32> to vector<1xf32>
    %reduce_sum3A_1014 = vector.shape_cast %reduce_sum3A_1013 : vector<1xf32> to vector<1x1x1xf32>
    %reduce_sum3A_1015 = vector.extract %reduce_sum3A_1014[0, 0, 0] : f32 from vector<1x1x1xf32>
    %mul3A_1016 = arith.mulf %slice3A_972, %slice3A_971 : vector<1x32xf32>
    %reduce_sum3A_1017 = vector.shape_cast %mul3A_1016 : vector<1x32xf32> to vector<1x1x32xf32>
    %reduce_sum3A_1018 = arith.constant dense<0.000000e+00> : vector<1xf32>
    %reduce_sum3A_1019 = vector.multi_reduction <add>, %reduce_sum3A_1017, %reduce_sum3A_1018 [1, 2] : vector<1x1x32xf32> to vector<1xf32>
    %reduce_sum3A_1020 = vector.shape_cast %reduce_sum3A_1019 : vector<1xf32> to vector<1x1x1xf32>
    %reduce_sum3A_1021 = vector.extract %reduce_sum3A_1020[0, 0, 0] : f32 from vector<1x1x1xf32>
    %add3A_1022 = arith.addf %reduce_sum3A_1015, %reduce_sum3A_1021 : f32
    %mul3A_1023 = arith.mulf %slice3A_972, %slice3A_973 : vector<1x32xf32>
    %reduce_sum3A_1024 = vector.shape_cast %mul3A_1023 : vector<1x32xf32> to vector<1x1x32xf32>
    %reduce_sum3A_1025 = arith.constant dense<0.000000e+00> : vector<1xf32>
    %reduce_sum3A_1026 = vector.multi_reduction <add>, %reduce_sum3A_1024, %reduce_sum3A_1025 [1, 2] : vector<1x1x32xf32> to vector<1xf32>
    %reduce_sum3A_1027 = vector.shape_cast %reduce_sum3A_1026 : vector<1xf32> to vector<1x1x1xf32>
    %reduce_sum3A_1028 = vector.extract %reduce_sum3A_1027[0, 0, 0] : f32 from vector<1x1x1xf32>
    %mul3A_1029 = vector.broadcast %reduce_sum3A_979 : f32 to vector<1024x1xf32>
    %mul3A_1030 = arith.mulf %slice3A_16, %mul3A_1029 : vector<1024x1xf32>
    %mul3A_1031 = vector.broadcast %reduce_sum3A_997 : f32 to vector<1024x1xf32>
    %mul3A_1032 = arith.mulf %slice3A_15, %mul3A_1031 : vector<1024x1xf32>
    %add3A_1033 = arith.addf %mul3A_1030, %mul3A_1032 : vector<1024x1xf32>
    %add3A_1034 = vector.broadcast %reduce_sum3A_1003 : f32 to vector<1024x1xf32>
    %add3A_1035 = arith.addf %add3A_1033, %add3A_1034 : vector<1024x1xf32>
    %mul3A_1036 = arith.constant 0.176776692 : f32
    %mul3A_1037 = vector.broadcast %mul3A_1036 : f32 to vector<1024x1xf32>
    %mul3A_1038 = arith.mulf %add3A_1035, %mul3A_1037 : vector<1024x1xf32>
    %mul3A_1039 = vector.broadcast %reduce_sum3A_985 : f32 to vector<1024x1xf32>
    %mul3A_1040 = arith.mulf %slice3A_15, %mul3A_1039 : vector<1024x1xf32>
    %add3A_1041 = vector.broadcast %reduce_sum3A_991 : f32 to vector<1024x1xf32>
    %add3A_1042 = arith.addf %mul3A_1040, %add3A_1041 : vector<1024x1xf32>
    %mul3A_1043 = arith.mulf %slice3A_16, %add3A_1042 : vector<1024x1xf32>
    %mul3A_1044 = arith.mulf %slice3A_15, %slice3A_15 : vector<1024x1xf32>
    %mul3A_1045 = vector.broadcast %reduce_sum3A_1009 : f32 to vector<1024x1xf32>
    %mul3A_1046 = arith.mulf %mul3A_1044, %mul3A_1045 : vector<1024x1xf32>
    %add3A_1047 = arith.addf %mul3A_1043, %mul3A_1046 : vector<1024x1xf32>
    %mul3A_1048 = vector.broadcast %add3A_1022 : f32 to vector<1024x1xf32>
    %mul3A_1049 = arith.mulf %slice3A_15, %mul3A_1048 : vector<1024x1xf32>
    %add3A_1050 = arith.addf %add3A_1047, %mul3A_1049 : vector<1024x1xf32>
    %add3A_1051 = vector.broadcast %reduce_sum3A_1028 : f32 to vector<1024x1xf32>
    %add3A_1052 = arith.addf %add3A_1050, %add3A_1051 : vector<1024x1xf32>
    %mul3A_1053 = arith.constant 0.176776692 : f32
    %mul3A_1054 = vector.broadcast %mul3A_1053 : f32 to vector<1024x1xf32>
    %mul3A_1055 = arith.mulf %add3A_1052, %mul3A_1054 : vector<1024x1xf32>
    %dot_general3A_1056 = arith.constant dense<0.000000e+00> : vector<1024x16xf32>
    %dot_general3A_1057 = tpu.matmul %mul3A_1038, %broadcast_in_dim3A_0, %dot_general3A_1056 {dimension_numbers = #tpu.dot_dimension_numbers<[1], [0], [0], [1], [0, 0, 1, 1], [], []>, transpose_lhs_hint = false} : vector<1024x1xf32>, vector<1x16xf32>, vector<1024x16xf32> -> vector<1024x16xf32>
    %mul3A_1058 = arith.mulf %mul3A_21, %dot_general3A_1057 : vector<1024x16xf32>
    %dot_general3A_1059 = arith.constant dense<0.000000e+00> : vector<1024x16xf32>
    %dot_general3A_1060 = tpu.matmul %mul3A_1055, %broadcast_in_dim3A_0, %dot_general3A_1059 {dimension_numbers = #tpu.dot_dimension_numbers<[1], [0], [0], [1], [0, 0, 1, 1], [], []>, transpose_lhs_hint = false} : vector<1024x1xf32>, vector<1x16xf32>, vector<1024x16xf32> -> vector<1024x16xf32>
    %add3A_1061 = arith.addf %mul3A_1058, %dot_general3A_1060 : vector<1024x16xf32>
    %add3A_1062 = vector.broadcast %mul3A_596 : vector<1x16xf32> to vector<1024x16xf32>
    %add3A_1063 = arith.addf %add3A_1061, %add3A_1062 : vector<1024x16xf32>
    %reduce_max3A_1064 = arith.constant dense<0xFF800000> : vector<1024xf32>
    %reduce_max3A_1065 = vector.multi_reduction <maximumf>, %add3A_1063, %reduce_max3A_1064 [1] : vector<1024x16xf32> to vector<1024xf32>
    %broadcast_in_dim3A_1066 = vector.shape_cast %reduce_max3A_1065 : vector<1024xf32> to vector<1024x1xf32>
    %dot_general3A_1067 = arith.constant dense<0.000000e+00> : vector<1024x16xf32>
    %dot_general3A_1068 = tpu.matmul %broadcast_in_dim3A_1066, %broadcast_in_dim3A_0, %dot_general3A_1067 {dimension_numbers = #tpu.dot_dimension_numbers<[1], [0], [0], [1], [0, 0, 1, 1], [], []>, transpose_lhs_hint = false} : vector<1024x1xf32>, vector<1x16xf32>, vector<1024x16xf32> -> vector<1024x16xf32>
    %sub3A_1069 = arith.subf %add3A_1063, %dot_general3A_1068 : vector<1024x16xf32>
    %exp3A_1070 = math.exp %sub3A_1069 : vector<1024x16xf32>
    %reduce_sum3A_1071 = arith.constant dense<0.000000e+00> : vector<1024xf32>
    %reduce_sum3A_1072 = vector.multi_reduction <add>, %exp3A_1070, %reduce_sum3A_1071 [1] : vector<1024x16xf32> to vector<1024xf32>
    %broadcast_in_dim3A_1073 = vector.shape_cast %reduce_sum3A_1072 : vector<1024xf32> to vector<1024x1xf32>
    %div3A_1074 = arith.constant 1.000000e+00 : f32
    %div3A_1075 = vector.broadcast %div3A_1074 : f32 to vector<1024x1xf32>
    %div3A_1076 = arith.divf %div3A_1075, %broadcast_in_dim3A_1073 : vector<1024x1xf32>
    %dot_general3A_1077 = arith.constant dense<0.000000e+00> : vector<1024x16xf32>
    %dot_general3A_1078 = tpu.matmul %div3A_1076, %broadcast_in_dim3A_0, %dot_general3A_1077 {dimension_numbers = #tpu.dot_dimension_numbers<[1], [0], [0], [1], [0, 0, 1, 1], [], []>, transpose_lhs_hint = false} : vector<1024x1xf32>, vector<1x16xf32>, vector<1024x16xf32> -> vector<1024x16xf32>
    %mul3A_1079 = arith.mulf %exp3A_1070, %dot_general3A_1078 : vector<1024x16xf32>
    %mul3A_1080 = arith.mulf %mul3A_1079, %mul3A_21 : vector<1024x16xf32>
    %reduce_sum3A_1081 = arith.constant dense<0.000000e+00> : vector<1024xf32>
    %reduce_sum3A_1082 = vector.multi_reduction <add>, %mul3A_1080, %reduce_sum3A_1081 [1] : vector<1024x16xf32> to vector<1024xf32>
    %broadcast_in_dim3A_1083 = vector.shape_cast %reduce_sum3A_1082 : vector<1024xf32> to vector<1024x1xf32>
    %slice3A_1084 = vector.extract_strided_slice %slice3A_564 {offsets = [0, 96], sizes = [1, 32], strides = [1, 1]} : vector<1x128xf32> to vector<1x32xf32>
    %get3A_1085 = arith.constant 0 : index
    %get3A_1086 = arith.constant 96 : index
    %get3A_1087 = vector.load %arg7[%get3A_1085, %get3A_1086] : memref<128x128xf32, #tpu.memory_space<vmem>>, vector<128x32xf32>
    %dot_general3A_1088 = arith.constant dense<0.000000e+00> : vector<1x128xf32>
    %dot_general3A_1089 = tpu.matmul %slice3A_1084, %get3A_1087, %dot_general3A_1088 {dimension_numbers = #tpu.dot_dimension_numbers<[1], [1], [0], [0], [0, 0, 1, 0], [], []>, transpose_lhs_hint = false} : vector<1x32xf32>, vector<128x32xf32>, vector<1x128xf32> -> vector<1x128xf32>
    %dot_general3A_1090 = arith.constant dense<0.000000e+00> : vector<1024x128xf32>
    %dot_general3A_1091 = tpu.matmul %broadcast_in_dim3A_1083, %dot_general3A_1089, %dot_general3A_1090 {dimension_numbers = #tpu.dot_dimension_numbers<[1], [0], [0], [1], [0, 0, 1, 1], [], []>, transpose_lhs_hint = false} : vector<1024x1xf32>, vector<1x128xf32>, vector<1024x128xf32> -> vector<1024x128xf32>
    %add3A_1092 = arith.addf %add3A_967, %dot_general3A_1091 : vector<1024x128xf32>
    %broadcast_in_dim3A_1093 = arith.constant 1.000000e+00 : f32
    %broadcast_in_dim3A_1094 = vector.broadcast %broadcast_in_dim3A_1093 : f32 to vector<1x128xf32>
    %reduce_sum3A_1095 = arith.constant dense<0.000000e+00> : vector<1024xf32>
    %reduce_sum3A_1096 = vector.multi_reduction <add>, %add3A_1092, %reduce_sum3A_1095 [1] : vector<1024x128xf32> to vector<1024xf32>
    %broadcast_in_dim3A_1097 = vector.shape_cast %reduce_sum3A_1096 : vector<1024xf32> to vector<1024x1xf32>
    %div3A_1098 = arith.constant 1.280000e+02 : f32
    %div3A_1099 = vector.broadcast %div3A_1098 : f32 to vector<1024x1xf32>
    %div3A_1100 = arith.divf %broadcast_in_dim3A_1097, %div3A_1099 : vector<1024x1xf32>
    %dot_general3A_1101 = arith.constant dense<0.000000e+00> : vector<1024x128xf32>
    %dot_general3A_1102 = tpu.matmul %div3A_1100, %broadcast_in_dim3A_1094, %dot_general3A_1101 {dimension_numbers = #tpu.dot_dimension_numbers<[1], [0], [0], [1], [0, 0, 1, 1], [], []>, transpose_lhs_hint = false} : vector<1024x1xf32>, vector<1x128xf32>, vector<1024x128xf32> -> vector<1024x128xf32>
    %sub3A_1103 = arith.subf %add3A_1092, %dot_general3A_1102 : vector<1024x128xf32>
    %mul3A_1104 = arith.mulf %sub3A_1103, %sub3A_1103 : vector<1024x128xf32>
    %reduce_sum3A_1105 = arith.constant dense<0.000000e+00> : vector<1024xf32>
    %reduce_sum3A_1106 = vector.multi_reduction <add>, %mul3A_1104, %reduce_sum3A_1105 [1] : vector<1024x128xf32> to vector<1024xf32>
    %broadcast_in_dim3A_1107 = vector.shape_cast %reduce_sum3A_1106 : vector<1024xf32> to vector<1024x1xf32>
    %div3A_1108 = arith.constant 1.280000e+02 : f32
    %div3A_1109 = vector.broadcast %div3A_1108 : f32 to vector<1024x1xf32>
    %div3A_1110 = arith.divf %broadcast_in_dim3A_1107, %div3A_1109 : vector<1024x1xf32>
    %add3A_1111 = arith.constant 9.99999974E-6 : f32
    %add3A_1112 = vector.broadcast %add3A_1111 : f32 to vector<1024x1xf32>
    %add3A_1113 = arith.addf %div3A_1110, %add3A_1112 : vector<1024x1xf32>
    %rsqrt3A = math.rsqrt %add3A_1113 : vector<1024x1xf32>
    %dot_general3A_1114 = arith.constant dense<0.000000e+00> : vector<1024x128xf32>
    %dot_general3A_1115 = tpu.matmul %rsqrt3A, %broadcast_in_dim3A_1094, %dot_general3A_1114 {dimension_numbers = #tpu.dot_dimension_numbers<[1], [0], [0], [1], [0, 0, 1, 1], [], []>, transpose_lhs_hint = false} : vector<1024x1xf32>, vector<1x128xf32>, vector<1024x128xf32> -> vector<1024x128xf32>
    %mul3A_1116 = arith.mulf %sub3A_1103, %dot_general3A_1115 : vector<1024x128xf32>
    %get3A_1117 = arith.constant 0 : index
    %get3A_1118 = arith.constant 0 : index
    %get3A_1119 = vector.load %arg17[%get3A_1117, %get3A_1118] : memref<1x128xf32, #tpu.memory_space<vmem>>, vector<1x128xf32>
    %mul3A_1120 = vector.broadcast %get3A_1119 : vector<1x128xf32> to vector<1024x128xf32>
    %mul3A_1121 = arith.mulf %mul3A_1116, %mul3A_1120 : vector<1024x128xf32>
    %get3A_1122 = arith.constant 0 : index
    %get3A_1123 = arith.constant 0 : index
    %get3A_1124 = vector.load %arg18[%get3A_1122, %get3A_1123] : memref<1x128xf32, #tpu.memory_space<vmem>>, vector<1x128xf32>
    %add3A_1125 = vector.broadcast %get3A_1124 : vector<1x128xf32> to vector<1024x128xf32>
    %add3A_1126 = arith.addf %mul3A_1121, %add3A_1125 : vector<1024x128xf32>
    %concatenate3A = tpu.concatenate %add3A_544, %add3A_1126 in 1 : vector<1024x128xf32>, vector<1024x128xf32> -> vector<1024x256xf32>
    %get3A_1127 = arith.constant 0 : index
    %get3A_1128 = arith.constant 0 : index
    %get3A_1129 = vector.load %arg8[%get3A_1127, %get3A_1128] : memref<128x256xf32, #tpu.memory_space<vmem>>, vector<128x256xf32>
    %dot_general3A_1130 = arith.constant dense<0.000000e+00> : vector<1024x128xf32>
    %dot_general3A_1131 = tpu.matmul %concatenate3A, %get3A_1129, %dot_general3A_1130 {dimension_numbers = #tpu.dot_dimension_numbers<[1], [1], [0], [0], [0, 0, 1, 0], [], []>, transpose_lhs_hint = false} : vector<1024x256xf32>, vector<128x256xf32>, vector<1024x128xf32> -> vector<1024x128xf32>
    %get3A_1132 = arith.constant 0 : index
    %get3A_1133 = arith.constant 0 : index
    %get3A_1134 = vector.load %arg19[%get3A_1132, %get3A_1133] : memref<1x128xf32, #tpu.memory_space<vmem>>, vector<1x128xf32>
    %add3A_1135 = vector.broadcast %get3A_1134 : vector<1x128xf32> to vector<1024x128xf32>
    %add3A_1136 = arith.addf %dot_general3A_1131, %add3A_1135 : vector<1024x128xf32>
    %max3A = arith.constant 0.000000e+00 : f32
    %max3A_1137 = vector.broadcast %max3A : f32 to vector<1024x128xf32>
    %max3A_1138 = arith.maximumf %add3A_1136, %max3A_1137 : vector<1024x128xf32>
    %get3A_1139 = arith.constant 0 : index
    %get3A_1140 = arith.constant 0 : index
    %get3A_1141 = vector.load %arg9[%get3A_1139, %get3A_1140] : memref<8x128xf32, #tpu.memory_space<vmem>>, vector<8x128xf32>
    %dot_general3A_1142 = arith.constant dense<0.000000e+00> : vector<1024x8xf32>
    %dot_general3A_1143 = tpu.matmul %max3A_1138, %get3A_1141, %dot_general3A_1142 {dimension_numbers = #tpu.dot_dimension_numbers<[1], [1], [0], [0], [0, 0, 1, 0], [], []>, transpose_lhs_hint = false} : vector<1024x128xf32>, vector<8x128xf32>, vector<1024x8xf32> -> vector<1024x8xf32>
    %slice3A_1144 = vector.extract_strided_slice %dot_general3A_1143 {offsets = [0, 0], sizes = [1024, 1], strides = [1, 1]} : vector<1024x8xf32> to vector<1024x1xf32>
    %get3A_1145 = arith.constant 0 : index
    %get3A_1146 = arith.constant 0 : index
    %get3A_1147 = vector.load %arg20[%get3A_1145, %get3A_1146] : memref<1x1xf32, #tpu.memory_space<vmem>>, vector<1x1xf32>
    %get3A_1148 = vector.extract %get3A_1147[0, 0] : f32 from vector<1x1xf32>
    %add3A_1149 = vector.broadcast %get3A_1148 : f32 to vector<1024x1xf32>
    %add3A_1150 = arith.addf %slice3A_1144, %add3A_1149 : vector<1024x1xf32>
    %logistic3A_1151 = arith.negf %add3A_1150 : vector<1024x1xf32>
    %logistic3A_1152 = math.exp %logistic3A_1151 : vector<1024x1xf32>
    %logistic3A_1153 = arith.constant 1.000000e+00 : f32
    %logistic3A_1154 = vector.broadcast %logistic3A_1153 : f32 to vector<1024x1xf32>
    %logistic3A_1155 = arith.addf %logistic3A_1154, %logistic3A_1152 : vector<1024x1xf32>
    %logistic3A_1156 = arith.divf %logistic3A_1154, %logistic3A_1155 : vector<1024x1xf32>
    %swap3A = arith.constant 0 : index
    %swap3A_1157 = arith.constant 0 : index
    %swap3A_1158 = vector.load %arg21[%swap3A, %swap3A_1157] : memref<1024x1xf32, #tpu.memory_space<vmem>>, vector<1024x1xf32>
    tpu.vector_store %arg21[%swap3A, %swap3A_1157], %logistic3A_1156 {strides = array<i32>} : memref<1024x1xf32, #tpu.memory_space<vmem>>, vector<1024x1xf32>,
    return
  }
  func.func @transform_0(%arg0: i32) -> (i32, i32, i32) {
    %c0_i32 = arith.constant 0 : i32
    %c0_i32_0 = arith.constant 0 : i32
    %c0_i32_1 = arith.constant 0 : i32
    return %c0_i32, %c0_i32_0, %arg0 : i32, i32, i32
  }
  func.func @transform_1(%arg0: i32) -> (i32, i32) {
    %c0_i32 = arith.constant 0 : i32
    %c0_i32_0 = arith.constant 0 : i32
    return %c0_i32, %arg0 : i32, i32
  }
  func.func @transform_2(%arg0: i32) -> (i32, i32) {
    %c0_i32 = arith.constant 0 : i32
    %c0_i32_0 = arith.constant 0 : i32
    %c0_i32_1 = arith.constant 0 : i32
    return %c0_i32, %c0_i32_0 : i32, i32
  }
  func.func @transform_3(%arg0: i32) -> (i32, i32) {
    %c0_i32 = arith.constant 0 : i32
    %c0_i32_0 = arith.constant 0 : i32
    %c0_i32_1 = arith.constant 0 : i32
    return %c0_i32, %c0_i32_0 : i32, i32
  }
  func.func @transform_4(%arg0: i32) -> (i32, i32) {
    %c0_i32 = arith.constant 0 : i32
    %c0_i32_0 = arith.constant 0 : i32
    %c0_i32_1 = arith.constant 0 : i32
    return %c0_i32, %c0_i32_0 : i32, i32
  }
  func.func @transform_5(%arg0: i32) -> (i32, i32) {
    %c0_i32 = arith.constant 0 : i32
    %c0_i32_0 = arith.constant 0 : i32
    %c0_i32_1 = arith.constant 0 : i32
    return %c0_i32, %c0_i32_0 : i32, i32
  }
  func.func @transform_6(%arg0: i32) -> (i32, i32) {
    %c0_i32 = arith.constant 0 : i32
    %c0_i32_0 = arith.constant 0 : i32
    %c0_i32_1 = arith.constant 0 : i32
    return %c0_i32, %c0_i32_0 : i32, i32
  }
  func.func @transform_7(%arg0: i32) -> (i32, i32) {
    %c0_i32 = arith.constant 0 : i32
    %c0_i32_0 = arith.constant 0 : i32
    %c0_i32_1 = arith.constant 0 : i32
    return %c0_i32, %c0_i32_0 : i32, i32
  }
  func.func @transform_8(%arg0: i32) -> (i32, i32) {
    %c0_i32 = arith.constant 0 : i32
    %c0_i32_0 = arith.constant 0 : i32
    %c0_i32_1 = arith.constant 0 : i32
    return %c0_i32, %c0_i32_0 : i32, i32
  }
  func.func @transform_9(%arg0: i32) -> (i32, i32) {
    %c0_i32 = arith.constant 0 : i32
    %c0_i32_0 = arith.constant 0 : i32
    %c0_i32_1 = arith.constant 0 : i32
    return %c0_i32, %c0_i32_0 : i32, i32
  }
  func.func @transform_10(%arg0: i32) -> (i32, i32) {
    %c0_i32 = arith.constant 0 : i32
    %c0_i32_0 = arith.constant 0 : i32
    %c0_i32_1 = arith.constant 0 : i32
    return %c0_i32, %c0_i32_0 : i32, i32
  }
  func.func @transform_11(%arg0: i32) -> (i32, i32) {
    %c0_i32 = arith.constant 0 : i32
    %c0_i32_0 = arith.constant 0 : i32
    %c0_i32_1 = arith.constant 0 : i32
    return %c0_i32, %c0_i32_0 : i32, i32
  }
  func.func @transform_12(%arg0: i32) -> (i32, i32) {
    %c0_i32 = arith.constant 0 : i32
    %c0_i32_0 = arith.constant 0 : i32
    %c0_i32_1 = arith.constant 0 : i32
    return %c0_i32, %c0_i32_0 : i32, i32
  }
  func.func @transform_13(%arg0: i32) -> (i32, i32) {
    %c0_i32 = arith.constant 0 : i32
    %c0_i32_0 = arith.constant 0 : i32
    %c0_i32_1 = arith.constant 0 : i32
    return %c0_i32, %c0_i32_0 : i32, i32
  }
  func.func @transform_14(%arg0: i32) -> (i32, i32) {
    %c0_i32 = arith.constant 0 : i32
    %c0_i32_0 = arith.constant 0 : i32
    %c0_i32_1 = arith.constant 0 : i32
    return %c0_i32, %c0_i32_0 : i32, i32
  }
  func.func @transform_15(%arg0: i32) -> (i32, i32) {
    %c0_i32 = arith.constant 0 : i32
    %c0_i32_0 = arith.constant 0 : i32
    %c0_i32_1 = arith.constant 0 : i32
    return %c0_i32, %c0_i32_0 : i32, i32
  }
  func.func @transform_16(%arg0: i32) -> (i32, i32) {
    %c0_i32 = arith.constant 0 : i32
    %c0_i32_0 = arith.constant 0 : i32
    %c0_i32_1 = arith.constant 0 : i32
    return %c0_i32, %c0_i32_0 : i32, i32
  }
  func.func @transform_17(%arg0: i32) -> (i32, i32) {
    %c0_i32 = arith.constant 0 : i32
    %c0_i32_0 = arith.constant 0 : i32
    %c0_i32_1 = arith.constant 0 : i32
    return %c0_i32, %c0_i32_0 : i32, i32
  }
  func.func @transform_18(%arg0: i32) -> (i32, i32) {
    %c0_i32 = arith.constant 0 : i32
    %c0_i32_0 = arith.constant 0 : i32
    %c0_i32_1 = arith.constant 0 : i32
    return %c0_i32, %c0_i32_0 : i32, i32
  }
  func.func @transform_19(%arg0: i32) -> (i32, i32) {
    %c0_i32 = arith.constant 0 : i32
    %c0_i32_0 = arith.constant 0 : i32
    %c0_i32_1 = arith.constant 0 : i32
    return %c0_i32, %c0_i32_0 : i32, i32
  }
  func.func @transform_20(%arg0: i32) -> (i32, i32) {
    %c0_i32 = arith.constant 0 : i32
    %c0_i32_0 = arith.constant 0 : i32
    return %arg0, %c0_i32 : i32, i32
  }
}

</mosaic_0001>

<sc_bundles>
// kernel: kernel.4.cloned.1.call-start
scs
__scs_entry_jumppad:
0x0: {  	(pc) =	sbr.rel $0x88, $3  }
0x1: {  	(tag) =	ssettag $0x0;
	lr =	simm.s32 $0x1  }
0x2: {  	[smem:$0x3F8D] =	sst lr;
	_ =	strace $0xD0000000  }
0x3: {  	_ = 	snop  }
0x4: {  	_ = 	snop  }
0x5: {  	_ = 	snop  }
0x6: {  	_ = 	snop  }
0x7: {  	_ = 	snop  }
__scs_overlays_trampoline_lowered:
0x8: {  	[smem:$0x3F9C] =	sst s0  }
0x9: {  	[smem:$0x3F9D] =	sst s1  }
0xa: {  	[smem:$0x3F9E] =	sst s2  }
0xb: {  	[smem:$0x3F9F] =	sst s3  }
0xc: {  	[smem:$0x3FA0] =	sst s4  }
0xd: {  	[smem:$0x3FA1] =	sst s5  }
0xe: {  	[smem:$0x3FA2] =	sst s6  }
0xf: {  	[smem:$0x3FA3] =	sst s7  }
0x10: {  	[smem:$0x3FA4] =	sst s8  }
0x11: {  	[smem:$0x3FA5] =	sst s9;
	s0 =	simm.s32 @!p0 $0x0  }
0x12: {  	s1 =	sld [smem:$0x3F8B];
	s0 =	simm.s32 @p0 $0x1  }
0x13: {  	[smem:$0x3FA6] =	sst s0;
	s0 =	simm.s32 @!p1 $0x0  }
0x14: {  	s2 =	sld [smem:$0x3F8A];
	s0 =	simm.s32 @p1 $0x1  }
0x15: {  	[smem:$0x3FA7] =	sst s0;
	s0 =	simm.s32 @!p2 $0x0  }
0x16: {  	s3 =	sld [smem:$0x3FDB];
	s0 =	simm.s32 @p2 $0x1  }
0x17: {  	s4 =	simm.s32 $0x1BF5;
	[smem:$0x3FA9] =	sst s0  }
0x18: {  	s0 =	sld [smem:$0x3F8C];
	_ =	swait.ge [sflag:s4], $0x0  }
0x19: {  	s7 =	sld [smem:$0x3F8D]  }
0x1a: {  	s8 =	sadd.s32 $0xFFFFE003, lr  }
0x1b: {  	s9 =	sadd.s32 $0xFFFFFEF7, lr;
	s5 =	simm.s32 $0xFFFFFFFF;
	p2 =	slt.u32 s8, $0xFFFFF086  }
0x1c: {  	p1 =	slt.u32 s9, $0xF7A;
	s5 =	simm.s32 @!p2 $0x0  }
0x1d: {  	s5 =	simm.s32 @p1 $0x1;
	p0 =	seq.s32 s7, s2  }
0x1e: {  	s7 =	smul.u32 @!p0 $0xF7A, s2;
	p2 =	seq.s32 @!p0 s5, $0x0  }
0x1f: {  	s9 =	smul.u32 $0xF7A, s1;
	s8 =	simm.s32 @!p0 $0x1BF5;
	p2 =	por !p2, p0  }
0x20: {  	[sflag:s8] =	ssyncset.s32 @!p0 $0xFFFFF086;
	s6 =	sadd.s32 @!p0 s3, s7;
	s7 =	simm.s32 @!p0 $0x108  }
0x21: {  	s3 =	sadd.s32 s3, s9;
	s6 =	sadd.s32 @!p0 $0x88, s6;
	s7 =	simm.s32 @p2 $0x1082  }
0x22: {  	[simem:s7], [sflag:s8] =	dma.local @!p0 [hbm:s6], $0xF7A  }
0x23: {  	s9 =	sor.u32 $0xD0000000, s2;
	s6 =	simm.s32 $0x108;
	_ =	swait.ge @!p0 [sflag:s8], $0x0  }
0x24: {  	s3 =	sadd.s32 $0x88, s3;
	s6 =	simm.s32 @!p1 $0x1082;
	[sflag:s4] =	ssyncset.s32 $0xFFFFF086  }
0x25: {  	[simem:s6], [sflag:s4] =	dma.local [hbm:s3], $0xF7A  }
0x26: {  	[smem:$0x3F8D] =	sst s1;
	(tag) =	ssettag s2;
	_ =	strace s9  }
0x27: {  	s1 =	sld [smem:$0x3F9D]  }
0x28: {  	s2 =	sld [smem:$0x3F9E]  }
0x29: {  	s4 =	sld [smem:$0x3FA0]  }
0x2a: {  	p0 =	seq.s32 s5, $0x0;
	s5 =	sld [smem:$0x3FA1]  }
0x2b: {  	s6 =	sld [smem:$0x3FA2]  }
0x2c: {  	s7 =	sld [smem:$0x3FA3]  }
0x2d: {  	s3 =	simm.s32 $0x108;
	s8 =	sld [smem:$0x3FA4]  }
0x2e: {  	s3 =	simm.s32 @!p0 $0x1082;
	s9 =	sld [smem:$0x3FA5]  }
0x2f: {  	lr =	sadd.s32 s0, s3;
	s0 =	sld [smem:$0x3F9C]  }
0x30: {  	s3 =	sld [smem:$0x3F9F]  }
0x31: {  	[smem:$0x3FA8] =	sst s10  }
0x32: {  	s10 =	sld [smem:$0x3FA6];
	_ =	sdelay $0x3  }
0x33: {  	p0 =	seq.s32 s10, $0x1;
	s10 =	sld [smem:$0x3FA8];
	_ =	sdelay $0x3  }
0x34: {  	[smem:$0x3FA8] =	sst s10  }
0x35: {  	s10 =	sld [smem:$0x3FA7];
	_ =	sdelay $0x3  }
0x36: {  	p1 =	seq.s32 s10, $0x1;
	s10 =	sld [smem:$0x3FA8];
	_ =	sdelay $0x3  }
0x37: {  	[smem:$0x3FA8] =	sst s10  }
0x38: {  	s10 =	sld [smem:$0x3FA9]  }
0x39: {  	_ = 	snop;
	(pc) =	sbr.ind lr, $3  }
0x3a: {  	_ = 	snop  }
0x3b: {  	_ = 	snop  }
0x3c: {  	p2 =	seq.s32 s10, $0x1;
	s10 =	sld [smem:$0x3FA8]  }
0x3d: {  	_ =	shalt  }
0x3e: {  	_ =	shalt  }
0x3f: {  	_ =	shalt  }
0x40: {  	_ =	shalt  }
0x41: {  	_ =	shalt  }
0x42: {  	_ =	shalt  }
0x43: {  	_ =	shalt  }
0x44: {  	_ =	shalt  }
0x45: {  	_ =	shalt  }
0x46: {  	_ =	shalt  }
0x47: {  	_ =	shalt  }
0x48: {  	_ =	shalt  }
0x49: {  	_ =	shalt  }
0x4a: {  	_ =	shalt  }
0x4b: {  	_ =	shalt  }
0x4c: {  	_ =	shalt  }
0x4d: {  	_ =	shalt  }
0x4e: {  	_ =	shalt  }
0x4f: {  	_ =	shalt  }
0x50: {  	_ =	shalt  }
0x51: {  	_ =	shalt  }
0x52: {  	_ =	shalt  }
0x53: {  	_ =	shalt  }
0x54: {  	_ =	shalt  }
0x55: {  	_ =	shalt  }
0x56: {  	_ =	shalt  }
0x57: {  	_ =	shalt  }
0x58: {  	_ =	shalt  }
0x59: {  	_ =	shalt  }
0x5a: {  	_ =	shalt  }
0x5b: {  	_ =	shalt  }
0x5c: {  	_ =	shalt  }
0x5d: {  	_ =	shalt  }
0x5e: {  	_ =	shalt  }
0x5f: {  	_ =	shalt  }
0x60: {  	_ =	shalt  }
0x61: {  	_ =	shalt  }
0x62: {  	_ =	shalt  }
0x63: {  	_ =	shalt  }
0x64: {  	_ =	shalt  }
0x65: {  	_ =	shalt  }
0x66: {  	_ =	shalt  }
0x67: {  	_ =	shalt  }
0x68: {  	_ =	shalt  }
0x69: {  	_ =	shalt  }
0x6a: {  	_ =	shalt  }
0x6b: {  	_ =	shalt  }
0x6c: {  	_ =	shalt  }
0x6d: {  	_ =	shalt  }
0x6e: {  	_ =	shalt  }
0x6f: {  	_ =	shalt  }
0x70: {  	_ =	shalt  }
0x71: {  	_ =	shalt  }
0x72: {  	_ =	shalt  }
0x73: {  	_ =	shalt  }
0x74: {  	_ =	shalt  }
0x75: {  	_ =	shalt  }
0x76: {  	_ =	shalt  }
0x77: {  	_ =	shalt  }
0x78: {  	_ =	shalt  }
0x79: {  	_ =	shalt  }
0x7a: {  	_ =	shalt  }
0x7b: {  	_ =	shalt  }
0x7c: {  	_ =	shalt  }
0x7d: {  	_ =	shalt  }
0x7e: {  	_ =	shalt  }
0x7f: {  	_ =	shalt  }
0x80: {  	_ =	shalt  }
0x81: {  	_ =	shalt  }
0x82: {  	_ =	shalt  }
0x83: {  	_ =	shalt  }
0x84: {  	_ =	shalt  }
0x85: {  	_ =	shalt  }
0x86: {  	_ =	shalt  }
0x87: {  	_ =	shalt  }
.Lfunc_end0:
.L_simem_size_0:
called_computation_lowered:
.L_overlay_start_0:
0x88: {  	s2 =	sld [smem:$0x3FD9]  }
0x89: {  	s3 =	sld [smem:$0x3FFE];
	_ =	sdelay $0x1  }
0x8a: {  	s1 =	srdreg.scid  }
0x8b: {  	s0 =	sand.u32 $0x1, s1  }
0x8c: {  	s16 =	sshll.u32 s0, $0xA;
	s2 =	sadd.s32 s3, s2  }
0x8d: {  	s2 =	sadd.s32 s2, s16  }
0x8e: {  	[smem:$0x3FB4] =	sst s2  }
0x8f: {  	_ = 	snop  }
0x90: {  	(tm) =	ssettm $0x1  }
0x91: {  	s17 =	sld [smem:$0x3FFB];
	_ =	sdelay $0x3  }
0x92: {  	_ =	strace s17  }
0x93: {  	s2 =	sld [smem:$0x3FFC];
	_ =	sdelay $0x3  }
0x94: {  	_ =	strace s2  }
0x95: {  	s2 =	sld [smem:$0x3FFD];
	_ =	sdelay $0x3  }
0x96: {  	_ =	strace s2  }
0x97: {  	_ =	strace $0x8FFFFFFF  }
0x98: {  	s18 =	sld [smem:$0x3FDB];
	_ =	sdelay $0x1  }
0x99: {  	s19 =	simm.s32 $_scs_section_size  }
0x9a: {  	s4 =	simm.s32 $_size__tile_overlayer_lowered;
	s5 =	simm.s32 $_tile_overlayer_lowered  }
0x9b: {  	s22 =	simm.s32 $0x1BFF;
	s21 =	sshll.u32 s5, $0x1;
	s2 =	sadd.s32 s19, s18  }
0x9c: {  	s6 =	simm.s32 $0x0;
	s20 =	sshll.u32 s4, $0x1;
	s4 =	sadd.s32 s21, s2  }
0x9d: {  	[timem:s6], [sflag:s22] =	dma.local [hbm:s4], s20  }
0x9e: {  	_ =	swait.ge [sflag:s22], s20  }
0x9f: {  	s3 =	ssub.s32 $0x0, s20;
	[sflag:s22] =	ssyncset.done $0x0  }
0xa0: {  	[sflag:s22] =	ssyncadd.s32 s3;
	_ =	sdelay $0x1  }
0xa1: {  	s23 =	simm.s32 $0x1B8B  }
0xa2: {  	_ =	swait.ge [sflag:s23], $0x1  }
0xa3: {  	[sflag:s23] =	ssyncset.done $0x0  }
0xa4: {  	s25 =	simm.s32 $0x1B8E;
	s24 =	sld [smem:$0x3FFE];
	[sflag:s23] =	ssyncadd.s32 $0xFFFFFFFF  }
0xa5: {  	s26 =	simm.s32 $execute0_lowered;
	[smem:$0x3FD2] =	sst s25  }
0xa6: {  	s4 =	sshll.u32 s26, $0x1;
	_ =	strace $0x80000046;
	[dreg:$0x1] =	wrdreg $0xFFFFFFFF  }
0xa7: {  	s28 =	simm.s32 $_size_execute0_lowered;
	s2 =	sadd.s32 s2, s4;
	[dreg:$0x0] =	wrdreg $0x0  }
0xa8: {  	s4 =	sshll.u32 s28, $0x1;
	[dreg:$0x2] =	wrdreg s2  }
0xa9: {  	[dreg:$0x3] =	wrdreg s4  }
0xaa: {  	[dreg:$0x4] =	wrdreg $0xC0  }
0xab: {  	_ =	task [dreg:s6], $0x5FFFF  }
0xac: {  	[dreg:$0x1] =	wrdreg $0xFFFFFFFF  }
0xad: {  	[dreg:$0x0] =	wrdreg $0x60  }
0xae: {  	[dreg:$0x2] =	wrdreg s24  }
0xaf: {  	[dreg:$0x3] =	wrdreg $0x1D5000  }
0xb0: {  	[dreg:$0x4] =	wrdreg $0x9  }
0xb1: {  	_ =	task.clear_ibuf [dreg:s6], $0x5FFFF;
	_ =	strace $0x90000046  }
0xb2: {  	s29 =	simm.s32 $0x9;
	_ =	strace $0x80000048  }
0xb3: {  	_ =	swait.ge [sflag:s29], $0x1  }
0xb4: {  	[sflag:s29] =	ssyncadd.s32 $0xFFFFFFFF  }
0xb5: {  	_ =	strace $0x90000048  }
0xb6: {  	_ =	sfence  }
0xb7: {  	s30 =	sld [smem:$0x0];
	_ =	sdelay $0x2  }
0xb8: {  	s31 =	sshll.u32 s1, $0xD;
	s1 =	sshrl.u32 s1, $0x2  }
0xb9: {  	s3 =	sand.u32 $0x4000, s31;
	s1 =	sadd.s32 s1, s30  }
0xba: {  	s0 =	sor.u32 s3, s0;
	s1 =	sshll.u32 s1, $0x11  }
0xbb: {  	s0 =	sor.u32 s1, s0  }
0xbc: {  	s0 =	sadd.s32 $0x8F2B, s0  }
0xbd: {  	[sflag:s0] =	ssyncadd.remote.s32 $0x1  }
0xbe: {  	_ =	sfence.sel $0xFFFF  }
0xbf: {  	[dreg:$0x0] =	wrdreg $0xFFFFFFFF;
	(pc) =	sbr.abs _section_cstart, $3  }
0xc0: {  	[dreg:$0x1] =	wrdreg $0xFFFFFFFF  }
0xc1: {  	_ =	task.clear_ibuf [dreg:s6], $0x2FFFF;
	_ =	strace $0x9FFFFFFF  }
0xc2: {  	(tm) =	ssettm $0x7FFFFFFF  }
0xc3: {  	_ =	shalt  }
tec
execute0_lowered:
.L_overlay_start_1:
0x0: {  	(tag) =	ssettag $0x1  }
0x1: {  	s17 =	stileid.u32  }
0x2: {  	s1 =	smul.u32 $0x280, s17  }
0x3: {  	s5 =	smul.u32 $0x9E0, s17  }
0x4: {  	s6 =	srdreg.scid;
	s7 =	sshrl.u32 s17, $0x2;
	s8 =	smul.u32 $0x4F00, s17  }
0x5: {  	s0 =	rddreg [dreg:$0x0];
	s6 =	sand.u32 $0x1, s6;
	s7 =	smul.u32 $0xA000, s7  }
0x6: {  	s2 =	simm.s32 $0x0;
	s10 =	sand.u32 $0x3, s17;
	s11 =	smul.u32 $0x27800, s6  }
0x7: {  	[smem:$0x7FF] =	sst s2;
	s13 =	smul.u32 $0x9E00, s10  }
0x8: {  	s2 =	sadd.s32 $0x11000, s0;
	s3 =	sadd.s32 $0x7200, s0;
	s16 =	smul.u32 $0x28000, s6  }
0x9: {  	s12 =	sadd.s32 $0x1AE00, s0;
	s9 =	ssub.s32 $0x2, s6;
	s10 =	smul.u32 $0xA00, s10  }
0xa: {  	p0 =	sne.s32 s6, $0x0;
	s4 =	sshrl.u32 s1, $0x3;
	s18 =	sshrl.u32 s9, $0x1  }
0xb: {  	s5 =	sadd.s32 s3, s5;
	s19 =	sshrl.u32 s8, $0x3;
	s4 =	sadd.s32 s4, s0  }
0xc: {  	s0 =	ssub.s32 s9, s18;
	[dreg:$0x3] =	wrdreg s5;
	s5 =	sadd.s32 s3, s19  }
0xd: {  	s8 =	sadd.s32 $0x2800, s7;
	s20 =	sadd.s32 s11, s13;
	s11 =	sadd.s32 $0x5000, s7  }
0xe: {  	s13 =	sadd.s32 $0x7800, s7;
	s26 =	sadd.s32 s16, s7;
	s9 =	sshrl.u32 s20, $0x3  }
0xf: {  	s28 =	sadd.s32 $0x11700, s10;
	s29 =	sadd.s32 $0x13F00, s10;
	s14 =	sadd.s32 s2, s9  }
0x10: {  	s30 =	sadd.s32 $0x16700, s10;
	s21 =	sadd.s32 s3, s9;
	[dreg:$0x4] =	wrdreg s14  }
0x11: {  	s31 =	smax.u32 s0, $0x1;
	s22 =	sadd.s32 $0x4F0, s9;
	[dreg:$0x5] =	wrdreg s21  }
0x12: {  	s15 =	sadd.s32 s2, s22;
	s14 =	sadd.s32 s3, s22;
	s22 =	rddreg [dreg:$0x1]  }
0x13: {  	s23 =	sadd.s32 $0x9E0, s9;
	s9 =	sadd.s32 $0xED0, s9;
	[dreg:$0x6] =	wrdreg s15  }
0x14: {  	s24 =	sadd.s32 s2, s23;
	s25 =	sadd.s32 s3, s23;
	[dreg:$0x7] =	wrdreg s14  }
0x15: {  	s2 =	sadd.s32 s2, s9;
	s3 =	sadd.s32 s3, s9;
	[dreg:$0x8] =	wrdreg s24  }
0x16: {  	s23 =	smul.u32 $0xA000, s17;
	s9 =	sadd.s32 $0xF180, s10;
	[dreg:$0x9] =	wrdreg s25  }
0x17: {  	[dreg:$0xa] =	wrdreg s2;
	s14 =	sor.u32 s10, s26;
	s15 =	sor.u32 s16, s10  }
0x18: {  	[dreg:$0xb] =	wrdreg s3;
	s26 =	sadd.s32 $0x4F0, s5;
	s5 =	sadd.s32 s11, s22  }
0x19: {  	s6 =	sadd.s32 s13, s22;
	v1 =	vmov s9;
	s9 =	simm.s32 $0x19900;
	s2 =	sshrl.u32 s14, $0x3  }
0x1a: {  	s16 =	sadd.s32 s8, s15;
	s19 =	sadd.s32 s11, s15;
	s21 =	sadd.s32 s13, s15  }
0x1b: {  	s25 =	sshrl.u32 s23, $0x2;
	s11 =	sadd.s32 $0xF400, s10;
	s14 =	sadd.s32 $0x11980, s10  }
0x1c: {  	s15 =	sadd.s32 $0x11C00, s10;
	s23 =	sadd.s32 $0x16980, s10;
	s2 =	sadd.s32 s12, s2  }
0x1d: {  	s18 =	sshrl.u32 s16, $0x3;
	s20 =	sshrl.u32 s19, $0x3;
	s3 =	sshrl.u32 s21, $0x3  }
0x1e: {  	s17 =	sadd.s32 s25, s22;
	s16 =	sadd.s32 $0x11E80, s10;
	s19 =	sor.u32 $0x14180, s10  }
0x1f: {  	s21 =	sadd.s32 $0x14680, s10;
	v2 =	vmov s11;
	v4 =	vmov s14;
	s11 =	simm.s32 $0x7700;
	s14 =	simm.s32 $0xC700  }
0x20: {  	v5 =	vmov s15;
	s15 =	simm.s32 $0x11700;
	[dreg:$0xc] =	wrdreg s2;
	s2 =	sadd.s32 s12, s18  }
0x21: {  	s24 =	sadd.s32 s12, s3;
	s18 =	sadd.s32 s7, s22;
	s3 =	sadd.s32 s8, s22  }
0x22: {  	s22 =	sadd.s32 s1, s22;
	s1 =	sadd.s32 $0xEF00, s1;
	s7 =	sadd.s32 $0x2200, s4  }
0x23: {  	s8 =	sadd.s32 $0x24E00, s4;
	s4 =	simm.s32 $0x1;
	[dreg:$0xd] =	wrdreg s2  }
0x24: {  	v6 =	vmov s16;
	s16 =	simm.s32 $0x13F00;
	s2 =	sadd.s32 s12, s20;
	[dreg:$0xf] =	wrdreg s24  }
0x25: {  	v7 =	vmov s19;
	v9 =	vmov s21;
	s19 =	simm.s32 $0x16700;
	s21 =	simm.s32 $0x0;
	[dreg:$0xe] =	wrdreg s2  }
0x26: {  	s25 =	sadd.s32 s10, s18;
	_ =	strace $0x80000047;
	[dreg:$0x10] =	wrdreg s26  }
0x27: {  	s12 =	sadd.s32 $0xF680, s10;
	s20 =	sadd.s32 $0x14400, s10;
	[dreg:$0x11] =	wrdreg s3  }
0x28: {  	s24 =	sadd.s32 $0x16C00, s10;
	s13 =	sadd.s32 $0x14000, s22;
	[dreg:$0x12] =	wrdreg s5  }
0x29: {  	v0 =	vmov s1;
	s0 =	sadd.s32 $0x280, s25;
	s1 =	sadd.s32 $0x500, s25;
	[dreg:$0x13] =	wrdreg s6  }
0x2a: {  	v13 =	vimm.f32 $0.0e+00;
	v3 =	vmov s12;
	s2 =	sadd.s32 $0x780, s25;
	s12 =	simm.s32 $0x9F00;
	[dreg:$0x14] =	wrdreg s7  }
0x2b: {  	v14 =	vimm.f32 $1.000000000e+00;
	v16 =	vmov s28;
	v8 =	vmov s20;
	s20 =	simm.s32 $0x18F00;
	[dreg:$0x15] =	wrdreg s8;
	s26 =	sadd.s32 $0xEF00, s10  }
0x2c: {  	v17 =	vmov s29;
	v18 =	vmov s30;
	v10 =	vmov s23;
	s10 =	sadd.s32 $0x16E80, s10;
	s3 =	simm.s32 $0x2780;
	s5 =	simm.s32 $0xEF00  }
0x2d: {  	v11 =	vmov s24;
	s6 =	simm.s32 $0x280;
	s7 =	simm.s32 $0x2800;
	v12 =	vmov s10;
	s10 =	simm.s32 $0x4F00;
	v15 =	vmov s26  }
.LBB2_1:
0x2e: {  	s23 =	simm.s32 $0x40;
	s24 =	simm.s32 $0x0  }
.LBB2_2:
0x2f: {  	p1 =	sne.s32 s23, $0x9FC0;
	[tilespmem:s24+$0xEF00] =	vst v13;
	s24 =	smov.u32 s23;
	s23 =	sadd.s32 $0x40, s23  }
.Ltmp0:
0x30: {  	(pc) =	sbr.rel @p1 .LBB2_2-.Ltmp0, $2  }
0x31: {  	_ =	sdelay $0x2  }
0x32: {  	s24 =	sshra.s32 s24, $0x2  }
0x33: {  	[tilespmem:s24+$0xEF00] =	vst v13;
	s23 =	simm.s32 $0x0;
	s8 =	rddreg [dreg:$0x3]  }
0x34: {  	[tilespmem:s3], [sflag:$0x1] =	stream.linear.gather [hbm4b:s8+s23], $0x2780, $0x38;
	[tilespmem:$0x1FD00] =	vst v63  }
0x35: {  	_ =	swait.ge [sflag:s4], $0x2780  }
0x36: {  	[sflag:s4] =	ssyncset.done $0x0  }
0x37: {  	[sflag:s4] =	ssyncadd.s32 $0xFFFFD880  }
.LBB2_4:
0x38: {  	s24 =	sshra.s32 s23, $0x2  }
0x39: {  	v19 =	vld [tilespmem:s24+$0x2780];
	_ =	sdelay $0x7  }
0x3a: {  	[tilespmem:v19+s5+$0x0] =	vst.idx.add.f32.msk $0xffff, v14  }
0x3b: {  	v19 =	vld [tilespmem:s24+$0x2790];
	_ =	sdelay $0x7  }
0x3c: {  	[tilespmem:v19+s5+$0x0] =	vst.idx.add.f32.msk $0xffff, v14  }
0x3d: {  	v19 =	vld [tilespmem:s24+$0x27A0];
	_ =	sdelay $0x7  }
0x3e: {  	[tilespmem:v19+s5+$0x0] =	vst.idx.add.f32.msk $0xffff, v14  }
0x3f: {  	v19 =	vld [tilespmem:s24+$0x27B0];
	_ =	sdelay $0x7  }
0x40: {  	[tilespmem:v19+s5+$0x0] =	vst.idx.add.f32.msk $0xffff, v14  }
0x41: {  	v19 =	vld [tilespmem:s24+$0x27C0];
	_ =	sdelay $0x7  }
0x42: {  	[tilespmem:v19+s5+$0x0] =	vst.idx.add.f32.msk $0xffff, v14  }
0x43: {  	v19 =	vld [tilespmem:s24+$0x27D0];
	_ =	sdelay $0x7  }
0x44: {  	[tilespmem:v19+s5+$0x0] =	vst.idx.add.f32.msk $0xffff, v14  }
0x45: {  	v19 =	vld [tilespmem:s24+$0x27E0];
	_ =	sdelay $0x7  }
0x46: {  	[tilespmem:v19+s5+$0x0] =	vst.idx.add.f32.msk $0xffff, v14  }
0x47: {  	v19 =	vld [tilespmem:s24+$0x27F0];
	_ =	sdelay $0x2  }
0x48: {  	p1 =	sne.s32 s23, $0x9C00  }
.Ltmp1:
0x49: {  	_ = 	snop;
	(pc) =	sbr.rel @p1 .LBB2_4-.Ltmp1, $2  }
0x4a: {  	_ =	sdelay $0x2  }
0x4b: {  	s23 =	sadd.s32 $0x200, s23;
	[tilespmem:v19+s5+$0x0] =	vst.idx.add.f32.msk $0xffff, v14  }
0x4c: {  	s23 =	simm.s32 $0x0;
	s8 =	rddreg [dreg:$0x10]  }
0x4d: {  	[tilespmem:s3], [sflag:$0x1] =	stream.linear.gather [hbm4b:s8+s23], $0x2780, $0x38;
	[tilespmem:$0x1FD00] =	vst v63  }
0x4e: {  	_ =	swait.ge [sflag:s4], $0x2780  }
0x4f: {  	[sflag:s4] =	ssyncset.done $0x0  }
0x50: {  	[sflag:s4] =	ssyncadd.s32 $0xFFFFD880  }
.LBB2_6:
0x51: {  	s24 =	sshra.s32 s23, $0x2  }
0x52: {  	v19 =	vld [tilespmem:s24+$0x2780];
	_ =	sdelay $0x7  }
0x53: {  	[tilespmem:v19+s5+$0x0] =	vst.idx.add.f32.msk $0xffff, v14  }
0x54: {  	v19 =	vld [tilespmem:s24+$0x2790];
	_ =	sdelay $0x7  }
0x55: {  	[tilespmem:v19+s5+$0x0] =	vst.idx.add.f32.msk $0xffff, v14  }
0x56: {  	v19 =	vld [tilespmem:s24+$0x27A0];
	_ =	sdelay $0x7  }
0x57: {  	[tilespmem:v19+s5+$0x0] =	vst.idx.add.f32.msk $0xffff, v14  }
0x58: {  	v19 =	vld [tilespmem:s24+$0x27B0];
	_ =	sdelay $0x7  }
0x59: {  	[tilespmem:v19+s5+$0x0] =	vst.idx.add.f32.msk $0xffff, v14  }
0x5a: {  	v19 =	vld [tilespmem:s24+$0x27C0];
	_ =	sdelay $0x7  }
0x5b: {  	[tilespmem:v19+s5+$0x0] =	vst.idx.add.f32.msk $0xffff, v14  }
0x5c: {  	v19 =	vld [tilespmem:s24+$0x27D0];
	_ =	sdelay $0x7  }
0x5d: {  	[tilespmem:v19+s5+$0x0] =	vst.idx.add.f32.msk $0xffff, v14  }
0x5e: {  	v19 =	vld [tilespmem:s24+$0x27E0];
	_ =	sdelay $0x7  }
0x5f: {  	[tilespmem:v19+s5+$0x0] =	vst.idx.add.f32.msk $0xffff, v14  }
0x60: {  	v19 =	vld [tilespmem:s24+$0x27F0];
	_ =	sdelay $0x2  }
0x61: {  	p1 =	sne.s32 s23, $0x9C00  }
.Ltmp2:
0x62: {  	_ = 	snop;
	(pc) =	sbr.rel @p1 .LBB2_6-.Ltmp2, $2  }
0x63: {  	_ =	sdelay $0x2  }
0x64: {  	s23 =	sadd.s32 $0x200, s23;
	[tilespmem:v19+s5+$0x0] =	vst.idx.add.f32.msk $0xffff, v14  }
0x65: {  	[spmem:s17] =	stream.linear.scatter [tilespmem:s5], [sflag:$0x1], $0x2800, $0x38;
	[tilespmem:$0x1FD00] =	vst v63  }
0x66: {  	_ =	swait.ge [sflag:s4], $0x2800  }
0x67: {  	[sflag:s4] =	ssyncset.done $0x0  }
0x68: {  	[sflag:s4] =	ssyncadd.s32 $0xFFFFD800  }
0x69: {  	[bflag:$0x0] =	sbarrier.arrive $0xFFFF  }
0x6a: {  	[tilespmem:s9], [sflag:$0x1] =	stream.strided.gather [spmem:s22], $0x1400, s7, s6, $0x38;
	[tilespmem:$0x1FD00] =	vst v63  }
0x6b: {  	_ =	swait.ge [sflag:s4], $0x1400  }
0x6c: {  	[sflag:s4] =	ssyncset.done $0x0  }
0x6d: {  	s23 =	simm.s32 $0x0;
	[sflag:s4] =	ssyncadd.s32 $0xFFFFEC00  }
0x6e: {  	s24 =	simm.s32 $0x40;
	v19 =	vld [tilespmem:s23+$0x19B80]  }
.LBB2_8:
0x6f: {  	p1 =	sne.s32 s24, $0x9C0;
	v20 =	vld [tilespmem:s23+$0x19900];
	_ =	sdelay $0x1  }
0x70: {  	v21 =	vld [tilespmem:s23+$0x19E00];
	_ =	sdelay $0x1  }
0x71: {  	v22 =	vld [tilespmem:s23+$0x1A080]  }
0x72: {  	v19 =	vadd.f32 v19, v20  }
0x73: {  	v20 =	vld [tilespmem:s23+$0x1A300]  }
0x74: {  	v19 =	vadd.f32 v21, v19  }
0x75: {  	v21 =	vld [tilespmem:s23+$0x1A580]  }
0x76: {  	v19 =	vadd.f32 v22, v19  }
0x77: {  	v22 =	vld [tilespmem:s23+$0x1A800]  }
0x78: {  	v19 =	vadd.f32 v20, v19  }
0x79: {  	v20 =	vld [tilespmem:s23+$0x1AA80]  }
0x7a: {  	v19 =	vadd.f32 v21, v19;
	_ =	sdelay $0x1  }
0x7b: {  	v19 =	vadd.f32 v22, v19  }
.Ltmp3:
0x7c: {  	(pc) =	sbr.rel @p1 .LBB2_8-.Ltmp3, $3  }
0x7d: {  	v19 =	vadd.f32 v20, v19;
	_ =	sdelay $0x1  }
0x7e: {  	[tilespmem:v0+s23+$0x0 ss:$0x1] =	vst.idx.msk $0xffff, v19;
	s23 =	sshra.s32 s24, $0x2  }
0x7f: {  	s24 =	sadd.s32 $0x40, s24;
	v19 =	vld [tilespmem:s23+$0x19B80]  }
0x80: {  	v20 =	vld [tilespmem:s23+$0x19900];
	_ =	sdelay $0x1  }
0x81: {  	v21 =	vld [tilespmem:s23+$0x19E00];
	_ =	sdelay $0x1  }
0x82: {  	v22 =	vld [tilespmem:s23+$0x1A080]  }
0x83: {  	v19 =	vadd.f32 v19, v20  }
0x84: {  	v20 =	vld [tilespmem:s23+$0x1A300]  }
0x85: {  	v19 =	vadd.f32 v21, v19  }
0x86: {  	v62 =	vld [tilespmem:s23+$0x1A580]  }
0x87: {  	v19 =	vadd.f32 v22, v19  }
0x88: {  	v63 =	vld [tilespmem:s23+$0x1A800]  }
0x89: {  	v19 =	vadd.f32 v20, v19  }
0x8a: {  	v20 =	vld [tilespmem:s23+$0x1AA80]  }
0x8b: {  	v19 =	vadd.f32 v62, v19;
	_ =	sdelay $0x1  }
0x8c: {  	v19 =	vadd.f32 v63, v19;
	_ =	sdelay $0x1  }
0x8d: {  	v19 =	vadd.f32 v20, v19;
	_ =	sdelay $0x1  }
0x8e: {  	[tilespmem:v0+s23+$0x0 ss:$0x1] =	vst.idx.msk $0xffff, v19  }
0x8f: {  	[tilespmem:s9], [sflag:$0x1] =	stream.strided.gather [spmem:s13], $0x1400, s7, s6, $0x38;
	[tilespmem:$0x1FD00] =	vst v63  }
0x90: {  	_ =	swait.ge [sflag:s4], $0x1400  }
0x91: {  	[sflag:s4] =	ssyncset.done $0x0  }
0x92: {  	s23 =	simm.s32 $0x0;
	[sflag:s4] =	ssyncadd.s32 $0xFFFFEC00  }
0x93: {  	s24 =	simm.s32 $0x40;
	v19 =	vld [tilespmem:s23+$0x19B80]  }
.LBB2_10:
0x94: {  	p1 =	sne.s32 s24, $0x9C0;
	v20 =	vld [tilespmem:s23+$0x19900];
	_ =	sdelay $0x1  }
0x95: {  	v21 =	vld [tilespmem:s23+$0x19E00];
	_ =	sdelay $0x1  }
0x96: {  	v22 =	vld [tilespmem:s23+$0x1A080]  }
0x97: {  	v19 =	vadd.f32 v19, v20  }
0x98: {  	v20 =	vld [tilespmem:s23+$0x1A300]  }
0x99: {  	v19 =	vadd.f32 v21, v19  }
0x9a: {  	v21 =	vld [tilespmem:s23+$0x1A580]  }
0x9b: {  	v19 =	vadd.f32 v22, v19  }
0x9c: {  	v22 =	vld [tilespmem:s23+$0x1A800]  }
0x9d: {  	v19 =	vadd.f32 v20, v19  }
0x9e: {  	v20 =	vld [tilespmem:s23+$0x1AA80]  }
0x9f: {  	v19 =	vadd.f32 v21, v19;
	v21 =	vld.idx.msk [tilespmem:v0+s23+$0x0 ss:$0x1], $0xffff;
	_ =	sdelay $0x1  }
0xa0: {  	v19 =	vadd.f32 v22, v19;
	_ =	sdelay $0x1  }
0xa1: {  	v19 =	vadd.f32 v20, v19;
	_ =	sdelay $0x1  }
0xa2: {  	v19 =	vadd.f32 v19, v21  }
.Ltmp4:
0xa3: {  	(pc) =	sbr.rel @p1 .LBB2_10-.Ltmp4, $3  }
0xa4: {  	v19 =	vadd.f32 $1.000000000e+00, v19;
	_ =	sdelay $0x1  }
0xa5: {  	[tilespmem:v0+s23+$0x0 ss:$0x1] =	vst.idx.msk $0xffff, v19;
	s23 =	sshra.s32 s24, $0x2  }
0xa6: {  	s24 =	sadd.s32 $0x40, s24;
	v19 =	vld [tilespmem:s23+$0x19B80]  }
0xa7: {  	v20 =	vld [tilespmem:s23+$0x19900];
	_ =	sdelay $0x1  }
0xa8: {  	v21 =	vld [tilespmem:s23+$0x19E00];
	_ =	sdelay $0x1  }
0xa9: {  	v22 =	vld [tilespmem:s23+$0x1A080]  }
0xaa: {  	v19 =	vadd.f32 v19, v20  }
0xab: {  	v20 =	vld [tilespmem:s23+$0x1A300]  }
0xac: {  	v19 =	vadd.f32 v21, v19  }
0xad: {  	v61 =	vld [tilespmem:s23+$0x1A580]  }
0xae: {  	v19 =	vadd.f32 v22, v19  }
0xaf: {  	v62 =	vld [tilespmem:s23+$0x1A800]  }
0xb0: {  	v19 =	vadd.f32 v20, v19  }
0xb1: {  	v20 =	vld [tilespmem:s23+$0x1AA80]  }
0xb2: {  	v19 =	vadd.f32 v61, v19  }
0xb3: {  	v63 =	vld.idx.msk [tilespmem:v0+s23+$0x0 ss:$0x1], $0xffff  }
0xb4: {  	v19 =	vadd.f32 v62, v19;
	_ =	sdelay $0x1  }
0xb5: {  	v19 =	vadd.f32 v20, v19;
	_ =	sdelay $0x1  }
0xb6: {  	v19 =	vadd.f32 v19, v63;
	_ =	sdelay $0x1  }
0xb7: {  	v19 =	vadd.f32 $1.000000000e+00, v19;
	_ =	sdelay $0x1  }
0xb8: {  	s8 =	rddreg [dreg:$0x14];
	s9 =	simm.s32 $0x1AD00;
	[tilespmem:v0+s23+$0x0 ss:$0x1] =	vst.idx.msk $0xffff, v19  }
0xb9: {  	[tilespmem:s9], [sflag:$0x1] =	stream.strided.gather [hbm4b:s8+s6], $0x2800, s7, s6, $0x38;
	[tilespmem:$0x1FD00] =	vst v63  }
0xba: {  	_ =	swait.ge [sflag:s4], $0x2800  }
0xbb: {  	[sflag:s4] =	ssyncset.done $0x0  }
0xbc: {  	s24 =	simm.s32 $0x40;
	s23 =	simm.s32 $0x0;
	[sflag:s4] =	ssyncadd.s32 $0xFFFFD800  }
.LBB2_12:
0xbd: {  	p1 =	sne.s32 s24, $0x9C0;
	v19 =	vld.idx.msk [tilespmem:v0+s23+$0x0 ss:$0x1], $0xffff;
	_ =	sdelay $0x5  }
0xbe: {  	v20 =	vshra.s32 v19, $0x1;
	v19 =	vmul.f32 $5.000000000e-01, v19  }
0xbf: {  	v20 =	vsub.s32 $0x5F3759DF, v20  }
0xc0: {  	v21 =	vmul.f32 v20, v19;
	_ =	sdelay $0x1  }
0xc1: {  	v21 =	vmul.f32 v20, v21;
	_ =	sdelay $0x1  }
0xc2: {  	v21 =	vsub.f32 $1.500000000e+00, v21;
	_ =	sdelay $0x1  }
0xc3: {  	v20 =	vmul.f32 v20, v21;
	_ =	sdelay $0x1  }
0xc4: {  	v21 =	vmul.f32 v20, v19;
	_ =	sdelay $0x1  }
0xc5: {  	v21 =	vmul.f32 v21, v20;
	_ =	sdelay $0x1  }
0xc6: {  	v21 =	vsub.f32 $1.500000000e+00, v21;
	v22 =	vld [tilespmem:s23+$0x1D000]  }
0xc7: {  	v23 =	vld [tilespmem:s23+$0x1C880]  }
0xc8: {  	v20 =	vmul.f32 v21, v20;
	v21 =	vld [tilespmem:s23+$0x1C380]  }
0xc9: {  	v24 =	vld [tilespmem:s23+$0x1BE80]  }
0xca: {  	v19 =	vmul.f32 v20, v19;
	v25 =	vld [tilespmem:s23+$0x1B980]  }
0xcb: {  	v26 =	vld [tilespmem:s23+$0x1B480]  }
0xcc: {  	v19 =	vmul.f32 v19, v20;
	v27 =	vld [tilespmem:s23+$0x1AF80]  }
0xcd: {  	v28 =	vld [tilespmem:s23+$0x1AD00]  }
0xce: {  	v19 =	vsub.f32 $1.500000000e+00, v19;
	v29 =	vld [tilespmem:s23+$0x1B200]  }
0xcf: {  	v30 =	vld [tilespmem:s23+$0x1B700]  }
0xd0: {  	v19 =	vmul.f32 v19, v20;
	v20 =	vld [tilespmem:s23+$0x1BC00]  }
0xd1: {  	v31 =	vld [tilespmem:s23+$0x1C100]  }
0xd2: {  	v27 =	vmul.f32 v19, v27;
	v28 =	vmul.f32 v19, v28;
	v32 =	vld [tilespmem:s23+$0x1C600];
	[tilespmem:s23+$0x1CB00] =	vst v19  }
0xd3: {  	v26 =	vmul.f32 v19, v26;
	v29 =	vmul.f32 v19, v29;
	v33 =	vld [tilespmem:s23+$0x1CD80]  }
0xd4: {  	v25 =	vmul.f32 v19, v25;
	[tilespmem:s23+$0x1AD00] =	vst v28;
	v28 =	vmul.f32 v19, v30;
	v30 =	vld [tilespmem:s23+$0x1D280]  }
0xd5: {  	v24 =	vmul.f32 v19, v24;
	[tilespmem:s23+$0x1AF80] =	vst v27;
	v20 =	vmul.f32 v19, v20  }
0xd6: {  	v21 =	vmul.f32 v21, v19;
	[tilespmem:s23+$0x1B200] =	vst v29;
	v27 =	vmul.f32 v31, v19  }
0xd7: {  	v23 =	vmul.f32 v23, v19;
	[tilespmem:s23+$0x1B480] =	vst v26;
	v26 =	vmul.f32 v32, v19  }
0xd8: {  	v22 =	vmul.f32 v22, v19;
	[tilespmem:s23+$0x1B700] =	vst v28;
	v28 =	vmul.f32 v33, v19  }
0xd9: {  	[tilespmem:s23+$0x1B980] =	vst v25;
	v19 =	vmul.f32 v30, v19  }
0xda: {  	[tilespmem:s23+$0x1BC00] =	vst v20  }
0xdb: {  	[tilespmem:s23+$0x1BE80] =	vst v24  }
0xdc: {  	[tilespmem:s23+$0x1C100] =	vst v27  }
0xdd: {  	[tilespmem:s23+$0x1C380] =	vst v21  }
.Ltmp5:
0xde: {  	[tilespmem:s23+$0x1C600] =	vst v26;
	(pc) =	sbr.rel @p1 .LBB2_12-.Ltmp5, $4  }
0xdf: {  	[tilespmem:s23+$0x1C880] =	vst v23  }
0xe0: {  	[tilespmem:s23+$0x1CD80] =	vst v28  }
0xe1: {  	[tilespmem:s23+$0x1D000] =	vst v22  }
0xe2: {  	[tilespmem:s23+$0x1D280] =	vst v19;
	s23 =	sshra.s32 s24, $0x2;
	s24 =	sadd.s32 $0x40, s24  }
0xe3: {  	_ =	sdelay $0x3  }
0xe4: {  	v19 =	vld.idx.msk [tilespmem:v0+s23+$0x0 ss:$0x1], $0xffff;
	_ =	sdelay $0x4  }
0xe5: {  	v20 =	vshra.s32 v19, $0x1;
	v19 =	vmul.f32 $5.000000000e-01, v19  }
0xe6: {  	v20 =	vsub.s32 $0x5F3759DF, v20  }
0xe7: {  	v21 =	vmul.f32 v20, v19;
	_ =	sdelay $0x1  }
0xe8: {  	v21 =	vmul.f32 v20, v21;
	_ =	sdelay $0x1  }
0xe9: {  	v21 =	vsub.f32 $1.500000000e+00, v21;
	_ =	sdelay $0x1  }
0xea: {  	v20 =	vmul.f32 v20, v21;
	_ =	sdelay $0x1  }
0xeb: {  	v21 =	vmul.f32 v20, v19;
	_ =	sdelay $0x1  }
0xec: {  	v21 =	vmul.f32 v21, v20;
	_ =	sdelay $0x1  }
0xed: {  	v21 =	vsub.f32 $1.500000000e+00, v21;
	_ =	sdelay $0x1  }
0xee: {  	v20 =	vmul.f32 v21, v20;
	_ =	sdelay $0x1  }
0xef: {  	v19 =	vmul.f32 v20, v19;
	_ =	sdelay $0x1  }
0xf0: {  	v19 =	vmul.f32 v19, v20  }
0xf1: {  	v28 =	vld [tilespmem:s23+$0x1AD00]  }
0xf2: {  	v27 =	vld [tilespmem:s23+$0x1AF80];
	v19 =	vsub.f32 $1.500000000e+00, v19  }
0xf3: {  	v29 =	vld [tilespmem:s23+$0x1B200]  }
0xf4: {  	v26 =	vld [tilespmem:s23+$0x1B480];
	v19 =	vmul.f32 v19, v20  }
0xf5: {  	v30 =	vld [tilespmem:s23+$0x1B700]  }
0xf6: {  	v25 =	vld [tilespmem:s23+$0x1B980];
	v28 =	vmul.f32 v19, v28  }
0xf7: {  	v31 =	vld [tilespmem:s23+$0x1BC00];
	[tilespmem:s23+$0x1CB00] =	vst v19;
	v27 =	vmul.f32 v19, v27  }
0xf8: {  	v56 =	vld [tilespmem:s23+$0x1BE80];
	v57 =	vmul.f32 v19, v29;
	[tilespmem:s23+$0x1AD00] =	vst v28  }
0xf9: {  	v24 =	vld [tilespmem:s23+$0x1C380];
	v26 =	vmul.f32 v19, v26;
	[tilespmem:s23+$0x1AF80] =	vst v27  }
0xfa: {  	v32 =	vld [tilespmem:s23+$0x1C600];
	v59 =	vmul.f32 v19, v30;
	[tilespmem:s23+$0x1B200] =	vst v57  }
0xfb: {  	v33 =	vld [tilespmem:s23+$0x1CD80];
	v25 =	vmul.f32 v19, v25;
	[tilespmem:s23+$0x1B480] =	vst v26  }
0xfc: {  	v20 =	vld [tilespmem:s23+$0x1C100];
	v60 =	vmul.f32 v19, v31;
	[tilespmem:s23+$0x1B700] =	vst v59  }
0xfd: {  	v22 =	vld [tilespmem:s23+$0x1D000];
	v21 =	vmul.f32 v19, v56;
	[tilespmem:s23+$0x1B980] =	vst v25  }
0xfe: {  	v23 =	vld [tilespmem:s23+$0x1C880];
	v24 =	vmul.f32 v24, v19;
	[tilespmem:s23+$0x1BC00] =	vst v60  }
0xff: {  	v58 =	vld [tilespmem:s23+$0x1D280];
	v61 =	vmul.f32 v32, v19;
	[tilespmem:s23+$0x1BE80] =	vst v21  }
0x100: {  	v62 =	vmul.f32 v33, v19;
	[tilespmem:s23+$0x1C380] =	vst v24  }
0x101: {  	[tilespmem:s23+$0x1C600] =	vst v61;
	v20 =	vmul.f32 v20, v19  }
0x102: {  	v63 =	vmul.f32 v22, v19;
	[tilespmem:s23+$0x1CD80] =	vst v62  }
0x103: {  	[tilespmem:s23+$0x1C100] =	vst v20;
	v20 =	vmul.f32 v23, v19  }
0x104: {  	[tilespmem:s23+$0x1D000] =	vst v63;
	v19 =	vmul.f32 v58, v19  }
0x105: {  	[tilespmem:s23+$0x1C880] =	vst v20  }
0x106: {  	s8 =	simm.s32 $0x1AD00;
	[tilespmem:s23+$0x1D280] =	vst v19  }
0x107: {  	[spmem:s22] =	stream.strided.scatter [tilespmem:s8], [sflag:$0x1], $0x2800, s7, s6, $0x38;
	[tilespmem:$0x1FD00] =	vst v63  }
0x108: {  	_ =	swait.ge [sflag:s4], $0x2800  }
0x109: {  	s24 =	simm.s32 @!p0 $0x2800;
	s23 =	simm.s32 @!p0 $0x280;
	[sflag:s4] =	ssyncset.done $0x0  }
0x10a: {  	s8 =	simm.s32 @!p0 $0x1AD00;
	s9 =	rddreg [dreg:$0x15];
	[sflag:s4] =	ssyncadd.s32 $0xFFFFD800  }
0x10b: {  	[hbm4b:s9+s23] =	stream.strided.scatter @!p0 [tilespmem:s8], [sflag:$0x1], $0x2800, s24, s23, $0x38;
	[tilespmem:$0x1FD00] =	vst v63  }
0x10c: {  	s8 =	simm.s32 @!p0 $0x1  }
0x10d: {  	_ =	swait.ge @!p0 [sflag:s8], $0x2800  }
0x10e: {  	[sflag:s8] =	ssyncset.done @!p0 $0x0  }
0x10f: {  	[sflag:s8] =	ssyncadd.s32 @!p0 $0xFFFFD800  }
0x110: {  	[bflag:$0x0] =	sbarrier.arrive $0xFFFF  }
0x111: {  	[tilespmem:s10], [sflag:$0x1] =	stream.linear.gather [spmem:s18], $0x2800, $0x38;
	[tilespmem:$0x1FD00] =	vst v63  }
0x112: {  	_ =	swait.ge [sflag:s4], $0x2800  }
0x113: {  	[sflag:s4] =	ssyncset.done $0x0  }
0x114: {  	s9 =	rddreg [dreg:$0x11];
	[sflag:s4] =	ssyncadd.s32 $0xFFFFD800  }
0x115: {  	[tilespmem:s11], [sflag:$0x1] =	stream.linear.gather [spmem:s9], $0x2800, $0x38;
	[tilespmem:$0x1FD00] =	vst v63  }
0x116: {  	_ =	swait.ge [sflag:s4], $0x2800  }
0x117: {  	[sflag:s4] =	ssyncset.done $0x0  }
0x118: {  	s23 =	rddreg [dreg:$0x12];
	[sflag:s4] =	ssyncadd.s32 $0xFFFFD800  }
0x119: {  	[tilespmem:s12], [sflag:$0x1] =	stream.linear.gather [spmem:s23], $0x2800, $0x38;
	[tilespmem:$0x1FD00] =	vst v63  }
0x11a: {  	_ =	swait.ge [sflag:s4], $0x2800  }
0x11b: {  	[sflag:s4] =	ssyncset.done $0x0  }
0x11c: {  	s24 =	rddreg [dreg:$0x13];
	[sflag:s4] =	ssyncadd.s32 $0xFFFFD800  }
0x11d: {  	[tilespmem:s14], [sflag:$0x1] =	stream.linear.gather [spmem:s24], $0x2800, $0x38;
	[tilespmem:$0x1FD00] =	vst v63  }
0x11e: {  	_ =	swait.ge [sflag:s4], $0x2800  }
0x11f: {  	[sflag:s4] =	ssyncset.done $0x0  }
0x120: {  	[sflag:s4] =	ssyncadd.s32 $0xFFFFD800  }
0x121: {  	s23 =	simm.s32 $0x0;
	s24 =	simm.s32 $0x40;
	[bflag:$0x0] =	sbarrier.arrive $0xFFFF  }
.LBB2_14:
0x122: {  	p1 =	sne.s32 s24, $0x9FC0;
	[tilespmem:s23+$0x16700] =	vst v13;
	s8 =	smov.u32 s24;
	s24 =	sadd.s32 $0x40, s24  }
.Ltmp6:
0x123: {  	[tilespmem:s23+$0x13F00] =	vst v13;
	(pc) =	sbr.rel @p1 .LBB2_14-.Ltmp6, $3  }
0x124: {  	[tilespmem:s23+$0xEF00] =	vst v13  }
0x125: {  	[tilespmem:s23+$0x11700] =	vst v13;
	_ =	sdelay $0x1  }
0x126: {  	s23 =	sshra.s32 s8, $0x2  }
0x127: {  	[tilespmem:s23+$0x16700] =	vst v13  }
0x128: {  	[tilespmem:s23+$0x13F00] =	vst v13  }
0x129: {  	[tilespmem:s23+$0xEF00] =	vst v13  }
0x12a: {  	[tilespmem:s23+$0x11700] =	vst v13;
	s23 =	simm.s32 $0x0;
	s8 =	rddreg [dreg:$0x4]  }
0x12b: {  	[tilespmem:s23], [sflag:$0x1] =	stream.linear.gather [hbm4b:s8+s23], $0x2780, $0x38;
	[tilespmem:$0x1FD00] =	vst v63  }
0x12c: {  	_ =	swait.ge [sflag:s4], $0x2780  }
0x12d: {  	[sflag:s4] =	ssyncset.done $0x0  }
0x12e: {  	s24 =	rddreg [dreg:$0x5];
	[sflag:s4] =	ssyncadd.s32 $0xFFFFD880  }
0x12f: {  	[tilespmem:s3], [sflag:$0x1] =	stream.linear.gather [hbm4b:s24+s23], $0x2780, $0x38;
	[tilespmem:$0x1FD00] =	vst v63  }
0x130: {  	_ =	swait.ge [sflag:s4], $0x2780  }
0x131: {  	[sflag:s4] =	ssyncset.done $0x0  }
0x132: {  	[sflag:s4] =	ssyncadd.s32 $0xFFFFD880  }
.LBB2_16:
0x133: {  	s24 =	sshra.s32 s23, $0x2  }
0x134: {  	v19 =	vld [tilespmem:s24+$0x0];
	_ =	sdelay $0x4  }
0x135: {  	v20 =	vld [tilespmem:s24+$0x2780];
	_ =	sdelay $0x2  }
0x136: {  	v21 =	vld.idx.msk [tilespmem:v19+s10+$0x0], $0xffff;
	_ =	sdelay $0x4  }
0x137: {  	[tilespmem:v20+s5+$0x0] =	vst.idx.add.f32.msk $0xffff, v21  }
0x138: {  	v21 =	vld.idx.msk [tilespmem:v19+s11+$0x0], $0xffff;
	_ =	sdelay $0x4  }
0x139: {  	[tilespmem:v20+s15+$0x0] =	vst.idx.add.f32.msk $0xffff, v21  }
0x13a: {  	v21 =	vld.idx.msk [tilespmem:v19+s12+$0x0], $0xffff;
	_ =	sdelay $0x4  }
0x13b: {  	[tilespmem:v20+s16+$0x0] =	vst.idx.add.f32.msk $0xffff, v21  }
0x13c: {  	v19 =	vld.idx.msk [tilespmem:v19+s14+$0x0], $0xffff;
	_ =	sdelay $0x4  }
0x13d: {  	[tilespmem:v20+s19+$0x0] =	vst.idx.add.f32.msk $0xffff, v19  }
0x13e: {  	v19 =	vld [tilespmem:s24+$0x10];
	_ =	sdelay $0x4  }
0x13f: {  	v20 =	vld [tilespmem:s24+$0x2790];
	_ =	sdelay $0x2  }
0x140: {  	v21 =	vld.idx.msk [tilespmem:v19+s10+$0x0], $0xffff;
	_ =	sdelay $0x4  }
0x141: {  	[tilespmem:v20+s5+$0x0] =	vst.idx.add.f32.msk $0xffff, v21  }
0x142: {  	v21 =	vld.idx.msk [tilespmem:v19+s11+$0x0], $0xffff;
	_ =	sdelay $0x4  }
0x143: {  	[tilespmem:v20+s15+$0x0] =	vst.idx.add.f32.msk $0xffff, v21  }
0x144: {  	v21 =	vld.idx.msk [tilespmem:v19+s12+$0x0], $0xffff;
	_ =	sdelay $0x4  }
0x145: {  	[tilespmem:v20+s16+$0x0] =	vst.idx.add.f32.msk $0xffff, v21  }
0x146: {  	v19 =	vld.idx.msk [tilespmem:v19+s14+$0x0], $0xffff;
	_ =	sdelay $0x4  }
0x147: {  	[tilespmem:v20+s19+$0x0] =	vst.idx.add.f32.msk $0xffff, v19  }
0x148: {  	v19 =	vld [tilespmem:s24+$0x20];
	_ =	sdelay $0x4  }
0x149: {  	v20 =	vld [tilespmem:s24+$0x27A0];
	_ =	sdelay $0x2  }
0x14a: {  	v21 =	vld.idx.msk [tilespmem:v19+s10+$0x0], $0xffff;
	_ =	sdelay $0x4  }
0x14b: {  	[tilespmem:v20+s5+$0x0] =	vst.idx.add.f32.msk $0xffff, v21  }
0x14c: {  	v21 =	vld.idx.msk [tilespmem:v19+s11+$0x0], $0xffff;
	_ =	sdelay $0x4  }
0x14d: {  	[tilespmem:v20+s15+$0x0] =	vst.idx.add.f32.msk $0xffff, v21  }
0x14e: {  	v21 =	vld.idx.msk [tilespmem:v19+s12+$0x0], $0xffff;
	_ =	sdelay $0x4  }
0x14f: {  	[tilespmem:v20+s16+$0x0] =	vst.idx.add.f32.msk $0xffff, v21  }
0x150: {  	v19 =	vld.idx.msk [tilespmem:v19+s14+$0x0], $0xffff;
	_ =	sdelay $0x4  }
0x151: {  	[tilespmem:v20+s19+$0x0] =	vst.idx.add.f32.msk $0xffff, v19  }
0x152: {  	v19 =	vld [tilespmem:s24+$0x30];
	_ =	sdelay $0x4  }
0x153: {  	v20 =	vld [tilespmem:s24+$0x27B0];
	_ =	sdelay $0x2  }
0x154: {  	v21 =	vld.idx.msk [tilespmem:v19+s10+$0x0], $0xffff;
	_ =	sdelay $0x4  }
0x155: {  	[tilespmem:v20+s5+$0x0] =	vst.idx.add.f32.msk $0xffff, v21  }
0x156: {  	v21 =	vld.idx.msk [tilespmem:v19+s11+$0x0], $0xffff;
	_ =	sdelay $0x4  }
0x157: {  	[tilespmem:v20+s15+$0x0] =	vst.idx.add.f32.msk $0xffff, v21  }
0x158: {  	v21 =	vld.idx.msk [tilespmem:v19+s12+$0x0], $0xffff;
	_ =	sdelay $0x4  }
0x159: {  	[tilespmem:v20+s16+$0x0] =	vst.idx.add.f32.msk $0xffff, v21  }
0x15a: {  	v19 =	vld.idx.msk [tilespmem:v19+s14+$0x0], $0xffff;
	_ =	sdelay $0x4  }
0x15b: {  	[tilespmem:v20+s19+$0x0] =	vst.idx.add.f32.msk $0xffff, v19  }
0x15c: {  	v19 =	vld [tilespmem:s24+$0x40];
	_ =	sdelay $0x4  }
0x15d: {  	v20 =	vld [tilespmem:s24+$0x27C0];
	_ =	sdelay $0x2  }
0x15e: {  	v21 =	vld.idx.msk [tilespmem:v19+s10+$0x0], $0xffff;
	_ =	sdelay $0x4  }
0x15f: {  	[tilespmem:v20+s5+$0x0] =	vst.idx.add.f32.msk $0xffff, v21  }
0x160: {  	v21 =	vld.idx.msk [tilespmem:v19+s11+$0x0], $0xffff;
	_ =	sdelay $0x4  }
0x161: {  	[tilespmem:v20+s15+$0x0] =	vst.idx.add.f32.msk $0xffff, v21  }
0x162: {  	v21 =	vld.idx.msk [tilespmem:v19+s12+$0x0], $0xffff;
	_ =	sdelay $0x4  }
0x163: {  	[tilespmem:v20+s16+$0x0] =	vst.idx.add.f32.msk $0xffff, v21  }
0x164: {  	v19 =	vld.idx.msk [tilespmem:v19+s14+$0x0], $0xffff;
	_ =	sdelay $0x4  }
0x165: {  	[tilespmem:v20+s19+$0x0] =	vst.idx.add.f32.msk $0xffff, v19  }
0x166: {  	v19 =	vld [tilespmem:s24+$0x50];
	_ =	sdelay $0x4  }
0x167: {  	v20 =	vld [tilespmem:s24+$0x27D0];
	_ =	sdelay $0x2  }
0x168: {  	v21 =	vld.idx.msk [tilespmem:v19+s10+$0x0], $0xffff;
	_ =	sdelay $0x4  }
0x169: {  	[tilespmem:v20+s5+$0x0] =	vst.idx.add.f32.msk $0xffff, v21  }
0x16a: {  	v21 =	vld.idx.msk [tilespmem:v19+s11+$0x0], $0xffff;
	_ =	sdelay $0x4  }
0x16b: {  	[tilespmem:v20+s15+$0x0] =	vst.idx.add.f32.msk $0xffff, v21  }
0x16c: {  	v21 =	vld.idx.msk [tilespmem:v19+s12+$0x0], $0xffff;
	_ =	sdelay $0x4  }
0x16d: {  	[tilespmem:v20+s16+$0x0] =	vst.idx.add.f32.msk $0xffff, v21  }
0x16e: {  	v19 =	vld.idx.msk [tilespmem:v19+s14+$0x0], $0xffff;
	_ =	sdelay $0x4  }
0x16f: {  	[tilespmem:v20+s19+$0x0] =	vst.idx.add.f32.msk $0xffff, v19  }
0x170: {  	v19 =	vld [tilespmem:s24+$0x60];
	_ =	sdelay $0x4  }
0x171: {  	v20 =	vld [tilespmem:s24+$0x27E0];
	_ =	sdelay $0x2  }
0x172: {  	v21 =	vld.idx.msk [tilespmem:v19+s10+$0x0], $0xffff;
	_ =	sdelay $0x4  }
0x173: {  	[tilespmem:v20+s5+$0x0] =	vst.idx.add.f32.msk $0xffff, v21  }
0x174: {  	v21 =	vld.idx.msk [tilespmem:v19+s11+$0x0], $0xffff;
	_ =	sdelay $0x4  }
0x175: {  	[tilespmem:v20+s15+$0x0] =	vst.idx.add.f32.msk $0xffff, v21  }
0x176: {  	v21 =	vld.idx.msk [tilespmem:v19+s12+$0x0], $0xffff;
	_ =	sdelay $0x4  }
0x177: {  	[tilespmem:v20+s16+$0x0] =	vst.idx.add.f32.msk $0xffff, v21  }
0x178: {  	v19 =	vld.idx.msk [tilespmem:v19+s14+$0x0], $0xffff;
	_ =	sdelay $0x4  }
0x179: {  	[tilespmem:v20+s19+$0x0] =	vst.idx.add.f32.msk $0xffff, v19  }
0x17a: {  	v19 =	vld [tilespmem:s24+$0x70];
	_ =	sdelay $0x4  }
0x17b: {  	v20 =	vld [tilespmem:s24+$0x27F0];
	_ =	sdelay $0x2  }
0x17c: {  	v21 =	vld.idx.msk [tilespmem:v19+s10+$0x0], $0xffff;
	_ =	sdelay $0x4  }
0x17d: {  	[tilespmem:v20+s5+$0x0] =	vst.idx.add.f32.msk $0xffff, v21  }
0x17e: {  	v21 =	vld.idx.msk [tilespmem:v19+s11+$0x0], $0xffff;
	_ =	sdelay $0x4  }
0x17f: {  	[tilespmem:v20+s15+$0x0] =	vst.idx.add.f32.msk $0xffff, v21  }
0x180: {  	v21 =	vld.idx.msk [tilespmem:v19+s12+$0x0], $0xffff;
	_ =	sdelay $0x4  }
0x181: {  	[tilespmem:v20+s16+$0x0] =	vst.idx.add.f32.msk $0xffff, v21  }
0x182: {  	p1 =	sne.s32 s23, $0x9C00;
	v19 =	vld.idx.msk [tilespmem:v19+s14+$0x0], $0xffff  }
.Ltmp7:
0x183: {  	_ = 	snop;
	(pc) =	sbr.rel @p1 .LBB2_16-.Ltmp7, $2  }
0x184: {  	_ =	sdelay $0x2  }
0x185: {  	s23 =	sadd.s32 $0x200, s23;
	[tilespmem:v20+s19+$0x0] =	vst.idx.add.f32.msk $0xffff, v19  }
0x186: {  	s23 =	simm.s32 $0x0;
	s8 =	rddreg [dreg:$0x6]  }
0x187: {  	[tilespmem:s23], [sflag:$0x1] =	stream.linear.gather [hbm4b:s8+s23], $0x2780, $0x38;
	[tilespmem:$0x1FD00] =	vst v63  }
0x188: {  	_ =	swait.ge [sflag:s4], $0x2780  }
0x189: {  	[sflag:s4] =	ssyncset.done $0x0  }
0x18a: {  	s24 =	rddreg [dreg:$0x7];
	[sflag:s4] =	ssyncadd.s32 $0xFFFFD880  }
0x18b: {  	[tilespmem:s3], [sflag:$0x1] =	stream.linear.gather [hbm4b:s24+s23], $0x2780, $0x38;
	[tilespmem:$0x1FD00] =	vst v63  }
0x18c: {  	_ =	swait.ge [sflag:s4], $0x2780  }
0x18d: {  	[sflag:s4] =	ssyncset.done $0x0  }
0x18e: {  	s9 =	simm.s32 $0x19900;
	[sflag:s4] =	ssyncadd.s32 $0xFFFFD880  }
.LBB2_18:
0x18f: {  	s24 =	sshra.s32 s23, $0x2  }
0x190: {  	v19 =	vld [tilespmem:s24+$0x0];
	_ =	sdelay $0x4  }
0x191: {  	v20 =	vld [tilespmem:s24+$0x2780];
	_ =	sdelay $0x2  }
0x192: {  	v21 =	vld.idx.msk [tilespmem:v19+s10+$0x0], $0xffff;
	_ =	sdelay $0x4  }
0x193: {  	[tilespmem:v20+s5+$0x0] =	vst.idx.add.f32.msk $0xffff, v21  }
0x194: {  	v21 =	vld.idx.msk [tilespmem:v19+s11+$0x0], $0xffff;
	_ =	sdelay $0x4  }
0x195: {  	[tilespmem:v20+s15+$0x0] =	vst.idx.add.f32.msk $0xffff, v21  }
0x196: {  	v21 =	vld.idx.msk [tilespmem:v19+s12+$0x0], $0xffff;
	_ =	sdelay $0x4  }
0x197: {  	[tilespmem:v20+s16+$0x0] =	vst.idx.add.f32.msk $0xffff, v21  }
0x198: {  	v19 =	vld.idx.msk [tilespmem:v19+s14+$0x0], $0xffff;
	_ =	sdelay $0x4  }
0x199: {  	[tilespmem:v20+s19+$0x0] =	vst.idx.add.f32.msk $0xffff, v19  }
0x19a: {  	v19 =	vld [tilespmem:s24+$0x10];
	_ =	sdelay $0x4  }
0x19b: {  	v20 =	vld [tilespmem:s24+$0x2790];
	_ =	sdelay $0x2  }
0x19c: {  	v21 =	vld.idx.msk [tilespmem:v19+s10+$0x0], $0xffff;
	_ =	sdelay $0x4  }
0x19d: {  	[tilespmem:v20+s5+$0x0] =	vst.idx.add.f32.msk $0xffff, v21  }
0x19e: {  	v21 =	vld.idx.msk [tilespmem:v19+s11+$0x0], $0xffff;
	_ =	sdelay $0x4  }
0x19f: {  	[tilespmem:v20+s15+$0x0] =	vst.idx.add.f32.msk $0xffff, v21  }
0x1a0: {  	v21 =	vld.idx.msk [tilespmem:v19+s12+$0x0], $0xffff;
	_ =	sdelay $0x4  }
0x1a1: {  	[tilespmem:v20+s16+$0x0] =	vst.idx.add.f32.msk $0xffff, v21  }
0x1a2: {  	v19 =	vld.idx.msk [tilespmem:v19+s14+$0x0], $0xffff;
	_ =	sdelay $0x4  }
0x1a3: {  	[tilespmem:v20+s19+$0x0] =	vst.idx.add.f32.msk $0xffff, v19  }
0x1a4: {  	v19 =	vld [tilespmem:s24+$0x20];
	_ =	sdelay $0x4  }
0x1a5: {  	v20 =	vld [tilespmem:s24+$0x27A0];
	_ =	sdelay $0x2  }
0x1a6: {  	v21 =	vld.idx.msk [tilespmem:v19+s10+$0x0], $0xffff;
	_ =	sdelay $0x4  }
0x1a7: {  	[tilespmem:v20+s5+$0x0] =	vst.idx.add.f32.msk $0xffff, v21  }
0x1a8: {  	v21 =	vld.idx.msk [tilespmem:v19+s11+$0x0], $0xffff;
	_ =	sdelay $0x4  }
0x1a9: {  	[tilespmem:v20+s15+$0x0] =	vst.idx.add.f32.msk $0xffff, v21  }
0x1aa: {  	v21 =	vld.idx.msk [tilespmem:v19+s12+$0x0], $0xffff;
	_ =	sdelay $0x4  }
0x1ab: {  	[tilespmem:v20+s16+$0x0] =	vst.idx.add.f32.msk $0xffff, v21  }
0x1ac: {  	v19 =	vld.idx.msk [tilespmem:v19+s14+$0x0], $0xffff;
	_ =	sdelay $0x4  }
0x1ad: {  	[tilespmem:v20+s19+$0x0] =	vst.idx.add.f32.msk $0xffff, v19  }
0x1ae: {  	v19 =	vld [tilespmem:s24+$0x30];
	_ =	sdelay $0x4  }
0x1af: {  	v20 =	vld [tilespmem:s24+$0x27B0];
	_ =	sdelay $0x2  }
0x1b0: {  	v21 =	vld.idx.msk [tilespmem:v19+s10+$0x0], $0xffff;
	_ =	sdelay $0x4  }
0x1b1: {  	[tilespmem:v20+s5+$0x0] =	vst.idx.add.f32.msk $0xffff, v21  }
0x1b2: {  	v21 =	vld.idx.msk [tilespmem:v19+s11+$0x0], $0xffff;
	_ =	sdelay $0x4  }
0x1b3: {  	[tilespmem:v20+s15+$0x0] =	vst.idx.add.f32.msk $0xffff, v21  }
0x1b4: {  	v21 =	vld.idx.msk [tilespmem:v19+s12+$0x0], $0xffff;
	_ =	sdelay $0x4  }
0x1b5: {  	[tilespmem:v20+s16+$0x0] =	vst.idx.add.f32.msk $0xffff, v21  }
0x1b6: {  	v19 =	vld.idx.msk [tilespmem:v19+s14+$0x0], $0xffff;
	_ =	sdelay $0x4  }
0x1b7: {  	[tilespmem:v20+s19+$0x0] =	vst.idx.add.f32.msk $0xffff, v19  }
0x1b8: {  	v19 =	vld [tilespmem:s24+$0x40];
	_ =	sdelay $0x4  }
0x1b9: {  	v20 =	vld [tilespmem:s24+$0x27C0];
	_ =	sdelay $0x2  }
0x1ba: {  	v21 =	vld.idx.msk [tilespmem:v19+s10+$0x0], $0xffff;
	_ =	sdelay $0x4  }
0x1bb: {  	[tilespmem:v20+s5+$0x0] =	vst.idx.add.f32.msk $0xffff, v21  }
0x1bc: {  	v21 =	vld.idx.msk [tilespmem:v19+s11+$0x0], $0xffff;
	_ =	sdelay $0x4  }
0x1bd: {  	[tilespmem:v20+s15+$0x0] =	vst.idx.add.f32.msk $0xffff, v21  }
0x1be: {  	v21 =	vld.idx.msk [tilespmem:v19+s12+$0x0], $0xffff;
	_ =	sdelay $0x4  }
0x1bf: {  	[tilespmem:v20+s16+$0x0] =	vst.idx.add.f32.msk $0xffff, v21  }
0x1c0: {  	v19 =	vld.idx.msk [tilespmem:v19+s14+$0x0], $0xffff;
	_ =	sdelay $0x4  }
0x1c1: {  	[tilespmem:v20+s19+$0x0] =	vst.idx.add.f32.msk $0xffff, v19  }
0x1c2: {  	v19 =	vld [tilespmem:s24+$0x50];
	_ =	sdelay $0x4  }
0x1c3: {  	v20 =	vld [tilespmem:s24+$0x27D0];
	_ =	sdelay $0x2  }
0x1c4: {  	v21 =	vld.idx.msk [tilespmem:v19+s10+$0x0], $0xffff;
	_ =	sdelay $0x4  }
0x1c5: {  	[tilespmem:v20+s5+$0x0] =	vst.idx.add.f32.msk $0xffff, v21  }
0x1c6: {  	v21 =	vld.idx.msk [tilespmem:v19+s11+$0x0], $0xffff;
	_ =	sdelay $0x4  }
0x1c7: {  	[tilespmem:v20+s15+$0x0] =	vst.idx.add.f32.msk $0xffff, v21  }
0x1c8: {  	v21 =	vld.idx.msk [tilespmem:v19+s12+$0x0], $0xffff;
	_ =	sdelay $0x4  }
0x1c9: {  	[tilespmem:v20+s16+$0x0] =	vst.idx.add.f32.msk $0xffff, v21  }
0x1ca: {  	v19 =	vld.idx.msk [tilespmem:v19+s14+$0x0], $0xffff;
	_ =	sdelay $0x4  }
0x1cb: {  	[tilespmem:v20+s19+$0x0] =	vst.idx.add.f32.msk $0xffff, v19  }
0x1cc: {  	v19 =	vld [tilespmem:s24+$0x60];
	_ =	sdelay $0x4  }
0x1cd: {  	v20 =	vld [tilespmem:s24+$0x27E0];
	_ =	sdelay $0x2  }
0x1ce: {  	v21 =	vld.idx.msk [tilespmem:v19+s10+$0x0], $0xffff;
	_ =	sdelay $0x4  }
0x1cf: {  	[tilespmem:v20+s5+$0x0] =	vst.idx.add.f32.msk $0xffff, v21  }
0x1d0: {  	v21 =	vld.idx.msk [tilespmem:v19+s11+$0x0], $0xffff;
	_ =	sdelay $0x4  }
0x1d1: {  	[tilespmem:v20+s15+$0x0] =	vst.idx.add.f32.msk $0xffff, v21  }
0x1d2: {  	v21 =	vld.idx.msk [tilespmem:v19+s12+$0x0], $0xffff;
	_ =	sdelay $0x4  }
0x1d3: {  	[tilespmem:v20+s16+$0x0] =	vst.idx.add.f32.msk $0xffff, v21  }
0x1d4: {  	v19 =	vld.idx.msk [tilespmem:v19+s14+$0x0], $0xffff;
	_ =	sdelay $0x4  }
0x1d5: {  	[tilespmem:v20+s19+$0x0] =	vst.idx.add.f32.msk $0xffff, v19  }
0x1d6: {  	v19 =	vld [tilespmem:s24+$0x70];
	_ =	sdelay $0x4  }
0x1d7: {  	v20 =	vld [tilespmem:s24+$0x27F0];
	_ =	sdelay $0x2  }
0x1d8: {  	v21 =	vld.idx.msk [tilespmem:v19+s10+$0x0], $0xffff;
	_ =	sdelay $0x4  }
0x1d9: {  	[tilespmem:v20+s5+$0x0] =	vst.idx.add.f32.msk $0xffff, v21  }
0x1da: {  	v21 =	vld.idx.msk [tilespmem:v19+s11+$0x0], $0xffff;
	_ =	sdelay $0x4  }
0x1db: {  	[tilespmem:v20+s15+$0x0] =	vst.idx.add.f32.msk $0xffff, v21  }
0x1dc: {  	v21 =	vld.idx.msk [tilespmem:v19+s12+$0x0], $0xffff;
	_ =	sdelay $0x4  }
0x1dd: {  	[tilespmem:v20+s16+$0x0] =	vst.idx.add.f32.msk $0xffff, v21  }
0x1de: {  	p1 =	sne.s32 s23, $0x9C00;
	v19 =	vld.idx.msk [tilespmem:v19+s14+$0x0], $0xffff  }
.Ltmp8:
0x1df: {  	_ = 	snop;
	(pc) =	sbr.rel @p1 .LBB2_18-.Ltmp8, $2  }
0x1e0: {  	_ =	sdelay $0x2  }
0x1e1: {  	s23 =	sadd.s32 $0x200, s23;
	[tilespmem:v20+s19+$0x0] =	vst.idx.add.f32.msk $0xffff, v19  }
0x1e2: {  	s23 =	simm.s32 $0x0;
	s8 =	rddreg [dreg:$0x8]  }
0x1e3: {  	[tilespmem:s23], [sflag:$0x1] =	stream.linear.gather [hbm4b:s8+s23], $0x2780, $0x38;
	[tilespmem:$0x1FD00] =	vst v63  }
0x1e4: {  	_ =	swait.ge [sflag:s4], $0x2780  }
0x1e5: {  	[sflag:s4] =	ssyncset.done $0x0  }
0x1e6: {  	s24 =	rddreg [dreg:$0x9];
	[sflag:s4] =	ssyncadd.s32 $0xFFFFD880  }
0x1e7: {  	[tilespmem:s3], [sflag:$0x1] =	stream.linear.gather [hbm4b:s24+s23], $0x2780, $0x38;
	[tilespmem:$0x1FD00] =	vst v63  }
0x1e8: {  	_ =	swait.ge [sflag:s4], $0x2780  }
0x1e9: {  	[sflag:s4] =	ssyncset.done $0x0  }
0x1ea: {  	[sflag:s4] =	ssyncadd.s32 $0xFFFFD880  }
.LBB2_20:
0x1eb: {  	s24 =	sshra.s32 s23, $0x2  }
0x1ec: {  	v19 =	vld [tilespmem:s24+$0x0];
	_ =	sdelay $0x4  }
0x1ed: {  	v20 =	vld [tilespmem:s24+$0x2780];
	_ =	sdelay $0x2  }
0x1ee: {  	v21 =	vld.idx.msk [tilespmem:v19+s10+$0x0], $0xffff;
	_ =	sdelay $0x4  }
0x1ef: {  	[tilespmem:v20+s5+$0x0] =	vst.idx.add.f32.msk $0xffff, v21  }
0x1f0: {  	v21 =	vld.idx.msk [tilespmem:v19+s11+$0x0], $0xffff;
	_ =	sdelay $0x4  }
0x1f1: {  	[tilespmem:v20+s15+$0x0] =	vst.idx.add.f32.msk $0xffff, v21  }
0x1f2: {  	v21 =	vld.idx.msk [tilespmem:v19+s12+$0x0], $0xffff;
	_ =	sdelay $0x4  }
0x1f3: {  	[tilespmem:v20+s16+$0x0] =	vst.idx.add.f32.msk $0xffff, v21  }
0x1f4: {  	v19 =	vld.idx.msk [tilespmem:v19+s14+$0x0], $0xffff;
	_ =	sdelay $0x4  }
0x1f5: {  	[tilespmem:v20+s19+$0x0] =	vst.idx.add.f32.msk $0xffff, v19  }
0x1f6: {  	v19 =	vld [tilespmem:s24+$0x10];
	_ =	sdelay $0x4  }
0x1f7: {  	v20 =	vld [tilespmem:s24+$0x2790];
	_ =	sdelay $0x2  }
0x1f8: {  	v21 =	vld.idx.msk [tilespmem:v19+s10+$0x0], $0xffff;
	_ =	sdelay $0x4  }
0x1f9: {  	[tilespmem:v20+s5+$0x0] =	vst.idx.add.f32.msk $0xffff, v21  }
0x1fa: {  	v21 =	vld.idx.msk [tilespmem:v19+s11+$0x0], $0xffff;
	_ =	sdelay $0x4  }
0x1fb: {  	[tilespmem:v20+s15+$0x0] =	vst.idx.add.f32.msk $0xffff, v21  }
0x1fc: {  	v21 =	vld.idx.msk [tilespmem:v19+s12+$0x0], $0xffff;
	_ =	sdelay $0x4  }
0x1fd: {  	[tilespmem:v20+s16+$0x0] =	vst.idx.add.f32.msk $0xffff, v21  }
0x1fe: {  	v19 =	vld.idx.msk [tilespmem:v19+s14+$0x0], $0xffff;
	_ =	sdelay $0x4  }
0x1ff: {  	[tilespmem:v20+s19+$0x0] =	vst.idx.add.f32.msk $0xffff, v19  }
0x200: {  	v19 =	vld [tilespmem:s24+$0x20];
	_ =	sdelay $0x4  }
0x201: {  	v20 =	vld [tilespmem:s24+$0x27A0];
	_ =	sdelay $0x2  }
0x202: {  	v21 =	vld.idx.msk [tilespmem:v19+s10+$0x0], $0xffff;
	_ =	sdelay $0x4  }
0x203: {  	[tilespmem:v20+s5+$0x0] =	vst.idx.add.f32.msk $0xffff, v21  }
0x204: {  	v21 =	vld.idx.msk [tilespmem:v19+s11+$0x0], $0xffff;
	_ =	sdelay $0x4  }
0x205: {  	[tilespmem:v20+s15+$0x0] =	vst.idx.add.f32.msk $0xffff, v21  }
0x206: {  	v21 =	vld.idx.msk [tilespmem:v19+s12+$0x0], $0xffff;
	_ =	sdelay $0x4  }
0x207: {  	[tilespmem:v20+s16+$0x0] =	vst.idx.add.f32.msk $0xffff, v21  }
0x208: {  	v19 =	vld.idx.msk [tilespmem:v19+s14+$0x0], $0xffff;
	_ =	sdelay $0x4  }
0x209: {  	[tilespmem:v20+s19+$0x0] =	vst.idx.add.f32.msk $0xffff, v19  }
0x20a: {  	v19 =	vld [tilespmem:s24+$0x30];
	_ =	sdelay $0x4  }
0x20b: {  	v20 =	vld [tilespmem:s24+$0x27B0];
	_ =	sdelay $0x2  }
0x20c: {  	v21 =	vld.idx.msk [tilespmem:v19+s10+$0x0], $0xffff;
	_ =	sdelay $0x4  }
0x20d: {  	[tilespmem:v20+s5+$0x0] =	vst.idx.add.f32.msk $0xffff, v21  }
0x20e: {  	v21 =	vld.idx.msk [tilespmem:v19+s11+$0x0], $0xffff;
	_ =	sdelay $0x4  }
0x20f: {  	[tilespmem:v20+s15+$0x0] =	vst.idx.add.f32.msk $0xffff, v21  }
0x210: {  	v21 =	vld.idx.msk [tilespmem:v19+s12+$0x0], $0xffff;
	_ =	sdelay $0x4  }
0x211: {  	[tilespmem:v20+s16+$0x0] =	vst.idx.add.f32.msk $0xffff, v21  }
0x212: {  	v19 =	vld.idx.msk [tilespmem:v19+s14+$0x0], $0xffff;
	_ =	sdelay $0x4  }
0x213: {  	[tilespmem:v20+s19+$0x0] =	vst.idx.add.f32.msk $0xffff, v19  }
0x214: {  	v19 =	vld [tilespmem:s24+$0x40];
	_ =	sdelay $0x4  }
0x215: {  	v20 =	vld [tilespmem:s24+$0x27C0];
	_ =	sdelay $0x2  }
0x216: {  	v21 =	vld.idx.msk [tilespmem:v19+s10+$0x0], $0xffff;
	_ =	sdelay $0x4  }
0x217: {  	[tilespmem:v20+s5+$0x0] =	vst.idx.add.f32.msk $0xffff, v21  }
0x218: {  	v21 =	vld.idx.msk [tilespmem:v19+s11+$0x0], $0xffff;
	_ =	sdelay $0x4  }
0x219: {  	[tilespmem:v20+s15+$0x0] =	vst.idx.add.f32.msk $0xffff, v21  }
0x21a: {  	v21 =	vld.idx.msk [tilespmem:v19+s12+$0x0], $0xffff;
	_ =	sdelay $0x4  }
0x21b: {  	[tilespmem:v20+s16+$0x0] =	vst.idx.add.f32.msk $0xffff, v21  }
0x21c: {  	v19 =	vld.idx.msk [tilespmem:v19+s14+$0x0], $0xffff;
	_ =	sdelay $0x4  }
0x21d: {  	[tilespmem:v20+s19+$0x0] =	vst.idx.add.f32.msk $0xffff, v19  }
0x21e: {  	v19 =	vld [tilespmem:s24+$0x50];
	_ =	sdelay $0x4  }
0x21f: {  	v20 =	vld [tilespmem:s24+$0x27D0];
	_ =	sdelay $0x2  }
0x220: {  	v21 =	vld.idx.msk [tilespmem:v19+s10+$0x0], $0xffff;
	_ =	sdelay $0x4  }
0x221: {  	[tilespmem:v20+s5+$0x0] =	vst.idx.add.f32.msk $0xffff, v21  }
0x222: {  	v21 =	vld.idx.msk [tilespmem:v19+s11+$0x0], $0xffff;
	_ =	sdelay $0x4  }
0x223: {  	[tilespmem:v20+s15+$0x0] =	vst.idx.add.f32.msk $0xffff, v21  }
0x224: {  	v21 =	vld.idx.msk [tilespmem:v19+s12+$0x0], $0xffff;
	_ =	sdelay $0x4  }
0x225: {  	[tilespmem:v20+s16+$0x0] =	vst.idx.add.f32.msk $0xffff, v21  }
0x226: {  	v19 =	vld.idx.msk [tilespmem:v19+s14+$0x0], $0xffff;
	_ =	sdelay $0x4  }
0x227: {  	[tilespmem:v20+s19+$0x0] =	vst.idx.add.f32.msk $0xffff, v19  }
0x228: {  	v19 =	vld [tilespmem:s24+$0x60];
	_ =	sdelay $0x4  }
0x229: {  	v20 =	vld [tilespmem:s24+$0x27E0];
	_ =	sdelay $0x2  }
0x22a: {  	v21 =	vld.idx.msk [tilespmem:v19+s10+$0x0], $0xffff;
	_ =	sdelay $0x4  }
0x22b: {  	[tilespmem:v20+s5+$0x0] =	vst.idx.add.f32.msk $0xffff, v21  }
0x22c: {  	v21 =	vld.idx.msk [tilespmem:v19+s11+$0x0], $0xffff;
	_ =	sdelay $0x4  }
0x22d: {  	[tilespmem:v20+s15+$0x0] =	vst.idx.add.f32.msk $0xffff, v21  }
0x22e: {  	v21 =	vld.idx.msk [tilespmem:v19+s12+$0x0], $0xffff;
	_ =	sdelay $0x4  }
0x22f: {  	[tilespmem:v20+s16+$0x0] =	vst.idx.add.f32.msk $0xffff, v21  }
0x230: {  	v19 =	vld.idx.msk [tilespmem:v19+s14+$0x0], $0xffff;
	_ =	sdelay $0x4  }
0x231: {  	[tilespmem:v20+s19+$0x0] =	vst.idx.add.f32.msk $0xffff, v19  }
0x232: {  	v19 =	vld [tilespmem:s24+$0x70];
	_ =	sdelay $0x4  }
0x233: {  	v20 =	vld [tilespmem:s24+$0x27F0];
	_ =	sdelay $0x2  }
0x234: {  	v21 =	vld.idx.msk [tilespmem:v19+s10+$0x0], $0xffff;
	_ =	sdelay $0x4  }
0x235: {  	[tilespmem:v20+s5+$0x0] =	vst.idx.add.f32.msk $0xffff, v21  }
0x236: {  	v21 =	vld.idx.msk [tilespmem:v19+s11+$0x0], $0xffff;
	_ =	sdelay $0x4  }
0x237: {  	[tilespmem:v20+s15+$0x0] =	vst.idx.add.f32.msk $0xffff, v21  }
0x238: {  	v21 =	vld.idx.msk [tilespmem:v19+s12+$0x0], $0xffff;
	_ =	sdelay $0x4  }
0x239: {  	[tilespmem:v20+s16+$0x0] =	vst.idx.add.f32.msk $0xffff, v21  }
0x23a: {  	p1 =	sne.s32 s23, $0x9C00;
	v19 =	vld.idx.msk [tilespmem:v19+s14+$0x0], $0xffff  }
.Ltmp9:
0x23b: {  	_ = 	snop;
	(pc) =	sbr.rel @p1 .LBB2_20-.Ltmp9, $2  }
0x23c: {  	_ =	sdelay $0x2  }
0x23d: {  	s23 =	sadd.s32 $0x200, s23;
	[tilespmem:v20+s19+$0x0] =	vst.idx.add.f32.msk $0xffff, v19  }
0x23e: {  	s23 =	simm.s32 $0x0;
	s8 =	rddreg [dreg:$0xa]  }
0x23f: {  	[tilespmem:s23], [sflag:$0x1] =	stream.linear.gather [hbm4b:s8+s23], $0x2780, $0x38;
	[tilespmem:$0x1FD00] =	vst v63  }
0x240: {  	_ =	swait.ge [sflag:s4], $0x2780  }
0x241: {  	[sflag:s4] =	ssyncset.done $0x0  }
0x242: {  	s24 =	rddreg [dreg:$0xb];
	[sflag:s4] =	ssyncadd.s32 $0xFFFFD880  }
0x243: {  	[tilespmem:s3], [sflag:$0x1] =	stream.linear.gather [hbm4b:s24+s23], $0x2780, $0x38;
	[tilespmem:$0x1FD00] =	vst v63  }
0x244: {  	_ =	swait.ge [sflag:s4], $0x2780  }
0x245: {  	[sflag:s4] =	ssyncset.done $0x0  }
0x246: {  	[sflag:s4] =	ssyncadd.s32 $0xFFFFD880  }
.LBB2_22:
0x247: {  	s24 =	sshra.s32 s23, $0x2  }
0x248: {  	v19 =	vld [tilespmem:s24+$0x0];
	_ =	sdelay $0x4  }
0x249: {  	v20 =	vld [tilespmem:s24+$0x2780];
	_ =	sdelay $0x2  }
0x24a: {  	v21 =	vld.idx.msk [tilespmem:v19+s10+$0x0], $0xffff;
	_ =	sdelay $0x4  }
0x24b: {  	[tilespmem:v20+s5+$0x0] =	vst.idx.add.f32.msk $0xffff, v21  }
0x24c: {  	v21 =	vld.idx.msk [tilespmem:v19+s11+$0x0], $0xffff;
	_ =	sdelay $0x4  }
0x24d: {  	[tilespmem:v20+s15+$0x0] =	vst.idx.add.f32.msk $0xffff, v21  }
0x24e: {  	v21 =	vld.idx.msk [tilespmem:v19+s12+$0x0], $0xffff;
	_ =	sdelay $0x4  }
0x24f: {  	[tilespmem:v20+s16+$0x0] =	vst.idx.add.f32.msk $0xffff, v21  }
0x250: {  	v19 =	vld.idx.msk [tilespmem:v19+s14+$0x0], $0xffff;
	_ =	sdelay $0x4  }
0x251: {  	[tilespmem:v20+s19+$0x0] =	vst.idx.add.f32.msk $0xffff, v19  }
0x252: {  	v19 =	vld [tilespmem:s24+$0x10];
	_ =	sdelay $0x4  }
0x253: {  	v20 =	vld [tilespmem:s24+$0x2790];
	_ =	sdelay $0x2  }
0x254: {  	v21 =	vld.idx.msk [tilespmem:v19+s10+$0x0], $0xffff;
	_ =	sdelay $0x4  }
0x255: {  	[tilespmem:v20+s5+$0x0] =	vst.idx.add.f32.msk $0xffff, v21  }
0x256: {  	v21 =	vld.idx.msk [tilespmem:v19+s11+$0x0], $0xffff;
	_ =	sdelay $0x4  }
0x257: {  	[tilespmem:v20+s15+$0x0] =	vst.idx.add.f32.msk $0xffff, v21  }
0x258: {  	v21 =	vld.idx.msk [tilespmem:v19+s12+$0x0], $0xffff;
	_ =	sdelay $0x4  }
0x259: {  	[tilespmem:v20+s16+$0x0] =	vst.idx.add.f32.msk $0xffff, v21  }
0x25a: {  	v19 =	vld.idx.msk [tilespmem:v19+s14+$0x0], $0xffff;
	_ =	sdelay $0x4  }
0x25b: {  	[tilespmem:v20+s19+$0x0] =	vst.idx.add.f32.msk $0xffff, v19  }
0x25c: {  	v19 =	vld [tilespmem:s24+$0x20];
	_ =	sdelay $0x4  }
0x25d: {  	v20 =	vld [tilespmem:s24+$0x27A0];
	_ =	sdelay $0x2  }
0x25e: {  	v21 =	vld.idx.msk [tilespmem:v19+s10+$0x0], $0xffff;
	_ =	sdelay $0x4  }
0x25f: {  	[tilespmem:v20+s5+$0x0] =	vst.idx.add.f32.msk $0xffff, v21  }
0x260: {  	v21 =	vld.idx.msk [tilespmem:v19+s11+$0x0], $0xffff;
	_ =	sdelay $0x4  }
0x261: {  	[tilespmem:v20+s15+$0x0] =	vst.idx.add.f32.msk $0xffff, v21  }
0x262: {  	v21 =	vld.idx.msk [tilespmem:v19+s12+$0x0], $0xffff;
	_ =	sdelay $0x4  }
0x263: {  	[tilespmem:v20+s16+$0x0] =	vst.idx.add.f32.msk $0xffff, v21  }
0x264: {  	v19 =	vld.idx.msk [tilespmem:v19+s14+$0x0], $0xffff;
	_ =	sdelay $0x4  }
0x265: {  	[tilespmem:v20+s19+$0x0] =	vst.idx.add.f32.msk $0xffff, v19  }
0x266: {  	v19 =	vld [tilespmem:s24+$0x30];
	_ =	sdelay $0x4  }
0x267: {  	v20 =	vld [tilespmem:s24+$0x27B0];
	_ =	sdelay $0x2  }
0x268: {  	v21 =	vld.idx.msk [tilespmem:v19+s10+$0x0], $0xffff;
	_ =	sdelay $0x4  }
0x269: {  	[tilespmem:v20+s5+$0x0] =	vst.idx.add.f32.msk $0xffff, v21  }
0x26a: {  	v21 =	vld.idx.msk [tilespmem:v19+s11+$0x0], $0xffff;
	_ =	sdelay $0x4  }
0x26b: {  	[tilespmem:v20+s15+$0x0] =	vst.idx.add.f32.msk $0xffff, v21  }
0x26c: {  	v21 =	vld.idx.msk [tilespmem:v19+s12+$0x0], $0xffff;
	_ =	sdelay $0x4  }
0x26d: {  	[tilespmem:v20+s16+$0x0] =	vst.idx.add.f32.msk $0xffff, v21  }
0x26e: {  	v19 =	vld.idx.msk [tilespmem:v19+s14+$0x0], $0xffff;
	_ =	sdelay $0x4  }
0x26f: {  	[tilespmem:v20+s19+$0x0] =	vst.idx.add.f32.msk $0xffff, v19  }
0x270: {  	v19 =	vld [tilespmem:s24+$0x40];
	_ =	sdelay $0x4  }
0x271: {  	v20 =	vld [tilespmem:s24+$0x27C0];
	_ =	sdelay $0x2  }
0x272: {  	v21 =	vld.idx.msk [tilespmem:v19+s10+$0x0], $0xffff;
	_ =	sdelay $0x4  }
0x273: {  	[tilespmem:v20+s5+$0x0] =	vst.idx.add.f32.msk $0xffff, v21  }
0x274: {  	v21 =	vld.idx.msk [tilespmem:v19+s11+$0x0], $0xffff;
	_ =	sdelay $0x4  }
0x275: {  	[tilespmem:v20+s15+$0x0] =	vst.idx.add.f32.msk $0xffff, v21  }
0x276: {  	v21 =	vld.idx.msk [tilespmem:v19+s12+$0x0], $0xffff;
	_ =	sdelay $0x4  }
0x277: {  	[tilespmem:v20+s16+$0x0] =	vst.idx.add.f32.msk $0xffff, v21  }
0x278: {  	v19 =	vld.idx.msk [tilespmem:v19+s14+$0x0], $0xffff;
	_ =	sdelay $0x4  }
0x279: {  	[tilespmem:v20+s19+$0x0] =	vst.idx.add.f32.msk $0xffff, v19  }
0x27a: {  	v19 =	vld [tilespmem:s24+$0x50];
	_ =	sdelay $0x4  }
0x27b: {  	v20 =	vld [tilespmem:s24+$0x27D0];
	_ =	sdelay $0x2  }
0x27c: {  	v21 =	vld.idx.msk [tilespmem:v19+s10+$0x0], $0xffff;
	_ =	sdelay $0x4  }
0x27d: {  	[tilespmem:v20+s5+$0x0] =	vst.idx.add.f32.msk $0xffff, v21  }
0x27e: {  	v21 =	vld.idx.msk [tilespmem:v19+s11+$0x0], $0xffff;
	_ =	sdelay $0x4  }
0x27f: {  	[tilespmem:v20+s15+$0x0] =	vst.idx.add.f32.msk $0xffff, v21  }
0x280: {  	v21 =	vld.idx.msk [tilespmem:v19+s12+$0x0], $0xffff;
	_ =	sdelay $0x4  }
0x281: {  	[tilespmem:v20+s16+$0x0] =	vst.idx.add.f32.msk $0xffff, v21  }
0x282: {  	v19 =	vld.idx.msk [tilespmem:v19+s14+$0x0], $0xffff;
	_ =	sdelay $0x4  }
0x283: {  	[tilespmem:v20+s19+$0x0] =	vst.idx.add.f32.msk $0xffff, v19  }
0x284: {  	v19 =	vld [tilespmem:s24+$0x60];
	_ =	sdelay $0x4  }
0x285: {  	v20 =	vld [tilespmem:s24+$0x27E0];
	_ =	sdelay $0x2  }
0x286: {  	v21 =	vld.idx.msk [tilespmem:v19+s10+$0x0], $0xffff;
	_ =	sdelay $0x4  }
0x287: {  	[tilespmem:v20+s5+$0x0] =	vst.idx.add.f32.msk $0xffff, v21  }
0x288: {  	v21 =	vld.idx.msk [tilespmem:v19+s11+$0x0], $0xffff;
	_ =	sdelay $0x4  }
0x289: {  	[tilespmem:v20+s15+$0x0] =	vst.idx.add.f32.msk $0xffff, v21  }
0x28a: {  	v21 =	vld.idx.msk [tilespmem:v19+s12+$0x0], $0xffff;
	_ =	sdelay $0x4  }
0x28b: {  	[tilespmem:v20+s16+$0x0] =	vst.idx.add.f32.msk $0xffff, v21  }
0x28c: {  	v19 =	vld.idx.msk [tilespmem:v19+s14+$0x0], $0xffff;
	_ =	sdelay $0x4  }
0x28d: {  	[tilespmem:v20+s19+$0x0] =	vst.idx.add.f32.msk $0xffff, v19  }
0x28e: {  	v19 =	vld [tilespmem:s24+$0x70];
	_ =	sdelay $0x4  }
0x28f: {  	v20 =	vld [tilespmem:s24+$0x27F0];
	_ =	sdelay $0x2  }
0x290: {  	v21 =	vld.idx.msk [tilespmem:v19+s10+$0x0], $0xffff;
	_ =	sdelay $0x4  }
0x291: {  	[tilespmem:v20+s5+$0x0] =	vst.idx.add.f32.msk $0xffff, v21  }
0x292: {  	v21 =	vld.idx.msk [tilespmem:v19+s11+$0x0], $0xffff;
	_ =	sdelay $0x4  }
0x293: {  	[tilespmem:v20+s15+$0x0] =	vst.idx.add.f32.msk $0xffff, v21  }
0x294: {  	v21 =	vld.idx.msk [tilespmem:v19+s12+$0x0], $0xffff;
	_ =	sdelay $0x4  }
0x295: {  	[tilespmem:v20+s16+$0x0] =	vst.idx.add.f32.msk $0xffff, v21  }
0x296: {  	p1 =	sne.s32 s23, $0x9C00;
	v19 =	vld.idx.msk [tilespmem:v19+s14+$0x0], $0xffff  }
.Ltmp10:
0x297: {  	_ = 	snop;
	(pc) =	sbr.rel @p1 .LBB2_22-.Ltmp10, $2  }
0x298: {  	_ =	sdelay $0x2  }
0x299: {  	s23 =	sadd.s32 $0x200, s23;
	[tilespmem:v20+s19+$0x0] =	vst.idx.add.f32.msk $0xffff, v19  }
0x29a: {  	[spmem:s17] =	stream.linear.scatter [tilespmem:s5], [sflag:$0x1], $0x2800, $0x38;
	[tilespmem:$0x1FD00] =	vst v63  }
0x29b: {  	_ =	swait.ge [sflag:s4], $0x2800  }
0x29c: {  	[sflag:s4] =	ssyncset.done $0x0  }
0x29d: {  	[sflag:s4] =	ssyncadd.s32 $0xFFFFD800  }
0x29e: {  	[bflag:$0x0] =	sbarrier.arrive $0xFFFF  }
0x29f: {  	[tilespmem:s20], [sflag:$0x1] =	stream.strided.gather [spmem:s25], $0xA00, s7, s6, $0x38;
	[tilespmem:$0x1FD00] =	vst v63  }
0x2a0: {  	_ =	swait.ge [sflag:s4], $0xA00  }
0x2a1: {  	[sflag:s4] =	ssyncset.done $0x0  }
0x2a2: {  	s23 =	simm.s32 $0x0;
	[sflag:s4] =	ssyncadd.s32 $0xFFFFF600  }
0x2a3: {  	s24 =	simm.s32 $0x40;
	v19 =	vld [tilespmem:s23+$0x19180]  }
.LBB2_24:
0x2a4: {  	p1 =	sne.s32 s24, $0x9C0;
	v20 =	vld [tilespmem:s23+$0x18F00];
	_ =	sdelay $0x1  }
0x2a5: {  	v21 =	vld [tilespmem:s23+$0x19400];
	_ =	sdelay $0x1  }
0x2a6: {  	v22 =	vld [tilespmem:s23+$0x19680]  }
0x2a7: {  	v19 =	vadd.f32 v19, v20;
	_ =	sdelay $0x1  }
0x2a8: {  	v19 =	vadd.f32 v21, v19  }
.Ltmp11:
0x2a9: {  	(pc) =	sbr.rel @p1 .LBB2_24-.Ltmp11, $3  }
0x2aa: {  	v19 =	vadd.f32 v22, v19;
	_ =	sdelay $0x1  }
0x2ab: {  	[tilespmem:v15+s23+$0x0 ss:$0x1] =	vst.idx.msk $0xffff, v19;
	s23 =	sshra.s32 s24, $0x2  }
0x2ac: {  	s24 =	sadd.s32 $0x40, s24;
	v19 =	vld [tilespmem:s23+$0x19180]  }
0x2ad: {  	v20 =	vld [tilespmem:s23+$0x18F00];
	_ =	sdelay $0x1  }
0x2ae: {  	v21 =	vld [tilespmem:s23+$0x19400];
	_ =	sdelay $0x1  }
0x2af: {  	v22 =	vld [tilespmem:s23+$0x19680]  }
0x2b0: {  	v19 =	vadd.f32 v19, v20;
	_ =	sdelay $0x1  }
0x2b1: {  	v19 =	vadd.f32 v21, v19;
	_ =	sdelay $0x1  }
0x2b2: {  	v19 =	vadd.f32 v22, v19;
	_ =	sdelay $0x1  }
0x2b3: {  	[tilespmem:v15+s23+$0x0 ss:$0x1] =	vst.idx.msk $0xffff, v19  }
0x2b4: {  	[tilespmem:s20], [sflag:$0x1] =	stream.strided.gather [spmem:s0], $0xA00, s7, s6, $0x38;
	[tilespmem:$0x1FD00] =	vst v63  }
0x2b5: {  	_ =	swait.ge [sflag:s4], $0xA00  }
0x2b6: {  	[sflag:s4] =	ssyncset.done $0x0  }
0x2b7: {  	s23 =	simm.s32 $0x0;
	[sflag:s4] =	ssyncadd.s32 $0xFFFFF600  }
0x2b8: {  	s24 =	simm.s32 $0x40;
	v19 =	vld [tilespmem:s23+$0x19180]  }
.LBB2_26:
0x2b9: {  	p1 =	sne.s32 s24, $0x9C0;
	v20 =	vld [tilespmem:s23+$0x18F00];
	_ =	sdelay $0x1  }
0x2ba: {  	v21 =	vld [tilespmem:s23+$0x19400];
	_ =	sdelay $0x1  }
0x2bb: {  	v22 =	vld [tilespmem:s23+$0x19680]  }
0x2bc: {  	v19 =	vadd.f32 v19, v20;
	_ =	sdelay $0x1  }
0x2bd: {  	v19 =	vadd.f32 v21, v19  }
.Ltmp12:
0x2be: {  	(pc) =	sbr.rel @p1 .LBB2_26-.Ltmp12, $3  }
0x2bf: {  	v19 =	vadd.f32 v22, v19;
	_ =	sdelay $0x1  }
0x2c0: {  	[tilespmem:v1+s23+$0x0 ss:$0x1] =	vst.idx.msk $0xffff, v19;
	s23 =	sshra.s32 s24, $0x2  }
0x2c1: {  	s24 =	sadd.s32 $0x40, s24;
	v19 =	vld [tilespmem:s23+$0x19180]  }
0x2c2: {  	v20 =	vld [tilespmem:s23+$0x18F00];
	_ =	sdelay $0x1  }
0x2c3: {  	v21 =	vld [tilespmem:s23+$0x19400];
	_ =	sdelay $0x1  }
0x2c4: {  	v22 =	vld [tilespmem:s23+$0x19680]  }
0x2c5: {  	v19 =	vadd.f32 v19, v20;
	_ =	sdelay $0x1  }
0x2c6: {  	v19 =	vadd.f32 v21, v19;
	_ =	sdelay $0x1  }
0x2c7: {  	v19 =	vadd.f32 v22, v19;
	_ =	sdelay $0x1  }
0x2c8: {  	[tilespmem:v1+s23+$0x0 ss:$0x1] =	vst.idx.msk $0xffff, v19  }
0x2c9: {  	[tilespmem:s20], [sflag:$0x1] =	stream.strided.gather [spmem:s1], $0xA00, s7, s6, $0x38;
	[tilespmem:$0x1FD00] =	vst v63  }
0x2ca: {  	_ =	swait.ge [sflag:s4], $0xA00  }
0x2cb: {  	[sflag:s4] =	ssyncset.done $0x0  }
0x2cc: {  	s23 =	simm.s32 $0x0;
	[sflag:s4] =	ssyncadd.s32 $0xFFFFF600  }
0x2cd: {  	s24 =	simm.s32 $0x40;
	v19 =	vld [tilespmem:s23+$0x19180]  }
.LBB2_28:
0x2ce: {  	p1 =	sne.s32 s24, $0x9C0;
	v20 =	vld [tilespmem:s23+$0x18F00];
	_ =	sdelay $0x1  }
0x2cf: {  	v21 =	vld [tilespmem:s23+$0x19400];
	_ =	sdelay $0x1  }
0x2d0: {  	v22 =	vld [tilespmem:s23+$0x19680]  }
0x2d1: {  	v19 =	vadd.f32 v19, v20;
	_ =	sdelay $0x1  }
0x2d2: {  	v19 =	vadd.f32 v21, v19  }
.Ltmp13:
0x2d3: {  	(pc) =	sbr.rel @p1 .LBB2_28-.Ltmp13, $3  }
0x2d4: {  	v19 =	vadd.f32 v22, v19;
	_ =	sdelay $0x1  }
0x2d5: {  	[tilespmem:v2+s23+$0x0 ss:$0x1] =	vst.idx.msk $0xffff, v19;
	s23 =	sshra.s32 s24, $0x2  }
0x2d6: {  	s24 =	sadd.s32 $0x40, s24;
	v19 =	vld [tilespmem:s23+$0x19180]  }
0x2d7: {  	v20 =	vld [tilespmem:s23+$0x18F00];
	_ =	sdelay $0x1  }
0x2d8: {  	v21 =	vld [tilespmem:s23+$0x19400];
	_ =	sdelay $0x1  }
0x2d9: {  	v22 =	vld [tilespmem:s23+$0x19680]  }
0x2da: {  	v19 =	vadd.f32 v19, v20;
	_ =	sdelay $0x1  }
0x2db: {  	v19 =	vadd.f32 v21, v19;
	_ =	sdelay $0x1  }
0x2dc: {  	v19 =	vadd.f32 v22, v19;
	_ =	sdelay $0x1  }
0x2dd: {  	[tilespmem:v2+s23+$0x0 ss:$0x1] =	vst.idx.msk $0xffff, v19  }
0x2de: {  	[tilespmem:s20], [sflag:$0x1] =	stream.strided.gather [spmem:s2], $0xA00, s7, s6, $0x38;
	[tilespmem:$0x1FD00] =	vst v63  }
0x2df: {  	_ =	swait.ge [sflag:s4], $0xA00  }
0x2e0: {  	[sflag:s4] =	ssyncset.done $0x0  }
0x2e1: {  	s23 =	simm.s32 $0x0;
	[sflag:s4] =	ssyncadd.s32 $0xFFFFF600  }
0x2e2: {  	s24 =	simm.s32 $0x40;
	v19 =	vld [tilespmem:s23+$0x19180]  }
.LBB2_30:
0x2e3: {  	p1 =	sne.s32 s24, $0x9C0;
	v20 =	vld [tilespmem:s23+$0x18F00];
	_ =	sdelay $0x1  }
0x2e4: {  	v21 =	vld [tilespmem:s23+$0x19400];
	_ =	sdelay $0x1  }
0x2e5: {  	v22 =	vld [tilespmem:s23+$0x19680]  }
0x2e6: {  	v19 =	vadd.f32 v19, v20;
	_ =	sdelay $0x1  }
0x2e7: {  	v19 =	vadd.f32 v21, v19  }
.Ltmp14:
0x2e8: {  	(pc) =	sbr.rel @p1 .LBB2_30-.Ltmp14, $3  }
0x2e9: {  	v19 =	vadd.f32 v22, v19;
	_ =	sdelay $0x1  }
0x2ea: {  	[tilespmem:v3+s23+$0x0 ss:$0x1] =	vst.idx.msk $0xffff, v19;
	s23 =	sshra.s32 s24, $0x2  }
0x2eb: {  	s24 =	sadd.s32 $0x40, s24;
	v19 =	vld [tilespmem:s23+$0x19180]  }
0x2ec: {  	v20 =	vld [tilespmem:s23+$0x18F00];
	_ =	sdelay $0x1  }
0x2ed: {  	v21 =	vld [tilespmem:s23+$0x19400];
	_ =	sdelay $0x1  }
0x2ee: {  	v22 =	vld [tilespmem:s23+$0x19680]  }
0x2ef: {  	v19 =	vadd.f32 v19, v20;
	_ =	sdelay $0x1  }
0x2f0: {  	v19 =	vadd.f32 v21, v19;
	_ =	sdelay $0x1  }
0x2f1: {  	v19 =	vadd.f32 v22, v19;
	_ =	sdelay $0x1  }
0x2f2: {  	s8 =	simm.s32 $0x0;
	s24 =	rddreg [dreg:$0xc];
	[tilespmem:v3+s23+$0x0 ss:$0x1] =	vst.idx.msk $0xffff, v19  }
0x2f3: {  	[hbm4b:s24+s8] =	stream.linear.scatter [tilespmem:s26], [sflag:$0x1], $0xA00, $0x38;
	[tilespmem:$0x1FD00] =	vst v63  }
0x2f4: {  	_ =	swait.ge [sflag:s4], $0xA00  }
0x2f5: {  	[sflag:s4] =	ssyncset.done $0x0  }
0x2f6: {  	[sflag:s4] =	ssyncadd.s32 $0xFFFFF600  }
0x2f7: {  	[bflag:$0x0] =	sbarrier.arrive $0xFFFF  }
0x2f8: {  	[spmem:s17] =	stream.linear.scatter [tilespmem:s15], [sflag:$0x1], $0x2800, $0x38;
	[tilespmem:$0x1FD00] =	vst v63  }
0x2f9: {  	_ =	swait.ge [sflag:s4], $0x2800  }
0x2fa: {  	[sflag:s4] =	ssyncset.done $0x0  }
0x2fb: {  	[sflag:s4] =	ssyncadd.s32 $0xFFFFD800  }
0x2fc: {  	[bflag:$0x0] =	sbarrier.arrive $0xFFFF  }
0x2fd: {  	[tilespmem:s20], [sflag:$0x1] =	stream.strided.gather [spmem:s25], $0xA00, s7, s6, $0x38;
	[tilespmem:$0x1FD00] =	vst v63  }
0x2fe: {  	_ =	swait.ge [sflag:s4], $0xA00  }
0x2ff: {  	[sflag:s4] =	ssyncset.done $0x0  }
0x300: {  	s23 =	simm.s32 $0x0;
	[sflag:s4] =	ssyncadd.s32 $0xFFFFF600  }
0x301: {  	s24 =	simm.s32 $0x40;
	v19 =	vld [tilespmem:s23+$0x19180]  }
.LBB2_32:
0x302: {  	p1 =	sne.s32 s24, $0x9C0;
	v20 =	vld [tilespmem:s23+$0x18F00];
	_ =	sdelay $0x1  }
0x303: {  	v21 =	vld [tilespmem:s23+$0x19400];
	_ =	sdelay $0x1  }
0x304: {  	v22 =	vld [tilespmem:s23+$0x19680]  }
0x305: {  	v19 =	vadd.f32 v19, v20;
	_ =	sdelay $0x1  }
0x306: {  	v19 =	vadd.f32 v21, v19  }
.Ltmp15:
0x307: {  	(pc) =	sbr.rel @p1 .LBB2_32-.Ltmp15, $3  }
0x308: {  	v19 =	vadd.f32 v22, v19;
	_ =	sdelay $0x1  }
0x309: {  	[tilespmem:v16+s23+$0x0 ss:$0x1] =	vst.idx.msk $0xffff, v19;
	s23 =	sshra.s32 s24, $0x2  }
0x30a: {  	s24 =	sadd.s32 $0x40, s24;
	v19 =	vld [tilespmem:s23+$0x19180]  }
0x30b: {  	v20 =	vld [tilespmem:s23+$0x18F00];
	_ =	sdelay $0x1  }
0x30c: {  	v21 =	vld [tilespmem:s23+$0x19400];
	_ =	sdelay $0x1  }
0x30d: {  	v22 =	vld [tilespmem:s23+$0x19680]  }
0x30e: {  	v19 =	vadd.f32 v19, v20;
	_ =	sdelay $0x1  }
0x30f: {  	v19 =	vadd.f32 v21, v19;
	_ =	sdelay $0x1  }
0x310: {  	v19 =	vadd.f32 v22, v19;
	_ =	sdelay $0x1  }
0x311: {  	[tilespmem:v16+s23+$0x0 ss:$0x1] =	vst.idx.msk $0xffff, v19  }
0x312: {  	[tilespmem:s20], [sflag:$0x1] =	stream.strided.gather [spmem:s0], $0xA00, s7, s6, $0x38;
	[tilespmem:$0x1FD00] =	vst v63  }
0x313: {  	_ =	swait.ge [sflag:s4], $0xA00  }
0x314: {  	[sflag:s4] =	ssyncset.done $0x0  }
0x315: {  	s23 =	simm.s32 $0x0;
	[sflag:s4] =	ssyncadd.s32 $0xFFFFF600  }
0x316: {  	s24 =	simm.s32 $0x40;
	v19 =	vld [tilespmem:s23+$0x19180]  }
.LBB2_34:
0x317: {  	p1 =	sne.s32 s24, $0x9C0;
	v20 =	vld [tilespmem:s23+$0x18F00];
	_ =	sdelay $0x1  }
0x318: {  	v21 =	vld [tilespmem:s23+$0x19400];
	_ =	sdelay $0x1  }
0x319: {  	v22 =	vld [tilespmem:s23+$0x19680]  }
0x31a: {  	v19 =	vadd.f32 v19, v20;
	_ =	sdelay $0x1  }
0x31b: {  	v19 =	vadd.f32 v21, v19  }
.Ltmp16:
0x31c: {  	(pc) =	sbr.rel @p1 .LBB2_34-.Ltmp16, $3  }
0x31d: {  	v19 =	vadd.f32 v22, v19;
	_ =	sdelay $0x1  }
0x31e: {  	[tilespmem:v4+s23+$0x0 ss:$0x1] =	vst.idx.msk $0xffff, v19;
	s23 =	sshra.s32 s24, $0x2  }
0x31f: {  	s24 =	sadd.s32 $0x40, s24;
	v19 =	vld [tilespmem:s23+$0x19180]  }
0x320: {  	v20 =	vld [tilespmem:s23+$0x18F00];
	_ =	sdelay $0x1  }
0x321: {  	v21 =	vld [tilespmem:s23+$0x19400];
	_ =	sdelay $0x1  }
0x322: {  	v22 =	vld [tilespmem:s23+$0x19680]  }
0x323: {  	v19 =	vadd.f32 v19, v20;
	_ =	sdelay $0x1  }
0x324: {  	v19 =	vadd.f32 v21, v19;
	_ =	sdelay $0x1  }
0x325: {  	v19 =	vadd.f32 v22, v19;
	_ =	sdelay $0x1  }
0x326: {  	[tilespmem:v4+s23+$0x0 ss:$0x1] =	vst.idx.msk $0xffff, v19  }
0x327: {  	[tilespmem:s20], [sflag:$0x1] =	stream.strided.gather [spmem:s1], $0xA00, s7, s6, $0x38;
	[tilespmem:$0x1FD00] =	vst v63  }
0x328: {  	_ =	swait.ge [sflag:s4], $0xA00  }
0x329: {  	[sflag:s4] =	ssyncset.done $0x0  }
0x32a: {  	s23 =	simm.s32 $0x0;
	[sflag:s4] =	ssyncadd.s32 $0xFFFFF600  }
0x32b: {  	s24 =	simm.s32 $0x40;
	v19 =	vld [tilespmem:s23+$0x19180]  }
.LBB2_36:
0x32c: {  	p1 =	sne.s32 s24, $0x9C0;
	v20 =	vld [tilespmem:s23+$0x18F00];
	_ =	sdelay $0x1  }
0x32d: {  	v21 =	vld [tilespmem:s23+$0x19400];
	_ =	sdelay $0x1  }
0x32e: {  	v22 =	vld [tilespmem:s23+$0x19680]  }
0x32f: {  	v19 =	vadd.f32 v19, v20;
	_ =	sdelay $0x1  }
0x330: {  	v19 =	vadd.f32 v21, v19  }
.Ltmp17:
0x331: {  	(pc) =	sbr.rel @p1 .LBB2_36-.Ltmp17, $3  }
0x332: {  	v19 =	vadd.f32 v22, v19;
	_ =	sdelay $0x1  }
0x333: {  	[tilespmem:v5+s23+$0x0 ss:$0x1] =	vst.idx.msk $0xffff, v19;
	s23 =	sshra.s32 s24, $0x2  }
0x334: {  	s24 =	sadd.s32 $0x40, s24;
	v19 =	vld [tilespmem:s23+$0x19180]  }
0x335: {  	v20 =	vld [tilespmem:s23+$0x18F00];
	_ =	sdelay $0x1  }
0x336: {  	v21 =	vld [tilespmem:s23+$0x19400];
	_ =	sdelay $0x1  }
0x337: {  	v22 =	vld [tilespmem:s23+$0x19680]  }
0x338: {  	v19 =	vadd.f32 v19, v20;
	_ =	sdelay $0x1  }
0x339: {  	v19 =	vadd.f32 v21, v19;
	_ =	sdelay $0x1  }
0x33a: {  	v19 =	vadd.f32 v22, v19;
	_ =	sdelay $0x1  }
0x33b: {  	[tilespmem:v5+s23+$0x0 ss:$0x1] =	vst.idx.msk $0xffff, v19  }
0x33c: {  	[tilespmem:s20], [sflag:$0x1] =	stream.strided.gather [spmem:s2], $0xA00, s7, s6, $0x38;
	[tilespmem:$0x1FD00] =	vst v63  }
0x33d: {  	_ =	swait.ge [sflag:s4], $0xA00  }
0x33e: {  	[sflag:s4] =	ssyncset.done $0x0  }
0x33f: {  	s23 =	simm.s32 $0x0;
	[sflag:s4] =	ssyncadd.s32 $0xFFFFF600  }
0x340: {  	s24 =	simm.s32 $0x40;
	v19 =	vld [tilespmem:s23+$0x19180]  }
.LBB2_38:
0x341: {  	p1 =	sne.s32 s24, $0x9C0;
	v20 =	vld [tilespmem:s23+$0x18F00];
	_ =	sdelay $0x1  }
0x342: {  	v21 =	vld [tilespmem:s23+$0x19400];
	_ =	sdelay $0x1  }
0x343: {  	v22 =	vld [tilespmem:s23+$0x19680]  }
0x344: {  	v19 =	vadd.f32 v19, v20;
	_ =	sdelay $0x1  }
0x345: {  	v19 =	vadd.f32 v21, v19  }
.Ltmp18:
0x346: {  	(pc) =	sbr.rel @p1 .LBB2_38-.Ltmp18, $3  }
0x347: {  	v19 =	vadd.f32 v22, v19;
	_ =	sdelay $0x1  }
0x348: {  	[tilespmem:v6+s23+$0x0 ss:$0x1] =	vst.idx.msk $0xffff, v19;
	s23 =	sshra.s32 s24, $0x2  }
0x349: {  	s24 =	sadd.s32 $0x40, s24;
	v19 =	vld [tilespmem:s23+$0x19180]  }
0x34a: {  	v20 =	vld [tilespmem:s23+$0x18F00];
	_ =	sdelay $0x1  }
0x34b: {  	v21 =	vld [tilespmem:s23+$0x19400];
	_ =	sdelay $0x1  }
0x34c: {  	v22 =	vld [tilespmem:s23+$0x19680]  }
0x34d: {  	v19 =	vadd.f32 v19, v20;
	_ =	sdelay $0x1  }
0x34e: {  	v19 =	vadd.f32 v21, v19;
	_ =	sdelay $0x1  }
0x34f: {  	v19 =	vadd.f32 v22, v19;
	_ =	sdelay $0x1  }
0x350: {  	s8 =	simm.s32 $0x0;
	s24 =	rddreg [dreg:$0xd];
	[tilespmem:v6+s23+$0x0 ss:$0x1] =	vst.idx.msk $0xffff, v19  }
0x351: {  	[hbm4b:s24+s8] =	stream.linear.scatter [tilespmem:s28], [sflag:$0x1], $0xA00, $0x38;
	[tilespmem:$0x1FD00] =	vst v63  }
0x352: {  	_ =	swait.ge [sflag:s4], $0xA00  }
0x353: {  	[sflag:s4] =	ssyncset.done $0x0  }
0x354: {  	[sflag:s4] =	ssyncadd.s32 $0xFFFFF600  }
0x355: {  	[bflag:$0x0] =	sbarrier.arrive $0xFFFF  }
0x356: {  	[spmem:s17] =	stream.linear.scatter [tilespmem:s16], [sflag:$0x1], $0x2800, $0x38;
	[tilespmem:$0x1FD00] =	vst v63  }
0x357: {  	_ =	swait.ge [sflag:s4], $0x2800  }
0x358: {  	[sflag:s4] =	ssyncset.done $0x0  }
0x359: {  	[sflag:s4] =	ssyncadd.s32 $0xFFFFD800  }
0x35a: {  	[bflag:$0x0] =	sbarrier.arrive $0xFFFF  }
0x35b: {  	[tilespmem:s20], [sflag:$0x1] =	stream.strided.gather [spmem:s25], $0xA00, s7, s6, $0x38;
	[tilespmem:$0x1FD00] =	vst v63  }
0x35c: {  	_ =	swait.ge [sflag:s4], $0xA00  }
0x35d: {  	[sflag:s4] =	ssyncset.done $0x0  }
0x35e: {  	s23 =	simm.s32 $0x0;
	[sflag:s4] =	ssyncadd.s32 $0xFFFFF600  }
0x35f: {  	s24 =	simm.s32 $0x40;
	v19 =	vld [tilespmem:s23+$0x19180]  }
.LBB2_40:
0x360: {  	p1 =	sne.s32 s24, $0x9C0;
	v20 =	vld [tilespmem:s23+$0x18F00];
	_ =	sdelay $0x1  }
0x361: {  	v21 =	vld [tilespmem:s23+$0x19400];
	_ =	sdelay $0x1  }
0x362: {  	v22 =	vld [tilespmem:s23+$0x19680]  }
0x363: {  	v19 =	vadd.f32 v19, v20;
	_ =	sdelay $0x1  }
0x364: {  	v19 =	vadd.f32 v21, v19  }
.Ltmp19:
0x365: {  	(pc) =	sbr.rel @p1 .LBB2_40-.Ltmp19, $3  }
0x366: {  	v19 =	vadd.f32 v22, v19;
	_ =	sdelay $0x1  }
0x367: {  	[tilespmem:v17+s23+$0x0 ss:$0x1] =	vst.idx.msk $0xffff, v19;
	s23 =	sshra.s32 s24, $0x2  }
0x368: {  	s24 =	sadd.s32 $0x40, s24;
	v19 =	vld [tilespmem:s23+$0x19180]  }
0x369: {  	v20 =	vld [tilespmem:s23+$0x18F00];
	_ =	sdelay $0x1  }
0x36a: {  	v21 =	vld [tilespmem:s23+$0x19400];
	_ =	sdelay $0x1  }
0x36b: {  	v22 =	vld [tilespmem:s23+$0x19680]  }
0x36c: {  	v19 =	vadd.f32 v19, v20;
	_ =	sdelay $0x1  }
0x36d: {  	v19 =	vadd.f32 v21, v19;
	_ =	sdelay $0x1  }
0x36e: {  	v19 =	vadd.f32 v22, v19;
	_ =	sdelay $0x1  }
0x36f: {  	[tilespmem:v17+s23+$0x0 ss:$0x1] =	vst.idx.msk $0xffff, v19  }
0x370: {  	[tilespmem:s20], [sflag:$0x1] =	stream.strided.gather [spmem:s0], $0xA00, s7, s6, $0x38;
	[tilespmem:$0x1FD00] =	vst v63  }
0x371: {  	_ =	swait.ge [sflag:s4], $0xA00  }
0x372: {  	[sflag:s4] =	ssyncset.done $0x0  }
0x373: {  	s23 =	simm.s32 $0x0;
	[sflag:s4] =	ssyncadd.s32 $0xFFFFF600  }
0x374: {  	s24 =	simm.s32 $0x40;
	v19 =	vld [tilespmem:s23+$0x19180]  }
.LBB2_42:
0x375: {  	p1 =	sne.s32 s24, $0x9C0;
	v20 =	vld [tilespmem:s23+$0x18F00];
	_ =	sdelay $0x1  }
0x376: {  	v21 =	vld [tilespmem:s23+$0x19400];
	_ =	sdelay $0x1  }
0x377: {  	v22 =	vld [tilespmem:s23+$0x19680]  }
0x378: {  	v19 =	vadd.f32 v19, v20;
	_ =	sdelay $0x1  }
0x379: {  	v19 =	vadd.f32 v21, v19  }
.Ltmp20:
0x37a: {  	(pc) =	sbr.rel @p1 .LBB2_42-.Ltmp20, $3  }
0x37b: {  	v19 =	vadd.f32 v22, v19;
	_ =	sdelay $0x1  }
0x37c: {  	[tilespmem:v7+s23+$0x0 ss:$0x1] =	vst.idx.msk $0xffff, v19;
	s23 =	sshra.s32 s24, $0x2  }
0x37d: {  	s24 =	sadd.s32 $0x40, s24;
	v19 =	vld [tilespmem:s23+$0x19180]  }
0x37e: {  	v20 =	vld [tilespmem:s23+$0x18F00];
	_ =	sdelay $0x1  }
0x37f: {  	v21 =	vld [tilespmem:s23+$0x19400];
	_ =	sdelay $0x1  }
0x380: {  	v22 =	vld [tilespmem:s23+$0x19680]  }
0x381: {  	v19 =	vadd.f32 v19, v20;
	_ =	sdelay $0x1  }
0x382: {  	v19 =	vadd.f32 v21, v19;
	_ =	sdelay $0x1  }
0x383: {  	v19 =	vadd.f32 v22, v19;
	_ =	sdelay $0x1  }
0x384: {  	[tilespmem:v7+s23+$0x0 ss:$0x1] =	vst.idx.msk $0xffff, v19  }
0x385: {  	[tilespmem:s20], [sflag:$0x1] =	stream.strided.gather [spmem:s1], $0xA00, s7, s6, $0x38;
	[tilespmem:$0x1FD00] =	vst v63  }
0x386: {  	_ =	swait.ge [sflag:s4], $0xA00  }
0x387: {  	[sflag:s4] =	ssyncset.done $0x0  }
0x388: {  	s23 =	simm.s32 $0x0;
	[sflag:s4] =	ssyncadd.s32 $0xFFFFF600  }
0x389: {  	s24 =	simm.s32 $0x40;
	v19 =	vld [tilespmem:s23+$0x19180]  }
.LBB2_44:
0x38a: {  	p1 =	sne.s32 s24, $0x9C0;
	v20 =	vld [tilespmem:s23+$0x18F00];
	_ =	sdelay $0x1  }
0x38b: {  	v21 =	vld [tilespmem:s23+$0x19400];
	_ =	sdelay $0x1  }
0x38c: {  	v22 =	vld [tilespmem:s23+$0x19680]  }
0x38d: {  	v19 =	vadd.f32 v19, v20;
	_ =	sdelay $0x1  }
0x38e: {  	v19 =	vadd.f32 v21, v19  }
.Ltmp21:
0x38f: {  	(pc) =	sbr.rel @p1 .LBB2_44-.Ltmp21, $3  }
0x390: {  	v19 =	vadd.f32 v22, v19;
	_ =	sdelay $0x1  }
0x391: {  	[tilespmem:v8+s23+$0x0 ss:$0x1] =	vst.idx.msk $0xffff, v19;
	s23 =	sshra.s32 s24, $0x2  }
0x392: {  	s24 =	sadd.s32 $0x40, s24;
	v19 =	vld [tilespmem:s23+$0x19180]  }
0x393: {  	v20 =	vld [tilespmem:s23+$0x18F00];
	_ =	sdelay $0x1  }
0x394: {  	v21 =	vld [tilespmem:s23+$0x19400];
	_ =	sdelay $0x1  }
0x395: {  	v22 =	vld [tilespmem:s23+$0x19680]  }
0x396: {  	v19 =	vadd.f32 v19, v20;
	_ =	sdelay $0x1  }
0x397: {  	v19 =	vadd.f32 v21, v19;
	_ =	sdelay $0x1  }
0x398: {  	v19 =	vadd.f32 v22, v19;
	_ =	sdelay $0x1  }
0x399: {  	[tilespmem:v8+s23+$0x0 ss:$0x1] =	vst.idx.msk $0xffff, v19  }
0x39a: {  	[tilespmem:s20], [sflag:$0x1] =	stream.strided.gather [spmem:s2], $0xA00, s7, s6, $0x38;
	[tilespmem:$0x1FD00] =	vst v63  }
0x39b: {  	_ =	swait.ge [sflag:s4], $0xA00  }
0x39c: {  	[sflag:s4] =	ssyncset.done $0x0  }
0x39d: {  	s23 =	simm.s32 $0x0;
	[sflag:s4] =	ssyncadd.s32 $0xFFFFF600  }
0x39e: {  	s24 =	simm.s32 $0x40;
	v19 =	vld [tilespmem:s23+$0x19180]  }
.LBB2_46:
0x39f: {  	p1 =	sne.s32 s24, $0x9C0;
	v20 =	vld [tilespmem:s23+$0x18F00];
	_ =	sdelay $0x1  }
0x3a0: {  	v21 =	vld [tilespmem:s23+$0x19400];
	_ =	sdelay $0x1  }
0x3a1: {  	v22 =	vld [tilespmem:s23+$0x19680]  }
0x3a2: {  	v19 =	vadd.f32 v19, v20;
	_ =	sdelay $0x1  }
0x3a3: {  	v19 =	vadd.f32 v21, v19  }
.Ltmp22:
0x3a4: {  	(pc) =	sbr.rel @p1 .LBB2_46-.Ltmp22, $3  }
0x3a5: {  	v19 =	vadd.f32 v22, v19;
	_ =	sdelay $0x1  }
0x3a6: {  	[tilespmem:v9+s23+$0x0 ss:$0x1] =	vst.idx.msk $0xffff, v19;
	s23 =	sshra.s32 s24, $0x2  }
0x3a7: {  	s24 =	sadd.s32 $0x40, s24;
	v19 =	vld [tilespmem:s23+$0x19180]  }
0x3a8: {  	v20 =	vld [tilespmem:s23+$0x18F00];
	_ =	sdelay $0x1  }
0x3a9: {  	v21 =	vld [tilespmem:s23+$0x19400];
	_ =	sdelay $0x1  }
0x3aa: {  	v22 =	vld [tilespmem:s23+$0x19680]  }
0x3ab: {  	v19 =	vadd.f32 v19, v20;
	_ =	sdelay $0x1  }
0x3ac: {  	v19 =	vadd.f32 v21, v19;
	_ =	sdelay $0x1  }
0x3ad: {  	v19 =	vadd.f32 v22, v19;
	_ =	sdelay $0x1  }
0x3ae: {  	s8 =	simm.s32 $0x0;
	s24 =	rddreg [dreg:$0xe];
	[tilespmem:v9+s23+$0x0 ss:$0x1] =	vst.idx.msk $0xffff, v19  }
0x3af: {  	[hbm4b:s24+s8] =	stream.linear.scatter [tilespmem:s29], [sflag:$0x1], $0xA00, $0x38;
	[tilespmem:$0x1FD00] =	vst v63  }
0x3b0: {  	_ =	swait.ge [sflag:s4], $0xA00  }
0x3b1: {  	[sflag:s4] =	ssyncset.done $0x0  }
0x3b2: {  	[sflag:s4] =	ssyncadd.s32 $0xFFFFF600  }
0x3b3: {  	[bflag:$0x0] =	sbarrier.arrive $0xFFFF  }
0x3b4: {  	[spmem:s17] =	stream.linear.scatter [tilespmem:s19], [sflag:$0x1], $0x2800, $0x38;
	[tilespmem:$0x1FD00] =	vst v63  }
0x3b5: {  	_ =	swait.ge [sflag:s4], $0x2800  }
0x3b6: {  	[sflag:s4] =	ssyncset.done $0x0  }
0x3b7: {  	[sflag:s4] =	ssyncadd.s32 $0xFFFFD800  }
0x3b8: {  	[bflag:$0x0] =	sbarrier.arrive $0xFFFF  }
0x3b9: {  	[tilespmem:s20], [sflag:$0x1] =	stream.strided.gather [spmem:s25], $0xA00, s7, s6, $0x38;
	[tilespmem:$0x1FD00] =	vst v63  }
0x3ba: {  	_ =	swait.ge [sflag:s4], $0xA00  }
0x3bb: {  	[sflag:s4] =	ssyncset.done $0x0  }
0x3bc: {  	s23 =	simm.s32 $0x0;
	[sflag:s4] =	ssyncadd.s32 $0xFFFFF600  }
0x3bd: {  	s24 =	simm.s32 $0x40;
	v19 =	vld [tilespmem:s23+$0x19180]  }
.LBB2_48:
0x3be: {  	p1 =	sne.s32 s24, $0x9C0;
	v20 =	vld [tilespmem:s23+$0x18F00];
	_ =	sdelay $0x1  }
0x3bf: {  	v21 =	vld [tilespmem:s23+$0x19400];
	_ =	sdelay $0x1  }
0x3c0: {  	v22 =	vld [tilespmem:s23+$0x19680]  }
0x3c1: {  	v19 =	vadd.f32 v19, v20;
	_ =	sdelay $0x1  }
0x3c2: {  	v19 =	vadd.f32 v21, v19  }
.Ltmp23:
0x3c3: {  	(pc) =	sbr.rel @p1 .LBB2_48-.Ltmp23, $3  }
0x3c4: {  	v19 =	vadd.f32 v22, v19;
	_ =	sdelay $0x1  }
0x3c5: {  	[tilespmem:v18+s23+$0x0 ss:$0x1] =	vst.idx.msk $0xffff, v19;
	s23 =	sshra.s32 s24, $0x2  }
0x3c6: {  	s24 =	sadd.s32 $0x40, s24;
	v19 =	vld [tilespmem:s23+$0x19180]  }
0x3c7: {  	v20 =	vld [tilespmem:s23+$0x18F00];
	_ =	sdelay $0x1  }
0x3c8: {  	v21 =	vld [tilespmem:s23+$0x19400];
	_ =	sdelay $0x1  }
0x3c9: {  	v22 =	vld [tilespmem:s23+$0x19680]  }
0x3ca: {  	v19 =	vadd.f32 v19, v20;
	_ =	sdelay $0x1  }
0x3cb: {  	v19 =	vadd.f32 v21, v19;
	_ =	sdelay $0x1  }
0x3cc: {  	v19 =	vadd.f32 v22, v19;
	_ =	sdelay $0x1  }
0x3cd: {  	[tilespmem:v18+s23+$0x0 ss:$0x1] =	vst.idx.msk $0xffff, v19  }
0x3ce: {  	[tilespmem:s20], [sflag:$0x1] =	stream.strided.gather [spmem:s0], $0xA00, s7, s6, $0x38;
	[tilespmem:$0x1FD00] =	vst v63  }
0x3cf: {  	_ =	swait.ge [sflag:s4], $0xA00  }
0x3d0: {  	[sflag:s4] =	ssyncset.done $0x0  }
0x3d1: {  	s23 =	simm.s32 $0x0;
	[sflag:s4] =	ssyncadd.s32 $0xFFFFF600  }
0x3d2: {  	s24 =	simm.s32 $0x40;
	v19 =	vld [tilespmem:s23+$0x19180]  }
.LBB2_50:
0x3d3: {  	p1 =	sne.s32 s24, $0x9C0;
	v20 =	vld [tilespmem:s23+$0x18F00];
	_ =	sdelay $0x1  }
0x3d4: {  	v21 =	vld [tilespmem:s23+$0x19400];
	_ =	sdelay $0x1  }
0x3d5: {  	v22 =	vld [tilespmem:s23+$0x19680]  }
0x3d6: {  	v19 =	vadd.f32 v19, v20;
	_ =	sdelay $0x1  }
0x3d7: {  	v19 =	vadd.f32 v21, v19  }
.Ltmp24:
0x3d8: {  	(pc) =	sbr.rel @p1 .LBB2_50-.Ltmp24, $3  }
0x3d9: {  	v19 =	vadd.f32 v22, v19;
	_ =	sdelay $0x1  }
0x3da: {  	[tilespmem:v10+s23+$0x0 ss:$0x1] =	vst.idx.msk $0xffff, v19;
	s23 =	sshra.s32 s24, $0x2  }
0x3db: {  	s24 =	sadd.s32 $0x40, s24;
	v19 =	vld [tilespmem:s23+$0x19180]  }
0x3dc: {  	v20 =	vld [tilespmem:s23+$0x18F00];
	_ =	sdelay $0x1  }
0x3dd: {  	v21 =	vld [tilespmem:s23+$0x19400];
	_ =	sdelay $0x1  }
0x3de: {  	v22 =	vld [tilespmem:s23+$0x19680]  }
0x3df: {  	v19 =	vadd.f32 v19, v20;
	_ =	sdelay $0x1  }
0x3e0: {  	v19 =	vadd.f32 v21, v19;
	_ =	sdelay $0x1  }
0x3e1: {  	v19 =	vadd.f32 v22, v19;
	_ =	sdelay $0x1  }
0x3e2: {  	[tilespmem:v10+s23+$0x0 ss:$0x1] =	vst.idx.msk $0xffff, v19  }
0x3e3: {  	[tilespmem:s20], [sflag:$0x1] =	stream.strided.gather [spmem:s1], $0xA00, s7, s6, $0x38;
	[tilespmem:$0x1FD00] =	vst v63  }
0x3e4: {  	_ =	swait.ge [sflag:s4], $0xA00  }
0x3e5: {  	[sflag:s4] =	ssyncset.done $0x0  }
0x3e6: {  	s23 =	simm.s32 $0x0;
	[sflag:s4] =	ssyncadd.s32 $0xFFFFF600  }
0x3e7: {  	s24 =	simm.s32 $0x40;
	v19 =	vld [tilespmem:s23+$0x19180]  }
.LBB2_52:
0x3e8: {  	p1 =	sne.s32 s24, $0x9C0;
	v20 =	vld [tilespmem:s23+$0x18F00];
	_ =	sdelay $0x1  }
0x3e9: {  	v21 =	vld [tilespmem:s23+$0x19400];
	_ =	sdelay $0x1  }
0x3ea: {  	v22 =	vld [tilespmem:s23+$0x19680]  }
0x3eb: {  	v19 =	vadd.f32 v19, v20;
	_ =	sdelay $0x1  }
0x3ec: {  	v19 =	vadd.f32 v21, v19  }
.Ltmp25:
0x3ed: {  	(pc) =	sbr.rel @p1 .LBB2_52-.Ltmp25, $3  }
0x3ee: {  	v19 =	vadd.f32 v22, v19;
	_ =	sdelay $0x1  }
0x3ef: {  	[tilespmem:v11+s23+$0x0 ss:$0x1] =	vst.idx.msk $0xffff, v19;
	s23 =	sshra.s32 s24, $0x2  }
0x3f0: {  	s24 =	sadd.s32 $0x40, s24;
	v19 =	vld [tilespmem:s23+$0x19180]  }
0x3f1: {  	v20 =	vld [tilespmem:s23+$0x18F00];
	_ =	sdelay $0x1  }
0x3f2: {  	v21 =	vld [tilespmem:s23+$0x19400];
	_ =	sdelay $0x1  }
0x3f3: {  	v22 =	vld [tilespmem:s23+$0x19680]  }
0x3f4: {  	v19 =	vadd.f32 v19, v20;
	_ =	sdelay $0x1  }
0x3f5: {  	v19 =	vadd.f32 v21, v19;
	_ =	sdelay $0x1  }
0x3f6: {  	v19 =	vadd.f32 v22, v19;
	_ =	sdelay $0x1  }
0x3f7: {  	[tilespmem:v11+s23+$0x0 ss:$0x1] =	vst.idx.msk $0xffff, v19  }
0x3f8: {  	[tilespmem:s20], [sflag:$0x1] =	stream.strided.gather [spmem:s2], $0xA00, s7, s6, $0x38;
	[tilespmem:$0x1FD00] =	vst v63  }
0x3f9: {  	_ =	swait.ge [sflag:s4], $0xA00  }
0x3fa: {  	[sflag:s4] =	ssyncset.done $0x0  }
0x3fb: {  	s23 =	simm.s32 $0x0;
	[sflag:s4] =	ssyncadd.s32 $0xFFFFF600  }
0x3fc: {  	s24 =	simm.s32 $0x40;
	v19 =	vld [tilespmem:s23+$0x19180]  }
.LBB2_54:
0x3fd: {  	p1 =	sne.s32 s24, $0x9C0;
	v20 =	vld [tilespmem:s23+$0x18F00];
	_ =	sdelay $0x1  }
0x3fe: {  	v21 =	vld [tilespmem:s23+$0x19400];
	_ =	sdelay $0x1  }
0x3ff: {  	v22 =	vld [tilespmem:s23+$0x19680]  }
0x400: {  	v19 =	vadd.f32 v19, v20;
	_ =	sdelay $0x1  }
0x401: {  	v19 =	vadd.f32 v21, v19  }
.Ltmp26:
0x402: {  	(pc) =	sbr.rel @p1 .LBB2_54-.Ltmp26, $3  }
0x403: {  	v19 =	vadd.f32 v22, v19;
	_ =	sdelay $0x1  }
0x404: {  	[tilespmem:v12+s23+$0x0 ss:$0x1] =	vst.idx.msk $0xffff, v19;
	s23 =	sshra.s32 s24, $0x2  }
0x405: {  	s24 =	sadd.s32 $0x40, s24;
	v19 =	vld [tilespmem:s23+$0x19180]  }
0x406: {  	v20 =	vld [tilespmem:s23+$0x18F00];
	_ =	sdelay $0x1  }
0x407: {  	v21 =	vld [tilespmem:s23+$0x19400];
	_ =	sdelay $0x1  }
0x408: {  	v22 =	vld [tilespmem:s23+$0x19680]  }
0x409: {  	v19 =	vadd.f32 v19, v20;
	_ =	sdelay $0x1  }
0x40a: {  	v19 =	vadd.f32 v21, v19;
	_ =	sdelay $0x1  }
0x40b: {  	v19 =	vadd.f32 v22, v19  }
0x40c: {  	s21 =	sadd.s32 $0x1, s21  }
0x40d: {  	s8 =	simm.s32 $0x0;
	s24 =	rddreg [dreg:$0xf];
	p1 =	sne.s32 s21, s31;
	[tilespmem:v12+s23+$0x0 ss:$0x1] =	vst.idx.msk $0xffff, v19  }
0x40e: {  	[hbm4b:s24+s8] =	stream.linear.scatter [tilespmem:s30], [sflag:$0x1], $0xA00, $0x38;
	[tilespmem:$0x1FD00] =	vst v63  }
.Ltmp27:
0x40f: {  	_ =	swait.ge [sflag:s4], $0xA00;
	(pc) =	sbr.rel @p1 .LBB2_1-.Ltmp27, $3  }
0x410: {  	[sflag:s4] =	ssyncset.done $0x0  }
0x411: {  	[sflag:s4] =	ssyncadd.s32 $0xFFFFF600  }
0x412: {  	[bflag:$0x0] =	sbarrier.arrive $0xFFFF;
	_ =	sdelay $0x1  }
0x413: {  	_ =	sfence.sel $0x180000  }
0x414: {  	[bflag:$0x0] =	sbarrier.arrive $0xFFFF  }
0x415: {  	_ =	strace $0x90000047  }
0x416: {  	s0 =	stileid.u32;
	[bflag:$0x2] =	sbarrier.arrive $0xFFFF  }
0x417: {  	p0 =	sne.s32 s0, $0x0;
	s0 =	rddreg [dreg:$0x2]  }
0x418: {  	s0 =	sadd.s32 @!p0 $0x100000, s0  }
0x419: {  	[sflag:s0] =	ssyncadd.tile.s32 @!p0 $0x1;
	_ =	shalt  }
.Lfunc_end2:
_tile_overlayer_lowered:
.L_overlay_start_2:
0x41a: {  	(tag) =	ssettag $0x2  }
0x41b: {  	s0 =	rddreg [dreg:$0x0];
	s2 =	stileid.u32  }
0x41c: {  	s1 =	rddreg [dreg:$0x1];
	p0 =	sne.s32 s2, $0x0  }
0x41d: {  	s3 =	rddreg [dreg:$0x2];
	[bflag:$0x3] =	sbarrier.arrive $0xFFFF;
	s2 =	simm.s32 @!p0 $0x1C01  }
0x41e: {  	[timem:s3], [sflag:s2] =	dma.local @!p0 [hbm:s0], s1  }
0x41f: {  	s0 =	simm.s32 @!p0 $0x1  }
0x420: {  	_ =	swait.ge @!p0 [sflag:s0], s1  }
0x421: {  	s1 =	ssub.s32 @!p0 $0x0, s1;
	[sflag:s0] =	ssyncset.done @!p0 $0x0  }
0x422: {  	[sflag:s0] =	ssyncadd.s32 @!p0 s1  }
0x423: {  	[bflag:$0x3] =	sbarrier.arrive $0xFFFF  }
0x424: {  	_ =	shalt  }

</sc_bundles>
